<compile_context>
chip_gen: v7x
topology: tpu7x:2x2x1
jax: 0.10.2.dev20260603
libtpu: 0.0.44.dev20260713+nightly
codegen_flags: <defaults>
</compile_context>

<pallas_src>
import functools

import jax
import jax.numpy as jnp
from jax import lax
from jax.experimental import pallas as pl
from jax.experimental.pallas import tpu as pltpu
from jax.experimental.pallas import tpu_sc as plsc

B, N, M, F, BF, NC, N0 = 2, 10000, 16, 128, 16, 3, 1000
EPS = 1e-3

_NUM_CORES = 2
_NUM_SUBCORES = 16
_NW = _NUM_CORES * _NUM_SUBCORES


@functools.lru_cache(None)
def _sc_gather_pipe(T, R, C, K):
    bpw = R // _NW
    assert R % _NW == 0 and bpw % C == 0 and C % 8 == 0 and C <= 128
    nchunks = bpw // C
    assert nchunks % (2 * K) == 0
    half = nchunks // (2 * K)
    mesh = plsc.VectorSubcoreMesh(core_axis_name="c", subcore_axis_name="s")

    def body(table_hbm, idx_hbm, out_hbm, idx_v, *rest):
        bufs_a = rest[:K]
        bufs_b = rest[K:2 * K]
        gsem_a, gsem_b, wsem_a, wsem_b = rest[2 * K:2 * K + 4]
        wid = lax.axis_index("s") * _NUM_CORES + lax.axis_index("c")
        base = wid * bpw
        pltpu.sync_copy(idx_hbm.at[pl.ds(base, bpw)], idx_v)

        def issue_gathers(s, bufs, gsem):
            for i in range(K):
                c = s * K + i
                src = table_hbm.at[idx_v.at[pl.ds(c * C, C)]]
                pltpu.make_async_copy(src, bufs[i], gsem).start()

        def drain_gathers(bufs, gsem):
            for i in range(K):
                src = table_hbm.at[idx_v.at[pl.ds(0, C)]]
                pltpu.make_async_copy(src, bufs[i], gsem).wait()

        def issue_writes(s, bufs, wsem):
            for i in range(K):
                c = s * K + i
                dst = out_hbm.at[pl.ds(base + c * C, C)]
                pltpu.make_async_copy(bufs[i], dst, wsem).start()

        def drain_writes(bufs, wsem):
            for i in range(K):
                dst = out_hbm.at[pl.ds(base, C)]
                pltpu.make_async_copy(bufs[i], dst, wsem).wait()

        issue_gathers(0, bufs_a, gsem_a)

        def it(jj, carry):
            s_a = 2 * jj
            s_b = 2 * jj + 1
            drain_gathers(bufs_a, gsem_a)
            issue_writes(s_a, bufs_a, wsem_a)

            @pl.when(jj > 0)
            def _():
                drain_writes(bufs_b, wsem_b)

            issue_gathers(s_b, bufs_b, gsem_b)

            @pl.when(jj < half - 1)
            def _():
                drain_writes(bufs_a, wsem_a)
                issue_gathers(s_a + 2, bufs_a, gsem_a)

            drain_gathers(bufs_b, gsem_b)
            issue_writes(s_b, bufs_b, wsem_b)
            return carry

        lax.fori_loop(0, half, it, 0)
        drain_writes(bufs_a, wsem_a)
        drain_writes(bufs_b, wsem_b)

    return pl.kernel(
        body,
        mesh=mesh,
        out_type=jax.ShapeDtypeStruct((R, F), jnp.float32),
        scratch_types=(
            [pltpu.VMEM((bpw,), jnp.int32)]
            + [pltpu.VMEM((C, F), jnp.float32) for _ in range(2 * K)]
            + [pltpu.SemaphoreType.DMA for _ in range(4)]
        ),
    )


@functools.lru_cache(None)
def _sc_gather_spmem(Tb, Rb, C, K, split):
    bpw = Rb // _NUM_SUBCORES
    assert Rb % _NUM_SUBCORES == 0 and bpw % C == 0 and C % 8 == 0
    assert C <= 128
    nchunks = bpw // C
    assert nchunks % (2 * K) == 0
    half = nchunks // (2 * K)
    mesh = plsc.VectorSubcoreMesh(core_axis_name="c", subcore_axis_name="s")

    def body(table_hbm, idx_hbm, out_hbm, shared, idx_v, *rest):
        bufs_a = rest[:K]
        bufs_b = rest[K:2 * K]
        gsem_a, gsem_b, wsem_a, wsem_b = rest[2 * K:2 * K + 4]
        cid = lax.axis_index("c")
        sid = lax.axis_index("s")
        base = cid * Rb + sid * bpw
        pltpu.sync_copy(idx_hbm.at[pl.ds(base, bpw)], idx_v)

        @pl.when(sid == 0)
        def _():
            t0 = (cid * Tb) if split else 0
            pltpu.sync_copy(table_hbm.at[pl.ds(t0, Tb)], shared)

        plsc.subcore_barrier()

        def issue_gathers(s, bufs, gsem):
            for i in range(K):
                c = s * K + i
                src = shared.at[idx_v.at[pl.ds(c * C, C)]]
                pltpu.make_async_copy(src, bufs[i], gsem).start()

        def drain_gathers(bufs, gsem):
            for i in range(K):
                src = shared.at[idx_v.at[pl.ds(0, C)]]
                pltpu.make_async_copy(src, bufs[i], gsem).wait()

        def issue_writes(s, bufs, wsem):
            for i in range(K):
                c = s * K + i
                dst = out_hbm.at[pl.ds(base + c * C, C)]
                pltpu.make_async_copy(bufs[i], dst, wsem).start()

        def drain_writes(bufs, wsem):
            for i in range(K):
                dst = out_hbm.at[pl.ds(base, C)]
                pltpu.make_async_copy(bufs[i], dst, wsem).wait()

        issue_gathers(0, bufs_a, gsem_a)

        def it(jj, carry):
            s_a = 2 * jj
            s_b = 2 * jj + 1
            drain_gathers(bufs_a, gsem_a)
            issue_writes(s_a, bufs_a, wsem_a)

            @pl.when(jj > 0)
            def _():
                drain_writes(bufs_b, wsem_b)

            issue_gathers(s_b, bufs_b, gsem_b)

            @pl.when(jj < half - 1)
            def _():
                drain_writes(bufs_a, wsem_a)
                issue_gathers(s_a + 2, bufs_a, gsem_a)

            drain_gathers(bufs_b, gsem_b)
            issue_writes(s_b, bufs_b, wsem_b)
            return carry

        lax.fori_loop(0, half, it, 0)
        drain_writes(bufs_a, wsem_a)
        drain_writes(bufs_b, wsem_b)

    return pl.kernel(
        body,
        mesh=mesh,
        out_type=jax.ShapeDtypeStruct((2 * Rb, F), jnp.float32),
        scratch_types=(
            [pltpu.VMEM_SHARED((Tb, F), jnp.float32),
             pltpu.VMEM((bpw,), jnp.int32)]
            + [pltpu.VMEM((C, F), jnp.float32) for _ in range(2 * K)]
            + [pltpu.SemaphoreType.DMA for _ in range(4)]
        ),
    )


@functools.lru_cache(None)
def _sc_gather_small(T, R, C):
    bpw = R // _NW
    assert bpw == C and C % 8 == 0 and C <= 128
    mesh = plsc.VectorSubcoreMesh(core_axis_name="c", subcore_axis_name="s")

    def body(table_hbm, idx_hbm, out_hbm, idx_v, rows_v, sem):
        wid = lax.axis_index("s") * _NUM_CORES + lax.axis_index("c")
        base = wid * bpw
        pltpu.sync_copy(idx_hbm.at[pl.ds(base, C)], idx_v)
        pltpu.async_copy(table_hbm.at[idx_v], rows_v, sem).wait()
        pltpu.sync_copy(rows_v, out_hbm.at[pl.ds(base, C)])

    return pl.kernel(
        body,
        mesh=mesh,
        out_type=jax.ShapeDtypeStruct((R, F), jnp.float32),
        scratch_types=[
            pltpu.VMEM((C,), jnp.int32),
            pltpu.VMEM((C, F), jnp.float32),
            pltpu.SemaphoreType.DMA,
        ],
    )


_NB = 400
_PB = N // _NB
_REB = (_PB + 1) * _NB * M


def _combine_body(g_ref, bond_ref, x_ref, As_ref, b1_ref, An_ref, Ab_ref,
                  wfn_ref, wfb_ref, c2_ref, b2_ref, o_ref):
    x_blk = x_ref[...]
    g2b = g_ref[...].astype(jnp.bfloat16)
    bond2 = bond_ref[...]
    xn = jnp.dot(g2b, An_ref[...], preferred_element_type=jnp.float32)
    bcr = jnp.dot(bond2, Ab_ref[...], preferred_element_type=jnp.float32)
    xs = jnp.dot(x_blk, As_ref[...], preferred_element_type=jnp.float32)
    xs = xs + b1_ref[...]
    pre = (xn + bcr).reshape(_NB, M, F) + xs[:, None, :]
    core = jnp.maximum(pre, 0.0)
    fn = jnp.dot(g2b, wfn_ref[...], preferred_element_type=jnp.float32)
    fb = jnp.dot(bond2, wfb_ref[...], preferred_element_type=jnp.float32)
    e = jnp.exp(fn + fb).reshape(_NB, M, F)
    num = jnp.sum(e * core, axis=1)
    den = jnp.sum(e, axis=1)
    sacc = num / den
    o_ref[...] = jnp.maximum(x_blk + c2_ref[...] * sacc + b2_ref[...], 0.0)


@functools.lru_cache(None)
def _combine_call(R):
    grid = (R // _NB,)
    full = lambda i: (0, 0)
    return pl.pallas_call(
        _combine_body,
        grid=grid,
        in_specs=[
            pl.BlockSpec((_NB * M, F), lambda i: (i, 0)),
            pl.BlockSpec((_NB * M, BF), lambda i: (i, 0)),
            pl.BlockSpec((_NB, F), lambda i: (i, 0)),
            pl.BlockSpec((F, F), full),
            pl.BlockSpec((1, F), full),
            pl.BlockSpec((F, F), full),
            pl.BlockSpec((BF, F), full),
            pl.BlockSpec((F, F), full),
            pl.BlockSpec((BF, F), full),
            pl.BlockSpec((1, F), full),
            pl.BlockSpec((1, F), full),
        ],
        out_specs=pl.BlockSpec((_NB, F), lambda i: (i, 0)),
        out_shape=jax.ShapeDtypeStruct((R, F), jnp.float32),
    )


def _head_body(c_ref, wd_ref, bd_ref, o_ref):
    crys = jnp.maximum(c_ref[...], 0.0)
    o = jnp.dot(crys, wd_ref[...], preferred_element_type=jnp.float32)
    o_ref[...] = jnp.maximum(o + bd_ref[...], 0.0)


@functools.lru_cache(None)
def _head_call(R):
    return pl.pallas_call(
        _head_body,
        out_shape=jax.ShapeDtypeStruct((R, F), jnp.float32),
    )


def _pad_to(v, r):
    return jnp.pad(v, (0, r - v.shape[0]))


def kernel(atom_types, bond_fea, nbr_list, target_index, emb, Wc, bc, Wf,
           bf, ga, ba, gb, bb, Wd, bd):
    inv = 1.0 / jnp.sqrt(1.0 + EPS)
    ga_s = ga * inv
    A_self = Wc[:, :F, :] * ga_s[:, None, :]
    A_nbr = Wc[:, F:2 * F, :] * ga_s[:, None, :]
    A_bond = Wc[:, 2 * F:, :] * ga_s[:, None, :]
    bias1 = ga_s * bc + ba
    wfn = jnp.broadcast_to(
        Wf[:, F:2 * F, :], (NC, F, F)).astype(jnp.bfloat16)
    wfb = jnp.broadcast_to(Wf[:, 2 * F:, :], (NC, BF, F))
    c2 = gb * (inv / M)
    b2 = bb
    A_nbr = A_nbr.astype(jnp.bfloat16)

    RA = 20480
    at32 = atom_types.astype(jnp.int32)
    at_flat = jnp.concatenate(
        [_pad_to(at32[b].reshape(-1), RA // 2) for b in range(B)])
    xe = _sc_gather_spmem(100, RA // 2, 80, 2, False)(emb, at_flat)
    xs_b = [xe[:N], xe[RA // 2:RA // 2 + N]]

    REB = 163840
    nbrl = nbr_list.astype(jnp.int32)
    nbr_b = [_pad_to(nbrl[b].reshape(-1), REB) for b in range(B)]
    bond_b = [bond_fea[b].reshape(N * M, BF) for b in range(B)]

    combine = _combine_call(N)
    for i in range(NC):
        for b in range(B):
            g = _sc_gather_spmem(N, REB // 2, 64, 2, False)(
                xs_b[b], nbr_b[b])
            xs_b[b] = combine(g, bond_b[b], xs_b[b], A_self[i],
                              bias1[i][None], A_nbr[i], A_bond[i], wfn[i],
                              wfb[i], c2[i][None], b2[i][None])

    RT = 1024
    tgt32 = target_index.astype(jnp.int32)
    crys = jnp.concatenate([
        _sc_gather_small(N, RT, 32)(xs_b[b], _pad_to(tgt32[b], RT))[:N0]
        for b in range(B)])
    out = _head_call(B * N0)(crys, Wd, bd[None])
    return out.reshape(B, N0, F)

# --- scband reference (transcript-rebuilt; emitter-appended) ---
"""Pipeline reference for scband-cgcnnmodel-74156905332881 (READ-ONLY COPY).

The authoritative reference and input builder live on the scoring server;
editing this copy changes nothing except your own understanding.
"""

import jax, jax.numpy as jnp
import numpy as np

B, N, M, F, BF, NC, N0 = 2, 10000, 16, 128, 16, 3, 1000
EPS = 1e-3


def _bn(x, gamma, beta):
    # Keras BatchNormalization in inference mode with fresh moving stats
    # (moving_mean=0, moving_var=1, epsilon=1e-3)
    return gamma * (x / jnp.sqrt(1.0 + EPS)) + beta


def _cgcnn_layer(x, bond_fea, nbr_list, Wc, bc, Wf, bf, ga, ba, gb, bb):
    # gather neighbor atom features per batch element: (B, N, M, F)
    atom_nbr = jax.vmap(lambda a, n: a[n])(x, nbr_list)
    self_fea = jnp.broadcast_to(x[:, :, None, :], (B, N, M, F))
    total = jnp.concatenate([self_fea, atom_nbr, bond_fea], axis=-1)  # (B,N,M,2F+BF)
    nbr_core = total @ Wc + bc          # (B,N,M,F)
    nbr_filter = total @ Wf + bf        # (B,N,M,1)
    nbr_core = _bn(nbr_core, ga, ba)
    # permute (1,3,2) -> softmax over M -> permute back == softmax over axis=2
    nbr_filter = jax.nn.softmax(nbr_filter, axis=2)
    nbr_core = jax.nn.relu(nbr_core)
    nbr_sumed = jnp.mean(nbr_filter * nbr_core, axis=2)  # (B,N,F)
    nbr_sumed = _bn(nbr_sumed, gb, bb)
    return jax.nn.relu(x + nbr_sumed)


def setup_inputs(seed: int = 0) -> dict:
    key = jax.random.key(seed)
    ks = jax.random.split(key, 16)
    D = 2 * F + BF
    inp = {}
    inp["atom_types"] = jax.random.randint(ks[0], (B, N), 0, 100)
    inp["bond_fea"] = jax.random.normal(ks[1], (B, N, M, BF), dtype=jnp.float32)
    inp["nbr_list"] = jax.random.randint(ks[2], (B, N, M), 0, N)
    inp["target_index"] = jax.random.randint(ks[3], (B, N0), 0, N)
    inp["emb"] = jax.random.normal(ks[4], (100, F), dtype=jnp.float32) * 0.05
    inp["Wc"] = jax.random.normal(ks[5], (NC, D, F), dtype=jnp.float32) * 0.05
    inp["bc"] = jnp.zeros((NC, F), dtype=jnp.float32)
    inp["Wf"] = jax.random.normal(ks[6], (NC, D, 1), dtype=jnp.float32) * 0.05
    inp["bf"] = jnp.zeros((NC, 1), dtype=jnp.float32)
    inp["ga"] = jnp.ones((NC, F), dtype=jnp.float32)
    inp["ba"] = jnp.zeros((NC, F), dtype=jnp.float32)
    inp["gb"] = jnp.ones((NC, F), dtype=jnp.float32)
    inp["bb"] = jnp.zeros((NC, F), dtype=jnp.float32)
    inp["Wd"] = jax.random.normal(ks[7], (F, F), dtype=jnp.float32) * 0.05
    inp["bd"] = jnp.zeros((F,), dtype=jnp.float32)
    return inp


def reference(atom_types, bond_fea, nbr_list, target_index, emb, Wc, bc, Wf, bf, ga, ba, gb, bb, Wd, bd):
    x = jnp.take(emb, atom_types, axis=0)  # (B,N,F)
    for i in range(NC):
        x = _cgcnn_layer(x, bond_fea, nbr_list, Wc[i], bc[i], Wf[i], bf[i], ga[i], ba[i], gb[i], bb[i])
    crys = jax.vmap(lambda a, t: a[t])(x, target_index)  # (B,N0,F)
    crys = jax.nn.relu(crys)
    out = jax.nn.relu(crys @ Wd + bd)
    return out

if __name__ == "__main__":
    import jax
    _d = setup_inputs()
    print(jax.jit(kernel)(*tuple(_d.values())))

</pallas_src>

<mosaic_0001>
#map = affine_map<(d0, d1) -> (0, 0)>
#map1 = affine_map<(d0, d1) -> (0)>
module attributes {stable_mosaic.version = 14 : i64} {
  func.func @body(%arg0: i32, %arg1: i32, %arg2: memref<10000x128xf32, #tpu.memory_space<hbm>>, %arg3: memref<163840xi32, #tpu.memory_space<hbm>>, %arg4: memref<163840x128xf32, #tpu.memory_space<hbm>>, %arg5: memref<10000x128xf32, #tpu.memory_space<vmem_shared>>, %arg6: memref<5120xi32, #tpu.memory_space<vmem>>, %arg7: memref<64x128xf32, #tpu.memory_space<vmem>>, %arg8: memref<64x128xf32, #tpu.memory_space<vmem>>, %arg9: memref<64x128xf32, #tpu.memory_space<vmem>>, %arg10: memref<64x128xf32, #tpu.memory_space<vmem>>, %arg11: memref<!tpu.dma_semaphore, #tpu.memory_space<semaphore_mem>>, %arg12: memref<!tpu.dma_semaphore, #tpu.memory_space<semaphore_mem>>, %arg13: memref<!tpu.dma_semaphore, #tpu.memory_space<semaphore_mem>>, %arg14: memref<!tpu.dma_semaphore, #tpu.memory_space<semaphore_mem>>) attributes {dimension_semantics = [#tpu.dimension_semantics<core_parallel>, #tpu.dimension_semantics<subcore_parallel>], iteration_bounds = array<i64: 2, 16>, scalar_prefetch = 0 : i64, scratch_operands = 10 : i64, tpu.core_type = #tpu.core_type<sc_vector_subcore>, window_params = [{transform_indices = #map}, {transform_indices = #map1}, {transform_indices = #map}]} {
    %mul3A = arith.constant 81920 : i32
    %mul3A_0 = arith.muli %arg0, %mul3A : i32
    %mul3A_1 = arith.constant 5120 : i32
    %mul3A_2 = arith.muli %arg1, %mul3A_1 : i32
    %add3A = arith.addi %mul3A_0, %mul3A_2 : i32
    "tpu.region"() ({
      %run_scoped3A = tpu.sem_alloc : memref<!tpu.dma_semaphore, #tpu.memory_space<semaphore_mem>>
      %dma_start3A_34 = tpu.memref_slice %arg3[%add3A] : memref<163840xi32, #tpu.memory_space<hbm>> -> memref<5120xi32, #tpu.memory_space<hbm>>
      %dma_start3A_35 = tpu.memref_slice %arg3[%add3A] : memref<163840xi32, #tpu.memory_space<hbm>> -> memref<5120xi32, #tpu.memory_space<hbm>>
      tpu.enqueue_dma source(%dma_start3A_35 : memref<5120xi32, #tpu.memory_space<hbm>>) target(%arg6 : memref<5120xi32, #tpu.memory_space<vmem>>) target_semaphore(%run_scoped3A : memref<!tpu.dma_semaphore, #tpu.memory_space<semaphore_mem>>)
      %dma_wait3A_36 = tpu.memref_slice %arg3[%add3A] : memref<163840xi32, #tpu.memory_space<hbm>> -> memref<5120xi32, #tpu.memory_space<hbm>>
      %dma_wait3A_37 = tpu.memref_slice %arg3[%add3A] : memref<163840xi32, #tpu.memory_space<hbm>> -> memref<5120xi32, #tpu.memory_space<hbm>>
      tpu.wait_dma2 semaphore(%run_scoped3A : memref<!tpu.dma_semaphore, #tpu.memory_space<semaphore_mem>>) src(%dma_wait3A_37 : memref<5120xi32, #tpu.memory_space<hbm>>) dst(%arg6 : memref<5120xi32, #tpu.memory_space<vmem>>)
      tpu.yield
    }) : () -> ()
    %eq3A = arith.constant 0 : i32
    %eq3A_3 = arith.cmpi eq, %arg1, %eq3A : i32
    %convert_element_type3A = arith.extui %eq3A_3 : i1 to i32
    %cond3A = arith.constant 0 : i32
    %cond3A_4 = arith.cmpi ne, %convert_element_type3A, %cond3A : i32
    scf.if %cond3A_4 {
      "tpu.region"() ({
        %run_scoped3A = tpu.sem_alloc : memref<!tpu.dma_semaphore, #tpu.memory_space<semaphore_mem>>
        %dma_start3A_34 = arith.constant 0 : i32
        %dma_start3A_35 = arith.constant 0 : i32
        %dma_start3A_36 = tpu.memref_slice %arg2[%dma_start3A_34, %dma_start3A_35] : memref<10000x128xf32, #tpu.memory_space<hbm>> -> memref<10000x128xf32, #tpu.memory_space<hbm>>
        tpu.enqueue_dma source(%dma_start3A_36 : memref<10000x128xf32, #tpu.memory_space<hbm>>) target(%arg5 : memref<10000x128xf32, #tpu.memory_space<vmem_shared>>) target_semaphore(%run_scoped3A : memref<!tpu.dma_semaphore, #tpu.memory_space<semaphore_mem>>)
        %dma_wait3A_37 = arith.constant 0 : i32
        %dma_wait3A_38 = arith.constant 0 : i32
        %dma_wait3A_39 = tpu.memref_slice %arg2[%dma_wait3A_37, %dma_wait3A_38] : memref<10000x128xf32, #tpu.memory_space<hbm>> -> memref<10000x128xf32, #tpu.memory_space<hbm>>
        tpu.wait_dma2 semaphore(%run_scoped3A : memref<!tpu.dma_semaphore, #tpu.memory_space<semaphore_mem>>) src(%dma_wait3A_39 : memref<10000x128xf32, #tpu.memory_space<hbm>>) dst(%arg5 : memref<10000x128xf32, #tpu.memory_space<vmem_shared>>)
        tpu.yield
      }) : () -> ()
    } else {
    }
    %barrier3A = arith.constant 0 : index
    tpu.barrier barrier_id(%barrier3A)
    %dma_start3A = arith.constant 0 : i32
    %dma_start3A_5 = tpu.memref_slice %arg6[%dma_start3A] : memref<5120xi32, #tpu.memory_space<vmem>> -> memref<64xi32, #tpu.memory_space<vmem>>
    %dma_start3A_6 = arith.constant 0 : i32
    %dma_start3A_7 = arith.constant 0 : i32
    %dma_start3A_8 = tpu.memref_slice %arg5[%dma_start3A_6, %dma_start3A_7] : memref<10000x128xf32, #tpu.memory_space<vmem_shared>> -> memref<10000x128xf32, #tpu.memory_space<vmem_shared>>
    tpu.enqueue_indirect_dma source(%dma_start3A_8 : memref<10000x128xf32, #tpu.memory_space<vmem_shared>>) target(%arg7 : memref<64x128xf32, #tpu.memory_space<vmem>>) offsets(%dma_start3A_5 : memref<64xi32, #tpu.memory_space<vmem>>) semaphore(%arg11 : memref<!tpu.dma_semaphore, #tpu.memory_space<semaphore_mem>>)
    %dma_start3A_9 = arith.constant 64 : i32
    %dma_start3A_10 = tpu.memref_slice %arg6[%dma_start3A_9] : memref<5120xi32, #tpu.memory_space<vmem>> -> memref<64xi32, #tpu.memory_space<vmem>>
    %dma_start3A_11 = arith.constant 0 : i32
    %dma_start3A_12 = arith.constant 0 : i32
    %dma_start3A_13 = tpu.memref_slice %arg5[%dma_start3A_11, %dma_start3A_12] : memref<10000x128xf32, #tpu.memory_space<vmem_shared>> -> memref<10000x128xf32, #tpu.memory_space<vmem_shared>>
    tpu.enqueue_indirect_dma source(%dma_start3A_13 : memref<10000x128xf32, #tpu.memory_space<vmem_shared>>) target(%arg8 : memref<64x128xf32, #tpu.memory_space<vmem>>) offsets(%dma_start3A_10 : memref<64xi32, #tpu.memory_space<vmem>>) semaphore(%arg11 : memref<!tpu.dma_semaphore, #tpu.memory_space<semaphore_mem>>)
    %scan3A = arith.constant 0 : i32
    %scan3A_14 = arith.constant 0 : i32
    %scan3A_15 = arith.constant 20 : i32
    %scan3A_16 = arith.addi %scan3A_14, %scan3A_15 : i32
    %scan3A_17 = arith.constant 1 : i32
    scf.for %scan3A_34 = %scan3A_14 to %scan3A_16 step %scan3A_17  : i32 {
      %mul3A_35 = arith.constant 2 : i32
      %mul3A_36 = arith.muli %mul3A_35, %scan3A_34 : i32
      %mul3A_37 = arith.constant 2 : i32
      %mul3A_38 = arith.muli %mul3A_37, %scan3A_34 : i32
      %add3A_39 = arith.constant 1 : i32
      %add3A_40 = arith.addi %mul3A_38, %add3A_39 : i32
      %dma_wait3A_41 = arith.constant 0 : i32
      %dma_wait3A_42 = tpu.memref_slice %arg6[%dma_wait3A_41] : memref<5120xi32, #tpu.memory_space<vmem>> -> memref<64xi32, #tpu.memory_space<vmem>>
      %dma_wait3A_43 = arith.constant 0 : i32
      %dma_wait3A_44 = arith.constant 0 : i32
      %dma_wait3A_45 = tpu.memref_slice %arg5[%dma_wait3A_43, %dma_wait3A_44] : memref<10000x128xf32, #tpu.memory_space<vmem_shared>> -> memref<10000x128xf32, #tpu.memory_space<vmem_shared>>
      tpu.wait_indirect_dma semaphore(%arg11 : memref<!tpu.dma_semaphore, #tpu.memory_space<semaphore_mem>>) src(%dma_wait3A_45 : memref<10000x128xf32, #tpu.memory_space<vmem_shared>>) dst(%arg7 : memref<64x128xf32, #tpu.memory_space<vmem>>)
      %dma_wait3A_46 = arith.constant 0 : i32
      %dma_wait3A_47 = tpu.memref_slice %arg6[%dma_wait3A_46] : memref<5120xi32, #tpu.memory_space<vmem>> -> memref<64xi32, #tpu.memory_space<vmem>>
      %dma_wait3A_48 = arith.constant 0 : i32
      %dma_wait3A_49 = arith.constant 0 : i32
      %dma_wait3A_50 = tpu.memref_slice %arg5[%dma_wait3A_48, %dma_wait3A_49] : memref<10000x128xf32, #tpu.memory_space<vmem_shared>> -> memref<10000x128xf32, #tpu.memory_space<vmem_shared>>
      tpu.wait_indirect_dma semaphore(%arg11 : memref<!tpu.dma_semaphore, #tpu.memory_space<semaphore_mem>>) src(%dma_wait3A_50 : memref<10000x128xf32, #tpu.memory_space<vmem_shared>>) dst(%arg8 : memref<64x128xf32, #tpu.memory_space<vmem>>)
      %mul3A_51 = arith.constant 2 : i32
      %mul3A_52 = arith.muli %mul3A_36, %mul3A_51 : i32
      %add3A_53 = arith.constant 0 : i32
      %add3A_54 = arith.addi %mul3A_52, %add3A_53 : i32
      %mul3A_55 = arith.constant 64 : i32
      %mul3A_56 = arith.muli %add3A_54, %mul3A_55 : i32
      %add3A_57 = arith.addi %add3A, %mul3A_56 : i32
      %dma_start3A_58 = arith.constant 0 : i32
      %dma_start3A_59 = tpu.memref_slice %arg4[%add3A_57, %dma_start3A_58] : memref<163840x128xf32, #tpu.memory_space<hbm>> -> memref<64x128xf32, #tpu.memory_space<hbm>>
      %dma_start3A_60 = arith.constant 0 : i32
      %dma_start3A_61 = tpu.memref_slice %arg4[%add3A_57, %dma_start3A_60] : memref<163840x128xf32, #tpu.memory_space<hbm>> -> memref<64x128xf32, #tpu.memory_space<hbm>>
      tpu.enqueue_dma source(%arg7 : memref<64x128xf32, #tpu.memory_space<vmem>>) target(%dma_start3A_61 : memref<64x128xf32, #tpu.memory_space<hbm>>) target_semaphore(%arg13 : memref<!tpu.dma_semaphore, #tpu.memory_space<semaphore_mem>>)
      %mul3A_62 = arith.constant 2 : i32
      %mul3A_63 = arith.muli %mul3A_36, %mul3A_62 : i32
      %add3A_64 = arith.constant 1 : i32
      %add3A_65 = arith.addi %mul3A_63, %add3A_64 : i32
      %mul3A_66 = arith.constant 64 : i32
      %mul3A_67 = arith.muli %add3A_65, %mul3A_66 : i32
      %add3A_68 = arith.addi %add3A, %mul3A_67 : i32
      %dma_start3A_69 = arith.constant 0 : i32
      %dma_start3A_70 = tpu.memref_slice %arg4[%add3A_68, %dma_start3A_69] : memref<163840x128xf32, #tpu.memory_space<hbm>> -> memref<64x128xf32, #tpu.memory_space<hbm>>
      %dma_start3A_71 = arith.constant 0 : i32
      %dma_start3A_72 = tpu.memref_slice %arg4[%add3A_68, %dma_start3A_71] : memref<163840x128xf32, #tpu.memory_space<hbm>> -> memref<64x128xf32, #tpu.memory_space<hbm>>
      tpu.enqueue_dma source(%arg8 : memref<64x128xf32, #tpu.memory_space<vmem>>) target(%dma_start3A_72 : memref<64x128xf32, #tpu.memory_space<hbm>>) target_semaphore(%arg13 : memref<!tpu.dma_semaphore, #tpu.memory_space<semaphore_mem>>)
      %gt3A = arith.constant 0 : i32
      %gt3A_73 = arith.cmpi sgt, %scan3A_34, %gt3A : i32
      %convert_element_type3A_74 = arith.extui %gt3A_73 : i1 to i32
      %cond3A_75 = arith.constant 0 : i32
      %cond3A_76 = arith.cmpi ne, %convert_element_type3A_74, %cond3A_75 : i32
      scf.if %cond3A_76 {
        %dma_wait3A_133 = arith.constant 0 : i32
        %dma_wait3A_134 = tpu.memref_slice %arg4[%add3A, %dma_wait3A_133] : memref<163840x128xf32, #tpu.memory_space<hbm>> -> memref<64x128xf32, #tpu.memory_space<hbm>>
        %dma_wait3A_135 = arith.constant 0 : i32
        %dma_wait3A_136 = tpu.memref_slice %arg4[%add3A, %dma_wait3A_135] : memref<163840x128xf32, #tpu.memory_space<hbm>> -> memref<64x128xf32, #tpu.memory_space<hbm>>
        tpu.wait_dma2 semaphore(%arg14 : memref<!tpu.dma_semaphore, #tpu.memory_space<semaphore_mem>>) src(%arg9 : memref<64x128xf32, #tpu.memory_space<vmem>>) dst(%dma_wait3A_136 : memref<64x128xf32, #tpu.memory_space<hbm>>)
        %dma_wait3A_137 = arith.constant 0 : i32
        %dma_wait3A_138 = tpu.memref_slice %arg4[%add3A, %dma_wait3A_137] : memref<163840x128xf32, #tpu.memory_space<hbm>> -> memref<64x128xf32, #tpu.memory_space<hbm>>
        %dma_wait3A_139 = arith.constant 0 : i32
        %dma_wait3A_140 = tpu.memref_slice %arg4[%add3A, %dma_wait3A_139] : memref<163840x128xf32, #tpu.memory_space<hbm>> -> memref<64x128xf32, #tpu.memory_space<hbm>>
        tpu.wait_dma2 semaphore(%arg14 : memref<!tpu.dma_semaphore, #tpu.memory_space<semaphore_mem>>) src(%arg10 : memref<64x128xf32, #tpu.memory_space<vmem>>) dst(%dma_wait3A_140 : memref<64x128xf32, #tpu.memory_space<hbm>>)
      } else {
      }
      %mul3A_77 = arith.constant 2 : i32
      %mul3A_78 = arith.muli %add3A_40, %mul3A_77 : i32
      %add3A_79 = arith.constant 0 : i32
      %add3A_80 = arith.addi %mul3A_78, %add3A_79 : i32
      %mul3A_81 = arith.constant 64 : i32
      %mul3A_82 = arith.muli %add3A_80, %mul3A_81 : i32
      %dma_start3A_83 = tpu.memref_slice %arg6[%mul3A_82] : memref<5120xi32, #tpu.memory_space<vmem>> -> memref<64xi32, #tpu.memory_space<vmem>>
      %dma_start3A_84 = arith.constant 0 : i32
      %dma_start3A_85 = arith.constant 0 : i32
      %dma_start3A_86 = tpu.memref_slice %arg5[%dma_start3A_84, %dma_start3A_85] : memref<10000x128xf32, #tpu.memory_space<vmem_shared>> -> memref<10000x128xf32, #tpu.memory_space<vmem_shared>>
      tpu.enqueue_indirect_dma source(%dma_start3A_86 : memref<10000x128xf32, #tpu.memory_space<vmem_shared>>) target(%arg9 : memref<64x128xf32, #tpu.memory_space<vmem>>) offsets(%dma_start3A_83 : memref<64xi32, #tpu.memory_space<vmem>>) semaphore(%arg12 : memref<!tpu.dma_semaphore, #tpu.memory_space<semaphore_mem>>)
      %mul3A_87 = arith.constant 2 : i32
      %mul3A_88 = arith.muli %add3A_40, %mul3A_87 : i32
      %add3A_89 = arith.constant 1 : i32
      %add3A_90 = arith.addi %mul3A_88, %add3A_89 : i32
      %mul3A_91 = arith.constant 64 : i32
      %mul3A_92 = arith.muli %add3A_90, %mul3A_91 : i32
      %dma_start3A_93 = tpu.memref_slice %arg6[%mul3A_92] : memref<5120xi32, #tpu.memory_space<vmem>> -> memref<64xi32, #tpu.memory_space<vmem>>
      %dma_start3A_94 = arith.constant 0 : i32
      %dma_start3A_95 = arith.constant 0 : i32
      %dma_start3A_96 = tpu.memref_slice %arg5[%dma_start3A_94, %dma_start3A_95] : memref<10000x128xf32, #tpu.memory_space<vmem_shared>> -> memref<10000x128xf32, #tpu.memory_space<vmem_shared>>
      tpu.enqueue_indirect_dma source(%dma_start3A_96 : memref<10000x128xf32, #tpu.memory_space<vmem_shared>>) target(%arg10 : memref<64x128xf32, #tpu.memory_space<vmem>>) offsets(%dma_start3A_93 : memref<64xi32, #tpu.memory_space<vmem>>) semaphore(%arg12 : memref<!tpu.dma_semaphore, #tpu.memory_space<semaphore_mem>>)
      %lt3A = arith.constant 19 : i32
      %lt3A_97 = arith.cmpi slt, %scan3A_34, %lt3A : i32
      %convert_element_type3A_98 = arith.extui %lt3A_97 : i1 to i32
      %cond3A_99 = arith.constant 0 : i32
      %cond3A_100 = arith.cmpi ne, %convert_element_type3A_98, %cond3A_99 : i32
      scf.if %cond3A_100 {
        %dma_wait3A_133 = arith.constant 0 : i32
        %dma_wait3A_134 = tpu.memref_slice %arg4[%add3A, %dma_wait3A_133] : memref<163840x128xf32, #tpu.memory_space<hbm>> -> memref<64x128xf32, #tpu.memory_space<hbm>>
        %dma_wait3A_135 = arith.constant 0 : i32
        %dma_wait3A_136 = tpu.memref_slice %arg4[%add3A, %dma_wait3A_135] : memref<163840x128xf32, #tpu.memory_space<hbm>> -> memref<64x128xf32, #tpu.memory_space<hbm>>
        tpu.wait_dma2 semaphore(%arg13 : memref<!tpu.dma_semaphore, #tpu.memory_space<semaphore_mem>>) src(%arg7 : memref<64x128xf32, #tpu.memory_space<vmem>>) dst(%dma_wait3A_136 : memref<64x128xf32, #tpu.memory_space<hbm>>)
        %dma_wait3A_137 = arith.constant 0 : i32
        %dma_wait3A_138 = tpu.memref_slice %arg4[%add3A, %dma_wait3A_137] : memref<163840x128xf32, #tpu.memory_space<hbm>> -> memref<64x128xf32, #tpu.memory_space<hbm>>
        %dma_wait3A_139 = arith.constant 0 : i32
        %dma_wait3A_140 = tpu.memref_slice %arg4[%add3A, %dma_wait3A_139] : memref<163840x128xf32, #tpu.memory_space<hbm>> -> memref<64x128xf32, #tpu.memory_space<hbm>>
        tpu.wait_dma2 semaphore(%arg13 : memref<!tpu.dma_semaphore, #tpu.memory_space<semaphore_mem>>) src(%arg8 : memref<64x128xf32, #tpu.memory_space<vmem>>) dst(%dma_wait3A_140 : memref<64x128xf32, #tpu.memory_space<hbm>>)
        %add3A_141 = arith.constant 2 : i32
        %add3A_142 = arith.addi %mul3A_36, %add3A_141 : i32
        %mul3A_143 = arith.constant 2 : i32
        %mul3A_144 = arith.muli %add3A_142, %mul3A_143 : i32
        %add3A_145 = arith.constant 0 : i32
        %add3A_146 = arith.addi %mul3A_144, %add3A_145 : i32
        %mul3A_147 = arith.constant 64 : i32
        %mul3A_148 = arith.muli %add3A_146, %mul3A_147 : i32
        %dma_start3A_149 = tpu.memref_slice %arg6[%mul3A_148] : memref<5120xi32, #tpu.memory_space<vmem>> -> memref<64xi32, #tpu.memory_space<vmem>>
        %dma_start3A_150 = arith.constant 0 : i32
        %dma_start3A_151 = arith.constant 0 : i32
        %dma_start3A_152 = tpu.memref_slice %arg5[%dma_start3A_150, %dma_start3A_151] : memref<10000x128xf32, #tpu.memory_space<vmem_shared>> -> memref<10000x128xf32, #tpu.memory_space<vmem_shared>>
        tpu.enqueue_indirect_dma source(%dma_start3A_152 : memref<10000x128xf32, #tpu.memory_space<vmem_shared>>) target(%arg7 : memref<64x128xf32, #tpu.memory_space<vmem>>) offsets(%dma_start3A_149 : memref<64xi32, #tpu.memory_space<vmem>>) semaphore(%arg11 : memref<!tpu.dma_semaphore, #tpu.memory_space<semaphore_mem>>)
        %mul3A_153 = arith.constant 2 : i32
        %mul3A_154 = arith.muli %add3A_142, %mul3A_153 : i32
        %add3A_155 = arith.constant 1 : i32
        %add3A_156 = arith.addi %mul3A_154, %add3A_155 : i32
        %mul3A_157 = arith.constant 64 : i32
        %mul3A_158 = arith.muli %add3A_156, %mul3A_157 : i32
        %dma_start3A_159 = tpu.memref_slice %arg6[%mul3A_158] : memref<5120xi32, #tpu.memory_space<vmem>> -> memref<64xi32, #tpu.memory_space<vmem>>
        %dma_start3A_160 = arith.constant 0 : i32
        %dma_start3A_161 = arith.constant 0 : i32
        %dma_start3A_162 = tpu.memref_slice %arg5[%dma_start3A_160, %dma_start3A_161] : memref<10000x128xf32, #tpu.memory_space<vmem_shared>> -> memref<10000x128xf32, #tpu.memory_space<vmem_shared>>
        tpu.enqueue_indirect_dma source(%dma_start3A_162 : memref<10000x128xf32, #tpu.memory_space<vmem_shared>>) target(%arg8 : memref<64x128xf32, #tpu.memory_space<vmem>>) offsets(%dma_start3A_159 : memref<64xi32, #tpu.memory_space<vmem>>) semaphore(%arg11 : memref<!tpu.dma_semaphore, #tpu.memory_space<semaphore_mem>>)
      } else {
      }
      %dma_wait3A_101 = arith.constant 0 : i32
      %dma_wait3A_102 = tpu.memref_slice %arg6[%dma_wait3A_101] : memref<5120xi32, #tpu.memory_space<vmem>> -> memref<64xi32, #tpu.memory_space<vmem>>
      %dma_wait3A_103 = arith.constant 0 : i32
      %dma_wait3A_104 = arith.constant 0 : i32
      %dma_wait3A_105 = tpu.memref_slice %arg5[%dma_wait3A_103, %dma_wait3A_104] : memref<10000x128xf32, #tpu.memory_space<vmem_shared>> -> memref<10000x128xf32, #tpu.memory_space<vmem_shared>>
      tpu.wait_indirect_dma semaphore(%arg12 : memref<!tpu.dma_semaphore, #tpu.memory_space<semaphore_mem>>) src(%dma_wait3A_105 : memref<10000x128xf32, #tpu.memory_space<vmem_shared>>) dst(%arg9 : memref<64x128xf32, #tpu.memory_space<vmem>>)
      %dma_wait3A_106 = arith.constant 0 : i32
      %dma_wait3A_107 = tpu.memref_slice %arg6[%dma_wait3A_106] : memref<5120xi32, #tpu.memory_space<vmem>> -> memref<64xi32, #tpu.memory_space<vmem>>
      %dma_wait3A_108 = arith.constant 0 : i32
      %dma_wait3A_109 = arith.constant 0 : i32
      %dma_wait3A_110 = tpu.memref_slice %arg5[%dma_wait3A_108, %dma_wait3A_109] : memref<10000x128xf32, #tpu.memory_space<vmem_shared>> -> memref<10000x128xf32, #tpu.memory_space<vmem_shared>>
      tpu.wait_indirect_dma semaphore(%arg12 : memref<!tpu.dma_semaphore, #tpu.memory_space<semaphore_mem>>) src(%dma_wait3A_110 : memref<10000x128xf32, #tpu.memory_space<vmem_shared>>) dst(%arg10 : memref<64x128xf32, #tpu.memory_space<vmem>>)
      %mul3A_111 = arith.constant 2 : i32
      %mul3A_112 = arith.muli %add3A_40, %mul3A_111 : i32
      %add3A_113 = arith.constant 0 : i32
      %add3A_114 = arith.addi %mul3A_112, %add3A_113 : i32
      %mul3A_115 = arith.constant 64 : i32
      %mul3A_116 = arith.muli %add3A_114, %mul3A_115 : i32
      %add3A_117 = arith.addi %add3A, %mul3A_116 : i32
      %dma_start3A_118 = arith.constant 0 : i32
      %dma_start3A_119 = tpu.memref_slice %arg4[%add3A_117, %dma_start3A_118] : memref<163840x128xf32, #tpu.memory_space<hbm>> -> memref<64x128xf32, #tpu.memory_space<hbm>>
      %dma_start3A_120 = arith.constant 0 : i32
      %dma_start3A_121 = tpu.memref_slice %arg4[%add3A_117, %dma_start3A_120] : memref<163840x128xf32, #tpu.memory_space<hbm>> -> memref<64x128xf32, #tpu.memory_space<hbm>>
      tpu.enqueue_dma source(%arg9 : memref<64x128xf32, #tpu.memory_space<vmem>>) target(%dma_start3A_121 : memref<64x128xf32, #tpu.memory_space<hbm>>) target_semaphore(%arg14 : memref<!tpu.dma_semaphore, #tpu.memory_space<semaphore_mem>>)
      %mul3A_122 = arith.constant 2 : i32
      %mul3A_123 = arith.muli %add3A_40, %mul3A_122 : i32
      %add3A_124 = arith.constant 1 : i32
      %add3A_125 = arith.addi %mul3A_123, %add3A_124 : i32
      %mul3A_126 = arith.constant 64 : i32
      %mul3A_127 = arith.muli %add3A_125, %mul3A_126 : i32
      %add3A_128 = arith.addi %add3A, %mul3A_127 : i32
      %dma_start3A_129 = arith.constant 0 : i32
      %dma_start3A_130 = tpu.memref_slice %arg4[%add3A_128, %dma_start3A_129] : memref<163840x128xf32, #tpu.memory_space<hbm>> -> memref<64x128xf32, #tpu.memory_space<hbm>>
      %dma_start3A_131 = arith.constant 0 : i32
      %dma_start3A_132 = tpu.memref_slice %arg4[%add3A_128, %dma_start3A_131] : memref<163840x128xf32, #tpu.memory_space<hbm>> -> memref<64x128xf32, #tpu.memory_space<hbm>>
      tpu.enqueue_dma source(%arg10 : memref<64x128xf32, #tpu.memory_space<vmem>>) target(%dma_start3A_132 : memref<64x128xf32, #tpu.memory_space<hbm>>) target_semaphore(%arg14 : memref<!tpu.dma_semaphore, #tpu.memory_space<semaphore_mem>>)
    }
    %scan3A_18 = arith.constant 20 : i32
    %dma_wait3A = arith.constant 0 : i32
    %dma_wait3A_19 = tpu.memref_slice %arg4[%add3A, %dma_wait3A] : memref<163840x128xf32, #tpu.memory_space<hbm>> -> memref<64x128xf32, #tpu.memory_space<hbm>>
    %dma_wait3A_20 = arith.constant 0 : i32
    %dma_wait3A_21 = tpu.memref_slice %arg4[%add3A, %dma_wait3A_20] : memref<163840x128xf32, #tpu.memory_space<hbm>> -> memref<64x128xf32, #tpu.memory_space<hbm>>
    tpu.wait_dma2 semaphore(%arg13 : memref<!tpu.dma_semaphore, #tpu.memory_space<semaphore_mem>>) src(%arg7 : memref<64x128xf32, #tpu.memory_space<vmem>>) dst(%dma_wait3A_21 : memref<64x128xf32, #tpu.memory_space<hbm>>)
    %dma_wait3A_22 = arith.constant 0 : i32
    %dma_wait3A_23 = tpu.memref_slice %arg4[%add3A, %dma_wait3A_22] : memref<163840x128xf32, #tpu.memory_space<hbm>> -> memref<64x128xf32, #tpu.memory_space<hbm>>
    %dma_wait3A_24 = arith.constant 0 : i32
    %dma_wait3A_25 = tpu.memref_slice %arg4[%add3A, %dma_wait3A_24] : memref<163840x128xf32, #tpu.memory_space<hbm>> -> memref<64x128xf32, #tpu.memory_space<hbm>>
    tpu.wait_dma2 semaphore(%arg13 : memref<!tpu.dma_semaphore, #tpu.memory_space<semaphore_mem>>) src(%arg8 : memref<64x128xf32, #tpu.memory_space<vmem>>) dst(%dma_wait3A_25 : memref<64x128xf32, #tpu.memory_space<hbm>>)
    %dma_wait3A_26 = arith.constant 0 : i32
    %dma_wait3A_27 = tpu.memref_slice %arg4[%add3A, %dma_wait3A_26] : memref<163840x128xf32, #tpu.memory_space<hbm>> -> memref<64x128xf32, #tpu.memory_space<hbm>>
    %dma_wait3A_28 = arith.constant 0 : i32
    %dma_wait3A_29 = tpu.memref_slice %arg4[%add3A, %dma_wait3A_28] : memref<163840x128xf32, #tpu.memory_space<hbm>> -> memref<64x128xf32, #tpu.memory_space<hbm>>
    tpu.wait_dma2 semaphore(%arg14 : memref<!tpu.dma_semaphore, #tpu.memory_space<semaphore_mem>>) src(%arg9 : memref<64x128xf32, #tpu.memory_space<vmem>>) dst(%dma_wait3A_29 : memref<64x128xf32, #tpu.memory_space<hbm>>)
    %dma_wait3A_30 = arith.constant 0 : i32
    %dma_wait3A_31 = tpu.memref_slice %arg4[%add3A, %dma_wait3A_30] : memref<163840x128xf32, #tpu.memory_space<hbm>> -> memref<64x128xf32, #tpu.memory_space<hbm>>
    %dma_wait3A_32 = arith.constant 0 : i32
    %dma_wait3A_33 = tpu.memref_slice %arg4[%add3A, %dma_wait3A_32] : memref<163840x128xf32, #tpu.memory_space<hbm>> -> memref<64x128xf32, #tpu.memory_space<hbm>>
    tpu.wait_dma2 semaphore(%arg14 : memref<!tpu.dma_semaphore, #tpu.memory_space<semaphore_mem>>) src(%arg10 : memref<64x128xf32, #tpu.memory_space<vmem>>) dst(%dma_wait3A_33 : memref<64x128xf32, #tpu.memory_space<hbm>>)
    return
  }
}

#map = affine_map<(d0, d1) -> (0, 0)>
#map1 = affine_map<(d0, d1) -> (0)>
module attributes {stable_mosaic.version = 14 : i64} {
  func.func @body(%arg0: i32, %arg1: i32, %arg2: memref<100x128xf32, #tpu.memory_space<hbm>>, %arg3: memref<20480xi32, #tpu.memory_space<hbm>>, %arg4: memref<20480x128xf32, #tpu.memory_space<hbm>>, %arg5: memref<100x128xf32, #tpu.memory_space<vmem_shared>>, %arg6: memref<640xi32, #tpu.memory_space<vmem>>, %arg7: memref<80x128xf32, #tpu.memory_space<vmem>>, %arg8: memref<80x128xf32, #tpu.memory_space<vmem>>, %arg9: memref<80x128xf32, #tpu.memory_space<vmem>>, %arg10: memref<80x128xf32, #tpu.memory_space<vmem>>, %arg11: memref<!tpu.dma_semaphore, #tpu.memory_space<semaphore_mem>>, %arg12: memref<!tpu.dma_semaphore, #tpu.memory_space<semaphore_mem>>, %arg13: memref<!tpu.dma_semaphore, #tpu.memory_space<semaphore_mem>>, %arg14: memref<!tpu.dma_semaphore, #tpu.memory_space<semaphore_mem>>) attributes {dimension_semantics = [#tpu.dimension_semantics<core_parallel>, #tpu.dimension_semantics<subcore_parallel>], iteration_bounds = array<i64: 2, 16>, scalar_prefetch = 0 : i64, scratch_operands = 10 : i64, tpu.core_type = #tpu.core_type<sc_vector_subcore>, window_params = [{transform_indices = #map}, {transform_indices = #map1}, {transform_indices = #map}]} {
    %mul3A = arith.constant 10240 : i32
    %mul3A_0 = arith.muli %arg0, %mul3A : i32
    %mul3A_1 = arith.constant 640 : i32
    %mul3A_2 = arith.muli %arg1, %mul3A_1 : i32
    %add3A = arith.addi %mul3A_0, %mul3A_2 : i32
    "tpu.region"() ({
      %run_scoped3A = tpu.sem_alloc : memref<!tpu.dma_semaphore, #tpu.memory_space<semaphore_mem>>
      %dma_start3A_34 = tpu.memref_slice %arg3[%add3A] : memref<20480xi32, #tpu.memory_space<hbm>> -> memref<640xi32, #tpu.memory_space<hbm>>
      %dma_start3A_35 = tpu.memref_slice %arg3[%add3A] : memref<20480xi32, #tpu.memory_space<hbm>> -> memref<640xi32, #tpu.memory_space<hbm>>
      tpu.enqueue_dma source(%dma_start3A_35 : memref<640xi32, #tpu.memory_space<hbm>>) target(%arg6 : memref<640xi32, #tpu.memory_space<vmem>>) target_semaphore(%run_scoped3A : memref<!tpu.dma_semaphore, #tpu.memory_space<semaphore_mem>>)
      %dma_wait3A_36 = tpu.memref_slice %arg3[%add3A] : memref<20480xi32, #tpu.memory_space<hbm>> -> memref<640xi32, #tpu.memory_space<hbm>>
      %dma_wait3A_37 = tpu.memref_slice %arg3[%add3A] : memref<20480xi32, #tpu.memory_space<hbm>> -> memref<640xi32, #tpu.memory_space<hbm>>
      tpu.wait_dma2 semaphore(%run_scoped3A : memref<!tpu.dma_semaphore, #tpu.memory_space<semaphore_mem>>) src(%dma_wait3A_37 : memref<640xi32, #tpu.memory_space<hbm>>) dst(%arg6 : memref<640xi32, #tpu.memory_space<vmem>>)
      tpu.yield
    }) : () -> ()
    %eq3A = arith.constant 0 : i32
    %eq3A_3 = arith.cmpi eq, %arg1, %eq3A : i32
    %convert_element_type3A = arith.extui %eq3A_3 : i1 to i32
    %cond3A = arith.constant 0 : i32
    %cond3A_4 = arith.cmpi ne, %convert_element_type3A, %cond3A : i32
    scf.if %cond3A_4 {
      "tpu.region"() ({
        %run_scoped3A = tpu.sem_alloc : memref<!tpu.dma_semaphore, #tpu.memory_space<semaphore_mem>>
        %dma_start3A_34 = arith.constant 0 : i32
        %dma_start3A_35 = arith.constant 0 : i32
        %dma_start3A_36 = tpu.memref_slice %arg2[%dma_start3A_34, %dma_start3A_35] : memref<100x128xf32, #tpu.memory_space<hbm>> -> memref<100x128xf32, #tpu.memory_space<hbm>>
        tpu.enqueue_dma source(%dma_start3A_36 : memref<100x128xf32, #tpu.memory_space<hbm>>) target(%arg5 : memref<100x128xf32, #tpu.memory_space<vmem_shared>>) target_semaphore(%run_scoped3A : memref<!tpu.dma_semaphore, #tpu.memory_space<semaphore_mem>>)
        %dma_wait3A_37 = arith.constant 0 : i32
        %dma_wait3A_38 = arith.constant 0 : i32
        %dma_wait3A_39 = tpu.memref_slice %arg2[%dma_wait3A_37, %dma_wait3A_38] : memref<100x128xf32, #tpu.memory_space<hbm>> -> memref<100x128xf32, #tpu.memory_space<hbm>>
        tpu.wait_dma2 semaphore(%run_scoped3A : memref<!tpu.dma_semaphore, #tpu.memory_space<semaphore_mem>>) src(%dma_wait3A_39 : memref<100x128xf32, #tpu.memory_space<hbm>>) dst(%arg5 : memref<100x128xf32, #tpu.memory_space<vmem_shared>>)
        tpu.yield
      }) : () -> ()
    } else {
    }
    %barrier3A = arith.constant 0 : index
    tpu.barrier barrier_id(%barrier3A)
    %dma_start3A = arith.constant 0 : i32
    %dma_start3A_5 = tpu.memref_slice %arg6[%dma_start3A] : memref<640xi32, #tpu.memory_space<vmem>> -> memref<80xi32, #tpu.memory_space<vmem>>
    %dma_start3A_6 = arith.constant 0 : i32
    %dma_start3A_7 = arith.constant 0 : i32
    %dma_start3A_8 = tpu.memref_slice %arg5[%dma_start3A_6, %dma_start3A_7] : memref<100x128xf32, #tpu.memory_space<vmem_shared>> -> memref<100x128xf32, #tpu.memory_space<vmem_shared>>
    tpu.enqueue_indirect_dma source(%dma_start3A_8 : memref<100x128xf32, #tpu.memory_space<vmem_shared>>) target(%arg7 : memref<80x128xf32, #tpu.memory_space<vmem>>) offsets(%dma_start3A_5 : memref<80xi32, #tpu.memory_space<vmem>>) semaphore(%arg11 : memref<!tpu.dma_semaphore, #tpu.memory_space<semaphore_mem>>)
    %dma_start3A_9 = arith.constant 80 : i32
    %dma_start3A_10 = tpu.memref_slice %arg6[%dma_start3A_9] : memref<640xi32, #tpu.memory_space<vmem>> -> memref<80xi32, #tpu.memory_space<vmem>>
    %dma_start3A_11 = arith.constant 0 : i32
    %dma_start3A_12 = arith.constant 0 : i32
    %dma_start3A_13 = tpu.memref_slice %arg5[%dma_start3A_11, %dma_start3A_12] : memref<100x128xf32, #tpu.memory_space<vmem_shared>> -> memref<100x128xf32, #tpu.memory_space<vmem_shared>>
    tpu.enqueue_indirect_dma source(%dma_start3A_13 : memref<100x128xf32, #tpu.memory_space<vmem_shared>>) target(%arg8 : memref<80x128xf32, #tpu.memory_space<vmem>>) offsets(%dma_start3A_10 : memref<80xi32, #tpu.memory_space<vmem>>) semaphore(%arg11 : memref<!tpu.dma_semaphore, #tpu.memory_space<semaphore_mem>>)
    %scan3A = arith.constant 0 : i32
    %scan3A_14 = arith.constant 0 : i32
    %scan3A_15 = arith.constant 2 : i32
    %scan3A_16 = arith.addi %scan3A_14, %scan3A_15 : i32
    %scan3A_17 = arith.constant 1 : i32
    scf.for %scan3A_34 = %scan3A_14 to %scan3A_16 step %scan3A_17  : i32 {
      %mul3A_35 = arith.constant 2 : i32
      %mul3A_36 = arith.muli %mul3A_35, %scan3A_34 : i32
      %mul3A_37 = arith.constant 2 : i32
      %mul3A_38 = arith.muli %mul3A_37, %scan3A_34 : i32
      %add3A_39 = arith.constant 1 : i32
      %add3A_40 = arith.addi %mul3A_38, %add3A_39 : i32
      %dma_wait3A_41 = arith.constant 0 : i32
      %dma_wait3A_42 = tpu.memref_slice %arg6[%dma_wait3A_41] : memref<640xi32, #tpu.memory_space<vmem>> -> memref<80xi32, #tpu.memory_space<vmem>>
      %dma_wait3A_43 = arith.constant 0 : i32
      %dma_wait3A_44 = arith.constant 0 : i32
      %dma_wait3A_45 = tpu.memref_slice %arg5[%dma_wait3A_43, %dma_wait3A_44] : memref<100x128xf32, #tpu.memory_space<vmem_shared>> -> memref<100x128xf32, #tpu.memory_space<vmem_shared>>
      tpu.wait_indirect_dma semaphore(%arg11 : memref<!tpu.dma_semaphore, #tpu.memory_space<semaphore_mem>>) src(%dma_wait3A_45 : memref<100x128xf32, #tpu.memory_space<vmem_shared>>) dst(%arg7 : memref<80x128xf32, #tpu.memory_space<vmem>>)
      %dma_wait3A_46 = arith.constant 0 : i32
      %dma_wait3A_47 = tpu.memref_slice %arg6[%dma_wait3A_46] : memref<640xi32, #tpu.memory_space<vmem>> -> memref<80xi32, #tpu.memory_space<vmem>>
      %dma_wait3A_48 = arith.constant 0 : i32
      %dma_wait3A_49 = arith.constant 0 : i32
      %dma_wait3A_50 = tpu.memref_slice %arg5[%dma_wait3A_48, %dma_wait3A_49] : memref<100x128xf32, #tpu.memory_space<vmem_shared>> -> memref<100x128xf32, #tpu.memory_space<vmem_shared>>
      tpu.wait_indirect_dma semaphore(%arg11 : memref<!tpu.dma_semaphore, #tpu.memory_space<semaphore_mem>>) src(%dma_wait3A_50 : memref<100x128xf32, #tpu.memory_space<vmem_shared>>) dst(%arg8 : memref<80x128xf32, #tpu.memory_space<vmem>>)
      %mul3A_51 = arith.constant 2 : i32
      %mul3A_52 = arith.muli %mul3A_36, %mul3A_51 : i32
      %add3A_53 = arith.constant 0 : i32
      %add3A_54 = arith.addi %mul3A_52, %add3A_53 : i32
      %mul3A_55 = arith.constant 80 : i32
      %mul3A_56 = arith.muli %add3A_54, %mul3A_55 : i32
      %add3A_57 = arith.addi %add3A, %mul3A_56 : i32
      %dma_start3A_58 = arith.constant 0 : i32
      %dma_start3A_59 = tpu.memref_slice %arg4[%add3A_57, %dma_start3A_58] : memref<20480x128xf32, #tpu.memory_space<hbm>> -> memref<80x128xf32, #tpu.memory_space<hbm>>
      %dma_start3A_60 = arith.constant 0 : i32
      %dma_start3A_61 = tpu.memref_slice %arg4[%add3A_57, %dma_start3A_60] : memref<20480x128xf32, #tpu.memory_space<hbm>> -> memref<80x128xf32, #tpu.memory_space<hbm>>
      tpu.enqueue_dma source(%arg7 : memref<80x128xf32, #tpu.memory_space<vmem>>) target(%dma_start3A_61 : memref<80x128xf32, #tpu.memory_space<hbm>>) target_semaphore(%arg13 : memref<!tpu.dma_semaphore, #tpu.memory_space<semaphore_mem>>)
      %mul3A_62 = arith.constant 2 : i32
      %mul3A_63 = arith.muli %mul3A_36, %mul3A_62 : i32
      %add3A_64 = arith.constant 1 : i32
      %add3A_65 = arith.addi %mul3A_63, %add3A_64 : i32
      %mul3A_66 = arith.constant 80 : i32
      %mul3A_67 = arith.muli %add3A_65, %mul3A_66 : i32
      %add3A_68 = arith.addi %add3A, %mul3A_67 : i32
      %dma_start3A_69 = arith.constant 0 : i32
      %dma_start3A_70 = tpu.memref_slice %arg4[%add3A_68, %dma_start3A_69] : memref<20480x128xf32, #tpu.memory_space<hbm>> -> memref<80x128xf32, #tpu.memory_space<hbm>>
      %dma_start3A_71 = arith.constant 0 : i32
      %dma_start3A_72 = tpu.memref_slice %arg4[%add3A_68, %dma_start3A_71] : memref<20480x128xf32, #tpu.memory_space<hbm>> -> memref<80x128xf32, #tpu.memory_space<hbm>>
      tpu.enqueue_dma source(%arg8 : memref<80x128xf32, #tpu.memory_space<vmem>>) target(%dma_start3A_72 : memref<80x128xf32, #tpu.memory_space<hbm>>) target_semaphore(%arg13 : memref<!tpu.dma_semaphore, #tpu.memory_space<semaphore_mem>>)
      %gt3A = arith.constant 0 : i32
      %gt3A_73 = arith.cmpi sgt, %scan3A_34, %gt3A : i32
      %convert_element_type3A_74 = arith.extui %gt3A_73 : i1 to i32
      %cond3A_75 = arith.constant 0 : i32
      %cond3A_76 = arith.cmpi ne, %convert_element_type3A_74, %cond3A_75 : i32
      scf.if %cond3A_76 {
        %dma_wait3A_133 = arith.constant 0 : i32
        %dma_wait3A_134 = tpu.memref_slice %arg4[%add3A, %dma_wait3A_133] : memref<20480x128xf32, #tpu.memory_space<hbm>> -> memref<80x128xf32, #tpu.memory_space<hbm>>
        %dma_wait3A_135 = arith.constant 0 : i32
        %dma_wait3A_136 = tpu.memref_slice %arg4[%add3A, %dma_wait3A_135] : memref<20480x128xf32, #tpu.memory_space<hbm>> -> memref<80x128xf32, #tpu.memory_space<hbm>>
        tpu.wait_dma2 semaphore(%arg14 : memref<!tpu.dma_semaphore, #tpu.memory_space<semaphore_mem>>) src(%arg9 : memref<80x128xf32, #tpu.memory_space<vmem>>) dst(%dma_wait3A_136 : memref<80x128xf32, #tpu.memory_space<hbm>>)
        %dma_wait3A_137 = arith.constant 0 : i32
        %dma_wait3A_138 = tpu.memref_slice %arg4[%add3A, %dma_wait3A_137] : memref<20480x128xf32, #tpu.memory_space<hbm>> -> memref<80x128xf32, #tpu.memory_space<hbm>>
        %dma_wait3A_139 = arith.constant 0 : i32
        %dma_wait3A_140 = tpu.memref_slice %arg4[%add3A, %dma_wait3A_139] : memref<20480x128xf32, #tpu.memory_space<hbm>> -> memref<80x128xf32, #tpu.memory_space<hbm>>
        tpu.wait_dma2 semaphore(%arg14 : memref<!tpu.dma_semaphore, #tpu.memory_space<semaphore_mem>>) src(%arg10 : memref<80x128xf32, #tpu.memory_space<vmem>>) dst(%dma_wait3A_140 : memref<80x128xf32, #tpu.memory_space<hbm>>)
      } else {
      }
      %mul3A_77 = arith.constant 2 : i32
      %mul3A_78 = arith.muli %add3A_40, %mul3A_77 : i32
      %add3A_79 = arith.constant 0 : i32
      %add3A_80 = arith.addi %mul3A_78, %add3A_79 : i32
      %mul3A_81 = arith.constant 80 : i32
      %mul3A_82 = arith.muli %add3A_80, %mul3A_81 : i32
      %dma_start3A_83 = tpu.memref_slice %arg6[%mul3A_82] : memref<640xi32, #tpu.memory_space<vmem>> -> memref<80xi32, #tpu.memory_space<vmem>>
      %dma_start3A_84 = arith.constant 0 : i32
      %dma_start3A_85 = arith.constant 0 : i32
      %dma_start3A_86 = tpu.memref_slice %arg5[%dma_start3A_84, %dma_start3A_85] : memref<100x128xf32, #tpu.memory_space<vmem_shared>> -> memref<100x128xf32, #tpu.memory_space<vmem_shared>>
      tpu.enqueue_indirect_dma source(%dma_start3A_86 : memref<100x128xf32, #tpu.memory_space<vmem_shared>>) target(%arg9 : memref<80x128xf32, #tpu.memory_space<vmem>>) offsets(%dma_start3A_83 : memref<80xi32, #tpu.memory_space<vmem>>) semaphore(%arg12 : memref<!tpu.dma_semaphore, #tpu.memory_space<semaphore_mem>>)
      %mul3A_87 = arith.constant 2 : i32
      %mul3A_88 = arith.muli %add3A_40, %mul3A_87 : i32
      %add3A_89 = arith.constant 1 : i32
      %add3A_90 = arith.addi %mul3A_88, %add3A_89 : i32
      %mul3A_91 = arith.constant 80 : i32
      %mul3A_92 = arith.muli %add3A_90, %mul3A_91 : i32
      %dma_start3A_93 = tpu.memref_slice %arg6[%mul3A_92] : memref<640xi32, #tpu.memory_space<vmem>> -> memref<80xi32, #tpu.memory_space<vmem>>
      %dma_start3A_94 = arith.constant 0 : i32
      %dma_start3A_95 = arith.constant 0 : i32
      %dma_start3A_96 = tpu.memref_slice %arg5[%dma_start3A_94, %dma_start3A_95] : memref<100x128xf32, #tpu.memory_space<vmem_shared>> -> memref<100x128xf32, #tpu.memory_space<vmem_shared>>
      tpu.enqueue_indirect_dma source(%dma_start3A_96 : memref<100x128xf32, #tpu.memory_space<vmem_shared>>) target(%arg10 : memref<80x128xf32, #tpu.memory_space<vmem>>) offsets(%dma_start3A_93 : memref<80xi32, #tpu.memory_space<vmem>>) semaphore(%arg12 : memref<!tpu.dma_semaphore, #tpu.memory_space<semaphore_mem>>)
      %lt3A = arith.constant 1 : i32
      %lt3A_97 = arith.cmpi slt, %scan3A_34, %lt3A : i32
      %convert_element_type3A_98 = arith.extui %lt3A_97 : i1 to i32
      %cond3A_99 = arith.constant 0 : i32
      %cond3A_100 = arith.cmpi ne, %convert_element_type3A_98, %cond3A_99 : i32
      scf.if %cond3A_100 {
        %dma_wait3A_133 = arith.constant 0 : i32
        %dma_wait3A_134 = tpu.memref_slice %arg4[%add3A, %dma_wait3A_133] : memref<20480x128xf32, #tpu.memory_space<hbm>> -> memref<80x128xf32, #tpu.memory_space<hbm>>
        %dma_wait3A_135 = arith.constant 0 : i32
        %dma_wait3A_136 = tpu.memref_slice %arg4[%add3A, %dma_wait3A_135] : memref<20480x128xf32, #tpu.memory_space<hbm>> -> memref<80x128xf32, #tpu.memory_space<hbm>>
        tpu.wait_dma2 semaphore(%arg13 : memref<!tpu.dma_semaphore, #tpu.memory_space<semaphore_mem>>) src(%arg7 : memref<80x128xf32, #tpu.memory_space<vmem>>) dst(%dma_wait3A_136 : memref<80x128xf32, #tpu.memory_space<hbm>>)
        %dma_wait3A_137 = arith.constant 0 : i32
        %dma_wait3A_138 = tpu.memref_slice %arg4[%add3A, %dma_wait3A_137] : memref<20480x128xf32, #tpu.memory_space<hbm>> -> memref<80x128xf32, #tpu.memory_space<hbm>>
        %dma_wait3A_139 = arith.constant 0 : i32
        %dma_wait3A_140 = tpu.memref_slice %arg4[%add3A, %dma_wait3A_139] : memref<20480x128xf32, #tpu.memory_space<hbm>> -> memref<80x128xf32, #tpu.memory_space<hbm>>
        tpu.wait_dma2 semaphore(%arg13 : memref<!tpu.dma_semaphore, #tpu.memory_space<semaphore_mem>>) src(%arg8 : memref<80x128xf32, #tpu.memory_space<vmem>>) dst(%dma_wait3A_140 : memref<80x128xf32, #tpu.memory_space<hbm>>)
        %add3A_141 = arith.constant 2 : i32
        %add3A_142 = arith.addi %mul3A_36, %add3A_141 : i32
        %mul3A_143 = arith.constant 2 : i32
        %mul3A_144 = arith.muli %add3A_142, %mul3A_143 : i32
        %add3A_145 = arith.constant 0 : i32
        %add3A_146 = arith.addi %mul3A_144, %add3A_145 : i32
        %mul3A_147 = arith.constant 80 : i32
        %mul3A_148 = arith.muli %add3A_146, %mul3A_147 : i32
        %dma_start3A_149 = tpu.memref_slice %arg6[%mul3A_148] : memref<640xi32, #tpu.memory_space<vmem>> -> memref<80xi32, #tpu.memory_space<vmem>>
        %dma_start3A_150 = arith.constant 0 : i32
        %dma_start3A_151 = arith.constant 0 : i32
        %dma_start3A_152 = tpu.memref_slice %arg5[%dma_start3A_150, %dma_start3A_151] : memref<100x128xf32, #tpu.memory_space<vmem_shared>> -> memref<100x128xf32, #tpu.memory_space<vmem_shared>>
        tpu.enqueue_indirect_dma source(%dma_start3A_152 : memref<100x128xf32, #tpu.memory_space<vmem_shared>>) target(%arg7 : memref<80x128xf32, #tpu.memory_space<vmem>>) offsets(%dma_start3A_149 : memref<80xi32, #tpu.memory_space<vmem>>) semaphore(%arg11 : memref<!tpu.dma_semaphore, #tpu.memory_space<semaphore_mem>>)
        %mul3A_153 = arith.constant 2 : i32
        %mul3A_154 = arith.muli %add3A_142, %mul3A_153 : i32
        %add3A_155 = arith.constant 1 : i32
        %add3A_156 = arith.addi %mul3A_154, %add3A_155 : i32
        %mul3A_157 = arith.constant 80 : i32
        %mul3A_158 = arith.muli %add3A_156, %mul3A_157 : i32
        %dma_start3A_159 = tpu.memref_slice %arg6[%mul3A_158] : memref<640xi32, #tpu.memory_space<vmem>> -> memref<80xi32, #tpu.memory_space<vmem>>
        %dma_start3A_160 = arith.constant 0 : i32
        %dma_start3A_161 = arith.constant 0 : i32
        %dma_start3A_162 = tpu.memref_slice %arg5[%dma_start3A_160, %dma_start3A_161] : memref<100x128xf32, #tpu.memory_space<vmem_shared>> -> memref<100x128xf32, #tpu.memory_space<vmem_shared>>
        tpu.enqueue_indirect_dma source(%dma_start3A_162 : memref<100x128xf32, #tpu.memory_space<vmem_shared>>) target(%arg8 : memref<80x128xf32, #tpu.memory_space<vmem>>) offsets(%dma_start3A_159 : memref<80xi32, #tpu.memory_space<vmem>>) semaphore(%arg11 : memref<!tpu.dma_semaphore, #tpu.memory_space<semaphore_mem>>)
      } else {
      }
      %dma_wait3A_101 = arith.constant 0 : i32
      %dma_wait3A_102 = tpu.memref_slice %arg6[%dma_wait3A_101] : memref<640xi32, #tpu.memory_space<vmem>> -> memref<80xi32, #tpu.memory_space<vmem>>
      %dma_wait3A_103 = arith.constant 0 : i32
      %dma_wait3A_104 = arith.constant 0 : i32
      %dma_wait3A_105 = tpu.memref_slice %arg5[%dma_wait3A_103, %dma_wait3A_104] : memref<100x128xf32, #tpu.memory_space<vmem_shared>> -> memref<100x128xf32, #tpu.memory_space<vmem_shared>>
      tpu.wait_indirect_dma semaphore(%arg12 : memref<!tpu.dma_semaphore, #tpu.memory_space<semaphore_mem>>) src(%dma_wait3A_105 : memref<100x128xf32, #tpu.memory_space<vmem_shared>>) dst(%arg9 : memref<80x128xf32, #tpu.memory_space<vmem>>)
      %dma_wait3A_106 = arith.constant 0 : i32
      %dma_wait3A_107 = tpu.memref_slice %arg6[%dma_wait3A_106] : memref<640xi32, #tpu.memory_space<vmem>> -> memref<80xi32, #tpu.memory_space<vmem>>
      %dma_wait3A_108 = arith.constant 0 : i32
      %dma_wait3A_109 = arith.constant 0 : i32
      %dma_wait3A_110 = tpu.memref_slice %arg5[%dma_wait3A_108, %dma_wait3A_109] : memref<100x128xf32, #tpu.memory_space<vmem_shared>> -> memref<100x128xf32, #tpu.memory_space<vmem_shared>>
      tpu.wait_indirect_dma semaphore(%arg12 : memref<!tpu.dma_semaphore, #tpu.memory_space<semaphore_mem>>) src(%dma_wait3A_110 : memref<100x128xf32, #tpu.memory_space<vmem_shared>>) dst(%arg10 : memref<80x128xf32, #tpu.memory_space<vmem>>)
      %mul3A_111 = arith.constant 2 : i32
      %mul3A_112 = arith.muli %add3A_40, %mul3A_111 : i32
      %add3A_113 = arith.constant 0 : i32
      %add3A_114 = arith.addi %mul3A_112, %add3A_113 : i32
      %mul3A_115 = arith.constant 80 : i32
      %mul3A_116 = arith.muli %add3A_114, %mul3A_115 : i32
      %add3A_117 = arith.addi %add3A, %mul3A_116 : i32
      %dma_start3A_118 = arith.constant 0 : i32
      %dma_start3A_119 = tpu.memref_slice %arg4[%add3A_117, %dma_start3A_118] : memref<20480x128xf32, #tpu.memory_space<hbm>> -> memref<80x128xf32, #tpu.memory_space<hbm>>
      %dma_start3A_120 = arith.constant 0 : i32
      %dma_start3A_121 = tpu.memref_slice %arg4[%add3A_117, %dma_start3A_120] : memref<20480x128xf32, #tpu.memory_space<hbm>> -> memref<80x128xf32, #tpu.memory_space<hbm>>
      tpu.enqueue_dma source(%arg9 : memref<80x128xf32, #tpu.memory_space<vmem>>) target(%dma_start3A_121 : memref<80x128xf32, #tpu.memory_space<hbm>>) target_semaphore(%arg14 : memref<!tpu.dma_semaphore, #tpu.memory_space<semaphore_mem>>)
      %mul3A_122 = arith.constant 2 : i32
      %mul3A_123 = arith.muli %add3A_40, %mul3A_122 : i32
      %add3A_124 = arith.constant 1 : i32
      %add3A_125 = arith.addi %mul3A_123, %add3A_124 : i32
      %mul3A_126 = arith.constant 80 : i32
      %mul3A_127 = arith.muli %add3A_125, %mul3A_126 : i32
      %add3A_128 = arith.addi %add3A, %mul3A_127 : i32
      %dma_start3A_129 = arith.constant 0 : i32
      %dma_start3A_130 = tpu.memref_slice %arg4[%add3A_128, %dma_start3A_129] : memref<20480x128xf32, #tpu.memory_space<hbm>> -> memref<80x128xf32, #tpu.memory_space<hbm>>
      %dma_start3A_131 = arith.constant 0 : i32
      %dma_start3A_132 = tpu.memref_slice %arg4[%add3A_128, %dma_start3A_131] : memref<20480x128xf32, #tpu.memory_space<hbm>> -> memref<80x128xf32, #tpu.memory_space<hbm>>
      tpu.enqueue_dma source(%arg10 : memref<80x128xf32, #tpu.memory_space<vmem>>) target(%dma_start3A_132 : memref<80x128xf32, #tpu.memory_space<hbm>>) target_semaphore(%arg14 : memref<!tpu.dma_semaphore, #tpu.memory_space<semaphore_mem>>)
    }
    %scan3A_18 = arith.constant 2 : i32
    %dma_wait3A = arith.constant 0 : i32
    %dma_wait3A_19 = tpu.memref_slice %arg4[%add3A, %dma_wait3A] : memref<20480x128xf32, #tpu.memory_space<hbm>> -> memref<80x128xf32, #tpu.memory_space<hbm>>
    %dma_wait3A_20 = arith.constant 0 : i32
    %dma_wait3A_21 = tpu.memref_slice %arg4[%add3A, %dma_wait3A_20] : memref<20480x128xf32, #tpu.memory_space<hbm>> -> memref<80x128xf32, #tpu.memory_space<hbm>>
    tpu.wait_dma2 semaphore(%arg13 : memref<!tpu.dma_semaphore, #tpu.memory_space<semaphore_mem>>) src(%arg7 : memref<80x128xf32, #tpu.memory_space<vmem>>) dst(%dma_wait3A_21 : memref<80x128xf32, #tpu.memory_space<hbm>>)
    %dma_wait3A_22 = arith.constant 0 : i32
    %dma_wait3A_23 = tpu.memref_slice %arg4[%add3A, %dma_wait3A_22] : memref<20480x128xf32, #tpu.memory_space<hbm>> -> memref<80x128xf32, #tpu.memory_space<hbm>>
    %dma_wait3A_24 = arith.constant 0 : i32
    %dma_wait3A_25 = tpu.memref_slice %arg4[%add3A, %dma_wait3A_24] : memref<20480x128xf32, #tpu.memory_space<hbm>> -> memref<80x128xf32, #tpu.memory_space<hbm>>
    tpu.wait_dma2 semaphore(%arg13 : memref<!tpu.dma_semaphore, #tpu.memory_space<semaphore_mem>>) src(%arg8 : memref<80x128xf32, #tpu.memory_space<vmem>>) dst(%dma_wait3A_25 : memref<80x128xf32, #tpu.memory_space<hbm>>)
    %dma_wait3A_26 = arith.constant 0 : i32
    %dma_wait3A_27 = tpu.memref_slice %arg4[%add3A, %dma_wait3A_26] : memref<20480x128xf32, #tpu.memory_space<hbm>> -> memref<80x128xf32, #tpu.memory_space<hbm>>
    %dma_wait3A_28 = arith.constant 0 : i32
    %dma_wait3A_29 = tpu.memref_slice %arg4[%add3A, %dma_wait3A_28] : memref<20480x128xf32, #tpu.memory_space<hbm>> -> memref<80x128xf32, #tpu.memory_space<hbm>>
    tpu.wait_dma2 semaphore(%arg14 : memref<!tpu.dma_semaphore, #tpu.memory_space<semaphore_mem>>) src(%arg9 : memref<80x128xf32, #tpu.memory_space<vmem>>) dst(%dma_wait3A_29 : memref<80x128xf32, #tpu.memory_space<hbm>>)
    %dma_wait3A_30 = arith.constant 0 : i32
    %dma_wait3A_31 = tpu.memref_slice %arg4[%add3A, %dma_wait3A_30] : memref<20480x128xf32, #tpu.memory_space<hbm>> -> memref<80x128xf32, #tpu.memory_space<hbm>>
    %dma_wait3A_32 = arith.constant 0 : i32
    %dma_wait3A_33 = tpu.memref_slice %arg4[%add3A, %dma_wait3A_32] : memref<20480x128xf32, #tpu.memory_space<hbm>> -> memref<80x128xf32, #tpu.memory_space<hbm>>
    tpu.wait_dma2 semaphore(%arg14 : memref<!tpu.dma_semaphore, #tpu.memory_space<semaphore_mem>>) src(%arg10 : memref<80x128xf32, #tpu.memory_space<vmem>>) dst(%dma_wait3A_33 : memref<80x128xf32, #tpu.memory_space<hbm>>)
    return
  }
}

#map = affine_map<(d0, d1) -> (0, 0)>
#map1 = affine_map<(d0, d1) -> (0)>
module attributes {stable_mosaic.version = 14 : i64} {
  func.func @body(%arg0: i32, %arg1: i32, %arg2: memref<10000x128xf32, #tpu.memory_space<hbm>>, %arg3: memref<163840xi32, #tpu.memory_space<hbm>>, %arg4: memref<163840x128xf32, #tpu.memory_space<hbm>>, %arg5: memref<10000x128xf32, #tpu.memory_space<vmem_shared>>, %arg6: memref<5120xi32, #tpu.memory_space<vmem>>, %arg7: memref<64x128xf32, #tpu.memory_space<vmem>>, %arg8: memref<64x128xf32, #tpu.memory_space<vmem>>, %arg9: memref<64x128xf32, #tpu.memory_space<vmem>>, %arg10: memref<64x128xf32, #tpu.memory_space<vmem>>, %arg11: memref<!tpu.dma_semaphore, #tpu.memory_space<semaphore_mem>>, %arg12: memref<!tpu.dma_semaphore, #tpu.memory_space<semaphore_mem>>, %arg13: memref<!tpu.dma_semaphore, #tpu.memory_space<semaphore_mem>>, %arg14: memref<!tpu.dma_semaphore, #tpu.memory_space<semaphore_mem>>) attributes {dimension_semantics = [#tpu.dimension_semantics<core_parallel>, #tpu.dimension_semantics<subcore_parallel>], iteration_bounds = array<i64: 2, 16>, scalar_prefetch = 0 : i64, scratch_operands = 10 : i64, tpu.core_type = #tpu.core_type<sc_vector_subcore>, window_params = [{transform_indices = #map}, {transform_indices = #map1}, {transform_indices = #map}]} {
    %mul3A = arith.constant 81920 : i32
    %mul3A_0 = arith.muli %arg0, %mul3A : i32
    %mul3A_1 = arith.constant 5120 : i32
    %mul3A_2 = arith.muli %arg1, %mul3A_1 : i32
    %add3A = arith.addi %mul3A_0, %mul3A_2 : i32
    "tpu.region"() ({
      %run_scoped3A = tpu.sem_alloc : memref<!tpu.dma_semaphore, #tpu.memory_space<semaphore_mem>>
      %dma_start3A_34 = tpu.memref_slice %arg3[%add3A] : memref<163840xi32, #tpu.memory_space<hbm>> -> memref<5120xi32, #tpu.memory_space<hbm>>
      %dma_start3A_35 = tpu.memref_slice %arg3[%add3A] : memref<163840xi32, #tpu.memory_space<hbm>> -> memref<5120xi32, #tpu.memory_space<hbm>>
      tpu.enqueue_dma source(%dma_start3A_35 : memref<5120xi32, #tpu.memory_space<hbm>>) target(%arg6 : memref<5120xi32, #tpu.memory_space<vmem>>) target_semaphore(%run_scoped3A : memref<!tpu.dma_semaphore, #tpu.memory_space<semaphore_mem>>)
      %dma_wait3A_36 = tpu.memref_slice %arg3[%add3A] : memref<163840xi32, #tpu.memory_space<hbm>> -> memref<5120xi32, #tpu.memory_space<hbm>>
      %dma_wait3A_37 = tpu.memref_slice %arg3[%add3A] : memref<163840xi32, #tpu.memory_space<hbm>> -> memref<5120xi32, #tpu.memory_space<hbm>>
      tpu.wait_dma2 semaphore(%run_scoped3A : memref<!tpu.dma_semaphore, #tpu.memory_space<semaphore_mem>>) src(%dma_wait3A_37 : memref<5120xi32, #tpu.memory_space<hbm>>) dst(%arg6 : memref<5120xi32, #tpu.memory_space<vmem>>)
      tpu.yield
    }) : () -> ()
    %eq3A = arith.constant 0 : i32
    %eq3A_3 = arith.cmpi eq, %arg1, %eq3A : i32
    %convert_element_type3A = arith.extui %eq3A_3 : i1 to i32
    %cond3A = arith.constant 0 : i32
    %cond3A_4 = arith.cmpi ne, %convert_element_type3A, %cond3A : i32
    scf.if %cond3A_4 {
      "tpu.region"() ({
        %run_scoped3A = tpu.sem_alloc : memref<!tpu.dma_semaphore, #tpu.memory_space<semaphore_mem>>
        %dma_start3A_34 = arith.constant 0 : i32
        %dma_start3A_35 = arith.constant 0 : i32
        %dma_start3A_36 = tpu.memref_slice %arg2[%dma_start3A_34, %dma_start3A_35] : memref<10000x128xf32, #tpu.memory_space<hbm>> -> memref<10000x128xf32, #tpu.memory_space<hbm>>
        tpu.enqueue_dma source(%dma_start3A_36 : memref<10000x128xf32, #tpu.memory_space<hbm>>) target(%arg5 : memref<10000x128xf32, #tpu.memory_space<vmem_shared>>) target_semaphore(%run_scoped3A : memref<!tpu.dma_semaphore, #tpu.memory_space<semaphore_mem>>)
        %dma_wait3A_37 = arith.constant 0 : i32
        %dma_wait3A_38 = arith.constant 0 : i32
        %dma_wait3A_39 = tpu.memref_slice %arg2[%dma_wait3A_37, %dma_wait3A_38] : memref<10000x128xf32, #tpu.memory_space<hbm>> -> memref<10000x128xf32, #tpu.memory_space<hbm>>
        tpu.wait_dma2 semaphore(%run_scoped3A : memref<!tpu.dma_semaphore, #tpu.memory_space<semaphore_mem>>) src(%dma_wait3A_39 : memref<10000x128xf32, #tpu.memory_space<hbm>>) dst(%arg5 : memref<10000x128xf32, #tpu.memory_space<vmem_shared>>)
        tpu.yield
      }) : () -> ()
    } else {
    }
    %barrier3A = arith.constant 0 : index
    tpu.barrier barrier_id(%barrier3A)
    %dma_start3A = arith.constant 0 : i32
    %dma_start3A_5 = tpu.memref_slice %arg6[%dma_start3A] : memref<5120xi32, #tpu.memory_space<vmem>> -> memref<64xi32, #tpu.memory_space<vmem>>
    %dma_start3A_6 = arith.constant 0 : i32
    %dma_start3A_7 = arith.constant 0 : i32
    %dma_start3A_8 = tpu.memref_slice %arg5[%dma_start3A_6, %dma_start3A_7] : memref<10000x128xf32, #tpu.memory_space<vmem_shared>> -> memref<10000x128xf32, #tpu.memory_space<vmem_shared>>
    tpu.enqueue_indirect_dma source(%dma_start3A_8 : memref<10000x128xf32, #tpu.memory_space<vmem_shared>>) target(%arg7 : memref<64x128xf32, #tpu.memory_space<vmem>>) offsets(%dma_start3A_5 : memref<64xi32, #tpu.memory_space<vmem>>) semaphore(%arg11 : memref<!tpu.dma_semaphore, #tpu.memory_space<semaphore_mem>>)
    %dma_start3A_9 = arith.constant 64 : i32
    %dma_start3A_10 = tpu.memref_slice %arg6[%dma_start3A_9] : memref<5120xi32, #tpu.memory_space<vmem>> -> memref<64xi32, #tpu.memory_space<vmem>>
    %dma_start3A_11 = arith.constant 0 : i32
    %dma_start3A_12 = arith.constant 0 : i32
    %dma_start3A_13 = tpu.memref_slice %arg5[%dma_start3A_11, %dma_start3A_12] : memref<10000x128xf32, #tpu.memory_space<vmem_shared>> -> memref<10000x128xf32, #tpu.memory_space<vmem_shared>>
    tpu.enqueue_indirect_dma source(%dma_start3A_13 : memref<10000x128xf32, #tpu.memory_space<vmem_shared>>) target(%arg8 : memref<64x128xf32, #tpu.memory_space<vmem>>) offsets(%dma_start3A_10 : memref<64xi32, #tpu.memory_space<vmem>>) semaphore(%arg11 : memref<!tpu.dma_semaphore, #tpu.memory_space<semaphore_mem>>)
    %scan3A = arith.constant 0 : i32
    %scan3A_14 = arith.constant 0 : i32
    %scan3A_15 = arith.constant 20 : i32
    %scan3A_16 = arith.addi %scan3A_14, %scan3A_15 : i32
    %scan3A_17 = arith.constant 1 : i32
    scf.for %scan3A_34 = %scan3A_14 to %scan3A_16 step %scan3A_17  : i32 {
      %mul3A_35 = arith.constant 2 : i32
      %mul3A_36 = arith.muli %mul3A_35, %scan3A_34 : i32
      %mul3A_37 = arith.constant 2 : i32
      %mul3A_38 = arith.muli %mul3A_37, %scan3A_34 : i32
      %add3A_39 = arith.constant 1 : i32
      %add3A_40 = arith.addi %mul3A_38, %add3A_39 : i32
      %dma_wait3A_41 = arith.constant 0 : i32
      %dma_wait3A_42 = tpu.memref_slice %arg6[%dma_wait3A_41] : memref<5120xi32, #tpu.memory_space<vmem>> -> memref<64xi32, #tpu.memory_space<vmem>>
      %dma_wait3A_43 = arith.constant 0 : i32
      %dma_wait3A_44 = arith.constant 0 : i32
      %dma_wait3A_45 = tpu.memref_slice %arg5[%dma_wait3A_43, %dma_wait3A_44] : memref<10000x128xf32, #tpu.memory_space<vmem_shared>> -> memref<10000x128xf32, #tpu.memory_space<vmem_shared>>
      tpu.wait_indirect_dma semaphore(%arg11 : memref<!tpu.dma_semaphore, #tpu.memory_space<semaphore_mem>>) src(%dma_wait3A_45 : memref<10000x128xf32, #tpu.memory_space<vmem_shared>>) dst(%arg7 : memref<64x128xf32, #tpu.memory_space<vmem>>)
      %dma_wait3A_46 = arith.constant 0 : i32
      %dma_wait3A_47 = tpu.memref_slice %arg6[%dma_wait3A_46] : memref<5120xi32, #tpu.memory_space<vmem>> -> memref<64xi32, #tpu.memory_space<vmem>>
      %dma_wait3A_48 = arith.constant 0 : i32
      %dma_wait3A_49 = arith.constant 0 : i32
      %dma_wait3A_50 = tpu.memref_slice %arg5[%dma_wait3A_48, %dma_wait3A_49] : memref<10000x128xf32, #tpu.memory_space<vmem_shared>> -> memref<10000x128xf32, #tpu.memory_space<vmem_shared>>
      tpu.wait_indirect_dma semaphore(%arg11 : memref<!tpu.dma_semaphore, #tpu.memory_space<semaphore_mem>>) src(%dma_wait3A_50 : memref<10000x128xf32, #tpu.memory_space<vmem_shared>>) dst(%arg8 : memref<64x128xf32, #tpu.memory_space<vmem>>)
      %mul3A_51 = arith.constant 2 : i32
      %mul3A_52 = arith.muli %mul3A_36, %mul3A_51 : i32
      %add3A_53 = arith.constant 0 : i32
      %add3A_54 = arith.addi %mul3A_52, %add3A_53 : i32
      %mul3A_55 = arith.constant 64 : i32
      %mul3A_56 = arith.muli %add3A_54, %mul3A_55 : i32
      %add3A_57 = arith.addi %add3A, %mul3A_56 : i32
      %dma_start3A_58 = arith.constant 0 : i32
      %dma_start3A_59 = tpu.memref_slice %arg4[%add3A_57, %dma_start3A_58] : memref<163840x128xf32, #tpu.memory_space<hbm>> -> memref<64x128xf32, #tpu.memory_space<hbm>>
      %dma_start3A_60 = arith.constant 0 : i32
      %dma_start3A_61 = tpu.memref_slice %arg4[%add3A_57, %dma_start3A_60] : memref<163840x128xf32, #tpu.memory_space<hbm>> -> memref<64x128xf32, #tpu.memory_space<hbm>>
      tpu.enqueue_dma source(%arg7 : memref<64x128xf32, #tpu.memory_space<vmem>>) target(%dma_start3A_61 : memref<64x128xf32, #tpu.memory_space<hbm>>) target_semaphore(%arg13 : memref<!tpu.dma_semaphore, #tpu.memory_space<semaphore_mem>>)
      %mul3A_62 = arith.constant 2 : i32
      %mul3A_63 = arith.muli %mul3A_36, %mul3A_62 : i32
      %add3A_64 = arith.constant 1 : i32
      %add3A_65 = arith.addi %mul3A_63, %add3A_64 : i32
      %mul3A_66 = arith.constant 64 : i32
      %mul3A_67 = arith.muli %add3A_65, %mul3A_66 : i32
      %add3A_68 = arith.addi %add3A, %mul3A_67 : i32
      %dma_start3A_69 = arith.constant 0 : i32
      %dma_start3A_70 = tpu.memref_slice %arg4[%add3A_68, %dma_start3A_69] : memref<163840x128xf32, #tpu.memory_space<hbm>> -> memref<64x128xf32, #tpu.memory_space<hbm>>
      %dma_start3A_71 = arith.constant 0 : i32
      %dma_start3A_72 = tpu.memref_slice %arg4[%add3A_68, %dma_start3A_71] : memref<163840x128xf32, #tpu.memory_space<hbm>> -> memref<64x128xf32, #tpu.memory_space<hbm>>
      tpu.enqueue_dma source(%arg8 : memref<64x128xf32, #tpu.memory_space<vmem>>) target(%dma_start3A_72 : memref<64x128xf32, #tpu.memory_space<hbm>>) target_semaphore(%arg13 : memref<!tpu.dma_semaphore, #tpu.memory_space<semaphore_mem>>)
      %gt3A = arith.constant 0 : i32
      %gt3A_73 = arith.cmpi sgt, %scan3A_34, %gt3A : i32
      %convert_element_type3A_74 = arith.extui %gt3A_73 : i1 to i32
      %cond3A_75 = arith.constant 0 : i32
      %cond3A_76 = arith.cmpi ne, %convert_element_type3A_74, %cond3A_75 : i32
      scf.if %cond3A_76 {
        %dma_wait3A_133 = arith.constant 0 : i32
        %dma_wait3A_134 = tpu.memref_slice %arg4[%add3A, %dma_wait3A_133] : memref<163840x128xf32, #tpu.memory_space<hbm>> -> memref<64x128xf32, #tpu.memory_space<hbm>>
        %dma_wait3A_135 = arith.constant 0 : i32
        %dma_wait3A_136 = tpu.memref_slice %arg4[%add3A, %dma_wait3A_135] : memref<163840x128xf32, #tpu.memory_space<hbm>> -> memref<64x128xf32, #tpu.memory_space<hbm>>
        tpu.wait_dma2 semaphore(%arg14 : memref<!tpu.dma_semaphore, #tpu.memory_space<semaphore_mem>>) src(%arg9 : memref<64x128xf32, #tpu.memory_space<vmem>>) dst(%dma_wait3A_136 : memref<64x128xf32, #tpu.memory_space<hbm>>)
        %dma_wait3A_137 = arith.constant 0 : i32
        %dma_wait3A_138 = tpu.memref_slice %arg4[%add3A, %dma_wait3A_137] : memref<163840x128xf32, #tpu.memory_space<hbm>> -> memref<64x128xf32, #tpu.memory_space<hbm>>
        %dma_wait3A_139 = arith.constant 0 : i32
        %dma_wait3A_140 = tpu.memref_slice %arg4[%add3A, %dma_wait3A_139] : memref<163840x128xf32, #tpu.memory_space<hbm>> -> memref<64x128xf32, #tpu.memory_space<hbm>>
        tpu.wait_dma2 semaphore(%arg14 : memref<!tpu.dma_semaphore, #tpu.memory_space<semaphore_mem>>) src(%arg10 : memref<64x128xf32, #tpu.memory_space<vmem>>) dst(%dma_wait3A_140 : memref<64x128xf32, #tpu.memory_space<hbm>>)
      } else {
      }
      %mul3A_77 = arith.constant 2 : i32
      %mul3A_78 = arith.muli %add3A_40, %mul3A_77 : i32
      %add3A_79 = arith.constant 0 : i32
      %add3A_80 = arith.addi %mul3A_78, %add3A_79 : i32
      %mul3A_81 = arith.constant 64 : i32
      %mul3A_82 = arith.muli %add3A_80, %mul3A_81 : i32
      %dma_start3A_83 = tpu.memref_slice %arg6[%mul3A_82] : memref<5120xi32, #tpu.memory_space<vmem>> -> memref<64xi32, #tpu.memory_space<vmem>>
      %dma_start3A_84 = arith.constant 0 : i32
      %dma_start3A_85 = arith.constant 0 : i32
      %dma_start3A_86 = tpu.memref_slice %arg5[%dma_start3A_84, %dma_start3A_85] : memref<10000x128xf32, #tpu.memory_space<vmem_shared>> -> memref<10000x128xf32, #tpu.memory_space<vmem_shared>>
      tpu.enqueue_indirect_dma source(%dma_start3A_86 : memref<10000x128xf32, #tpu.memory_space<vmem_shared>>) target(%arg9 : memref<64x128xf32, #tpu.memory_space<vmem>>) offsets(%dma_start3A_83 : memref<64xi32, #tpu.memory_space<vmem>>) semaphore(%arg12 : memref<!tpu.dma_semaphore, #tpu.memory_space<semaphore_mem>>)
      %mul3A_87 = arith.constant 2 : i32
      %mul3A_88 = arith.muli %add3A_40, %mul3A_87 : i32
      %add3A_89 = arith.constant 1 : i32
      %add3A_90 = arith.addi %mul3A_88, %add3A_89 : i32
      %mul3A_91 = arith.constant 64 : i32
      %mul3A_92 = arith.muli %add3A_90, %mul3A_91 : i32
      %dma_start3A_93 = tpu.memref_slice %arg6[%mul3A_92] : memref<5120xi32, #tpu.memory_space<vmem>> -> memref<64xi32, #tpu.memory_space<vmem>>
      %dma_start3A_94 = arith.constant 0 : i32
      %dma_start3A_95 = arith.constant 0 : i32
      %dma_start3A_96 = tpu.memref_slice %arg5[%dma_start3A_94, %dma_start3A_95] : memref<10000x128xf32, #tpu.memory_space<vmem_shared>> -> memref<10000x128xf32, #tpu.memory_space<vmem_shared>>
      tpu.enqueue_indirect_dma source(%dma_start3A_96 : memref<10000x128xf32, #tpu.memory_space<vmem_shared>>) target(%arg10 : memref<64x128xf32, #tpu.memory_space<vmem>>) offsets(%dma_start3A_93 : memref<64xi32, #tpu.memory_space<vmem>>) semaphore(%arg12 : memref<!tpu.dma_semaphore, #tpu.memory_space<semaphore_mem>>)
      %lt3A = arith.constant 19 : i32
      %lt3A_97 = arith.cmpi slt, %scan3A_34, %lt3A : i32
      %convert_element_type3A_98 = arith.extui %lt3A_97 : i1 to i32
      %cond3A_99 = arith.constant 0 : i32
      %cond3A_100 = arith.cmpi ne, %convert_element_type3A_98, %cond3A_99 : i32
      scf.if %cond3A_100 {
        %dma_wait3A_133 = arith.constant 0 : i32
        %dma_wait3A_134 = tpu.memref_slice %arg4[%add3A, %dma_wait3A_133] : memref<163840x128xf32, #tpu.memory_space<hbm>> -> memref<64x128xf32, #tpu.memory_space<hbm>>
        %dma_wait3A_135 = arith.constant 0 : i32
        %dma_wait3A_136 = tpu.memref_slice %arg4[%add3A, %dma_wait3A_135] : memref<163840x128xf32, #tpu.memory_space<hbm>> -> memref<64x128xf32, #tpu.memory_space<hbm>>
        tpu.wait_dma2 semaphore(%arg13 : memref<!tpu.dma_semaphore, #tpu.memory_space<semaphore_mem>>) src(%arg7 : memref<64x128xf32, #tpu.memory_space<vmem>>) dst(%dma_wait3A_136 : memref<64x128xf32, #tpu.memory_space<hbm>>)
        %dma_wait3A_137 = arith.constant 0 : i32
        %dma_wait3A_138 = tpu.memref_slice %arg4[%add3A, %dma_wait3A_137] : memref<163840x128xf32, #tpu.memory_space<hbm>> -> memref<64x128xf32, #tpu.memory_space<hbm>>
        %dma_wait3A_139 = arith.constant 0 : i32
        %dma_wait3A_140 = tpu.memref_slice %arg4[%add3A, %dma_wait3A_139] : memref<163840x128xf32, #tpu.memory_space<hbm>> -> memref<64x128xf32, #tpu.memory_space<hbm>>
        tpu.wait_dma2 semaphore(%arg13 : memref<!tpu.dma_semaphore, #tpu.memory_space<semaphore_mem>>) src(%arg8 : memref<64x128xf32, #tpu.memory_space<vmem>>) dst(%dma_wait3A_140 : memref<64x128xf32, #tpu.memory_space<hbm>>)
        %add3A_141 = arith.constant 2 : i32
        %add3A_142 = arith.addi %mul3A_36, %add3A_141 : i32
        %mul3A_143 = arith.constant 2 : i32
        %mul3A_144 = arith.muli %add3A_142, %mul3A_143 : i32
        %add3A_145 = arith.constant 0 : i32
        %add3A_146 = arith.addi %mul3A_144, %add3A_145 : i32
        %mul3A_147 = arith.constant 64 : i32
        %mul3A_148 = arith.muli %add3A_146, %mul3A_147 : i32
        %dma_start3A_149 = tpu.memref_slice %arg6[%mul3A_148] : memref<5120xi32, #tpu.memory_space<vmem>> -> memref<64xi32, #tpu.memory_space<vmem>>
        %dma_start3A_150 = arith.constant 0 : i32
        %dma_start3A_151 = arith.constant 0 : i32
        %dma_start3A_152 = tpu.memref_slice %arg5[%dma_start3A_150, %dma_start3A_151] : memref<10000x128xf32, #tpu.memory_space<vmem_shared>> -> memref<10000x128xf32, #tpu.memory_space<vmem_shared>>
        tpu.enqueue_indirect_dma source(%dma_start3A_152 : memref<10000x128xf32, #tpu.memory_space<vmem_shared>>) target(%arg7 : memref<64x128xf32, #tpu.memory_space<vmem>>) offsets(%dma_start3A_149 : memref<64xi32, #tpu.memory_space<vmem>>) semaphore(%arg11 : memref<!tpu.dma_semaphore, #tpu.memory_space<semaphore_mem>>)
        %mul3A_153 = arith.constant 2 : i32
        %mul3A_154 = arith.muli %add3A_142, %mul3A_153 : i32
        %add3A_155 = arith.constant 1 : i32
        %add3A_156 = arith.addi %mul3A_154, %add3A_155 : i32
        %mul3A_157 = arith.constant 64 : i32
        %mul3A_158 = arith.muli %add3A_156, %mul3A_157 : i32
        %dma_start3A_159 = tpu.memref_slice %arg6[%mul3A_158] : memref<5120xi32, #tpu.memory_space<vmem>> -> memref<64xi32, #tpu.memory_space<vmem>>
        %dma_start3A_160 = arith.constant 0 : i32
        %dma_start3A_161 = arith.constant 0 : i32
        %dma_start3A_162 = tpu.memref_slice %arg5[%dma_start3A_160, %dma_start3A_161] : memref<10000x128xf32, #tpu.memory_space<vmem_shared>> -> memref<10000x128xf32, #tpu.memory_space<vmem_shared>>
        tpu.enqueue_indirect_dma source(%dma_start3A_162 : memref<10000x128xf32, #tpu.memory_space<vmem_shared>>) target(%arg8 : memref<64x128xf32, #tpu.memory_space<vmem>>) offsets(%dma_start3A_159 : memref<64xi32, #tpu.memory_space<vmem>>) semaphore(%arg11 : memref<!tpu.dma_semaphore, #tpu.memory_space<semaphore_mem>>)
      } else {
      }
      %dma_wait3A_101 = arith.constant 0 : i32
      %dma_wait3A_102 = tpu.memref_slice %arg6[%dma_wait3A_101] : memref<5120xi32, #tpu.memory_space<vmem>> -> memref<64xi32, #tpu.memory_space<vmem>>
      %dma_wait3A_103 = arith.constant 0 : i32
      %dma_wait3A_104 = arith.constant 0 : i32
      %dma_wait3A_105 = tpu.memref_slice %arg5[%dma_wait3A_103, %dma_wait3A_104] : memref<10000x128xf32, #tpu.memory_space<vmem_shared>> -> memref<10000x128xf32, #tpu.memory_space<vmem_shared>>
      tpu.wait_indirect_dma semaphore(%arg12 : memref<!tpu.dma_semaphore, #tpu.memory_space<semaphore_mem>>) src(%dma_wait3A_105 : memref<10000x128xf32, #tpu.memory_space<vmem_shared>>) dst(%arg9 : memref<64x128xf32, #tpu.memory_space<vmem>>)
      %dma_wait3A_106 = arith.constant 0 : i32
      %dma_wait3A_107 = tpu.memref_slice %arg6[%dma_wait3A_106] : memref<5120xi32, #tpu.memory_space<vmem>> -> memref<64xi32, #tpu.memory_space<vmem>>
      %dma_wait3A_108 = arith.constant 0 : i32
      %dma_wait3A_109 = arith.constant 0 : i32
      %dma_wait3A_110 = tpu.memref_slice %arg5[%dma_wait3A_108, %dma_wait3A_109] : memref<10000x128xf32, #tpu.memory_space<vmem_shared>> -> memref<10000x128xf32, #tpu.memory_space<vmem_shared>>
      tpu.wait_indirect_dma semaphore(%arg12 : memref<!tpu.dma_semaphore, #tpu.memory_space<semaphore_mem>>) src(%dma_wait3A_110 : memref<10000x128xf32, #tpu.memory_space<vmem_shared>>) dst(%arg10 : memref<64x128xf32, #tpu.memory_space<vmem>>)
      %mul3A_111 = arith.constant 2 : i32
      %mul3A_112 = arith.muli %add3A_40, %mul3A_111 : i32
      %add3A_113 = arith.constant 0 : i32
      %add3A_114 = arith.addi %mul3A_112, %add3A_113 : i32
      %mul3A_115 = arith.constant 64 : i32
      %mul3A_116 = arith.muli %add3A_114, %mul3A_115 : i32
      %add3A_117 = arith.addi %add3A, %mul3A_116 : i32
      %dma_start3A_118 = arith.constant 0 : i32
      %dma_start3A_119 = tpu.memref_slice %arg4[%add3A_117, %dma_start3A_118] : memref<163840x128xf32, #tpu.memory_space<hbm>> -> memref<64x128xf32, #tpu.memory_space<hbm>>
      %dma_start3A_120 = arith.constant 0 : i32
      %dma_start3A_121 = tpu.memref_slice %arg4[%add3A_117, %dma_start3A_120] : memref<163840x128xf32, #tpu.memory_space<hbm>> -> memref<64x128xf32, #tpu.memory_space<hbm>>
      tpu.enqueue_dma source(%arg9 : memref<64x128xf32, #tpu.memory_space<vmem>>) target(%dma_start3A_121 : memref<64x128xf32, #tpu.memory_space<hbm>>) target_semaphore(%arg14 : memref<!tpu.dma_semaphore, #tpu.memory_space<semaphore_mem>>)
      %mul3A_122 = arith.constant 2 : i32
      %mul3A_123 = arith.muli %add3A_40, %mul3A_122 : i32
      %add3A_124 = arith.constant 1 : i32
      %add3A_125 = arith.addi %mul3A_123, %add3A_124 : i32
      %mul3A_126 = arith.constant 64 : i32
      %mul3A_127 = arith.muli %add3A_125, %mul3A_126 : i32
      %add3A_128 = arith.addi %add3A, %mul3A_127 : i32
      %dma_start3A_129 = arith.constant 0 : i32
      %dma_start3A_130 = tpu.memref_slice %arg4[%add3A_128, %dma_start3A_129] : memref<163840x128xf32, #tpu.memory_space<hbm>> -> memref<64x128xf32, #tpu.memory_space<hbm>>
      %dma_start3A_131 = arith.constant 0 : i32
      %dma_start3A_132 = tpu.memref_slice %arg4[%add3A_128, %dma_start3A_131] : memref<163840x128xf32, #tpu.memory_space<hbm>> -> memref<64x128xf32, #tpu.memory_space<hbm>>
      tpu.enqueue_dma source(%arg10 : memref<64x128xf32, #tpu.memory_space<vmem>>) target(%dma_start3A_132 : memref<64x128xf32, #tpu.memory_space<hbm>>) target_semaphore(%arg14 : memref<!tpu.dma_semaphore, #tpu.memory_space<semaphore_mem>>)
    }
    %scan3A_18 = arith.constant 20 : i32
    %dma_wait3A = arith.constant 0 : i32
    %dma_wait3A_19 = tpu.memref_slice %arg4[%add3A, %dma_wait3A] : memref<163840x128xf32, #tpu.memory_space<hbm>> -> memref<64x128xf32, #tpu.memory_space<hbm>>
    %dma_wait3A_20 = arith.constant 0 : i32
    %dma_wait3A_21 = tpu.memref_slice %arg4[%add3A, %dma_wait3A_20] : memref<163840x128xf32, #tpu.memory_space<hbm>> -> memref<64x128xf32, #tpu.memory_space<hbm>>
    tpu.wait_dma2 semaphore(%arg13 : memref<!tpu.dma_semaphore, #tpu.memory_space<semaphore_mem>>) src(%arg7 : memref<64x128xf32, #tpu.memory_space<vmem>>) dst(%dma_wait3A_21 : memref<64x128xf32, #tpu.memory_space<hbm>>)
    %dma_wait3A_22 = arith.constant 0 : i32
    %dma_wait3A_23 = tpu.memref_slice %arg4[%add3A, %dma_wait3A_22] : memref<163840x128xf32, #tpu.memory_space<hbm>> -> memref<64x128xf32, #tpu.memory_space<hbm>>
    %dma_wait3A_24 = arith.constant 0 : i32
    %dma_wait3A_25 = tpu.memref_slice %arg4[%add3A, %dma_wait3A_24] : memref<163840x128xf32, #tpu.memory_space<hbm>> -> memref<64x128xf32, #tpu.memory_space<hbm>>
    tpu.wait_dma2 semaphore(%arg13 : memref<!tpu.dma_semaphore, #tpu.memory_space<semaphore_mem>>) src(%arg8 : memref<64x128xf32, #tpu.memory_space<vmem>>) dst(%dma_wait3A_25 : memref<64x128xf32, #tpu.memory_space<hbm>>)
    %dma_wait3A_26 = arith.constant 0 : i32
    %dma_wait3A_27 = tpu.memref_slice %arg4[%add3A, %dma_wait3A_26] : memref<163840x128xf32, #tpu.memory_space<hbm>> -> memref<64x128xf32, #tpu.memory_space<hbm>>
    %dma_wait3A_28 = arith.constant 0 : i32
    %dma_wait3A_29 = tpu.memref_slice %arg4[%add3A, %dma_wait3A_28] : memref<163840x128xf32, #tpu.memory_space<hbm>> -> memref<64x128xf32, #tpu.memory_space<hbm>>
    tpu.wait_dma2 semaphore(%arg14 : memref<!tpu.dma_semaphore, #tpu.memory_space<semaphore_mem>>) src(%arg9 : memref<64x128xf32, #tpu.memory_space<vmem>>) dst(%dma_wait3A_29 : memref<64x128xf32, #tpu.memory_space<hbm>>)
    %dma_wait3A_30 = arith.constant 0 : i32
    %dma_wait3A_31 = tpu.memref_slice %arg4[%add3A, %dma_wait3A_30] : memref<163840x128xf32, #tpu.memory_space<hbm>> -> memref<64x128xf32, #tpu.memory_space<hbm>>
    %dma_wait3A_32 = arith.constant 0 : i32
    %dma_wait3A_33 = tpu.memref_slice %arg4[%add3A, %dma_wait3A_32] : memref<163840x128xf32, #tpu.memory_space<hbm>> -> memref<64x128xf32, #tpu.memory_space<hbm>>
    tpu.wait_dma2 semaphore(%arg14 : memref<!tpu.dma_semaphore, #tpu.memory_space<semaphore_mem>>) src(%arg10 : memref<64x128xf32, #tpu.memory_space<vmem>>) dst(%dma_wait3A_33 : memref<64x128xf32, #tpu.memory_space<hbm>>)
    return
  }
}

#map = affine_map<(d0, d1) -> (0, 0)>
#map1 = affine_map<(d0, d1) -> (0)>
module attributes {stable_mosaic.version = 14 : i64} {
  func.func @body(%arg0: i32, %arg1: i32, %arg2: memref<10000x128xf32, #tpu.memory_space<hbm>>, %arg3: memref<163840xi32, #tpu.memory_space<hbm>>, %arg4: memref<163840x128xf32, #tpu.memory_space<hbm>>, %arg5: memref<10000x128xf32, #tpu.memory_space<vmem_shared>>, %arg6: memref<5120xi32, #tpu.memory_space<vmem>>, %arg7: memref<64x128xf32, #tpu.memory_space<vmem>>, %arg8: memref<64x128xf32, #tpu.memory_space<vmem>>, %arg9: memref<64x128xf32, #tpu.memory_space<vmem>>, %arg10: memref<64x128xf32, #tpu.memory_space<vmem>>, %arg11: memref<!tpu.dma_semaphore, #tpu.memory_space<semaphore_mem>>, %arg12: memref<!tpu.dma_semaphore, #tpu.memory_space<semaphore_mem>>, %arg13: memref<!tpu.dma_semaphore, #tpu.memory_space<semaphore_mem>>, %arg14: memref<!tpu.dma_semaphore, #tpu.memory_space<semaphore_mem>>) attributes {dimension_semantics = [#tpu.dimension_semantics<core_parallel>, #tpu.dimension_semantics<subcore_parallel>], iteration_bounds = array<i64: 2, 16>, scalar_prefetch = 0 : i64, scratch_operands = 10 : i64, tpu.core_type = #tpu.core_type<sc_vector_subcore>, window_params = [{transform_indices = #map}, {transform_indices = #map1}, {transform_indices = #map}]} {
    %mul3A = arith.constant 81920 : i32
    %mul3A_0 = arith.muli %arg0, %mul3A : i32
    %mul3A_1 = arith.constant 5120 : i32
    %mul3A_2 = arith.muli %arg1, %mul3A_1 : i32
    %add3A = arith.addi %mul3A_0, %mul3A_2 : i32
    "tpu.region"() ({
      %run_scoped3A = tpu.sem_alloc : memref<!tpu.dma_semaphore, #tpu.memory_space<semaphore_mem>>
      %dma_start3A_34 = tpu.memref_slice %arg3[%add3A] : memref<163840xi32, #tpu.memory_space<hbm>> -> memref<5120xi32, #tpu.memory_space<hbm>>
      %dma_start3A_35 = tpu.memref_slice %arg3[%add3A] : memref<163840xi32, #tpu.memory_space<hbm>> -> memref<5120xi32, #tpu.memory_space<hbm>>
      tpu.enqueue_dma source(%dma_start3A_35 : memref<5120xi32, #tpu.memory_space<hbm>>) target(%arg6 : memref<5120xi32, #tpu.memory_space<vmem>>) target_semaphore(%run_scoped3A : memref<!tpu.dma_semaphore, #tpu.memory_space<semaphore_mem>>)
      %dma_wait3A_36 = tpu.memref_slice %arg3[%add3A] : memref<163840xi32, #tpu.memory_space<hbm>> -> memref<5120xi32, #tpu.memory_space<hbm>>
      %dma_wait3A_37 = tpu.memref_slice %arg3[%add3A] : memref<163840xi32, #tpu.memory_space<hbm>> -> memref<5120xi32, #tpu.memory_space<hbm>>
      tpu.wait_dma2 semaphore(%run_scoped3A : memref<!tpu.dma_semaphore, #tpu.memory_space<semaphore_mem>>) src(%dma_wait3A_37 : memref<5120xi32, #tpu.memory_space<hbm>>) dst(%arg6 : memref<5120xi32, #tpu.memory_space<vmem>>)
      tpu.yield
    }) : () -> ()
    %eq3A = arith.constant 0 : i32
    %eq3A_3 = arith.cmpi eq, %arg1, %eq3A : i32
    %convert_element_type3A = arith.extui %eq3A_3 : i1 to i32
    %cond3A = arith.constant 0 : i32
    %cond3A_4 = arith.cmpi ne, %convert_element_type3A, %cond3A : i32
    scf.if %cond3A_4 {
      "tpu.region"() ({
        %run_scoped3A = tpu.sem_alloc : memref<!tpu.dma_semaphore, #tpu.memory_space<semaphore_mem>>
        %dma_start3A_34 = arith.constant 0 : i32
        %dma_start3A_35 = arith.constant 0 : i32
        %dma_start3A_36 = tpu.memref_slice %arg2[%dma_start3A_34, %dma_start3A_35] : memref<10000x128xf32, #tpu.memory_space<hbm>> -> memref<10000x128xf32, #tpu.memory_space<hbm>>
        tpu.enqueue_dma source(%dma_start3A_36 : memref<10000x128xf32, #tpu.memory_space<hbm>>) target(%arg5 : memref<10000x128xf32, #tpu.memory_space<vmem_shared>>) target_semaphore(%run_scoped3A : memref<!tpu.dma_semaphore, #tpu.memory_space<semaphore_mem>>)
        %dma_wait3A_37 = arith.constant 0 : i32
        %dma_wait3A_38 = arith.constant 0 : i32
        %dma_wait3A_39 = tpu.memref_slice %arg2[%dma_wait3A_37, %dma_wait3A_38] : memref<10000x128xf32, #tpu.memory_space<hbm>> -> memref<10000x128xf32, #tpu.memory_space<hbm>>
        tpu.wait_dma2 semaphore(%run_scoped3A : memref<!tpu.dma_semaphore, #tpu.memory_space<semaphore_mem>>) src(%dma_wait3A_39 : memref<10000x128xf32, #tpu.memory_space<hbm>>) dst(%arg5 : memref<10000x128xf32, #tpu.memory_space<vmem_shared>>)
        tpu.yield
      }) : () -> ()
    } else {
    }
    %barrier3A = arith.constant 0 : index
    tpu.barrier barrier_id(%barrier3A)
    %dma_start3A = arith.constant 0 : i32
    %dma_start3A_5 = tpu.memref_slice %arg6[%dma_start3A] : memref<5120xi32, #tpu.memory_space<vmem>> -> memref<64xi32, #tpu.memory_space<vmem>>
    %dma_start3A_6 = arith.constant 0 : i32
    %dma_start3A_7 = arith.constant 0 : i32
    %dma_start3A_8 = tpu.memref_slice %arg5[%dma_start3A_6, %dma_start3A_7] : memref<10000x128xf32, #tpu.memory_space<vmem_shared>> -> memref<10000x128xf32, #tpu.memory_space<vmem_shared>>
    tpu.enqueue_indirect_dma source(%dma_start3A_8 : memref<10000x128xf32, #tpu.memory_space<vmem_shared>>) target(%arg7 : memref<64x128xf32, #tpu.memory_space<vmem>>) offsets(%dma_start3A_5 : memref<64xi32, #tpu.memory_space<vmem>>) semaphore(%arg11 : memref<!tpu.dma_semaphore, #tpu.memory_space<semaphore_mem>>)
    %dma_start3A_9 = arith.constant 64 : i32
    %dma_start3A_10 = tpu.memref_slice %arg6[%dma_start3A_9] : memref<5120xi32, #tpu.memory_space<vmem>> -> memref<64xi32, #tpu.memory_space<vmem>>
    %dma_start3A_11 = arith.constant 0 : i32
    %dma_start3A_12 = arith.constant 0 : i32
    %dma_start3A_13 = tpu.memref_slice %arg5[%dma_start3A_11, %dma_start3A_12] : memref<10000x128xf32, #tpu.memory_space<vmem_shared>> -> memref<10000x128xf32, #tpu.memory_space<vmem_shared>>
    tpu.enqueue_indirect_dma source(%dma_start3A_13 : memref<10000x128xf32, #tpu.memory_space<vmem_shared>>) target(%arg8 : memref<64x128xf32, #tpu.memory_space<vmem>>) offsets(%dma_start3A_10 : memref<64xi32, #tpu.memory_space<vmem>>) semaphore(%arg11 : memref<!tpu.dma_semaphore, #tpu.memory_space<semaphore_mem>>)
    %scan3A = arith.constant 0 : i32
    %scan3A_14 = arith.constant 0 : i32
    %scan3A_15 = arith.constant 20 : i32
    %scan3A_16 = arith.addi %scan3A_14, %scan3A_15 : i32
    %scan3A_17 = arith.constant 1 : i32
    scf.for %scan3A_34 = %scan3A_14 to %scan3A_16 step %scan3A_17  : i32 {
      %mul3A_35 = arith.constant 2 : i32
      %mul3A_36 = arith.muli %mul3A_35, %scan3A_34 : i32
      %mul3A_37 = arith.constant 2 : i32
      %mul3A_38 = arith.muli %mul3A_37, %scan3A_34 : i32
      %add3A_39 = arith.constant 1 : i32
      %add3A_40 = arith.addi %mul3A_38, %add3A_39 : i32
      %dma_wait3A_41 = arith.constant 0 : i32
      %dma_wait3A_42 = tpu.memref_slice %arg6[%dma_wait3A_41] : memref<5120xi32, #tpu.memory_space<vmem>> -> memref<64xi32, #tpu.memory_space<vmem>>
      %dma_wait3A_43 = arith.constant 0 : i32
      %dma_wait3A_44 = arith.constant 0 : i32
      %dma_wait3A_45 = tpu.memref_slice %arg5[%dma_wait3A_43, %dma_wait3A_44] : memref<10000x128xf32, #tpu.memory_space<vmem_shared>> -> memref<10000x128xf32, #tpu.memory_space<vmem_shared>>
      tpu.wait_indirect_dma semaphore(%arg11 : memref<!tpu.dma_semaphore, #tpu.memory_space<semaphore_mem>>) src(%dma_wait3A_45 : memref<10000x128xf32, #tpu.memory_space<vmem_shared>>) dst(%arg7 : memref<64x128xf32, #tpu.memory_space<vmem>>)
      %dma_wait3A_46 = arith.constant 0 : i32
      %dma_wait3A_47 = tpu.memref_slice %arg6[%dma_wait3A_46] : memref<5120xi32, #tpu.memory_space<vmem>> -> memref<64xi32, #tpu.memory_space<vmem>>
      %dma_wait3A_48 = arith.constant 0 : i32
      %dma_wait3A_49 = arith.constant 0 : i32
      %dma_wait3A_50 = tpu.memref_slice %arg5[%dma_wait3A_48, %dma_wait3A_49] : memref<10000x128xf32, #tpu.memory_space<vmem_shared>> -> memref<10000x128xf32, #tpu.memory_space<vmem_shared>>
      tpu.wait_indirect_dma semaphore(%arg11 : memref<!tpu.dma_semaphore, #tpu.memory_space<semaphore_mem>>) src(%dma_wait3A_50 : memref<10000x128xf32, #tpu.memory_space<vmem_shared>>) dst(%arg8 : memref<64x128xf32, #tpu.memory_space<vmem>>)
      %mul3A_51 = arith.constant 2 : i32
      %mul3A_52 = arith.muli %mul3A_36, %mul3A_51 : i32
      %add3A_53 = arith.constant 0 : i32
      %add3A_54 = arith.addi %mul3A_52, %add3A_53 : i32
      %mul3A_55 = arith.constant 64 : i32
      %mul3A_56 = arith.muli %add3A_54, %mul3A_55 : i32
      %add3A_57 = arith.addi %add3A, %mul3A_56 : i32
      %dma_start3A_58 = arith.constant 0 : i32
      %dma_start3A_59 = tpu.memref_slice %arg4[%add3A_57, %dma_start3A_58] : memref<163840x128xf32, #tpu.memory_space<hbm>> -> memref<64x128xf32, #tpu.memory_space<hbm>>
      %dma_start3A_60 = arith.constant 0 : i32
      %dma_start3A_61 = tpu.memref_slice %arg4[%add3A_57, %dma_start3A_60] : memref<163840x128xf32, #tpu.memory_space<hbm>> -> memref<64x128xf32, #tpu.memory_space<hbm>>
      tpu.enqueue_dma source(%arg7 : memref<64x128xf32, #tpu.memory_space<vmem>>) target(%dma_start3A_61 : memref<64x128xf32, #tpu.memory_space<hbm>>) target_semaphore(%arg13 : memref<!tpu.dma_semaphore, #tpu.memory_space<semaphore_mem>>)
      %mul3A_62 = arith.constant 2 : i32
      %mul3A_63 = arith.muli %mul3A_36, %mul3A_62 : i32
      %add3A_64 = arith.constant 1 : i32
      %add3A_65 = arith.addi %mul3A_63, %add3A_64 : i32
      %mul3A_66 = arith.constant 64 : i32
      %mul3A_67 = arith.muli %add3A_65, %mul3A_66 : i32
      %add3A_68 = arith.addi %add3A, %mul3A_67 : i32
      %dma_start3A_69 = arith.constant 0 : i32
      %dma_start3A_70 = tpu.memref_slice %arg4[%add3A_68, %dma_start3A_69] : memref<163840x128xf32, #tpu.memory_space<hbm>> -> memref<64x128xf32, #tpu.memory_space<hbm>>
      %dma_start3A_71 = arith.constant 0 : i32
      %dma_start3A_72 = tpu.memref_slice %arg4[%add3A_68, %dma_start3A_71] : memref<163840x128xf32, #tpu.memory_space<hbm>> -> memref<64x128xf32, #tpu.memory_space<hbm>>
      tpu.enqueue_dma source(%arg8 : memref<64x128xf32, #tpu.memory_space<vmem>>) target(%dma_start3A_72 : memref<64x128xf32, #tpu.memory_space<hbm>>) target_semaphore(%arg13 : memref<!tpu.dma_semaphore, #tpu.memory_space<semaphore_mem>>)
      %gt3A = arith.constant 0 : i32
      %gt3A_73 = arith.cmpi sgt, %scan3A_34, %gt3A : i32
      %convert_element_type3A_74 = arith.extui %gt3A_73 : i1 to i32
      %cond3A_75 = arith.constant 0 : i32
      %cond3A_76 = arith.cmpi ne, %convert_element_type3A_74, %cond3A_75 : i32
      scf.if %cond3A_76 {
        %dma_wait3A_133 = arith.constant 0 : i32
        %dma_wait3A_134 = tpu.memref_slice %arg4[%add3A, %dma_wait3A_133] : memref<163840x128xf32, #tpu.memory_space<hbm>> -> memref<64x128xf32, #tpu.memory_space<hbm>>
        %dma_wait3A_135 = arith.constant 0 : i32
        %dma_wait3A_136 = tpu.memref_slice %arg4[%add3A, %dma_wait3A_135] : memref<163840x128xf32, #tpu.memory_space<hbm>> -> memref<64x128xf32, #tpu.memory_space<hbm>>
        tpu.wait_dma2 semaphore(%arg14 : memref<!tpu.dma_semaphore, #tpu.memory_space<semaphore_mem>>) src(%arg9 : memref<64x128xf32, #tpu.memory_space<vmem>>) dst(%dma_wait3A_136 : memref<64x128xf32, #tpu.memory_space<hbm>>)
        %dma_wait3A_137 = arith.constant 0 : i32
        %dma_wait3A_138 = tpu.memref_slice %arg4[%add3A, %dma_wait3A_137] : memref<163840x128xf32, #tpu.memory_space<hbm>> -> memref<64x128xf32, #tpu.memory_space<hbm>>
        %dma_wait3A_139 = arith.constant 0 : i32
        %dma_wait3A_140 = tpu.memref_slice %arg4[%add3A, %dma_wait3A_139] : memref<163840x128xf32, #tpu.memory_space<hbm>> -> memref<64x128xf32, #tpu.memory_space<hbm>>
        tpu.wait_dma2 semaphore(%arg14 : memref<!tpu.dma_semaphore, #tpu.memory_space<semaphore_mem>>) src(%arg10 : memref<64x128xf32, #tpu.memory_space<vmem>>) dst(%dma_wait3A_140 : memref<64x128xf32, #tpu.memory_space<hbm>>)
      } else {
      }
      %mul3A_77 = arith.constant 2 : i32
      %mul3A_78 = arith.muli %add3A_40, %mul3A_77 : i32
      %add3A_79 = arith.constant 0 : i32
      %add3A_80 = arith.addi %mul3A_78, %add3A_79 : i32
      %mul3A_81 = arith.constant 64 : i32
      %mul3A_82 = arith.muli %add3A_80, %mul3A_81 : i32
      %dma_start3A_83 = tpu.memref_slice %arg6[%mul3A_82] : memref<5120xi32, #tpu.memory_space<vmem>> -> memref<64xi32, #tpu.memory_space<vmem>>
      %dma_start3A_84 = arith.constant 0 : i32
      %dma_start3A_85 = arith.constant 0 : i32
      %dma_start3A_86 = tpu.memref_slice %arg5[%dma_start3A_84, %dma_start3A_85] : memref<10000x128xf32, #tpu.memory_space<vmem_shared>> -> memref<10000x128xf32, #tpu.memory_space<vmem_shared>>
      tpu.enqueue_indirect_dma source(%dma_start3A_86 : memref<10000x128xf32, #tpu.memory_space<vmem_shared>>) target(%arg9 : memref<64x128xf32, #tpu.memory_space<vmem>>) offsets(%dma_start3A_83 : memref<64xi32, #tpu.memory_space<vmem>>) semaphore(%arg12 : memref<!tpu.dma_semaphore, #tpu.memory_space<semaphore_mem>>)
      %mul3A_87 = arith.constant 2 : i32
      %mul3A_88 = arith.muli %add3A_40, %mul3A_87 : i32
      %add3A_89 = arith.constant 1 : i32
      %add3A_90 = arith.addi %mul3A_88, %add3A_89 : i32
      %mul3A_91 = arith.constant 64 : i32
      %mul3A_92 = arith.muli %add3A_90, %mul3A_91 : i32
      %dma_start3A_93 = tpu.memref_slice %arg6[%mul3A_92] : memref<5120xi32, #tpu.memory_space<vmem>> -> memref<64xi32, #tpu.memory_space<vmem>>
      %dma_start3A_94 = arith.constant 0 : i32
      %dma_start3A_95 = arith.constant 0 : i32
      %dma_start3A_96 = tpu.memref_slice %arg5[%dma_start3A_94, %dma_start3A_95] : memref<10000x128xf32, #tpu.memory_space<vmem_shared>> -> memref<10000x128xf32, #tpu.memory_space<vmem_shared>>
      tpu.enqueue_indirect_dma source(%dma_start3A_96 : memref<10000x128xf32, #tpu.memory_space<vmem_shared>>) target(%arg10 : memref<64x128xf32, #tpu.memory_space<vmem>>) offsets(%dma_start3A_93 : memref<64xi32, #tpu.memory_space<vmem>>) semaphore(%arg12 : memref<!tpu.dma_semaphore, #tpu.memory_space<semaphore_mem>>)
      %lt3A = arith.constant 19 : i32
      %lt3A_97 = arith.cmpi slt, %scan3A_34, %lt3A : i32
      %convert_element_type3A_98 = arith.extui %lt3A_97 : i1 to i32
      %cond3A_99 = arith.constant 0 : i32
      %cond3A_100 = arith.cmpi ne, %convert_element_type3A_98, %cond3A_99 : i32
      scf.if %cond3A_100 {
        %dma_wait3A_133 = arith.constant 0 : i32
        %dma_wait3A_134 = tpu.memref_slice %arg4[%add3A, %dma_wait3A_133] : memref<163840x128xf32, #tpu.memory_space<hbm>> -> memref<64x128xf32, #tpu.memory_space<hbm>>
        %dma_wait3A_135 = arith.constant 0 : i32
        %dma_wait3A_136 = tpu.memref_slice %arg4[%add3A, %dma_wait3A_135] : memref<163840x128xf32, #tpu.memory_space<hbm>> -> memref<64x128xf32, #tpu.memory_space<hbm>>
        tpu.wait_dma2 semaphore(%arg13 : memref<!tpu.dma_semaphore, #tpu.memory_space<semaphore_mem>>) src(%arg7 : memref<64x128xf32, #tpu.memory_space<vmem>>) dst(%dma_wait3A_136 : memref<64x128xf32, #tpu.memory_space<hbm>>)
        %dma_wait3A_137 = arith.constant 0 : i32
        %dma_wait3A_138 = tpu.memref_slice %arg4[%add3A, %dma_wait3A_137] : memref<163840x128xf32, #tpu.memory_space<hbm>> -> memref<64x128xf32, #tpu.memory_space<hbm>>
        %dma_wait3A_139 = arith.constant 0 : i32
        %dma_wait3A_140 = tpu.memref_slice %arg4[%add3A, %dma_wait3A_139] : memref<163840x128xf32, #tpu.memory_space<hbm>> -> memref<64x128xf32, #tpu.memory_space<hbm>>
        tpu.wait_dma2 semaphore(%arg13 : memref<!tpu.dma_semaphore, #tpu.memory_space<semaphore_mem>>) src(%arg8 : memref<64x128xf32, #tpu.memory_space<vmem>>) dst(%dma_wait3A_140 : memref<64x128xf32, #tpu.memory_space<hbm>>)
        %add3A_141 = arith.constant 2 : i32
        %add3A_142 = arith.addi %mul3A_36, %add3A_141 : i32
        %mul3A_143 = arith.constant 2 : i32
        %mul3A_144 = arith.muli %add3A_142, %mul3A_143 : i32
        %add3A_145 = arith.constant 0 : i32
        %add3A_146 = arith.addi %mul3A_144, %add3A_145 : i32
        %mul3A_147 = arith.constant 64 : i32
        %mul3A_148 = arith.muli %add3A_146, %mul3A_147 : i32
        %dma_start3A_149 = tpu.memref_slice %arg6[%mul3A_148] : memref<5120xi32, #tpu.memory_space<vmem>> -> memref<64xi32, #tpu.memory_space<vmem>>
        %dma_start3A_150 = arith.constant 0 : i32
        %dma_start3A_151 = arith.constant 0 : i32
        %dma_start3A_152 = tpu.memref_slice %arg5[%dma_start3A_150, %dma_start3A_151] : memref<10000x128xf32, #tpu.memory_space<vmem_shared>> -> memref<10000x128xf32, #tpu.memory_space<vmem_shared>>
        tpu.enqueue_indirect_dma source(%dma_start3A_152 : memref<10000x128xf32, #tpu.memory_space<vmem_shared>>) target(%arg7 : memref<64x128xf32, #tpu.memory_space<vmem>>) offsets(%dma_start3A_149 : memref<64xi32, #tpu.memory_space<vmem>>) semaphore(%arg11 : memref<!tpu.dma_semaphore, #tpu.memory_space<semaphore_mem>>)
        %mul3A_153 = arith.constant 2 : i32
        %mul3A_154 = arith.muli %add3A_142, %mul3A_153 : i32
        %add3A_155 = arith.constant 1 : i32
        %add3A_156 = arith.addi %mul3A_154, %add3A_155 : i32
        %mul3A_157 = arith.constant 64 : i32
        %mul3A_158 = arith.muli %add3A_156, %mul3A_157 : i32
        %dma_start3A_159 = tpu.memref_slice %arg6[%mul3A_158] : memref<5120xi32, #tpu.memory_space<vmem>> -> memref<64xi32, #tpu.memory_space<vmem>>
        %dma_start3A_160 = arith.constant 0 : i32
        %dma_start3A_161 = arith.constant 0 : i32
        %dma_start3A_162 = tpu.memref_slice %arg5[%dma_start3A_160, %dma_start3A_161] : memref<10000x128xf32, #tpu.memory_space<vmem_shared>> -> memref<10000x128xf32, #tpu.memory_space<vmem_shared>>
        tpu.enqueue_indirect_dma source(%dma_start3A_162 : memref<10000x128xf32, #tpu.memory_space<vmem_shared>>) target(%arg8 : memref<64x128xf32, #tpu.memory_space<vmem>>) offsets(%dma_start3A_159 : memref<64xi32, #tpu.memory_space<vmem>>) semaphore(%arg11 : memref<!tpu.dma_semaphore, #tpu.memory_space<semaphore_mem>>)
      } else {
      }
      %dma_wait3A_101 = arith.constant 0 : i32
      %dma_wait3A_102 = tpu.memref_slice %arg6[%dma_wait3A_101] : memref<5120xi32, #tpu.memory_space<vmem>> -> memref<64xi32, #tpu.memory_space<vmem>>
      %dma_wait3A_103 = arith.constant 0 : i32
      %dma_wait3A_104 = arith.constant 0 : i32
      %dma_wait3A_105 = tpu.memref_slice %arg5[%dma_wait3A_103, %dma_wait3A_104] : memref<10000x128xf32, #tpu.memory_space<vmem_shared>> -> memref<10000x128xf32, #tpu.memory_space<vmem_shared>>
      tpu.wait_indirect_dma semaphore(%arg12 : memref<!tpu.dma_semaphore, #tpu.memory_space<semaphore_mem>>) src(%dma_wait3A_105 : memref<10000x128xf32, #tpu.memory_space<vmem_shared>>) dst(%arg9 : memref<64x128xf32, #tpu.memory_space<vmem>>)
      %dma_wait3A_106 = arith.constant 0 : i32
      %dma_wait3A_107 = tpu.memref_slice %arg6[%dma_wait3A_106] : memref<5120xi32, #tpu.memory_space<vmem>> -> memref<64xi32, #tpu.memory_space<vmem>>
      %dma_wait3A_108 = arith.constant 0 : i32
      %dma_wait3A_109 = arith.constant 0 : i32
      %dma_wait3A_110 = tpu.memref_slice %arg5[%dma_wait3A_108, %dma_wait3A_109] : memref<10000x128xf32, #tpu.memory_space<vmem_shared>> -> memref<10000x128xf32, #tpu.memory_space<vmem_shared>>
      tpu.wait_indirect_dma semaphore(%arg12 : memref<!tpu.dma_semaphore, #tpu.memory_space<semaphore_mem>>) src(%dma_wait3A_110 : memref<10000x128xf32, #tpu.memory_space<vmem_shared>>) dst(%arg10 : memref<64x128xf32, #tpu.memory_space<vmem>>)
      %mul3A_111 = arith.constant 2 : i32
      %mul3A_112 = arith.muli %add3A_40, %mul3A_111 : i32
      %add3A_113 = arith.constant 0 : i32
      %add3A_114 = arith.addi %mul3A_112, %add3A_113 : i32
      %mul3A_115 = arith.constant 64 : i32
      %mul3A_116 = arith.muli %add3A_114, %mul3A_115 : i32
      %add3A_117 = arith.addi %add3A, %mul3A_116 : i32
      %dma_start3A_118 = arith.constant 0 : i32
      %dma_start3A_119 = tpu.memref_slice %arg4[%add3A_117, %dma_start3A_118] : memref<163840x128xf32, #tpu.memory_space<hbm>> -> memref<64x128xf32, #tpu.memory_space<hbm>>
      %dma_start3A_120 = arith.constant 0 : i32
      %dma_start3A_121 = tpu.memref_slice %arg4[%add3A_117, %dma_start3A_120] : memref<163840x128xf32, #tpu.memory_space<hbm>> -> memref<64x128xf32, #tpu.memory_space<hbm>>
      tpu.enqueue_dma source(%arg9 : memref<64x128xf32, #tpu.memory_space<vmem>>) target(%dma_start3A_121 : memref<64x128xf32, #tpu.memory_space<hbm>>) target_semaphore(%arg14 : memref<!tpu.dma_semaphore, #tpu.memory_space<semaphore_mem>>)
      %mul3A_122 = arith.constant 2 : i32
      %mul3A_123 = arith.muli %add3A_40, %mul3A_122 : i32
      %add3A_124 = arith.constant 1 : i32
      %add3A_125 = arith.addi %mul3A_123, %add3A_124 : i32
      %mul3A_126 = arith.constant 64 : i32
      %mul3A_127 = arith.muli %add3A_125, %mul3A_126 : i32
      %add3A_128 = arith.addi %add3A, %mul3A_127 : i32
      %dma_start3A_129 = arith.constant 0 : i32
      %dma_start3A_130 = tpu.memref_slice %arg4[%add3A_128, %dma_start3A_129] : memref<163840x128xf32, #tpu.memory_space<hbm>> -> memref<64x128xf32, #tpu.memory_space<hbm>>
      %dma_start3A_131 = arith.constant 0 : i32
      %dma_start3A_132 = tpu.memref_slice %arg4[%add3A_128, %dma_start3A_131] : memref<163840x128xf32, #tpu.memory_space<hbm>> -> memref<64x128xf32, #tpu.memory_space<hbm>>
      tpu.enqueue_dma source(%arg10 : memref<64x128xf32, #tpu.memory_space<vmem>>) target(%dma_start3A_132 : memref<64x128xf32, #tpu.memory_space<hbm>>) target_semaphore(%arg14 : memref<!tpu.dma_semaphore, #tpu.memory_space<semaphore_mem>>)
    }
    %scan3A_18 = arith.constant 20 : i32
    %dma_wait3A = arith.constant 0 : i32
    %dma_wait3A_19 = tpu.memref_slice %arg4[%add3A, %dma_wait3A] : memref<163840x128xf32, #tpu.memory_space<hbm>> -> memref<64x128xf32, #tpu.memory_space<hbm>>
    %dma_wait3A_20 = arith.constant 0 : i32
    %dma_wait3A_21 = tpu.memref_slice %arg4[%add3A, %dma_wait3A_20] : memref<163840x128xf32, #tpu.memory_space<hbm>> -> memref<64x128xf32, #tpu.memory_space<hbm>>
    tpu.wait_dma2 semaphore(%arg13 : memref<!tpu.dma_semaphore, #tpu.memory_space<semaphore_mem>>) src(%arg7 : memref<64x128xf32, #tpu.memory_space<vmem>>) dst(%dma_wait3A_21 : memref<64x128xf32, #tpu.memory_space<hbm>>)
    %dma_wait3A_22 = arith.constant 0 : i32
    %dma_wait3A_23 = tpu.memref_slice %arg4[%add3A, %dma_wait3A_22] : memref<163840x128xf32, #tpu.memory_space<hbm>> -> memref<64x128xf32, #tpu.memory_space<hbm>>
    %dma_wait3A_24 = arith.constant 0 : i32
    %dma_wait3A_25 = tpu.memref_slice %arg4[%add3A, %dma_wait3A_24] : memref<163840x128xf32, #tpu.memory_space<hbm>> -> memref<64x128xf32, #tpu.memory_space<hbm>>
    tpu.wait_dma2 semaphore(%arg13 : memref<!tpu.dma_semaphore, #tpu.memory_space<semaphore_mem>>) src(%arg8 : memref<64x128xf32, #tpu.memory_space<vmem>>) dst(%dma_wait3A_25 : memref<64x128xf32, #tpu.memory_space<hbm>>)
    %dma_wait3A_26 = arith.constant 0 : i32
    %dma_wait3A_27 = tpu.memref_slice %arg4[%add3A, %dma_wait3A_26] : memref<163840x128xf32, #tpu.memory_space<hbm>> -> memref<64x128xf32, #tpu.memory_space<hbm>>
    %dma_wait3A_28 = arith.constant 0 : i32
    %dma_wait3A_29 = tpu.memref_slice %arg4[%add3A, %dma_wait3A_28] : memref<163840x128xf32, #tpu.memory_space<hbm>> -> memref<64x128xf32, #tpu.memory_space<hbm>>
    tpu.wait_dma2 semaphore(%arg14 : memref<!tpu.dma_semaphore, #tpu.memory_space<semaphore_mem>>) src(%arg9 : memref<64x128xf32, #tpu.memory_space<vmem>>) dst(%dma_wait3A_29 : memref<64x128xf32, #tpu.memory_space<hbm>>)
    %dma_wait3A_30 = arith.constant 0 : i32
    %dma_wait3A_31 = tpu.memref_slice %arg4[%add3A, %dma_wait3A_30] : memref<163840x128xf32, #tpu.memory_space<hbm>> -> memref<64x128xf32, #tpu.memory_space<hbm>>
    %dma_wait3A_32 = arith.constant 0 : i32
    %dma_wait3A_33 = tpu.memref_slice %arg4[%add3A, %dma_wait3A_32] : memref<163840x128xf32, #tpu.memory_space<hbm>> -> memref<64x128xf32, #tpu.memory_space<hbm>>
    tpu.wait_dma2 semaphore(%arg14 : memref<!tpu.dma_semaphore, #tpu.memory_space<semaphore_mem>>) src(%arg10 : memref<64x128xf32, #tpu.memory_space<vmem>>) dst(%dma_wait3A_33 : memref<64x128xf32, #tpu.memory_space<hbm>>)
    return
  }
}

#map = affine_map<(d0, d1) -> (0, 0)>
#map1 = affine_map<(d0, d1) -> (0)>
module attributes {stable_mosaic.version = 14 : i64} {
  func.func @body(%arg0: i32, %arg1: i32, %arg2: memref<10000x128xf32, #tpu.memory_space<hbm>>, %arg3: memref<163840xi32, #tpu.memory_space<hbm>>, %arg4: memref<163840x128xf32, #tpu.memory_space<hbm>>, %arg5: memref<10000x128xf32, #tpu.memory_space<vmem_shared>>, %arg6: memref<5120xi32, #tpu.memory_space<vmem>>, %arg7: memref<64x128xf32, #tpu.memory_space<vmem>>, %arg8: memref<64x128xf32, #tpu.memory_space<vmem>>, %arg9: memref<64x128xf32, #tpu.memory_space<vmem>>, %arg10: memref<64x128xf32, #tpu.memory_space<vmem>>, %arg11: memref<!tpu.dma_semaphore, #tpu.memory_space<semaphore_mem>>, %arg12: memref<!tpu.dma_semaphore, #tpu.memory_space<semaphore_mem>>, %arg13: memref<!tpu.dma_semaphore, #tpu.memory_space<semaphore_mem>>, %arg14: memref<!tpu.dma_semaphore, #tpu.memory_space<semaphore_mem>>) attributes {dimension_semantics = [#tpu.dimension_semantics<core_parallel>, #tpu.dimension_semantics<subcore_parallel>], iteration_bounds = array<i64: 2, 16>, scalar_prefetch = 0 : i64, scratch_operands = 10 : i64, tpu.core_type = #tpu.core_type<sc_vector_subcore>, window_params = [{transform_indices = #map}, {transform_indices = #map1}, {transform_indices = #map}]} {
    %mul3A = arith.constant 81920 : i32
    %mul3A_0 = arith.muli %arg0, %mul3A : i32
    %mul3A_1 = arith.constant 5120 : i32
    %mul3A_2 = arith.muli %arg1, %mul3A_1 : i32
    %add3A = arith.addi %mul3A_0, %mul3A_2 : i32
    "tpu.region"() ({
      %run_scoped3A = tpu.sem_alloc : memref<!tpu.dma_semaphore, #tpu.memory_space<semaphore_mem>>
      %dma_start3A_34 = tpu.memref_slice %arg3[%add3A] : memref<163840xi32, #tpu.memory_space<hbm>> -> memref<5120xi32, #tpu.memory_space<hbm>>
      %dma_start3A_35 = tpu.memref_slice %arg3[%add3A] : memref<163840xi32, #tpu.memory_space<hbm>> -> memref<5120xi32, #tpu.memory_space<hbm>>
      tpu.enqueue_dma source(%dma_start3A_35 : memref<5120xi32, #tpu.memory_space<hbm>>) target(%arg6 : memref<5120xi32, #tpu.memory_space<vmem>>) target_semaphore(%run_scoped3A : memref<!tpu.dma_semaphore, #tpu.memory_space<semaphore_mem>>)
      %dma_wait3A_36 = tpu.memref_slice %arg3[%add3A] : memref<163840xi32, #tpu.memory_space<hbm>> -> memref<5120xi32, #tpu.memory_space<hbm>>
      %dma_wait3A_37 = tpu.memref_slice %arg3[%add3A] : memref<163840xi32, #tpu.memory_space<hbm>> -> memref<5120xi32, #tpu.memory_space<hbm>>
      tpu.wait_dma2 semaphore(%run_scoped3A : memref<!tpu.dma_semaphore, #tpu.memory_space<semaphore_mem>>) src(%dma_wait3A_37 : memref<5120xi32, #tpu.memory_space<hbm>>) dst(%arg6 : memref<5120xi32, #tpu.memory_space<vmem>>)
      tpu.yield
    }) : () -> ()
    %eq3A = arith.constant 0 : i32
    %eq3A_3 = arith.cmpi eq, %arg1, %eq3A : i32
    %convert_element_type3A = arith.extui %eq3A_3 : i1 to i32
    %cond3A = arith.constant 0 : i32
    %cond3A_4 = arith.cmpi ne, %convert_element_type3A, %cond3A : i32
    scf.if %cond3A_4 {
      "tpu.region"() ({
        %run_scoped3A = tpu.sem_alloc : memref<!tpu.dma_semaphore, #tpu.memory_space<semaphore_mem>>
        %dma_start3A_34 = arith.constant 0 : i32
        %dma_start3A_35 = arith.constant 0 : i32
        %dma_start3A_36 = tpu.memref_slice %arg2[%dma_start3A_34, %dma_start3A_35] : memref<10000x128xf32, #tpu.memory_space<hbm>> -> memref<10000x128xf32, #tpu.memory_space<hbm>>
        tpu.enqueue_dma source(%dma_start3A_36 : memref<10000x128xf32, #tpu.memory_space<hbm>>) target(%arg5 : memref<10000x128xf32, #tpu.memory_space<vmem_shared>>) target_semaphore(%run_scoped3A : memref<!tpu.dma_semaphore, #tpu.memory_space<semaphore_mem>>)
        %dma_wait3A_37 = arith.constant 0 : i32
        %dma_wait3A_38 = arith.constant 0 : i32
        %dma_wait3A_39 = tpu.memref_slice %arg2[%dma_wait3A_37, %dma_wait3A_38] : memref<10000x128xf32, #tpu.memory_space<hbm>> -> memref<10000x128xf32, #tpu.memory_space<hbm>>
        tpu.wait_dma2 semaphore(%run_scoped3A : memref<!tpu.dma_semaphore, #tpu.memory_space<semaphore_mem>>) src(%dma_wait3A_39 : memref<10000x128xf32, #tpu.memory_space<hbm>>) dst(%arg5 : memref<10000x128xf32, #tpu.memory_space<vmem_shared>>)
        tpu.yield
      }) : () -> ()
    } else {
    }
    %barrier3A = arith.constant 0 : index
    tpu.barrier barrier_id(%barrier3A)
    %dma_start3A = arith.constant 0 : i32
    %dma_start3A_5 = tpu.memref_slice %arg6[%dma_start3A] : memref<5120xi32, #tpu.memory_space<vmem>> -> memref<64xi32, #tpu.memory_space<vmem>>
    %dma_start3A_6 = arith.constant 0 : i32
    %dma_start3A_7 = arith.constant 0 : i32
    %dma_start3A_8 = tpu.memref_slice %arg5[%dma_start3A_6, %dma_start3A_7] : memref<10000x128xf32, #tpu.memory_space<vmem_shared>> -> memref<10000x128xf32, #tpu.memory_space<vmem_shared>>
    tpu.enqueue_indirect_dma source(%dma_start3A_8 : memref<10000x128xf32, #tpu.memory_space<vmem_shared>>) target(%arg7 : memref<64x128xf32, #tpu.memory_space<vmem>>) offsets(%dma_start3A_5 : memref<64xi32, #tpu.memory_space<vmem>>) semaphore(%arg11 : memref<!tpu.dma_semaphore, #tpu.memory_space<semaphore_mem>>)
    %dma_start3A_9 = arith.constant 64 : i32
    %dma_start3A_10 = tpu.memref_slice %arg6[%dma_start3A_9] : memref<5120xi32, #tpu.memory_space<vmem>> -> memref<64xi32, #tpu.memory_space<vmem>>
    %dma_start3A_11 = arith.constant 0 : i32
    %dma_start3A_12 = arith.constant 0 : i32
    %dma_start3A_13 = tpu.memref_slice %arg5[%dma_start3A_11, %dma_start3A_12] : memref<10000x128xf32, #tpu.memory_space<vmem_shared>> -> memref<10000x128xf32, #tpu.memory_space<vmem_shared>>
    tpu.enqueue_indirect_dma source(%dma_start3A_13 : memref<10000x128xf32, #tpu.memory_space<vmem_shared>>) target(%arg8 : memref<64x128xf32, #tpu.memory_space<vmem>>) offsets(%dma_start3A_10 : memref<64xi32, #tpu.memory_space<vmem>>) semaphore(%arg11 : memref<!tpu.dma_semaphore, #tpu.memory_space<semaphore_mem>>)
    %scan3A = arith.constant 0 : i32
    %scan3A_14 = arith.constant 0 : i32
    %scan3A_15 = arith.constant 20 : i32
    %scan3A_16 = arith.addi %scan3A_14, %scan3A_15 : i32
    %scan3A_17 = arith.constant 1 : i32
    scf.for %scan3A_34 = %scan3A_14 to %scan3A_16 step %scan3A_17  : i32 {
      %mul3A_35 = arith.constant 2 : i32
      %mul3A_36 = arith.muli %mul3A_35, %scan3A_34 : i32
      %mul3A_37 = arith.constant 2 : i32
      %mul3A_38 = arith.muli %mul3A_37, %scan3A_34 : i32
      %add3A_39 = arith.constant 1 : i32
      %add3A_40 = arith.addi %mul3A_38, %add3A_39 : i32
      %dma_wait3A_41 = arith.constant 0 : i32
      %dma_wait3A_42 = tpu.memref_slice %arg6[%dma_wait3A_41] : memref<5120xi32, #tpu.memory_space<vmem>> -> memref<64xi32, #tpu.memory_space<vmem>>
      %dma_wait3A_43 = arith.constant 0 : i32
      %dma_wait3A_44 = arith.constant 0 : i32
      %dma_wait3A_45 = tpu.memref_slice %arg5[%dma_wait3A_43, %dma_wait3A_44] : memref<10000x128xf32, #tpu.memory_space<vmem_shared>> -> memref<10000x128xf32, #tpu.memory_space<vmem_shared>>
      tpu.wait_indirect_dma semaphore(%arg11 : memref<!tpu.dma_semaphore, #tpu.memory_space<semaphore_mem>>) src(%dma_wait3A_45 : memref<10000x128xf32, #tpu.memory_space<vmem_shared>>) dst(%arg7 : memref<64x128xf32, #tpu.memory_space<vmem>>)
      %dma_wait3A_46 = arith.constant 0 : i32
      %dma_wait3A_47 = tpu.memref_slice %arg6[%dma_wait3A_46] : memref<5120xi32, #tpu.memory_space<vmem>> -> memref<64xi32, #tpu.memory_space<vmem>>
      %dma_wait3A_48 = arith.constant 0 : i32
      %dma_wait3A_49 = arith.constant 0 : i32
      %dma_wait3A_50 = tpu.memref_slice %arg5[%dma_wait3A_48, %dma_wait3A_49] : memref<10000x128xf32, #tpu.memory_space<vmem_shared>> -> memref<10000x128xf32, #tpu.memory_space<vmem_shared>>
      tpu.wait_indirect_dma semaphore(%arg11 : memref<!tpu.dma_semaphore, #tpu.memory_space<semaphore_mem>>) src(%dma_wait3A_50 : memref<10000x128xf32, #tpu.memory_space<vmem_shared>>) dst(%arg8 : memref<64x128xf32, #tpu.memory_space<vmem>>)
      %mul3A_51 = arith.constant 2 : i32
      %mul3A_52 = arith.muli %mul3A_36, %mul3A_51 : i32
      %add3A_53 = arith.constant 0 : i32
      %add3A_54 = arith.addi %mul3A_52, %add3A_53 : i32
      %mul3A_55 = arith.constant 64 : i32
      %mul3A_56 = arith.muli %add3A_54, %mul3A_55 : i32
      %add3A_57 = arith.addi %add3A, %mul3A_56 : i32
      %dma_start3A_58 = arith.constant 0 : i32
      %dma_start3A_59 = tpu.memref_slice %arg4[%add3A_57, %dma_start3A_58] : memref<163840x128xf32, #tpu.memory_space<hbm>> -> memref<64x128xf32, #tpu.memory_space<hbm>>
      %dma_start3A_60 = arith.constant 0 : i32
      %dma_start3A_61 = tpu.memref_slice %arg4[%add3A_57, %dma_start3A_60] : memref<163840x128xf32, #tpu.memory_space<hbm>> -> memref<64x128xf32, #tpu.memory_space<hbm>>
      tpu.enqueue_dma source(%arg7 : memref<64x128xf32, #tpu.memory_space<vmem>>) target(%dma_start3A_61 : memref<64x128xf32, #tpu.memory_space<hbm>>) target_semaphore(%arg13 : memref<!tpu.dma_semaphore, #tpu.memory_space<semaphore_mem>>)
      %mul3A_62 = arith.constant 2 : i32
      %mul3A_63 = arith.muli %mul3A_36, %mul3A_62 : i32
      %add3A_64 = arith.constant 1 : i32
      %add3A_65 = arith.addi %mul3A_63, %add3A_64 : i32
      %mul3A_66 = arith.constant 64 : i32
      %mul3A_67 = arith.muli %add3A_65, %mul3A_66 : i32
      %add3A_68 = arith.addi %add3A, %mul3A_67 : i32
      %dma_start3A_69 = arith.constant 0 : i32
      %dma_start3A_70 = tpu.memref_slice %arg4[%add3A_68, %dma_start3A_69] : memref<163840x128xf32, #tpu.memory_space<hbm>> -> memref<64x128xf32, #tpu.memory_space<hbm>>
      %dma_start3A_71 = arith.constant 0 : i32
      %dma_start3A_72 = tpu.memref_slice %arg4[%add3A_68, %dma_start3A_71] : memref<163840x128xf32, #tpu.memory_space<hbm>> -> memref<64x128xf32, #tpu.memory_space<hbm>>
      tpu.enqueue_dma source(%arg8 : memref<64x128xf32, #tpu.memory_space<vmem>>) target(%dma_start3A_72 : memref<64x128xf32, #tpu.memory_space<hbm>>) target_semaphore(%arg13 : memref<!tpu.dma_semaphore, #tpu.memory_space<semaphore_mem>>)
      %gt3A = arith.constant 0 : i32
      %gt3A_73 = arith.cmpi sgt, %scan3A_34, %gt3A : i32
      %convert_element_type3A_74 = arith.extui %gt3A_73 : i1 to i32
      %cond3A_75 = arith.constant 0 : i32
      %cond3A_76 = arith.cmpi ne, %convert_element_type3A_74, %cond3A_75 : i32
      scf.if %cond3A_76 {
        %dma_wait3A_133 = arith.constant 0 : i32
        %dma_wait3A_134 = tpu.memref_slice %arg4[%add3A, %dma_wait3A_133] : memref<163840x128xf32, #tpu.memory_space<hbm>> -> memref<64x128xf32, #tpu.memory_space<hbm>>
        %dma_wait3A_135 = arith.constant 0 : i32
        %dma_wait3A_136 = tpu.memref_slice %arg4[%add3A, %dma_wait3A_135] : memref<163840x128xf32, #tpu.memory_space<hbm>> -> memref<64x128xf32, #tpu.memory_space<hbm>>
        tpu.wait_dma2 semaphore(%arg14 : memref<!tpu.dma_semaphore, #tpu.memory_space<semaphore_mem>>) src(%arg9 : memref<64x128xf32, #tpu.memory_space<vmem>>) dst(%dma_wait3A_136 : memref<64x128xf32, #tpu.memory_space<hbm>>)
        %dma_wait3A_137 = arith.constant 0 : i32
        %dma_wait3A_138 = tpu.memref_slice %arg4[%add3A, %dma_wait3A_137] : memref<163840x128xf32, #tpu.memory_space<hbm>> -> memref<64x128xf32, #tpu.memory_space<hbm>>
        %dma_wait3A_139 = arith.constant 0 : i32
        %dma_wait3A_140 = tpu.memref_slice %arg4[%add3A, %dma_wait3A_139] : memref<163840x128xf32, #tpu.memory_space<hbm>> -> memref<64x128xf32, #tpu.memory_space<hbm>>
        tpu.wait_dma2 semaphore(%arg14 : memref<!tpu.dma_semaphore, #tpu.memory_space<semaphore_mem>>) src(%arg10 : memref<64x128xf32, #tpu.memory_space<vmem>>) dst(%dma_wait3A_140 : memref<64x128xf32, #tpu.memory_space<hbm>>)
      } else {
      }
      %mul3A_77 = arith.constant 2 : i32
      %mul3A_78 = arith.muli %add3A_40, %mul3A_77 : i32
      %add3A_79 = arith.constant 0 : i32
      %add3A_80 = arith.addi %mul3A_78, %add3A_79 : i32
      %mul3A_81 = arith.constant 64 : i32
      %mul3A_82 = arith.muli %add3A_80, %mul3A_81 : i32
      %dma_start3A_83 = tpu.memref_slice %arg6[%mul3A_82] : memref<5120xi32, #tpu.memory_space<vmem>> -> memref<64xi32, #tpu.memory_space<vmem>>
      %dma_start3A_84 = arith.constant 0 : i32
      %dma_start3A_85 = arith.constant 0 : i32
      %dma_start3A_86 = tpu.memref_slice %arg5[%dma_start3A_84, %dma_start3A_85] : memref<10000x128xf32, #tpu.memory_space<vmem_shared>> -> memref<10000x128xf32, #tpu.memory_space<vmem_shared>>
      tpu.enqueue_indirect_dma source(%dma_start3A_86 : memref<10000x128xf32, #tpu.memory_space<vmem_shared>>) target(%arg9 : memref<64x128xf32, #tpu.memory_space<vmem>>) offsets(%dma_start3A_83 : memref<64xi32, #tpu.memory_space<vmem>>) semaphore(%arg12 : memref<!tpu.dma_semaphore, #tpu.memory_space<semaphore_mem>>)
      %mul3A_87 = arith.constant 2 : i32
      %mul3A_88 = arith.muli %add3A_40, %mul3A_87 : i32
      %add3A_89 = arith.constant 1 : i32
      %add3A_90 = arith.addi %mul3A_88, %add3A_89 : i32
      %mul3A_91 = arith.constant 64 : i32
      %mul3A_92 = arith.muli %add3A_90, %mul3A_91 : i32
      %dma_start3A_93 = tpu.memref_slice %arg6[%mul3A_92] : memref<5120xi32, #tpu.memory_space<vmem>> -> memref<64xi32, #tpu.memory_space<vmem>>
      %dma_start3A_94 = arith.constant 0 : i32
      %dma_start3A_95 = arith.constant 0 : i32
      %dma_start3A_96 = tpu.memref_slice %arg5[%dma_start3A_94, %dma_start3A_95] : memref<10000x128xf32, #tpu.memory_space<vmem_shared>> -> memref<10000x128xf32, #tpu.memory_space<vmem_shared>>
      tpu.enqueue_indirect_dma source(%dma_start3A_96 : memref<10000x128xf32, #tpu.memory_space<vmem_shared>>) target(%arg10 : memref<64x128xf32, #tpu.memory_space<vmem>>) offsets(%dma_start3A_93 : memref<64xi32, #tpu.memory_space<vmem>>) semaphore(%arg12 : memref<!tpu.dma_semaphore, #tpu.memory_space<semaphore_mem>>)
      %lt3A = arith.constant 19 : i32
      %lt3A_97 = arith.cmpi slt, %scan3A_34, %lt3A : i32
      %convert_element_type3A_98 = arith.extui %lt3A_97 : i1 to i32
      %cond3A_99 = arith.constant 0 : i32
      %cond3A_100 = arith.cmpi ne, %convert_element_type3A_98, %cond3A_99 : i32
      scf.if %cond3A_100 {
        %dma_wait3A_133 = arith.constant 0 : i32
        %dma_wait3A_134 = tpu.memref_slice %arg4[%add3A, %dma_wait3A_133] : memref<163840x128xf32, #tpu.memory_space<hbm>> -> memref<64x128xf32, #tpu.memory_space<hbm>>
        %dma_wait3A_135 = arith.constant 0 : i32
        %dma_wait3A_136 = tpu.memref_slice %arg4[%add3A, %dma_wait3A_135] : memref<163840x128xf32, #tpu.memory_space<hbm>> -> memref<64x128xf32, #tpu.memory_space<hbm>>
        tpu.wait_dma2 semaphore(%arg13 : memref<!tpu.dma_semaphore, #tpu.memory_space<semaphore_mem>>) src(%arg7 : memref<64x128xf32, #tpu.memory_space<vmem>>) dst(%dma_wait3A_136 : memref<64x128xf32, #tpu.memory_space<hbm>>)
        %dma_wait3A_137 = arith.constant 0 : i32
        %dma_wait3A_138 = tpu.memref_slice %arg4[%add3A, %dma_wait3A_137] : memref<163840x128xf32, #tpu.memory_space<hbm>> -> memref<64x128xf32, #tpu.memory_space<hbm>>
        %dma_wait3A_139 = arith.constant 0 : i32
        %dma_wait3A_140 = tpu.memref_slice %arg4[%add3A, %dma_wait3A_139] : memref<163840x128xf32, #tpu.memory_space<hbm>> -> memref<64x128xf32, #tpu.memory_space<hbm>>
        tpu.wait_dma2 semaphore(%arg13 : memref<!tpu.dma_semaphore, #tpu.memory_space<semaphore_mem>>) src(%arg8 : memref<64x128xf32, #tpu.memory_space<vmem>>) dst(%dma_wait3A_140 : memref<64x128xf32, #tpu.memory_space<hbm>>)
        %add3A_141 = arith.constant 2 : i32
        %add3A_142 = arith.addi %mul3A_36, %add3A_141 : i32
        %mul3A_143 = arith.constant 2 : i32
        %mul3A_144 = arith.muli %add3A_142, %mul3A_143 : i32
        %add3A_145 = arith.constant 0 : i32
        %add3A_146 = arith.addi %mul3A_144, %add3A_145 : i32
        %mul3A_147 = arith.constant 64 : i32
        %mul3A_148 = arith.muli %add3A_146, %mul3A_147 : i32
        %dma_start3A_149 = tpu.memref_slice %arg6[%mul3A_148] : memref<5120xi32, #tpu.memory_space<vmem>> -> memref<64xi32, #tpu.memory_space<vmem>>
        %dma_start3A_150 = arith.constant 0 : i32
        %dma_start3A_151 = arith.constant 0 : i32
        %dma_start3A_152 = tpu.memref_slice %arg5[%dma_start3A_150, %dma_start3A_151] : memref<10000x128xf32, #tpu.memory_space<vmem_shared>> -> memref<10000x128xf32, #tpu.memory_space<vmem_shared>>
        tpu.enqueue_indirect_dma source(%dma_start3A_152 : memref<10000x128xf32, #tpu.memory_space<vmem_shared>>) target(%arg7 : memref<64x128xf32, #tpu.memory_space<vmem>>) offsets(%dma_start3A_149 : memref<64xi32, #tpu.memory_space<vmem>>) semaphore(%arg11 : memref<!tpu.dma_semaphore, #tpu.memory_space<semaphore_mem>>)
        %mul3A_153 = arith.constant 2 : i32
        %mul3A_154 = arith.muli %add3A_142, %mul3A_153 : i32
        %add3A_155 = arith.constant 1 : i32
        %add3A_156 = arith.addi %mul3A_154, %add3A_155 : i32
        %mul3A_157 = arith.constant 64 : i32
        %mul3A_158 = arith.muli %add3A_156, %mul3A_157 : i32
        %dma_start3A_159 = tpu.memref_slice %arg6[%mul3A_158] : memref<5120xi32, #tpu.memory_space<vmem>> -> memref<64xi32, #tpu.memory_space<vmem>>
        %dma_start3A_160 = arith.constant 0 : i32
        %dma_start3A_161 = arith.constant 0 : i32
        %dma_start3A_162 = tpu.memref_slice %arg5[%dma_start3A_160, %dma_start3A_161] : memref<10000x128xf32, #tpu.memory_space<vmem_shared>> -> memref<10000x128xf32, #tpu.memory_space<vmem_shared>>
        tpu.enqueue_indirect_dma source(%dma_start3A_162 : memref<10000x128xf32, #tpu.memory_space<vmem_shared>>) target(%arg8 : memref<64x128xf32, #tpu.memory_space<vmem>>) offsets(%dma_start3A_159 : memref<64xi32, #tpu.memory_space<vmem>>) semaphore(%arg11 : memref<!tpu.dma_semaphore, #tpu.memory_space<semaphore_mem>>)
      } else {
      }
      %dma_wait3A_101 = arith.constant 0 : i32
      %dma_wait3A_102 = tpu.memref_slice %arg6[%dma_wait3A_101] : memref<5120xi32, #tpu.memory_space<vmem>> -> memref<64xi32, #tpu.memory_space<vmem>>
      %dma_wait3A_103 = arith.constant 0 : i32
      %dma_wait3A_104 = arith.constant 0 : i32
      %dma_wait3A_105 = tpu.memref_slice %arg5[%dma_wait3A_103, %dma_wait3A_104] : memref<10000x128xf32, #tpu.memory_space<vmem_shared>> -> memref<10000x128xf32, #tpu.memory_space<vmem_shared>>
      tpu.wait_indirect_dma semaphore(%arg12 : memref<!tpu.dma_semaphore, #tpu.memory_space<semaphore_mem>>) src(%dma_wait3A_105 : memref<10000x128xf32, #tpu.memory_space<vmem_shared>>) dst(%arg9 : memref<64x128xf32, #tpu.memory_space<vmem>>)
      %dma_wait3A_106 = arith.constant 0 : i32
      %dma_wait3A_107 = tpu.memref_slice %arg6[%dma_wait3A_106] : memref<5120xi32, #tpu.memory_space<vmem>> -> memref<64xi32, #tpu.memory_space<vmem>>
      %dma_wait3A_108 = arith.constant 0 : i32
      %dma_wait3A_109 = arith.constant 0 : i32
      %dma_wait3A_110 = tpu.memref_slice %arg5[%dma_wait3A_108, %dma_wait3A_109] : memref<10000x128xf32, #tpu.memory_space<vmem_shared>> -> memref<10000x128xf32, #tpu.memory_space<vmem_shared>>
      tpu.wait_indirect_dma semaphore(%arg12 : memref<!tpu.dma_semaphore, #tpu.memory_space<semaphore_mem>>) src(%dma_wait3A_110 : memref<10000x128xf32, #tpu.memory_space<vmem_shared>>) dst(%arg10 : memref<64x128xf32, #tpu.memory_space<vmem>>)
      %mul3A_111 = arith.constant 2 : i32
      %mul3A_112 = arith.muli %add3A_40, %mul3A_111 : i32
      %add3A_113 = arith.constant 0 : i32
      %add3A_114 = arith.addi %mul3A_112, %add3A_113 : i32
      %mul3A_115 = arith.constant 64 : i32
      %mul3A_116 = arith.muli %add3A_114, %mul3A_115 : i32
      %add3A_117 = arith.addi %add3A, %mul3A_116 : i32
      %dma_start3A_118 = arith.constant 0 : i32
      %dma_start3A_119 = tpu.memref_slice %arg4[%add3A_117, %dma_start3A_118] : memref<163840x128xf32, #tpu.memory_space<hbm>> -> memref<64x128xf32, #tpu.memory_space<hbm>>
      %dma_start3A_120 = arith.constant 0 : i32
      %dma_start3A_121 = tpu.memref_slice %arg4[%add3A_117, %dma_start3A_120] : memref<163840x128xf32, #tpu.memory_space<hbm>> -> memref<64x128xf32, #tpu.memory_space<hbm>>
      tpu.enqueue_dma source(%arg9 : memref<64x128xf32, #tpu.memory_space<vmem>>) target(%dma_start3A_121 : memref<64x128xf32, #tpu.memory_space<hbm>>) target_semaphore(%arg14 : memref<!tpu.dma_semaphore, #tpu.memory_space<semaphore_mem>>)
      %mul3A_122 = arith.constant 2 : i32
      %mul3A_123 = arith.muli %add3A_40, %mul3A_122 : i32
      %add3A_124 = arith.constant 1 : i32
      %add3A_125 = arith.addi %mul3A_123, %add3A_124 : i32
      %mul3A_126 = arith.constant 64 : i32
      %mul3A_127 = arith.muli %add3A_125, %mul3A_126 : i32
      %add3A_128 = arith.addi %add3A, %mul3A_127 : i32
      %dma_start3A_129 = arith.constant 0 : i32
      %dma_start3A_130 = tpu.memref_slice %arg4[%add3A_128, %dma_start3A_129] : memref<163840x128xf32, #tpu.memory_space<hbm>> -> memref<64x128xf32, #tpu.memory_space<hbm>>
      %dma_start3A_131 = arith.constant 0 : i32
      %dma_start3A_132 = tpu.memref_slice %arg4[%add3A_128, %dma_start3A_131] : memref<163840x128xf32, #tpu.memory_space<hbm>> -> memref<64x128xf32, #tpu.memory_space<hbm>>
      tpu.enqueue_dma source(%arg10 : memref<64x128xf32, #tpu.memory_space<vmem>>) target(%dma_start3A_132 : memref<64x128xf32, #tpu.memory_space<hbm>>) target_semaphore(%arg14 : memref<!tpu.dma_semaphore, #tpu.memory_space<semaphore_mem>>)
    }
    %scan3A_18 = arith.constant 20 : i32
    %dma_wait3A = arith.constant 0 : i32
    %dma_wait3A_19 = tpu.memref_slice %arg4[%add3A, %dma_wait3A] : memref<163840x128xf32, #tpu.memory_space<hbm>> -> memref<64x128xf32, #tpu.memory_space<hbm>>
    %dma_wait3A_20 = arith.constant 0 : i32
    %dma_wait3A_21 = tpu.memref_slice %arg4[%add3A, %dma_wait3A_20] : memref<163840x128xf32, #tpu.memory_space<hbm>> -> memref<64x128xf32, #tpu.memory_space<hbm>>
    tpu.wait_dma2 semaphore(%arg13 : memref<!tpu.dma_semaphore, #tpu.memory_space<semaphore_mem>>) src(%arg7 : memref<64x128xf32, #tpu.memory_space<vmem>>) dst(%dma_wait3A_21 : memref<64x128xf32, #tpu.memory_space<hbm>>)
    %dma_wait3A_22 = arith.constant 0 : i32
    %dma_wait3A_23 = tpu.memref_slice %arg4[%add3A, %dma_wait3A_22] : memref<163840x128xf32, #tpu.memory_space<hbm>> -> memref<64x128xf32, #tpu.memory_space<hbm>>
    %dma_wait3A_24 = arith.constant 0 : i32
    %dma_wait3A_25 = tpu.memref_slice %arg4[%add3A, %dma_wait3A_24] : memref<163840x128xf32, #tpu.memory_space<hbm>> -> memref<64x128xf32, #tpu.memory_space<hbm>>
    tpu.wait_dma2 semaphore(%arg13 : memref<!tpu.dma_semaphore, #tpu.memory_space<semaphore_mem>>) src(%arg8 : memref<64x128xf32, #tpu.memory_space<vmem>>) dst(%dma_wait3A_25 : memref<64x128xf32, #tpu.memory_space<hbm>>)
    %dma_wait3A_26 = arith.constant 0 : i32
    %dma_wait3A_27 = tpu.memref_slice %arg4[%add3A, %dma_wait3A_26] : memref<163840x128xf32, #tpu.memory_space<hbm>> -> memref<64x128xf32, #tpu.memory_space<hbm>>
    %dma_wait3A_28 = arith.constant 0 : i32
    %dma_wait3A_29 = tpu.memref_slice %arg4[%add3A, %dma_wait3A_28] : memref<163840x128xf32, #tpu.memory_space<hbm>> -> memref<64x128xf32, #tpu.memory_space<hbm>>
    tpu.wait_dma2 semaphore(%arg14 : memref<!tpu.dma_semaphore, #tpu.memory_space<semaphore_mem>>) src(%arg9 : memref<64x128xf32, #tpu.memory_space<vmem>>) dst(%dma_wait3A_29 : memref<64x128xf32, #tpu.memory_space<hbm>>)
    %dma_wait3A_30 = arith.constant 0 : i32
    %dma_wait3A_31 = tpu.memref_slice %arg4[%add3A, %dma_wait3A_30] : memref<163840x128xf32, #tpu.memory_space<hbm>> -> memref<64x128xf32, #tpu.memory_space<hbm>>
    %dma_wait3A_32 = arith.constant 0 : i32
    %dma_wait3A_33 = tpu.memref_slice %arg4[%add3A, %dma_wait3A_32] : memref<163840x128xf32, #tpu.memory_space<hbm>> -> memref<64x128xf32, #tpu.memory_space<hbm>>
    tpu.wait_dma2 semaphore(%arg14 : memref<!tpu.dma_semaphore, #tpu.memory_space<semaphore_mem>>) src(%arg10 : memref<64x128xf32, #tpu.memory_space<vmem>>) dst(%dma_wait3A_33 : memref<64x128xf32, #tpu.memory_space<hbm>>)
    return
  }
}

#map = affine_map<(d0, d1) -> (0, 0)>
#map1 = affine_map<(d0, d1) -> (0)>
module attributes {stable_mosaic.version = 14 : i64} {
  func.func @body(%arg0: i32, %arg1: i32, %arg2: memref<10000x128xf32, #tpu.memory_space<hbm>>, %arg3: memref<163840xi32, #tpu.memory_space<hbm>>, %arg4: memref<163840x128xf32, #tpu.memory_space<hbm>>, %arg5: memref<10000x128xf32, #tpu.memory_space<vmem_shared>>, %arg6: memref<5120xi32, #tpu.memory_space<vmem>>, %arg7: memref<64x128xf32, #tpu.memory_space<vmem>>, %arg8: memref<64x128xf32, #tpu.memory_space<vmem>>, %arg9: memref<64x128xf32, #tpu.memory_space<vmem>>, %arg10: memref<64x128xf32, #tpu.memory_space<vmem>>, %arg11: memref<!tpu.dma_semaphore, #tpu.memory_space<semaphore_mem>>, %arg12: memref<!tpu.dma_semaphore, #tpu.memory_space<semaphore_mem>>, %arg13: memref<!tpu.dma_semaphore, #tpu.memory_space<semaphore_mem>>, %arg14: memref<!tpu.dma_semaphore, #tpu.memory_space<semaphore_mem>>) attributes {dimension_semantics = [#tpu.dimension_semantics<core_parallel>, #tpu.dimension_semantics<subcore_parallel>], iteration_bounds = array<i64: 2, 16>, scalar_prefetch = 0 : i64, scratch_operands = 10 : i64, tpu.core_type = #tpu.core_type<sc_vector_subcore>, window_params = [{transform_indices = #map}, {transform_indices = #map1}, {transform_indices = #map}]} {
    %mul3A = arith.constant 81920 : i32
    %mul3A_0 = arith.muli %arg0, %mul3A : i32
    %mul3A_1 = arith.constant 5120 : i32
    %mul3A_2 = arith.muli %arg1, %mul3A_1 : i32
    %add3A = arith.addi %mul3A_0, %mul3A_2 : i32
    "tpu.region"() ({
      %run_scoped3A = tpu.sem_alloc : memref<!tpu.dma_semaphore, #tpu.memory_space<semaphore_mem>>
      %dma_start3A_34 = tpu.memref_slice %arg3[%add3A] : memref<163840xi32, #tpu.memory_space<hbm>> -> memref<5120xi32, #tpu.memory_space<hbm>>
      %dma_start3A_35 = tpu.memref_slice %arg3[%add3A] : memref<163840xi32, #tpu.memory_space<hbm>> -> memref<5120xi32, #tpu.memory_space<hbm>>
      tpu.enqueue_dma source(%dma_start3A_35 : memref<5120xi32, #tpu.memory_space<hbm>>) target(%arg6 : memref<5120xi32, #tpu.memory_space<vmem>>) target_semaphore(%run_scoped3A : memref<!tpu.dma_semaphore, #tpu.memory_space<semaphore_mem>>)
      %dma_wait3A_36 = tpu.memref_slice %arg3[%add3A] : memref<163840xi32, #tpu.memory_space<hbm>> -> memref<5120xi32, #tpu.memory_space<hbm>>
      %dma_wait3A_37 = tpu.memref_slice %arg3[%add3A] : memref<163840xi32, #tpu.memory_space<hbm>> -> memref<5120xi32, #tpu.memory_space<hbm>>
      tpu.wait_dma2 semaphore(%run_scoped3A : memref<!tpu.dma_semaphore, #tpu.memory_space<semaphore_mem>>) src(%dma_wait3A_37 : memref<5120xi32, #tpu.memory_space<hbm>>) dst(%arg6 : memref<5120xi32, #tpu.memory_space<vmem>>)
      tpu.yield
    }) : () -> ()
    %eq3A = arith.constant 0 : i32
    %eq3A_3 = arith.cmpi eq, %arg1, %eq3A : i32
    %convert_element_type3A = arith.extui %eq3A_3 : i1 to i32
    %cond3A = arith.constant 0 : i32
    %cond3A_4 = arith.cmpi ne, %convert_element_type3A, %cond3A : i32
    scf.if %cond3A_4 {
      "tpu.region"() ({
        %run_scoped3A = tpu.sem_alloc : memref<!tpu.dma_semaphore, #tpu.memory_space<semaphore_mem>>
        %dma_start3A_34 = arith.constant 0 : i32
        %dma_start3A_35 = arith.constant 0 : i32
        %dma_start3A_36 = tpu.memref_slice %arg2[%dma_start3A_34, %dma_start3A_35] : memref<10000x128xf32, #tpu.memory_space<hbm>> -> memref<10000x128xf32, #tpu.memory_space<hbm>>
        tpu.enqueue_dma source(%dma_start3A_36 : memref<10000x128xf32, #tpu.memory_space<hbm>>) target(%arg5 : memref<10000x128xf32, #tpu.memory_space<vmem_shared>>) target_semaphore(%run_scoped3A : memref<!tpu.dma_semaphore, #tpu.memory_space<semaphore_mem>>)
        %dma_wait3A_37 = arith.constant 0 : i32
        %dma_wait3A_38 = arith.constant 0 : i32
        %dma_wait3A_39 = tpu.memref_slice %arg2[%dma_wait3A_37, %dma_wait3A_38] : memref<10000x128xf32, #tpu.memory_space<hbm>> -> memref<10000x128xf32, #tpu.memory_space<hbm>>
        tpu.wait_dma2 semaphore(%run_scoped3A : memref<!tpu.dma_semaphore, #tpu.memory_space<semaphore_mem>>) src(%dma_wait3A_39 : memref<10000x128xf32, #tpu.memory_space<hbm>>) dst(%arg5 : memref<10000x128xf32, #tpu.memory_space<vmem_shared>>)
        tpu.yield
      }) : () -> ()
    } else {
    }
    %barrier3A = arith.constant 0 : index
    tpu.barrier barrier_id(%barrier3A)
    %dma_start3A = arith.constant 0 : i32
    %dma_start3A_5 = tpu.memref_slice %arg6[%dma_start3A] : memref<5120xi32, #tpu.memory_space<vmem>> -> memref<64xi32, #tpu.memory_space<vmem>>
    %dma_start3A_6 = arith.constant 0 : i32
    %dma_start3A_7 = arith.constant 0 : i32
    %dma_start3A_8 = tpu.memref_slice %arg5[%dma_start3A_6, %dma_start3A_7] : memref<10000x128xf32, #tpu.memory_space<vmem_shared>> -> memref<10000x128xf32, #tpu.memory_space<vmem_shared>>
    tpu.enqueue_indirect_dma source(%dma_start3A_8 : memref<10000x128xf32, #tpu.memory_space<vmem_shared>>) target(%arg7 : memref<64x128xf32, #tpu.memory_space<vmem>>) offsets(%dma_start3A_5 : memref<64xi32, #tpu.memory_space<vmem>>) semaphore(%arg11 : memref<!tpu.dma_semaphore, #tpu.memory_space<semaphore_mem>>)
    %dma_start3A_9 = arith.constant 64 : i32
    %dma_start3A_10 = tpu.memref_slice %arg6[%dma_start3A_9] : memref<5120xi32, #tpu.memory_space<vmem>> -> memref<64xi32, #tpu.memory_space<vmem>>
    %dma_start3A_11 = arith.constant 0 : i32
    %dma_start3A_12 = arith.constant 0 : i32
    %dma_start3A_13 = tpu.memref_slice %arg5[%dma_start3A_11, %dma_start3A_12] : memref<10000x128xf32, #tpu.memory_space<vmem_shared>> -> memref<10000x128xf32, #tpu.memory_space<vmem_shared>>
    tpu.enqueue_indirect_dma source(%dma_start3A_13 : memref<10000x128xf32, #tpu.memory_space<vmem_shared>>) target(%arg8 : memref<64x128xf32, #tpu.memory_space<vmem>>) offsets(%dma_start3A_10 : memref<64xi32, #tpu.memory_space<vmem>>) semaphore(%arg11 : memref<!tpu.dma_semaphore, #tpu.memory_space<semaphore_mem>>)
    %scan3A = arith.constant 0 : i32
    %scan3A_14 = arith.constant 0 : i32
    %scan3A_15 = arith.constant 20 : i32
    %scan3A_16 = arith.addi %scan3A_14, %scan3A_15 : i32
    %scan3A_17 = arith.constant 1 : i32
    scf.for %scan3A_34 = %scan3A_14 to %scan3A_16 step %scan3A_17  : i32 {
      %mul3A_35 = arith.constant 2 : i32
      %mul3A_36 = arith.muli %mul3A_35, %scan3A_34 : i32
      %mul3A_37 = arith.constant 2 : i32
      %mul3A_38 = arith.muli %mul3A_37, %scan3A_34 : i32
      %add3A_39 = arith.constant 1 : i32
      %add3A_40 = arith.addi %mul3A_38, %add3A_39 : i32
      %dma_wait3A_41 = arith.constant 0 : i32
      %dma_wait3A_42 = tpu.memref_slice %arg6[%dma_wait3A_41] : memref<5120xi32, #tpu.memory_space<vmem>> -> memref<64xi32, #tpu.memory_space<vmem>>
      %dma_wait3A_43 = arith.constant 0 : i32
      %dma_wait3A_44 = arith.constant 0 : i32
      %dma_wait3A_45 = tpu.memref_slice %arg5[%dma_wait3A_43, %dma_wait3A_44] : memref<10000x128xf32, #tpu.memory_space<vmem_shared>> -> memref<10000x128xf32, #tpu.memory_space<vmem_shared>>
      tpu.wait_indirect_dma semaphore(%arg11 : memref<!tpu.dma_semaphore, #tpu.memory_space<semaphore_mem>>) src(%dma_wait3A_45 : memref<10000x128xf32, #tpu.memory_space<vmem_shared>>) dst(%arg7 : memref<64x128xf32, #tpu.memory_space<vmem>>)
      %dma_wait3A_46 = arith.constant 0 : i32
      %dma_wait3A_47 = tpu.memref_slice %arg6[%dma_wait3A_46] : memref<5120xi32, #tpu.memory_space<vmem>> -> memref<64xi32, #tpu.memory_space<vmem>>
      %dma_wait3A_48 = arith.constant 0 : i32
      %dma_wait3A_49 = arith.constant 0 : i32
      %dma_wait3A_50 = tpu.memref_slice %arg5[%dma_wait3A_48, %dma_wait3A_49] : memref<10000x128xf32, #tpu.memory_space<vmem_shared>> -> memref<10000x128xf32, #tpu.memory_space<vmem_shared>>
      tpu.wait_indirect_dma semaphore(%arg11 : memref<!tpu.dma_semaphore, #tpu.memory_space<semaphore_mem>>) src(%dma_wait3A_50 : memref<10000x128xf32, #tpu.memory_space<vmem_shared>>) dst(%arg8 : memref<64x128xf32, #tpu.memory_space<vmem>>)
      %mul3A_51 = arith.constant 2 : i32
      %mul3A_52 = arith.muli %mul3A_36, %mul3A_51 : i32
      %add3A_53 = arith.constant 0 : i32
      %add3A_54 = arith.addi %mul3A_52, %add3A_53 : i32
      %mul3A_55 = arith.constant 64 : i32
      %mul3A_56 = arith.muli %add3A_54, %mul3A_55 : i32
      %add3A_57 = arith.addi %add3A, %mul3A_56 : i32
      %dma_start3A_58 = arith.constant 0 : i32
      %dma_start3A_59 = tpu.memref_slice %arg4[%add3A_57, %dma_start3A_58] : memref<163840x128xf32, #tpu.memory_space<hbm>> -> memref<64x128xf32, #tpu.memory_space<hbm>>
      %dma_start3A_60 = arith.constant 0 : i32
      %dma_start3A_61 = tpu.memref_slice %arg4[%add3A_57, %dma_start3A_60] : memref<163840x128xf32, #tpu.memory_space<hbm>> -> memref<64x128xf32, #tpu.memory_space<hbm>>
      tpu.enqueue_dma source(%arg7 : memref<64x128xf32, #tpu.memory_space<vmem>>) target(%dma_start3A_61 : memref<64x128xf32, #tpu.memory_space<hbm>>) target_semaphore(%arg13 : memref<!tpu.dma_semaphore, #tpu.memory_space<semaphore_mem>>)
      %mul3A_62 = arith.constant 2 : i32
      %mul3A_63 = arith.muli %mul3A_36, %mul3A_62 : i32
      %add3A_64 = arith.constant 1 : i32
      %add3A_65 = arith.addi %mul3A_63, %add3A_64 : i32
      %mul3A_66 = arith.constant 64 : i32
      %mul3A_67 = arith.muli %add3A_65, %mul3A_66 : i32
      %add3A_68 = arith.addi %add3A, %mul3A_67 : i32
      %dma_start3A_69 = arith.constant 0 : i32
      %dma_start3A_70 = tpu.memref_slice %arg4[%add3A_68, %dma_start3A_69] : memref<163840x128xf32, #tpu.memory_space<hbm>> -> memref<64x128xf32, #tpu.memory_space<hbm>>
      %dma_start3A_71 = arith.constant 0 : i32
      %dma_start3A_72 = tpu.memref_slice %arg4[%add3A_68, %dma_start3A_71] : memref<163840x128xf32, #tpu.memory_space<hbm>> -> memref<64x128xf32, #tpu.memory_space<hbm>>
      tpu.enqueue_dma source(%arg8 : memref<64x128xf32, #tpu.memory_space<vmem>>) target(%dma_start3A_72 : memref<64x128xf32, #tpu.memory_space<hbm>>) target_semaphore(%arg13 : memref<!tpu.dma_semaphore, #tpu.memory_space<semaphore_mem>>)
      %gt3A = arith.constant 0 : i32
      %gt3A_73 = arith.cmpi sgt, %scan3A_34, %gt3A : i32
      %convert_element_type3A_74 = arith.extui %gt3A_73 : i1 to i32
      %cond3A_75 = arith.constant 0 : i32
      %cond3A_76 = arith.cmpi ne, %convert_element_type3A_74, %cond3A_75 : i32
      scf.if %cond3A_76 {
        %dma_wait3A_133 = arith.constant 0 : i32
        %dma_wait3A_134 = tpu.memref_slice %arg4[%add3A, %dma_wait3A_133] : memref<163840x128xf32, #tpu.memory_space<hbm>> -> memref<64x128xf32, #tpu.memory_space<hbm>>
        %dma_wait3A_135 = arith.constant 0 : i32
        %dma_wait3A_136 = tpu.memref_slice %arg4[%add3A, %dma_wait3A_135] : memref<163840x128xf32, #tpu.memory_space<hbm>> -> memref<64x128xf32, #tpu.memory_space<hbm>>
        tpu.wait_dma2 semaphore(%arg14 : memref<!tpu.dma_semaphore, #tpu.memory_space<semaphore_mem>>) src(%arg9 : memref<64x128xf32, #tpu.memory_space<vmem>>) dst(%dma_wait3A_136 : memref<64x128xf32, #tpu.memory_space<hbm>>)
        %dma_wait3A_137 = arith.constant 0 : i32
        %dma_wait3A_138 = tpu.memref_slice %arg4[%add3A, %dma_wait3A_137] : memref<163840x128xf32, #tpu.memory_space<hbm>> -> memref<64x128xf32, #tpu.memory_space<hbm>>
        %dma_wait3A_139 = arith.constant 0 : i32
        %dma_wait3A_140 = tpu.memref_slice %arg4[%add3A, %dma_wait3A_139] : memref<163840x128xf32, #tpu.memory_space<hbm>> -> memref<64x128xf32, #tpu.memory_space<hbm>>
        tpu.wait_dma2 semaphore(%arg14 : memref<!tpu.dma_semaphore, #tpu.memory_space<semaphore_mem>>) src(%arg10 : memref<64x128xf32, #tpu.memory_space<vmem>>) dst(%dma_wait3A_140 : memref<64x128xf32, #tpu.memory_space<hbm>>)
      } else {
      }
      %mul3A_77 = arith.constant 2 : i32
      %mul3A_78 = arith.muli %add3A_40, %mul3A_77 : i32
      %add3A_79 = arith.constant 0 : i32
      %add3A_80 = arith.addi %mul3A_78, %add3A_79 : i32
      %mul3A_81 = arith.constant 64 : i32
      %mul3A_82 = arith.muli %add3A_80, %mul3A_81 : i32
      %dma_start3A_83 = tpu.memref_slice %arg6[%mul3A_82] : memref<5120xi32, #tpu.memory_space<vmem>> -> memref<64xi32, #tpu.memory_space<vmem>>
      %dma_start3A_84 = arith.constant 0 : i32
      %dma_start3A_85 = arith.constant 0 : i32
      %dma_start3A_86 = tpu.memref_slice %arg5[%dma_start3A_84, %dma_start3A_85] : memref<10000x128xf32, #tpu.memory_space<vmem_shared>> -> memref<10000x128xf32, #tpu.memory_space<vmem_shared>>
      tpu.enqueue_indirect_dma source(%dma_start3A_86 : memref<10000x128xf32, #tpu.memory_space<vmem_shared>>) target(%arg9 : memref<64x128xf32, #tpu.memory_space<vmem>>) offsets(%dma_start3A_83 : memref<64xi32, #tpu.memory_space<vmem>>) semaphore(%arg12 : memref<!tpu.dma_semaphore, #tpu.memory_space<semaphore_mem>>)
      %mul3A_87 = arith.constant 2 : i32
      %mul3A_88 = arith.muli %add3A_40, %mul3A_87 : i32
      %add3A_89 = arith.constant 1 : i32
      %add3A_90 = arith.addi %mul3A_88, %add3A_89 : i32
      %mul3A_91 = arith.constant 64 : i32
      %mul3A_92 = arith.muli %add3A_90, %mul3A_91 : i32
      %dma_start3A_93 = tpu.memref_slice %arg6[%mul3A_92] : memref<5120xi32, #tpu.memory_space<vmem>> -> memref<64xi32, #tpu.memory_space<vmem>>
      %dma_start3A_94 = arith.constant 0 : i32
      %dma_start3A_95 = arith.constant 0 : i32
      %dma_start3A_96 = tpu.memref_slice %arg5[%dma_start3A_94, %dma_start3A_95] : memref<10000x128xf32, #tpu.memory_space<vmem_shared>> -> memref<10000x128xf32, #tpu.memory_space<vmem_shared>>
      tpu.enqueue_indirect_dma source(%dma_start3A_96 : memref<10000x128xf32, #tpu.memory_space<vmem_shared>>) target(%arg10 : memref<64x128xf32, #tpu.memory_space<vmem>>) offsets(%dma_start3A_93 : memref<64xi32, #tpu.memory_space<vmem>>) semaphore(%arg12 : memref<!tpu.dma_semaphore, #tpu.memory_space<semaphore_mem>>)
      %lt3A = arith.constant 19 : i32
      %lt3A_97 = arith.cmpi slt, %scan3A_34, %lt3A : i32
      %convert_element_type3A_98 = arith.extui %lt3A_97 : i1 to i32
      %cond3A_99 = arith.constant 0 : i32
      %cond3A_100 = arith.cmpi ne, %convert_element_type3A_98, %cond3A_99 : i32
      scf.if %cond3A_100 {
        %dma_wait3A_133 = arith.constant 0 : i32
        %dma_wait3A_134 = tpu.memref_slice %arg4[%add3A, %dma_wait3A_133] : memref<163840x128xf32, #tpu.memory_space<hbm>> -> memref<64x128xf32, #tpu.memory_space<hbm>>
        %dma_wait3A_135 = arith.constant 0 : i32
        %dma_wait3A_136 = tpu.memref_slice %arg4[%add3A, %dma_wait3A_135] : memref<163840x128xf32, #tpu.memory_space<hbm>> -> memref<64x128xf32, #tpu.memory_space<hbm>>
        tpu.wait_dma2 semaphore(%arg13 : memref<!tpu.dma_semaphore, #tpu.memory_space<semaphore_mem>>) src(%arg7 : memref<64x128xf32, #tpu.memory_space<vmem>>) dst(%dma_wait3A_136 : memref<64x128xf32, #tpu.memory_space<hbm>>)
        %dma_wait3A_137 = arith.constant 0 : i32
        %dma_wait3A_138 = tpu.memref_slice %arg4[%add3A, %dma_wait3A_137] : memref<163840x128xf32, #tpu.memory_space<hbm>> -> memref<64x128xf32, #tpu.memory_space<hbm>>
        %dma_wait3A_139 = arith.constant 0 : i32
        %dma_wait3A_140 = tpu.memref_slice %arg4[%add3A, %dma_wait3A_139] : memref<163840x128xf32, #tpu.memory_space<hbm>> -> memref<64x128xf32, #tpu.memory_space<hbm>>
        tpu.wait_dma2 semaphore(%arg13 : memref<!tpu.dma_semaphore, #tpu.memory_space<semaphore_mem>>) src(%arg8 : memref<64x128xf32, #tpu.memory_space<vmem>>) dst(%dma_wait3A_140 : memref<64x128xf32, #tpu.memory_space<hbm>>)
        %add3A_141 = arith.constant 2 : i32
        %add3A_142 = arith.addi %mul3A_36, %add3A_141 : i32
        %mul3A_143 = arith.constant 2 : i32
        %mul3A_144 = arith.muli %add3A_142, %mul3A_143 : i32
        %add3A_145 = arith.constant 0 : i32
        %add3A_146 = arith.addi %mul3A_144, %add3A_145 : i32
        %mul3A_147 = arith.constant 64 : i32
        %mul3A_148 = arith.muli %add3A_146, %mul3A_147 : i32
        %dma_start3A_149 = tpu.memref_slice %arg6[%mul3A_148] : memref<5120xi32, #tpu.memory_space<vmem>> -> memref<64xi32, #tpu.memory_space<vmem>>
        %dma_start3A_150 = arith.constant 0 : i32
        %dma_start3A_151 = arith.constant 0 : i32
        %dma_start3A_152 = tpu.memref_slice %arg5[%dma_start3A_150, %dma_start3A_151] : memref<10000x128xf32, #tpu.memory_space<vmem_shared>> -> memref<10000x128xf32, #tpu.memory_space<vmem_shared>>
        tpu.enqueue_indirect_dma source(%dma_start3A_152 : memref<10000x128xf32, #tpu.memory_space<vmem_shared>>) target(%arg7 : memref<64x128xf32, #tpu.memory_space<vmem>>) offsets(%dma_start3A_149 : memref<64xi32, #tpu.memory_space<vmem>>) semaphore(%arg11 : memref<!tpu.dma_semaphore, #tpu.memory_space<semaphore_mem>>)
        %mul3A_153 = arith.constant 2 : i32
        %mul3A_154 = arith.muli %add3A_142, %mul3A_153 : i32
        %add3A_155 = arith.constant 1 : i32
        %add3A_156 = arith.addi %mul3A_154, %add3A_155 : i32
        %mul3A_157 = arith.constant 64 : i32
        %mul3A_158 = arith.muli %add3A_156, %mul3A_157 : i32
        %dma_start3A_159 = tpu.memref_slice %arg6[%mul3A_158] : memref<5120xi32, #tpu.memory_space<vmem>> -> memref<64xi32, #tpu.memory_space<vmem>>
        %dma_start3A_160 = arith.constant 0 : i32
        %dma_start3A_161 = arith.constant 0 : i32
        %dma_start3A_162 = tpu.memref_slice %arg5[%dma_start3A_160, %dma_start3A_161] : memref<10000x128xf32, #tpu.memory_space<vmem_shared>> -> memref<10000x128xf32, #tpu.memory_space<vmem_shared>>
        tpu.enqueue_indirect_dma source(%dma_start3A_162 : memref<10000x128xf32, #tpu.memory_space<vmem_shared>>) target(%arg8 : memref<64x128xf32, #tpu.memory_space<vmem>>) offsets(%dma_start3A_159 : memref<64xi32, #tpu.memory_space<vmem>>) semaphore(%arg11 : memref<!tpu.dma_semaphore, #tpu.memory_space<semaphore_mem>>)
      } else {
      }
      %dma_wait3A_101 = arith.constant 0 : i32
      %dma_wait3A_102 = tpu.memref_slice %arg6[%dma_wait3A_101] : memref<5120xi32, #tpu.memory_space<vmem>> -> memref<64xi32, #tpu.memory_space<vmem>>
      %dma_wait3A_103 = arith.constant 0 : i32
      %dma_wait3A_104 = arith.constant 0 : i32
      %dma_wait3A_105 = tpu.memref_slice %arg5[%dma_wait3A_103, %dma_wait3A_104] : memref<10000x128xf32, #tpu.memory_space<vmem_shared>> -> memref<10000x128xf32, #tpu.memory_space<vmem_shared>>
      tpu.wait_indirect_dma semaphore(%arg12 : memref<!tpu.dma_semaphore, #tpu.memory_space<semaphore_mem>>) src(%dma_wait3A_105 : memref<10000x128xf32, #tpu.memory_space<vmem_shared>>) dst(%arg9 : memref<64x128xf32, #tpu.memory_space<vmem>>)
      %dma_wait3A_106 = arith.constant 0 : i32
      %dma_wait3A_107 = tpu.memref_slice %arg6[%dma_wait3A_106] : memref<5120xi32, #tpu.memory_space<vmem>> -> memref<64xi32, #tpu.memory_space<vmem>>
      %dma_wait3A_108 = arith.constant 0 : i32
      %dma_wait3A_109 = arith.constant 0 : i32
      %dma_wait3A_110 = tpu.memref_slice %arg5[%dma_wait3A_108, %dma_wait3A_109] : memref<10000x128xf32, #tpu.memory_space<vmem_shared>> -> memref<10000x128xf32, #tpu.memory_space<vmem_shared>>
      tpu.wait_indirect_dma semaphore(%arg12 : memref<!tpu.dma_semaphore, #tpu.memory_space<semaphore_mem>>) src(%dma_wait3A_110 : memref<10000x128xf32, #tpu.memory_space<vmem_shared>>) dst(%arg10 : memref<64x128xf32, #tpu.memory_space<vmem>>)
      %mul3A_111 = arith.constant 2 : i32
      %mul3A_112 = arith.muli %add3A_40, %mul3A_111 : i32
      %add3A_113 = arith.constant 0 : i32
      %add3A_114 = arith.addi %mul3A_112, %add3A_113 : i32
      %mul3A_115 = arith.constant 64 : i32
      %mul3A_116 = arith.muli %add3A_114, %mul3A_115 : i32
      %add3A_117 = arith.addi %add3A, %mul3A_116 : i32
      %dma_start3A_118 = arith.constant 0 : i32
      %dma_start3A_119 = tpu.memref_slice %arg4[%add3A_117, %dma_start3A_118] : memref<163840x128xf32, #tpu.memory_space<hbm>> -> memref<64x128xf32, #tpu.memory_space<hbm>>
      %dma_start3A_120 = arith.constant 0 : i32
      %dma_start3A_121 = tpu.memref_slice %arg4[%add3A_117, %dma_start3A_120] : memref<163840x128xf32, #tpu.memory_space<hbm>> -> memref<64x128xf32, #tpu.memory_space<hbm>>
      tpu.enqueue_dma source(%arg9 : memref<64x128xf32, #tpu.memory_space<vmem>>) target(%dma_start3A_121 : memref<64x128xf32, #tpu.memory_space<hbm>>) target_semaphore(%arg14 : memref<!tpu.dma_semaphore, #tpu.memory_space<semaphore_mem>>)
      %mul3A_122 = arith.constant 2 : i32
      %mul3A_123 = arith.muli %add3A_40, %mul3A_122 : i32
      %add3A_124 = arith.constant 1 : i32
      %add3A_125 = arith.addi %mul3A_123, %add3A_124 : i32
      %mul3A_126 = arith.constant 64 : i32
      %mul3A_127 = arith.muli %add3A_125, %mul3A_126 : i32
      %add3A_128 = arith.addi %add3A, %mul3A_127 : i32
      %dma_start3A_129 = arith.constant 0 : i32
      %dma_start3A_130 = tpu.memref_slice %arg4[%add3A_128, %dma_start3A_129] : memref<163840x128xf32, #tpu.memory_space<hbm>> -> memref<64x128xf32, #tpu.memory_space<hbm>>
      %dma_start3A_131 = arith.constant 0 : i32
      %dma_start3A_132 = tpu.memref_slice %arg4[%add3A_128, %dma_start3A_131] : memref<163840x128xf32, #tpu.memory_space<hbm>> -> memref<64x128xf32, #tpu.memory_space<hbm>>
      tpu.enqueue_dma source(%arg10 : memref<64x128xf32, #tpu.memory_space<vmem>>) target(%dma_start3A_132 : memref<64x128xf32, #tpu.memory_space<hbm>>) target_semaphore(%arg14 : memref<!tpu.dma_semaphore, #tpu.memory_space<semaphore_mem>>)
    }
    %scan3A_18 = arith.constant 20 : i32
    %dma_wait3A = arith.constant 0 : i32
    %dma_wait3A_19 = tpu.memref_slice %arg4[%add3A, %dma_wait3A] : memref<163840x128xf32, #tpu.memory_space<hbm>> -> memref<64x128xf32, #tpu.memory_space<hbm>>
    %dma_wait3A_20 = arith.constant 0 : i32
    %dma_wait3A_21 = tpu.memref_slice %arg4[%add3A, %dma_wait3A_20] : memref<163840x128xf32, #tpu.memory_space<hbm>> -> memref<64x128xf32, #tpu.memory_space<hbm>>
    tpu.wait_dma2 semaphore(%arg13 : memref<!tpu.dma_semaphore, #tpu.memory_space<semaphore_mem>>) src(%arg7 : memref<64x128xf32, #tpu.memory_space<vmem>>) dst(%dma_wait3A_21 : memref<64x128xf32, #tpu.memory_space<hbm>>)
    %dma_wait3A_22 = arith.constant 0 : i32
    %dma_wait3A_23 = tpu.memref_slice %arg4[%add3A, %dma_wait3A_22] : memref<163840x128xf32, #tpu.memory_space<hbm>> -> memref<64x128xf32, #tpu.memory_space<hbm>>
    %dma_wait3A_24 = arith.constant 0 : i32
    %dma_wait3A_25 = tpu.memref_slice %arg4[%add3A, %dma_wait3A_24] : memref<163840x128xf32, #tpu.memory_space<hbm>> -> memref<64x128xf32, #tpu.memory_space<hbm>>
    tpu.wait_dma2 semaphore(%arg13 : memref<!tpu.dma_semaphore, #tpu.memory_space<semaphore_mem>>) src(%arg8 : memref<64x128xf32, #tpu.memory_space<vmem>>) dst(%dma_wait3A_25 : memref<64x128xf32, #tpu.memory_space<hbm>>)
    %dma_wait3A_26 = arith.constant 0 : i32
    %dma_wait3A_27 = tpu.memref_slice %arg4[%add3A, %dma_wait3A_26] : memref<163840x128xf32, #tpu.memory_space<hbm>> -> memref<64x128xf32, #tpu.memory_space<hbm>>
    %dma_wait3A_28 = arith.constant 0 : i32
    %dma_wait3A_29 = tpu.memref_slice %arg4[%add3A, %dma_wait3A_28] : memref<163840x128xf32, #tpu.memory_space<hbm>> -> memref<64x128xf32, #tpu.memory_space<hbm>>
    tpu.wait_dma2 semaphore(%arg14 : memref<!tpu.dma_semaphore, #tpu.memory_space<semaphore_mem>>) src(%arg9 : memref<64x128xf32, #tpu.memory_space<vmem>>) dst(%dma_wait3A_29 : memref<64x128xf32, #tpu.memory_space<hbm>>)
    %dma_wait3A_30 = arith.constant 0 : i32
    %dma_wait3A_31 = tpu.memref_slice %arg4[%add3A, %dma_wait3A_30] : memref<163840x128xf32, #tpu.memory_space<hbm>> -> memref<64x128xf32, #tpu.memory_space<hbm>>
    %dma_wait3A_32 = arith.constant 0 : i32
    %dma_wait3A_33 = tpu.memref_slice %arg4[%add3A, %dma_wait3A_32] : memref<163840x128xf32, #tpu.memory_space<hbm>> -> memref<64x128xf32, #tpu.memory_space<hbm>>
    tpu.wait_dma2 semaphore(%arg14 : memref<!tpu.dma_semaphore, #tpu.memory_space<semaphore_mem>>) src(%arg10 : memref<64x128xf32, #tpu.memory_space<vmem>>) dst(%dma_wait3A_33 : memref<64x128xf32, #tpu.memory_space<hbm>>)
    return
  }
}

#map = affine_map<(d0, d1) -> (0, 0)>
#map1 = affine_map<(d0, d1) -> (0)>
module attributes {stable_mosaic.version = 14 : i64} {
  func.func @body(%arg0: i32, %arg1: i32, %arg2: memref<10000x128xf32, #tpu.memory_space<hbm>>, %arg3: memref<163840xi32, #tpu.memory_space<hbm>>, %arg4: memref<163840x128xf32, #tpu.memory_space<hbm>>, %arg5: memref<10000x128xf32, #tpu.memory_space<vmem_shared>>, %arg6: memref<5120xi32, #tpu.memory_space<vmem>>, %arg7: memref<64x128xf32, #tpu.memory_space<vmem>>, %arg8: memref<64x128xf32, #tpu.memory_space<vmem>>, %arg9: memref<64x128xf32, #tpu.memory_space<vmem>>, %arg10: memref<64x128xf32, #tpu.memory_space<vmem>>, %arg11: memref<!tpu.dma_semaphore, #tpu.memory_space<semaphore_mem>>, %arg12: memref<!tpu.dma_semaphore, #tpu.memory_space<semaphore_mem>>, %arg13: memref<!tpu.dma_semaphore, #tpu.memory_space<semaphore_mem>>, %arg14: memref<!tpu.dma_semaphore, #tpu.memory_space<semaphore_mem>>) attributes {dimension_semantics = [#tpu.dimension_semantics<core_parallel>, #tpu.dimension_semantics<subcore_parallel>], iteration_bounds = array<i64: 2, 16>, scalar_prefetch = 0 : i64, scratch_operands = 10 : i64, tpu.core_type = #tpu.core_type<sc_vector_subcore>, window_params = [{transform_indices = #map}, {transform_indices = #map1}, {transform_indices = #map}]} {
    %mul3A = arith.constant 81920 : i32
    %mul3A_0 = arith.muli %arg0, %mul3A : i32
    %mul3A_1 = arith.constant 5120 : i32
    %mul3A_2 = arith.muli %arg1, %mul3A_1 : i32
    %add3A = arith.addi %mul3A_0, %mul3A_2 : i32
    "tpu.region"() ({
      %run_scoped3A = tpu.sem_alloc : memref<!tpu.dma_semaphore, #tpu.memory_space<semaphore_mem>>
      %dma_start3A_34 = tpu.memref_slice %arg3[%add3A] : memref<163840xi32, #tpu.memory_space<hbm>> -> memref<5120xi32, #tpu.memory_space<hbm>>
      %dma_start3A_35 = tpu.memref_slice %arg3[%add3A] : memref<163840xi32, #tpu.memory_space<hbm>> -> memref<5120xi32, #tpu.memory_space<hbm>>
      tpu.enqueue_dma source(%dma_start3A_35 : memref<5120xi32, #tpu.memory_space<hbm>>) target(%arg6 : memref<5120xi32, #tpu.memory_space<vmem>>) target_semaphore(%run_scoped3A : memref<!tpu.dma_semaphore, #tpu.memory_space<semaphore_mem>>)
      %dma_wait3A_36 = tpu.memref_slice %arg3[%add3A] : memref<163840xi32, #tpu.memory_space<hbm>> -> memref<5120xi32, #tpu.memory_space<hbm>>
      %dma_wait3A_37 = tpu.memref_slice %arg3[%add3A] : memref<163840xi32, #tpu.memory_space<hbm>> -> memref<5120xi32, #tpu.memory_space<hbm>>
      tpu.wait_dma2 semaphore(%run_scoped3A : memref<!tpu.dma_semaphore, #tpu.memory_space<semaphore_mem>>) src(%dma_wait3A_37 : memref<5120xi32, #tpu.memory_space<hbm>>) dst(%arg6 : memref<5120xi32, #tpu.memory_space<vmem>>)
      tpu.yield
    }) : () -> ()
    %eq3A = arith.constant 0 : i32
    %eq3A_3 = arith.cmpi eq, %arg1, %eq3A : i32
    %convert_element_type3A = arith.extui %eq3A_3 : i1 to i32
    %cond3A = arith.constant 0 : i32
    %cond3A_4 = arith.cmpi ne, %convert_element_type3A, %cond3A : i32
    scf.if %cond3A_4 {
      "tpu.region"() ({
        %run_scoped3A = tpu.sem_alloc : memref<!tpu.dma_semaphore, #tpu.memory_space<semaphore_mem>>
        %dma_start3A_34 = arith.constant 0 : i32
        %dma_start3A_35 = arith.constant 0 : i32
        %dma_start3A_36 = tpu.memref_slice %arg2[%dma_start3A_34, %dma_start3A_35] : memref<10000x128xf32, #tpu.memory_space<hbm>> -> memref<10000x128xf32, #tpu.memory_space<hbm>>
        tpu.enqueue_dma source(%dma_start3A_36 : memref<10000x128xf32, #tpu.memory_space<hbm>>) target(%arg5 : memref<10000x128xf32, #tpu.memory_space<vmem_shared>>) target_semaphore(%run_scoped3A : memref<!tpu.dma_semaphore, #tpu.memory_space<semaphore_mem>>)
        %dma_wait3A_37 = arith.constant 0 : i32
        %dma_wait3A_38 = arith.constant 0 : i32
        %dma_wait3A_39 = tpu.memref_slice %arg2[%dma_wait3A_37, %dma_wait3A_38] : memref<10000x128xf32, #tpu.memory_space<hbm>> -> memref<10000x128xf32, #tpu.memory_space<hbm>>
        tpu.wait_dma2 semaphore(%run_scoped3A : memref<!tpu.dma_semaphore, #tpu.memory_space<semaphore_mem>>) src(%dma_wait3A_39 : memref<10000x128xf32, #tpu.memory_space<hbm>>) dst(%arg5 : memref<10000x128xf32, #tpu.memory_space<vmem_shared>>)
        tpu.yield
      }) : () -> ()
    } else {
    }
    %barrier3A = arith.constant 0 : index
    tpu.barrier barrier_id(%barrier3A)
    %dma_start3A = arith.constant 0 : i32
    %dma_start3A_5 = tpu.memref_slice %arg6[%dma_start3A] : memref<5120xi32, #tpu.memory_space<vmem>> -> memref<64xi32, #tpu.memory_space<vmem>>
    %dma_start3A_6 = arith.constant 0 : i32
    %dma_start3A_7 = arith.constant 0 : i32
    %dma_start3A_8 = tpu.memref_slice %arg5[%dma_start3A_6, %dma_start3A_7] : memref<10000x128xf32, #tpu.memory_space<vmem_shared>> -> memref<10000x128xf32, #tpu.memory_space<vmem_shared>>
    tpu.enqueue_indirect_dma source(%dma_start3A_8 : memref<10000x128xf32, #tpu.memory_space<vmem_shared>>) target(%arg7 : memref<64x128xf32, #tpu.memory_space<vmem>>) offsets(%dma_start3A_5 : memref<64xi32, #tpu.memory_space<vmem>>) semaphore(%arg11 : memref<!tpu.dma_semaphore, #tpu.memory_space<semaphore_mem>>)
    %dma_start3A_9 = arith.constant 64 : i32
    %dma_start3A_10 = tpu.memref_slice %arg6[%dma_start3A_9] : memref<5120xi32, #tpu.memory_space<vmem>> -> memref<64xi32, #tpu.memory_space<vmem>>
    %dma_start3A_11 = arith.constant 0 : i32
    %dma_start3A_12 = arith.constant 0 : i32
    %dma_start3A_13 = tpu.memref_slice %arg5[%dma_start3A_11, %dma_start3A_12] : memref<10000x128xf32, #tpu.memory_space<vmem_shared>> -> memref<10000x128xf32, #tpu.memory_space<vmem_shared>>
    tpu.enqueue_indirect_dma source(%dma_start3A_13 : memref<10000x128xf32, #tpu.memory_space<vmem_shared>>) target(%arg8 : memref<64x128xf32, #tpu.memory_space<vmem>>) offsets(%dma_start3A_10 : memref<64xi32, #tpu.memory_space<vmem>>) semaphore(%arg11 : memref<!tpu.dma_semaphore, #tpu.memory_space<semaphore_mem>>)
    %scan3A = arith.constant 0 : i32
    %scan3A_14 = arith.constant 0 : i32
    %scan3A_15 = arith.constant 20 : i32
    %scan3A_16 = arith.addi %scan3A_14, %scan3A_15 : i32
    %scan3A_17 = arith.constant 1 : i32
    scf.for %scan3A_34 = %scan3A_14 to %scan3A_16 step %scan3A_17  : i32 {
      %mul3A_35 = arith.constant 2 : i32
      %mul3A_36 = arith.muli %mul3A_35, %scan3A_34 : i32
      %mul3A_37 = arith.constant 2 : i32
      %mul3A_38 = arith.muli %mul3A_37, %scan3A_34 : i32
      %add3A_39 = arith.constant 1 : i32
      %add3A_40 = arith.addi %mul3A_38, %add3A_39 : i32
      %dma_wait3A_41 = arith.constant 0 : i32
      %dma_wait3A_42 = tpu.memref_slice %arg6[%dma_wait3A_41] : memref<5120xi32, #tpu.memory_space<vmem>> -> memref<64xi32, #tpu.memory_space<vmem>>
      %dma_wait3A_43 = arith.constant 0 : i32
      %dma_wait3A_44 = arith.constant 0 : i32
      %dma_wait3A_45 = tpu.memref_slice %arg5[%dma_wait3A_43, %dma_wait3A_44] : memref<10000x128xf32, #tpu.memory_space<vmem_shared>> -> memref<10000x128xf32, #tpu.memory_space<vmem_shared>>
      tpu.wait_indirect_dma semaphore(%arg11 : memref<!tpu.dma_semaphore, #tpu.memory_space<semaphore_mem>>) src(%dma_wait3A_45 : memref<10000x128xf32, #tpu.memory_space<vmem_shared>>) dst(%arg7 : memref<64x128xf32, #tpu.memory_space<vmem>>)
      %dma_wait3A_46 = arith.constant 0 : i32
      %dma_wait3A_47 = tpu.memref_slice %arg6[%dma_wait3A_46] : memref<5120xi32, #tpu.memory_space<vmem>> -> memref<64xi32, #tpu.memory_space<vmem>>
      %dma_wait3A_48 = arith.constant 0 : i32
      %dma_wait3A_49 = arith.constant 0 : i32
      %dma_wait3A_50 = tpu.memref_slice %arg5[%dma_wait3A_48, %dma_wait3A_49] : memref<10000x128xf32, #tpu.memory_space<vmem_shared>> -> memref<10000x128xf32, #tpu.memory_space<vmem_shared>>
      tpu.wait_indirect_dma semaphore(%arg11 : memref<!tpu.dma_semaphore, #tpu.memory_space<semaphore_mem>>) src(%dma_wait3A_50 : memref<10000x128xf32, #tpu.memory_space<vmem_shared>>) dst(%arg8 : memref<64x128xf32, #tpu.memory_space<vmem>>)
      %mul3A_51 = arith.constant 2 : i32
      %mul3A_52 = arith.muli %mul3A_36, %mul3A_51 : i32
      %add3A_53 = arith.constant 0 : i32
      %add3A_54 = arith.addi %mul3A_52, %add3A_53 : i32
      %mul3A_55 = arith.constant 64 : i32
      %mul3A_56 = arith.muli %add3A_54, %mul3A_55 : i32
      %add3A_57 = arith.addi %add3A, %mul3A_56 : i32
      %dma_start3A_58 = arith.constant 0 : i32
      %dma_start3A_59 = tpu.memref_slice %arg4[%add3A_57, %dma_start3A_58] : memref<163840x128xf32, #tpu.memory_space<hbm>> -> memref<64x128xf32, #tpu.memory_space<hbm>>
      %dma_start3A_60 = arith.constant 0 : i32
      %dma_start3A_61 = tpu.memref_slice %arg4[%add3A_57, %dma_start3A_60] : memref<163840x128xf32, #tpu.memory_space<hbm>> -> memref<64x128xf32, #tpu.memory_space<hbm>>
      tpu.enqueue_dma source(%arg7 : memref<64x128xf32, #tpu.memory_space<vmem>>) target(%dma_start3A_61 : memref<64x128xf32, #tpu.memory_space<hbm>>) target_semaphore(%arg13 : memref<!tpu.dma_semaphore, #tpu.memory_space<semaphore_mem>>)
      %mul3A_62 = arith.constant 2 : i32
      %mul3A_63 = arith.muli %mul3A_36, %mul3A_62 : i32
      %add3A_64 = arith.constant 1 : i32
      %add3A_65 = arith.addi %mul3A_63, %add3A_64 : i32
      %mul3A_66 = arith.constant 64 : i32
      %mul3A_67 = arith.muli %add3A_65, %mul3A_66 : i32
      %add3A_68 = arith.addi %add3A, %mul3A_67 : i32
      %dma_start3A_69 = arith.constant 0 : i32
      %dma_start3A_70 = tpu.memref_slice %arg4[%add3A_68, %dma_start3A_69] : memref<163840x128xf32, #tpu.memory_space<hbm>> -> memref<64x128xf32, #tpu.memory_space<hbm>>
      %dma_start3A_71 = arith.constant 0 : i32
      %dma_start3A_72 = tpu.memref_slice %arg4[%add3A_68, %dma_start3A_71] : memref<163840x128xf32, #tpu.memory_space<hbm>> -> memref<64x128xf32, #tpu.memory_space<hbm>>
      tpu.enqueue_dma source(%arg8 : memref<64x128xf32, #tpu.memory_space<vmem>>) target(%dma_start3A_72 : memref<64x128xf32, #tpu.memory_space<hbm>>) target_semaphore(%arg13 : memref<!tpu.dma_semaphore, #tpu.memory_space<semaphore_mem>>)
      %gt3A = arith.constant 0 : i32
      %gt3A_73 = arith.cmpi sgt, %scan3A_34, %gt3A : i32
      %convert_element_type3A_74 = arith.extui %gt3A_73 : i1 to i32
      %cond3A_75 = arith.constant 0 : i32
      %cond3A_76 = arith.cmpi ne, %convert_element_type3A_74, %cond3A_75 : i32
      scf.if %cond3A_76 {
        %dma_wait3A_133 = arith.constant 0 : i32
        %dma_wait3A_134 = tpu.memref_slice %arg4[%add3A, %dma_wait3A_133] : memref<163840x128xf32, #tpu.memory_space<hbm>> -> memref<64x128xf32, #tpu.memory_space<hbm>>
        %dma_wait3A_135 = arith.constant 0 : i32
        %dma_wait3A_136 = tpu.memref_slice %arg4[%add3A, %dma_wait3A_135] : memref<163840x128xf32, #tpu.memory_space<hbm>> -> memref<64x128xf32, #tpu.memory_space<hbm>>
        tpu.wait_dma2 semaphore(%arg14 : memref<!tpu.dma_semaphore, #tpu.memory_space<semaphore_mem>>) src(%arg9 : memref<64x128xf32, #tpu.memory_space<vmem>>) dst(%dma_wait3A_136 : memref<64x128xf32, #tpu.memory_space<hbm>>)
        %dma_wait3A_137 = arith.constant 0 : i32
        %dma_wait3A_138 = tpu.memref_slice %arg4[%add3A, %dma_wait3A_137] : memref<163840x128xf32, #tpu.memory_space<hbm>> -> memref<64x128xf32, #tpu.memory_space<hbm>>
        %dma_wait3A_139 = arith.constant 0 : i32
        %dma_wait3A_140 = tpu.memref_slice %arg4[%add3A, %dma_wait3A_139] : memref<163840x128xf32, #tpu.memory_space<hbm>> -> memref<64x128xf32, #tpu.memory_space<hbm>>
        tpu.wait_dma2 semaphore(%arg14 : memref<!tpu.dma_semaphore, #tpu.memory_space<semaphore_mem>>) src(%arg10 : memref<64x128xf32, #tpu.memory_space<vmem>>) dst(%dma_wait3A_140 : memref<64x128xf32, #tpu.memory_space<hbm>>)
      } else {
      }
      %mul3A_77 = arith.constant 2 : i32
      %mul3A_78 = arith.muli %add3A_40, %mul3A_77 : i32
      %add3A_79 = arith.constant 0 : i32
      %add3A_80 = arith.addi %mul3A_78, %add3A_79 : i32
      %mul3A_81 = arith.constant 64 : i32
      %mul3A_82 = arith.muli %add3A_80, %mul3A_81 : i32
      %dma_start3A_83 = tpu.memref_slice %arg6[%mul3A_82] : memref<5120xi32, #tpu.memory_space<vmem>> -> memref<64xi32, #tpu.memory_space<vmem>>
      %dma_start3A_84 = arith.constant 0 : i32
      %dma_start3A_85 = arith.constant 0 : i32
      %dma_start3A_86 = tpu.memref_slice %arg5[%dma_start3A_84, %dma_start3A_85] : memref<10000x128xf32, #tpu.memory_space<vmem_shared>> -> memref<10000x128xf32, #tpu.memory_space<vmem_shared>>
      tpu.enqueue_indirect_dma source(%dma_start3A_86 : memref<10000x128xf32, #tpu.memory_space<vmem_shared>>) target(%arg9 : memref<64x128xf32, #tpu.memory_space<vmem>>) offsets(%dma_start3A_83 : memref<64xi32, #tpu.memory_space<vmem>>) semaphore(%arg12 : memref<!tpu.dma_semaphore, #tpu.memory_space<semaphore_mem>>)
      %mul3A_87 = arith.constant 2 : i32
      %mul3A_88 = arith.muli %add3A_40, %mul3A_87 : i32
      %add3A_89 = arith.constant 1 : i32
      %add3A_90 = arith.addi %mul3A_88, %add3A_89 : i32
      %mul3A_91 = arith.constant 64 : i32
      %mul3A_92 = arith.muli %add3A_90, %mul3A_91 : i32
      %dma_start3A_93 = tpu.memref_slice %arg6[%mul3A_92] : memref<5120xi32, #tpu.memory_space<vmem>> -> memref<64xi32, #tpu.memory_space<vmem>>
      %dma_start3A_94 = arith.constant 0 : i32
      %dma_start3A_95 = arith.constant 0 : i32
      %dma_start3A_96 = tpu.memref_slice %arg5[%dma_start3A_94, %dma_start3A_95] : memref<10000x128xf32, #tpu.memory_space<vmem_shared>> -> memref<10000x128xf32, #tpu.memory_space<vmem_shared>>
      tpu.enqueue_indirect_dma source(%dma_start3A_96 : memref<10000x128xf32, #tpu.memory_space<vmem_shared>>) target(%arg10 : memref<64x128xf32, #tpu.memory_space<vmem>>) offsets(%dma_start3A_93 : memref<64xi32, #tpu.memory_space<vmem>>) semaphore(%arg12 : memref<!tpu.dma_semaphore, #tpu.memory_space<semaphore_mem>>)
      %lt3A = arith.constant 19 : i32
      %lt3A_97 = arith.cmpi slt, %scan3A_34, %lt3A : i32
      %convert_element_type3A_98 = arith.extui %lt3A_97 : i1 to i32
      %cond3A_99 = arith.constant 0 : i32
      %cond3A_100 = arith.cmpi ne, %convert_element_type3A_98, %cond3A_99 : i32
      scf.if %cond3A_100 {
        %dma_wait3A_133 = arith.constant 0 : i32
        %dma_wait3A_134 = tpu.memref_slice %arg4[%add3A, %dma_wait3A_133] : memref<163840x128xf32, #tpu.memory_space<hbm>> -> memref<64x128xf32, #tpu.memory_space<hbm>>
        %dma_wait3A_135 = arith.constant 0 : i32
        %dma_wait3A_136 = tpu.memref_slice %arg4[%add3A, %dma_wait3A_135] : memref<163840x128xf32, #tpu.memory_space<hbm>> -> memref<64x128xf32, #tpu.memory_space<hbm>>
        tpu.wait_dma2 semaphore(%arg13 : memref<!tpu.dma_semaphore, #tpu.memory_space<semaphore_mem>>) src(%arg7 : memref<64x128xf32, #tpu.memory_space<vmem>>) dst(%dma_wait3A_136 : memref<64x128xf32, #tpu.memory_space<hbm>>)
        %dma_wait3A_137 = arith.constant 0 : i32
        %dma_wait3A_138 = tpu.memref_slice %arg4[%add3A, %dma_wait3A_137] : memref<163840x128xf32, #tpu.memory_space<hbm>> -> memref<64x128xf32, #tpu.memory_space<hbm>>
        %dma_wait3A_139 = arith.constant 0 : i32
        %dma_wait3A_140 = tpu.memref_slice %arg4[%add3A, %dma_wait3A_139] : memref<163840x128xf32, #tpu.memory_space<hbm>> -> memref<64x128xf32, #tpu.memory_space<hbm>>
        tpu.wait_dma2 semaphore(%arg13 : memref<!tpu.dma_semaphore, #tpu.memory_space<semaphore_mem>>) src(%arg8 : memref<64x128xf32, #tpu.memory_space<vmem>>) dst(%dma_wait3A_140 : memref<64x128xf32, #tpu.memory_space<hbm>>)
        %add3A_141 = arith.constant 2 : i32
        %add3A_142 = arith.addi %mul3A_36, %add3A_141 : i32
        %mul3A_143 = arith.constant 2 : i32
        %mul3A_144 = arith.muli %add3A_142, %mul3A_143 : i32
        %add3A_145 = arith.constant 0 : i32
        %add3A_146 = arith.addi %mul3A_144, %add3A_145 : i32
        %mul3A_147 = arith.constant 64 : i32
        %mul3A_148 = arith.muli %add3A_146, %mul3A_147 : i32
        %dma_start3A_149 = tpu.memref_slice %arg6[%mul3A_148] : memref<5120xi32, #tpu.memory_space<vmem>> -> memref<64xi32, #tpu.memory_space<vmem>>
        %dma_start3A_150 = arith.constant 0 : i32
        %dma_start3A_151 = arith.constant 0 : i32
        %dma_start3A_152 = tpu.memref_slice %arg5[%dma_start3A_150, %dma_start3A_151] : memref<10000x128xf32, #tpu.memory_space<vmem_shared>> -> memref<10000x128xf32, #tpu.memory_space<vmem_shared>>
        tpu.enqueue_indirect_dma source(%dma_start3A_152 : memref<10000x128xf32, #tpu.memory_space<vmem_shared>>) target(%arg7 : memref<64x128xf32, #tpu.memory_space<vmem>>) offsets(%dma_start3A_149 : memref<64xi32, #tpu.memory_space<vmem>>) semaphore(%arg11 : memref<!tpu.dma_semaphore, #tpu.memory_space<semaphore_mem>>)
        %mul3A_153 = arith.constant 2 : i32
        %mul3A_154 = arith.muli %add3A_142, %mul3A_153 : i32
        %add3A_155 = arith.constant 1 : i32
        %add3A_156 = arith.addi %mul3A_154, %add3A_155 : i32
        %mul3A_157 = arith.constant 64 : i32
        %mul3A_158 = arith.muli %add3A_156, %mul3A_157 : i32
        %dma_start3A_159 = tpu.memref_slice %arg6[%mul3A_158] : memref<5120xi32, #tpu.memory_space<vmem>> -> memref<64xi32, #tpu.memory_space<vmem>>
        %dma_start3A_160 = arith.constant 0 : i32
        %dma_start3A_161 = arith.constant 0 : i32
        %dma_start3A_162 = tpu.memref_slice %arg5[%dma_start3A_160, %dma_start3A_161] : memref<10000x128xf32, #tpu.memory_space<vmem_shared>> -> memref<10000x128xf32, #tpu.memory_space<vmem_shared>>
        tpu.enqueue_indirect_dma source(%dma_start3A_162 : memref<10000x128xf32, #tpu.memory_space<vmem_shared>>) target(%arg8 : memref<64x128xf32, #tpu.memory_space<vmem>>) offsets(%dma_start3A_159 : memref<64xi32, #tpu.memory_space<vmem>>) semaphore(%arg11 : memref<!tpu.dma_semaphore, #tpu.memory_space<semaphore_mem>>)
      } else {
      }
      %dma_wait3A_101 = arith.constant 0 : i32
      %dma_wait3A_102 = tpu.memref_slice %arg6[%dma_wait3A_101] : memref<5120xi32, #tpu.memory_space<vmem>> -> memref<64xi32, #tpu.memory_space<vmem>>
      %dma_wait3A_103 = arith.constant 0 : i32
      %dma_wait3A_104 = arith.constant 0 : i32
      %dma_wait3A_105 = tpu.memref_slice %arg5[%dma_wait3A_103, %dma_wait3A_104] : memref<10000x128xf32, #tpu.memory_space<vmem_shared>> -> memref<10000x128xf32, #tpu.memory_space<vmem_shared>>
      tpu.wait_indirect_dma semaphore(%arg12 : memref<!tpu.dma_semaphore, #tpu.memory_space<semaphore_mem>>) src(%dma_wait3A_105 : memref<10000x128xf32, #tpu.memory_space<vmem_shared>>) dst(%arg9 : memref<64x128xf32, #tpu.memory_space<vmem>>)
      %dma_wait3A_106 = arith.constant 0 : i32
      %dma_wait3A_107 = tpu.memref_slice %arg6[%dma_wait3A_106] : memref<5120xi32, #tpu.memory_space<vmem>> -> memref<64xi32, #tpu.memory_space<vmem>>
      %dma_wait3A_108 = arith.constant 0 : i32
      %dma_wait3A_109 = arith.constant 0 : i32
      %dma_wait3A_110 = tpu.memref_slice %arg5[%dma_wait3A_108, %dma_wait3A_109] : memref<10000x128xf32, #tpu.memory_space<vmem_shared>> -> memref<10000x128xf32, #tpu.memory_space<vmem_shared>>
      tpu.wait_indirect_dma semaphore(%arg12 : memref<!tpu.dma_semaphore, #tpu.memory_space<semaphore_mem>>) src(%dma_wait3A_110 : memref<10000x128xf32, #tpu.memory_space<vmem_shared>>) dst(%arg10 : memref<64x128xf32, #tpu.memory_space<vmem>>)
      %mul3A_111 = arith.constant 2 : i32
      %mul3A_112 = arith.muli %add3A_40, %mul3A_111 : i32
      %add3A_113 = arith.constant 0 : i32
      %add3A_114 = arith.addi %mul3A_112, %add3A_113 : i32
      %mul3A_115 = arith.constant 64 : i32
      %mul3A_116 = arith.muli %add3A_114, %mul3A_115 : i32
      %add3A_117 = arith.addi %add3A, %mul3A_116 : i32
      %dma_start3A_118 = arith.constant 0 : i32
      %dma_start3A_119 = tpu.memref_slice %arg4[%add3A_117, %dma_start3A_118] : memref<163840x128xf32, #tpu.memory_space<hbm>> -> memref<64x128xf32, #tpu.memory_space<hbm>>
      %dma_start3A_120 = arith.constant 0 : i32
      %dma_start3A_121 = tpu.memref_slice %arg4[%add3A_117, %dma_start3A_120] : memref<163840x128xf32, #tpu.memory_space<hbm>> -> memref<64x128xf32, #tpu.memory_space<hbm>>
      tpu.enqueue_dma source(%arg9 : memref<64x128xf32, #tpu.memory_space<vmem>>) target(%dma_start3A_121 : memref<64x128xf32, #tpu.memory_space<hbm>>) target_semaphore(%arg14 : memref<!tpu.dma_semaphore, #tpu.memory_space<semaphore_mem>>)
      %mul3A_122 = arith.constant 2 : i32
      %mul3A_123 = arith.muli %add3A_40, %mul3A_122 : i32
      %add3A_124 = arith.constant 1 : i32
      %add3A_125 = arith.addi %mul3A_123, %add3A_124 : i32
      %mul3A_126 = arith.constant 64 : i32
      %mul3A_127 = arith.muli %add3A_125, %mul3A_126 : i32
      %add3A_128 = arith.addi %add3A, %mul3A_127 : i32
      %dma_start3A_129 = arith.constant 0 : i32
      %dma_start3A_130 = tpu.memref_slice %arg4[%add3A_128, %dma_start3A_129] : memref<163840x128xf32, #tpu.memory_space<hbm>> -> memref<64x128xf32, #tpu.memory_space<hbm>>
      %dma_start3A_131 = arith.constant 0 : i32
      %dma_start3A_132 = tpu.memref_slice %arg4[%add3A_128, %dma_start3A_131] : memref<163840x128xf32, #tpu.memory_space<hbm>> -> memref<64x128xf32, #tpu.memory_space<hbm>>
      tpu.enqueue_dma source(%arg10 : memref<64x128xf32, #tpu.memory_space<vmem>>) target(%dma_start3A_132 : memref<64x128xf32, #tpu.memory_space<hbm>>) target_semaphore(%arg14 : memref<!tpu.dma_semaphore, #tpu.memory_space<semaphore_mem>>)
    }
    %scan3A_18 = arith.constant 20 : i32
    %dma_wait3A = arith.constant 0 : i32
    %dma_wait3A_19 = tpu.memref_slice %arg4[%add3A, %dma_wait3A] : memref<163840x128xf32, #tpu.memory_space<hbm>> -> memref<64x128xf32, #tpu.memory_space<hbm>>
    %dma_wait3A_20 = arith.constant 0 : i32
    %dma_wait3A_21 = tpu.memref_slice %arg4[%add3A, %dma_wait3A_20] : memref<163840x128xf32, #tpu.memory_space<hbm>> -> memref<64x128xf32, #tpu.memory_space<hbm>>
    tpu.wait_dma2 semaphore(%arg13 : memref<!tpu.dma_semaphore, #tpu.memory_space<semaphore_mem>>) src(%arg7 : memref<64x128xf32, #tpu.memory_space<vmem>>) dst(%dma_wait3A_21 : memref<64x128xf32, #tpu.memory_space<hbm>>)
    %dma_wait3A_22 = arith.constant 0 : i32
    %dma_wait3A_23 = tpu.memref_slice %arg4[%add3A, %dma_wait3A_22] : memref<163840x128xf32, #tpu.memory_space<hbm>> -> memref<64x128xf32, #tpu.memory_space<hbm>>
    %dma_wait3A_24 = arith.constant 0 : i32
    %dma_wait3A_25 = tpu.memref_slice %arg4[%add3A, %dma_wait3A_24] : memref<163840x128xf32, #tpu.memory_space<hbm>> -> memref<64x128xf32, #tpu.memory_space<hbm>>
    tpu.wait_dma2 semaphore(%arg13 : memref<!tpu.dma_semaphore, #tpu.memory_space<semaphore_mem>>) src(%arg8 : memref<64x128xf32, #tpu.memory_space<vmem>>) dst(%dma_wait3A_25 : memref<64x128xf32, #tpu.memory_space<hbm>>)
    %dma_wait3A_26 = arith.constant 0 : i32
    %dma_wait3A_27 = tpu.memref_slice %arg4[%add3A, %dma_wait3A_26] : memref<163840x128xf32, #tpu.memory_space<hbm>> -> memref<64x128xf32, #tpu.memory_space<hbm>>
    %dma_wait3A_28 = arith.constant 0 : i32
    %dma_wait3A_29 = tpu.memref_slice %arg4[%add3A, %dma_wait3A_28] : memref<163840x128xf32, #tpu.memory_space<hbm>> -> memref<64x128xf32, #tpu.memory_space<hbm>>
    tpu.wait_dma2 semaphore(%arg14 : memref<!tpu.dma_semaphore, #tpu.memory_space<semaphore_mem>>) src(%arg9 : memref<64x128xf32, #tpu.memory_space<vmem>>) dst(%dma_wait3A_29 : memref<64x128xf32, #tpu.memory_space<hbm>>)
    %dma_wait3A_30 = arith.constant 0 : i32
    %dma_wait3A_31 = tpu.memref_slice %arg4[%add3A, %dma_wait3A_30] : memref<163840x128xf32, #tpu.memory_space<hbm>> -> memref<64x128xf32, #tpu.memory_space<hbm>>
    %dma_wait3A_32 = arith.constant 0 : i32
    %dma_wait3A_33 = tpu.memref_slice %arg4[%add3A, %dma_wait3A_32] : memref<163840x128xf32, #tpu.memory_space<hbm>> -> memref<64x128xf32, #tpu.memory_space<hbm>>
    tpu.wait_dma2 semaphore(%arg14 : memref<!tpu.dma_semaphore, #tpu.memory_space<semaphore_mem>>) src(%arg10 : memref<64x128xf32, #tpu.memory_space<vmem>>) dst(%dma_wait3A_33 : memref<64x128xf32, #tpu.memory_space<hbm>>)
    return
  }
}

#map = affine_map<(d0, d1) -> (0, 0)>
#map1 = affine_map<(d0, d1) -> (0)>
module attributes {stable_mosaic.version = 14 : i64} {
  func.func @body(%arg0: i32, %arg1: i32, %arg2: memref<10000x128xf32, #tpu.memory_space<hbm>>, %arg3: memref<1024xi32, #tpu.memory_space<hbm>>, %arg4: memref<1024x128xf32, #tpu.memory_space<hbm>>, %arg5: memref<32xi32, #tpu.memory_space<vmem>>, %arg6: memref<32x128xf32, #tpu.memory_space<vmem>>, %arg7: memref<!tpu.dma_semaphore, #tpu.memory_space<semaphore_mem>>) attributes {dimension_semantics = [#tpu.dimension_semantics<core_parallel>, #tpu.dimension_semantics<subcore_parallel>], iteration_bounds = array<i64: 2, 16>, scalar_prefetch = 0 : i64, scratch_operands = 3 : i64, tpu.core_type = #tpu.core_type<sc_vector_subcore>, window_params = [{transform_indices = #map}, {transform_indices = #map1}, {transform_indices = #map}]} {
    %mul3A = arith.constant 2 : i32
    %mul3A_0 = arith.muli %arg1, %mul3A : i32
    %add3A = arith.addi %mul3A_0, %arg0 : i32
    %mul3A_1 = arith.constant 32 : i32
    %mul3A_2 = arith.muli %add3A, %mul3A_1 : i32
    "tpu.region"() ({
      %run_scoped3A = tpu.sem_alloc : memref<!tpu.dma_semaphore, #tpu.memory_space<semaphore_mem>>
      %dma_start3A_7 = tpu.memref_slice %arg3[%mul3A_2] : memref<1024xi32, #tpu.memory_space<hbm>> -> memref<32xi32, #tpu.memory_space<hbm>>
      %dma_start3A_8 = tpu.memref_slice %arg3[%mul3A_2] : memref<1024xi32, #tpu.memory_space<hbm>> -> memref<32xi32, #tpu.memory_space<hbm>>
      tpu.enqueue_dma source(%dma_start3A_8 : memref<32xi32, #tpu.memory_space<hbm>>) target(%arg5 : memref<32xi32, #tpu.memory_space<vmem>>) target_semaphore(%run_scoped3A : memref<!tpu.dma_semaphore, #tpu.memory_space<semaphore_mem>>)
      %dma_wait3A_9 = tpu.memref_slice %arg3[%mul3A_2] : memref<1024xi32, #tpu.memory_space<hbm>> -> memref<32xi32, #tpu.memory_space<hbm>>
      %dma_wait3A_10 = tpu.memref_slice %arg3[%mul3A_2] : memref<1024xi32, #tpu.memory_space<hbm>> -> memref<32xi32, #tpu.memory_space<hbm>>
      tpu.wait_dma2 semaphore(%run_scoped3A : memref<!tpu.dma_semaphore, #tpu.memory_space<semaphore_mem>>) src(%dma_wait3A_10 : memref<32xi32, #tpu.memory_space<hbm>>) dst(%arg5 : memref<32xi32, #tpu.memory_space<vmem>>)
      tpu.yield
    }) : () -> ()
    %dma_start3A = arith.constant 0 : i32
    %dma_start3A_3 = arith.constant 0 : i32
    %dma_start3A_4 = tpu.memref_slice %arg2[%dma_start3A, %dma_start3A_3] : memref<10000x128xf32, #tpu.memory_space<hbm>> -> memref<10000x128xf32, #tpu.memory_space<hbm>>
    tpu.enqueue_indirect_dma source(%dma_start3A_4 : memref<10000x128xf32, #tpu.memory_space<hbm>>) target(%arg6 : memref<32x128xf32, #tpu.memory_space<vmem>>) offsets(%arg5 : memref<32xi32, #tpu.memory_space<vmem>>) semaphore(%arg7 : memref<!tpu.dma_semaphore, #tpu.memory_space<semaphore_mem>>)
    %dma_wait3A = arith.constant 0 : i32
    %dma_wait3A_5 = arith.constant 0 : i32
    %dma_wait3A_6 = tpu.memref_slice %arg2[%dma_wait3A, %dma_wait3A_5] : memref<10000x128xf32, #tpu.memory_space<hbm>> -> memref<10000x128xf32, #tpu.memory_space<hbm>>
    tpu.wait_indirect_dma semaphore(%arg7 : memref<!tpu.dma_semaphore, #tpu.memory_space<semaphore_mem>>) src(%dma_wait3A_6 : memref<10000x128xf32, #tpu.memory_space<hbm>>) dst(%arg6 : memref<32x128xf32, #tpu.memory_space<vmem>>)
    "tpu.region"() ({
      %run_scoped3A = tpu.sem_alloc : memref<!tpu.dma_semaphore, #tpu.memory_space<semaphore_mem>>
      %dma_start3A_7 = arith.constant 0 : i32
      %dma_start3A_8 = tpu.memref_slice %arg4[%mul3A_2, %dma_start3A_7] : memref<1024x128xf32, #tpu.memory_space<hbm>> -> memref<32x128xf32, #tpu.memory_space<hbm>>
      %dma_start3A_9 = arith.constant 0 : i32
      %dma_start3A_10 = tpu.memref_slice %arg4[%mul3A_2, %dma_start3A_9] : memref<1024x128xf32, #tpu.memory_space<hbm>> -> memref<32x128xf32, #tpu.memory_space<hbm>>
      tpu.enqueue_dma source(%arg6 : memref<32x128xf32, #tpu.memory_space<vmem>>) target(%dma_start3A_10 : memref<32x128xf32, #tpu.memory_space<hbm>>) target_semaphore(%run_scoped3A : memref<!tpu.dma_semaphore, #tpu.memory_space<semaphore_mem>>)
      %dma_wait3A_11 = arith.constant 0 : i32
      %dma_wait3A_12 = tpu.memref_slice %arg4[%mul3A_2, %dma_wait3A_11] : memref<1024x128xf32, #tpu.memory_space<hbm>> -> memref<32x128xf32, #tpu.memory_space<hbm>>
      %dma_wait3A_13 = arith.constant 0 : i32
      %dma_wait3A_14 = tpu.memref_slice %arg4[%mul3A_2, %dma_wait3A_13] : memref<1024x128xf32, #tpu.memory_space<hbm>> -> memref<32x128xf32, #tpu.memory_space<hbm>>
      tpu.wait_dma2 semaphore(%run_scoped3A : memref<!tpu.dma_semaphore, #tpu.memory_space<semaphore_mem>>) src(%arg6 : memref<32x128xf32, #tpu.memory_space<vmem>>) dst(%dma_wait3A_14 : memref<32x128xf32, #tpu.memory_space<hbm>>)
      tpu.yield
    }) : () -> ()
    return
  }
}

#map = affine_map<(d0, d1) -> (0, 0)>
#map1 = affine_map<(d0, d1) -> (0)>
module attributes {stable_mosaic.version = 14 : i64} {
  func.func @body(%arg0: i32, %arg1: i32, %arg2: memref<10000x128xf32, #tpu.memory_space<hbm>>, %arg3: memref<1024xi32, #tpu.memory_space<hbm>>, %arg4: memref<1024x128xf32, #tpu.memory_space<hbm>>, %arg5: memref<32xi32, #tpu.memory_space<vmem>>, %arg6: memref<32x128xf32, #tpu.memory_space<vmem>>, %arg7: memref<!tpu.dma_semaphore, #tpu.memory_space<semaphore_mem>>) attributes {dimension_semantics = [#tpu.dimension_semantics<core_parallel>, #tpu.dimension_semantics<subcore_parallel>], iteration_bounds = array<i64: 2, 16>, scalar_prefetch = 0 : i64, scratch_operands = 3 : i64, tpu.core_type = #tpu.core_type<sc_vector_subcore>, window_params = [{transform_indices = #map}, {transform_indices = #map1}, {transform_indices = #map}]} {
    %mul3A = arith.constant 2 : i32
    %mul3A_0 = arith.muli %arg1, %mul3A : i32
    %add3A = arith.addi %mul3A_0, %arg0 : i32
    %mul3A_1 = arith.constant 32 : i32
    %mul3A_2 = arith.muli %add3A, %mul3A_1 : i32
    "tpu.region"() ({
      %run_scoped3A = tpu.sem_alloc : memref<!tpu.dma_semaphore, #tpu.memory_space<semaphore_mem>>
      %dma_start3A_7 = tpu.memref_slice %arg3[%mul3A_2] : memref<1024xi32, #tpu.memory_space<hbm>> -> memref<32xi32, #tpu.memory_space<hbm>>
      %dma_start3A_8 = tpu.memref_slice %arg3[%mul3A_2] : memref<1024xi32, #tpu.memory_space<hbm>> -> memref<32xi32, #tpu.memory_space<hbm>>
      tpu.enqueue_dma source(%dma_start3A_8 : memref<32xi32, #tpu.memory_space<hbm>>) target(%arg5 : memref<32xi32, #tpu.memory_space<vmem>>) target_semaphore(%run_scoped3A : memref<!tpu.dma_semaphore, #tpu.memory_space<semaphore_mem>>)
      %dma_wait3A_9 = tpu.memref_slice %arg3[%mul3A_2] : memref<1024xi32, #tpu.memory_space<hbm>> -> memref<32xi32, #tpu.memory_space<hbm>>
      %dma_wait3A_10 = tpu.memref_slice %arg3[%mul3A_2] : memref<1024xi32, #tpu.memory_space<hbm>> -> memref<32xi32, #tpu.memory_space<hbm>>
      tpu.wait_dma2 semaphore(%run_scoped3A : memref<!tpu.dma_semaphore, #tpu.memory_space<semaphore_mem>>) src(%dma_wait3A_10 : memref<32xi32, #tpu.memory_space<hbm>>) dst(%arg5 : memref<32xi32, #tpu.memory_space<vmem>>)
      tpu.yield
    }) : () -> ()
    %dma_start3A = arith.constant 0 : i32
    %dma_start3A_3 = arith.constant 0 : i32
    %dma_start3A_4 = tpu.memref_slice %arg2[%dma_start3A, %dma_start3A_3] : memref<10000x128xf32, #tpu.memory_space<hbm>> -> memref<10000x128xf32, #tpu.memory_space<hbm>>
    tpu.enqueue_indirect_dma source(%dma_start3A_4 : memref<10000x128xf32, #tpu.memory_space<hbm>>) target(%arg6 : memref<32x128xf32, #tpu.memory_space<vmem>>) offsets(%arg5 : memref<32xi32, #tpu.memory_space<vmem>>) semaphore(%arg7 : memref<!tpu.dma_semaphore, #tpu.memory_space<semaphore_mem>>)
    %dma_wait3A = arith.constant 0 : i32
    %dma_wait3A_5 = arith.constant 0 : i32
    %dma_wait3A_6 = tpu.memref_slice %arg2[%dma_wait3A, %dma_wait3A_5] : memref<10000x128xf32, #tpu.memory_space<hbm>> -> memref<10000x128xf32, #tpu.memory_space<hbm>>
    tpu.wait_indirect_dma semaphore(%arg7 : memref<!tpu.dma_semaphore, #tpu.memory_space<semaphore_mem>>) src(%dma_wait3A_6 : memref<10000x128xf32, #tpu.memory_space<hbm>>) dst(%arg6 : memref<32x128xf32, #tpu.memory_space<vmem>>)
    "tpu.region"() ({
      %run_scoped3A = tpu.sem_alloc : memref<!tpu.dma_semaphore, #tpu.memory_space<semaphore_mem>>
      %dma_start3A_7 = arith.constant 0 : i32
      %dma_start3A_8 = tpu.memref_slice %arg4[%mul3A_2, %dma_start3A_7] : memref<1024x128xf32, #tpu.memory_space<hbm>> -> memref<32x128xf32, #tpu.memory_space<hbm>>
      %dma_start3A_9 = arith.constant 0 : i32
      %dma_start3A_10 = tpu.memref_slice %arg4[%mul3A_2, %dma_start3A_9] : memref<1024x128xf32, #tpu.memory_space<hbm>> -> memref<32x128xf32, #tpu.memory_space<hbm>>
      tpu.enqueue_dma source(%arg6 : memref<32x128xf32, #tpu.memory_space<vmem>>) target(%dma_start3A_10 : memref<32x128xf32, #tpu.memory_space<hbm>>) target_semaphore(%run_scoped3A : memref<!tpu.dma_semaphore, #tpu.memory_space<semaphore_mem>>)
      %dma_wait3A_11 = arith.constant 0 : i32
      %dma_wait3A_12 = tpu.memref_slice %arg4[%mul3A_2, %dma_wait3A_11] : memref<1024x128xf32, #tpu.memory_space<hbm>> -> memref<32x128xf32, #tpu.memory_space<hbm>>
      %dma_wait3A_13 = arith.constant 0 : i32
      %dma_wait3A_14 = tpu.memref_slice %arg4[%mul3A_2, %dma_wait3A_13] : memref<1024x128xf32, #tpu.memory_space<hbm>> -> memref<32x128xf32, #tpu.memory_space<hbm>>
      tpu.wait_dma2 semaphore(%run_scoped3A : memref<!tpu.dma_semaphore, #tpu.memory_space<semaphore_mem>>) src(%arg6 : memref<32x128xf32, #tpu.memory_space<vmem>>) dst(%dma_wait3A_14 : memref<32x128xf32, #tpu.memory_space<hbm>>)
      tpu.yield
    }) : () -> ()
    return
  }
}

module attributes {stable_mosaic.version = 14 : i64} {
  func.func @_combine_body(%arg0: i32, %arg1: memref<6400x128xf32, #tpu.memory_space<vmem>>, %arg2: memref<6400x16xf32, #tpu.memory_space<vmem>>, %arg3: memref<400x128xf32, #tpu.memory_space<vmem>>, %arg4: memref<128x128xf32, #tpu.memory_space<vmem>>, %arg5: memref<1x128xf32, #tpu.memory_space<vmem>>, %arg6: memref<128x128xbf16, #tpu.memory_space<vmem>>, %arg7: memref<16x128xf32, #tpu.memory_space<vmem>>, %arg8: memref<128x128xbf16, #tpu.memory_space<vmem>>, %arg9: memref<16x128xf32, #tpu.memory_space<vmem>>, %arg10: memref<1x128xf32, #tpu.memory_space<vmem>>, %arg11: memref<1x128xf32, #tpu.memory_space<vmem>>, %arg12: memref<400x128xf32, #tpu.memory_space<vmem>>) attributes {dimension_semantics = [#tpu.dimension_semantics<arbitrary>], iteration_bounds = array<i64: 25>, scalar_prefetch = 0 : i64, scratch_operands = 0 : i64, tpu.core_type = #tpu.core_type<tc>, window_params = [{transform_indices = @transform_0, window_bounds = array<i64: 6400, 128>}, {transform_indices = @transform_1, window_bounds = array<i64: 6400, 16>}, {transform_indices = @transform_2, window_bounds = array<i64: 400, 128>}, {pipeline_mode = #tpu.pipeline_mode<synchronous>, transform_indices = @transform_3, window_bounds = array<i64: 128, 128>}, {pipeline_mode = #tpu.pipeline_mode<synchronous>, transform_indices = @transform_4, window_bounds = array<i64: 1, 128>}, {pipeline_mode = #tpu.pipeline_mode<synchronous>, transform_indices = @transform_5, window_bounds = array<i64: 128, 128>}, {pipeline_mode = #tpu.pipeline_mode<synchronous>, transform_indices = @transform_6, window_bounds = array<i64: 16, 128>}, {pipeline_mode = #tpu.pipeline_mode<synchronous>, transform_indices = @transform_7, window_bounds = array<i64: 128, 128>}, {pipeline_mode = #tpu.pipeline_mode<synchronous>, transform_indices = @transform_8, window_bounds = array<i64: 16, 128>}, {pipeline_mode = #tpu.pipeline_mode<synchronous>, transform_indices = @transform_9, window_bounds = array<i64: 1, 128>}, {pipeline_mode = #tpu.pipeline_mode<synchronous>, transform_indices = @transform_10, window_bounds = array<i64: 1, 128>}, {transform_indices = @transform_11, window_bounds = array<i64: 400, 128>}]} {
    %get3A = arith.constant 0 : index
    %get3A_0 = arith.constant 0 : index
    %get3A_1 = vector.load %arg3[%get3A, %get3A_0] : memref<400x128xf32, #tpu.memory_space<vmem>>, vector<400x128xf32>
    %get3A_2 = arith.constant 0 : index
    %get3A_3 = arith.constant 0 : index
    %get3A_4 = vector.load %arg1[%get3A_2, %get3A_3] : memref<6400x128xf32, #tpu.memory_space<vmem>>, vector<6400x128xf32>
    %convert_element_type3A = arith.truncf %get3A_4 : vector<6400x128xf32> to vector<6400x128xbf16>
    %get3A_5 = arith.constant 0 : index
    %get3A_6 = arith.constant 0 : index
    %get3A_7 = vector.load %arg2[%get3A_5, %get3A_6] : memref<6400x16xf32, #tpu.memory_space<vmem>>, vector<6400x16xf32>
    %get3A_8 = arith.constant 0 : index
    %get3A_9 = arith.constant 0 : index
    %get3A_10 = vector.load %arg6[%get3A_8, %get3A_9] : memref<128x128xbf16, #tpu.memory_space<vmem>>, vector<128x128xbf16>
    %dot_general3A = arith.constant dense<0.000000e+00> : vector<6400x128xf32>
    %dot_general3A_11 = tpu.matmul %convert_element_type3A, %get3A_10, %dot_general3A {dimension_numbers = #tpu.dot_dimension_numbers<[1], [0], [0], [1], [0, 0, 1, 1], [], []>, transpose_lhs_hint = false} : vector<6400x128xbf16>, vector<128x128xbf16>, vector<6400x128xf32> -> vector<6400x128xf32>
    %get3A_12 = arith.constant 0 : index
    %get3A_13 = arith.constant 0 : index
    %get3A_14 = vector.load %arg7[%get3A_12, %get3A_13] : memref<16x128xf32, #tpu.memory_space<vmem>>, vector<16x128xf32>
    %dot_general3A_15 = arith.constant dense<0.000000e+00> : vector<6400x128xf32>
    %dot_general3A_16 = tpu.matmul %get3A_7, %get3A_14, %dot_general3A_15 {dimension_numbers = #tpu.dot_dimension_numbers<[1], [0], [0], [1], [0, 0, 1, 1], [], []>, transpose_lhs_hint = false} : vector<6400x16xf32>, vector<16x128xf32>, vector<6400x128xf32> -> vector<6400x128xf32>
    %get3A_17 = arith.constant 0 : index
    %get3A_18 = arith.constant 0 : index
    %get3A_19 = vector.load %arg4[%get3A_17, %get3A_18] : memref<128x128xf32, #tpu.memory_space<vmem>>, vector<128x128xf32>
    %dot_general3A_20 = arith.constant dense<0.000000e+00> : vector<400x128xf32>
    %dot_general3A_21 = tpu.matmul %get3A_1, %get3A_19, %dot_general3A_20 {dimension_numbers = #tpu.dot_dimension_numbers<[1], [0], [0], [1], [0, 0, 1, 1], [], []>, transpose_lhs_hint = false} : vector<400x128xf32>, vector<128x128xf32>, vector<400x128xf32> -> vector<400x128xf32>
    %get3A_22 = arith.constant 0 : index
    %get3A_23 = arith.constant 0 : index
    %get3A_24 = vector.load %arg5[%get3A_22, %get3A_23] : memref<1x128xf32, #tpu.memory_space<vmem>>, vector<1x128xf32>
    %add3A = vector.broadcast %get3A_24 : vector<1x128xf32> to vector<400x128xf32>
    %add3A_25 = arith.addf %dot_general3A_21, %add3A : vector<400x128xf32>
    %add3A_26 = arith.addf %dot_general3A_11, %dot_general3A_16 : vector<6400x128xf32>
    %reshape3A = vector.shape_cast %add3A_26 : vector<6400x128xf32> to vector<400x16x128xf32>
    %broadcast_in_dim3A = vector.shape_cast %add3A_25 : vector<400x128xf32> to vector<400x1x128xf32>
    %add3A_27 = vector.broadcast %broadcast_in_dim3A : vector<400x1x128xf32> to vector<400x16x128xf32>
    %add3A_28 = arith.addf %reshape3A, %add3A_27 : vector<400x16x128xf32>
    %max3A = arith.constant 0.000000e+00 : f32
    %max3A_29 = vector.broadcast %max3A : f32 to vector<400x16x128xf32>
    %max3A_30 = arith.maximumf %add3A_28, %max3A_29 : vector<400x16x128xf32>
    %get3A_31 = arith.constant 0 : index
    %get3A_32 = arith.constant 0 : index
    %get3A_33 = vector.load %arg8[%get3A_31, %get3A_32] : memref<128x128xbf16, #tpu.memory_space<vmem>>, vector<128x128xbf16>
    %dot_general3A_34 = arith.constant dense<0.000000e+00> : vector<6400x128xf32>
    %dot_general3A_35 = tpu.matmul %convert_element_type3A, %get3A_33, %dot_general3A_34 {dimension_numbers = #tpu.dot_dimension_numbers<[1], [0], [0], [1], [0, 0, 1, 1], [], []>, transpose_lhs_hint = false} : vector<6400x128xbf16>, vector<128x128xbf16>, vector<6400x128xf32> -> vector<6400x128xf32>
    %get3A_36 = arith.constant 0 : index
    %get3A_37 = arith.constant 0 : index
    %get3A_38 = vector.load %arg9[%get3A_36, %get3A_37] : memref<16x128xf32, #tpu.memory_space<vmem>>, vector<16x128xf32>
    %dot_general3A_39 = arith.constant dense<0.000000e+00> : vector<6400x128xf32>
    %dot_general3A_40 = tpu.matmul %get3A_7, %get3A_38, %dot_general3A_39 {dimension_numbers = #tpu.dot_dimension_numbers<[1], [0], [0], [1], [0, 0, 1, 1], [], []>, transpose_lhs_hint = false} : vector<6400x16xf32>, vector<16x128xf32>, vector<6400x128xf32> -> vector<6400x128xf32>
    %add3A_41 = arith.addf %dot_general3A_35, %dot_general3A_40 : vector<6400x128xf32>
    %exp3A = math.exp %add3A_41 : vector<6400x128xf32>
    %reshape3A_42 = vector.shape_cast %exp3A : vector<6400x128xf32> to vector<400x16x128xf32>
    %mul3A = arith.mulf %reshape3A_42, %max3A_30 : vector<400x16x128xf32>
    %reduce_sum3A = arith.constant dense<0.000000e+00> : vector<400x128xf32>
    %reduce_sum3A_43 = vector.multi_reduction <add>, %mul3A, %reduce_sum3A [1] : vector<400x16x128xf32> to vector<400x128xf32>
    %reduce_sum3A_44 = arith.constant dense<0.000000e+00> : vector<400x128xf32>
    %reduce_sum3A_45 = vector.multi_reduction <add>, %reshape3A_42, %reduce_sum3A_44 [1] : vector<400x16x128xf32> to vector<400x128xf32>
    %div3A = arith.divf %reduce_sum3A_43, %reduce_sum3A_45 : vector<400x128xf32>
    %get3A_46 = arith.constant 0 : index
    %get3A_47 = arith.constant 0 : index
    %get3A_48 = vector.load %arg10[%get3A_46, %get3A_47] : memref<1x128xf32, #tpu.memory_space<vmem>>, vector<1x128xf32>
    %mul3A_49 = vector.broadcast %get3A_48 : vector<1x128xf32> to vector<400x128xf32>
    %mul3A_50 = arith.mulf %mul3A_49, %div3A : vector<400x128xf32>
    %add3A_51 = arith.addf %get3A_1, %mul3A_50 : vector<400x128xf32>
    %get3A_52 = arith.constant 0 : index
    %get3A_53 = arith.constant 0 : index
    %get3A_54 = vector.load %arg11[%get3A_52, %get3A_53] : memref<1x128xf32, #tpu.memory_space<vmem>>, vector<1x128xf32>
    %add3A_55 = vector.broadcast %get3A_54 : vector<1x128xf32> to vector<400x128xf32>
    %add3A_56 = arith.addf %add3A_51, %add3A_55 : vector<400x128xf32>
    %max3A_57 = arith.constant 0.000000e+00 : f32
    %max3A_58 = vector.broadcast %max3A_57 : f32 to vector<400x128xf32>
    %max3A_59 = arith.maximumf %add3A_56, %max3A_58 : vector<400x128xf32>
    %swap3A = arith.constant 0 : index
    %swap3A_60 = arith.constant 0 : index
    %swap3A_61 = vector.load %arg12[%swap3A, %swap3A_60] : memref<400x128xf32, #tpu.memory_space<vmem>>, vector<400x128xf32>
    tpu.vector_store %arg12[%swap3A, %swap3A_60], %max3A_59 {strides = array<i32>} : memref<400x128xf32, #tpu.memory_space<vmem>>, vector<400x128xf32>,
    return
  }
  func.func @transform_0(%arg0: i32) -> (i32, i32) {
    %c0_i32 = arith.constant 0 : i32
    %c0_i32_0 = arith.constant 0 : i32
    return %arg0, %c0_i32 : i32, i32
  }
  func.func @transform_1(%arg0: i32) -> (i32, i32) {
    %c0_i32 = arith.constant 0 : i32
    %c0_i32_0 = arith.constant 0 : i32
    return %arg0, %c0_i32 : i32, i32
  }
  func.func @transform_2(%arg0: i32) -> (i32, i32) {
    %c0_i32 = arith.constant 0 : i32
    %c0_i32_0 = arith.constant 0 : i32
    return %arg0, %c0_i32 : i32, i32
  }
  func.func @transform_3(%arg0: i32) -> (i32, i32) {
    %c0_i32 = arith.constant 0 : i32
    %c0_i32_0 = arith.constant 0 : i32
    %c0_i32_1 = arith.constant 0 : i32
    return %c0_i32, %c0_i32_0 : i32, i32
  }
  func.func @transform_4(%arg0: i32) -> (i32, i32) {
    %c0_i32 = arith.constant 0 : i32
    %c0_i32_0 = arith.constant 0 : i32
    %c0_i32_1 = arith.constant 0 : i32
    return %c0_i32, %c0_i32_0 : i32, i32
  }
  func.func @transform_5(%arg0: i32) -> (i32, i32) {
    %c0_i32 = arith.constant 0 : i32
    %c0_i32_0 = arith.constant 0 : i32
    %c0_i32_1 = arith.constant 0 : i32
    return %c0_i32, %c0_i32_0 : i32, i32
  }
  func.func @transform_6(%arg0: i32) -> (i32, i32) {
    %c0_i32 = arith.constant 0 : i32
    %c0_i32_0 = arith.constant 0 : i32
    %c0_i32_1 = arith.constant 0 : i32
    return %c0_i32, %c0_i32_0 : i32, i32
  }
  func.func @transform_7(%arg0: i32) -> (i32, i32) {
    %c0_i32 = arith.constant 0 : i32
    %c0_i32_0 = arith.constant 0 : i32
    %c0_i32_1 = arith.constant 0 : i32
    return %c0_i32, %c0_i32_0 : i32, i32
  }
  func.func @transform_8(%arg0: i32) -> (i32, i32) {
    %c0_i32 = arith.constant 0 : i32
    %c0_i32_0 = arith.constant 0 : i32
    %c0_i32_1 = arith.constant 0 : i32
    return %c0_i32, %c0_i32_0 : i32, i32
  }
  func.func @transform_9(%arg0: i32) -> (i32, i32) {
    %c0_i32 = arith.constant 0 : i32
    %c0_i32_0 = arith.constant 0 : i32
    %c0_i32_1 = arith.constant 0 : i32
    return %c0_i32, %c0_i32_0 : i32, i32
  }
  func.func @transform_10(%arg0: i32) -> (i32, i32) {
    %c0_i32 = arith.constant 0 : i32
    %c0_i32_0 = arith.constant 0 : i32
    %c0_i32_1 = arith.constant 0 : i32
    return %c0_i32, %c0_i32_0 : i32, i32
  }
  func.func @transform_11(%arg0: i32) -> (i32, i32) {
    %c0_i32 = arith.constant 0 : i32
    %c0_i32_0 = arith.constant 0 : i32
    return %arg0, %c0_i32 : i32, i32
  }
}

module attributes {stable_mosaic.version = 14 : i64} {
  func.func @_head_body(%arg0: memref<2000x128xf32, #tpu.memory_space<vmem>>, %arg1: memref<128x128xf32, #tpu.memory_space<vmem>>, %arg2: memref<1x128xf32, #tpu.memory_space<vmem>>, %arg3: memref<2000x128xf32, #tpu.memory_space<vmem>>) attributes {dimension_semantics = [], scalar_prefetch = 0 : i64, scratch_operands = 0 : i64, tpu.core_type = #tpu.core_type<tc>} {
    %get3A = arith.constant 0 : index
    %get3A_0 = arith.constant 0 : index
    %get3A_1 = vector.load %arg0[%get3A, %get3A_0] : memref<2000x128xf32, #tpu.memory_space<vmem>>, vector<2000x128xf32>
    %max3A = arith.constant 0.000000e+00 : f32
    %max3A_2 = vector.broadcast %max3A : f32 to vector<2000x128xf32>
    %max3A_3 = arith.maximumf %get3A_1, %max3A_2 : vector<2000x128xf32>
    %get3A_4 = arith.constant 0 : index
    %get3A_5 = arith.constant 0 : index
    %get3A_6 = vector.load %arg1[%get3A_4, %get3A_5] : memref<128x128xf32, #tpu.memory_space<vmem>>, vector<128x128xf32>
    %dot_general3A = arith.constant dense<0.000000e+00> : vector<2000x128xf32>
    %dot_general3A_7 = tpu.matmul %max3A_3, %get3A_6, %dot_general3A {dimension_numbers = #tpu.dot_dimension_numbers<[1], [0], [0], [1], [0, 0, 1, 1], [], []>, transpose_lhs_hint = false} : vector<2000x128xf32>, vector<128x128xf32>, vector<2000x128xf32> -> vector<2000x128xf32>
    %get3A_8 = arith.constant 0 : index
    %get3A_9 = arith.constant 0 : index
    %get3A_10 = vector.load %arg2[%get3A_8, %get3A_9] : memref<1x128xf32, #tpu.memory_space<vmem>>, vector<1x128xf32>
    %add3A = vector.broadcast %get3A_10 : vector<1x128xf32> to vector<2000x128xf32>
    %add3A_11 = arith.addf %dot_general3A_7, %add3A : vector<2000x128xf32>
    %max3A_12 = arith.constant 0.000000e+00 : f32
    %max3A_13 = vector.broadcast %max3A_12 : f32 to vector<2000x128xf32>
    %max3A_14 = arith.maximumf %add3A_11, %max3A_13 : vector<2000x128xf32>
    %swap3A = arith.constant 0 : index
    %swap3A_15 = arith.constant 0 : index
    %swap3A_16 = vector.load %arg3[%swap3A, %swap3A_15] : memref<2000x128xf32, #tpu.memory_space<vmem>>, vector<2000x128xf32>
    tpu.vector_store %arg3[%swap3A, %swap3A_15], %max3A_14 {strides = array<i32>} : memref<2000x128xf32, #tpu.memory_space<vmem>>, vector<2000x128xf32>,
    return
  }
}

</mosaic_0001>

<sc_bundles>
// kernel: kernel.18.cloned.1.call-start
scs
__scs_entry_jumppad:
0x0: {  	(pc) =	sbr.rel $0x88, $3  }
0x1: {  	(tag) =	ssettag $0x0;
	lr =	simm.s32 $0x1  }
0x2: {  	[smem:$0x3F93] =	sst lr;
	_ =	strace $0xD0000000  }
0x3: {  	_ = 	snop  }
0x4: {  	_ = 	snop  }
0x5: {  	_ = 	snop  }
0x6: {  	_ = 	snop  }
0x7: {  	_ = 	snop  }
__scs_overlays_trampoline_lowered:
0x8: {  	[smem:$0x3FA2] =	sst s0  }
0x9: {  	[smem:$0x3FA3] =	sst s1  }
0xa: {  	[smem:$0x3FA4] =	sst s2  }
0xb: {  	[smem:$0x3FA5] =	sst s3  }
0xc: {  	[smem:$0x3FA6] =	sst s4  }
0xd: {  	[smem:$0x3FA7] =	sst s5  }
0xe: {  	[smem:$0x3FA8] =	sst s6  }
0xf: {  	[smem:$0x3FA9] =	sst s7  }
0x10: {  	[smem:$0x3FAA] =	sst s8  }
0x11: {  	[smem:$0x3FAB] =	sst s9;
	s0 =	simm.s32 @!p0 $0x0  }
0x12: {  	s1 =	sld [smem:$0x3F91];
	s0 =	simm.s32 @p0 $0x1  }
0x13: {  	[smem:$0x3FAC] =	sst s0;
	s0 =	simm.s32 @!p1 $0x0  }
0x14: {  	s2 =	sld [smem:$0x3F90];
	s0 =	simm.s32 @p1 $0x1  }
0x15: {  	[smem:$0x3FAD] =	sst s0;
	s0 =	simm.s32 @!p2 $0x0  }
0x16: {  	s3 =	sld [smem:$0x3FDB];
	s0 =	simm.s32 @p2 $0x1  }
0x17: {  	s4 =	simm.s32 $0x1BF5;
	[smem:$0x3FAF] =	sst s0  }
0x18: {  	s0 =	sld [smem:$0x3F92];
	_ =	swait.ge [sflag:s4], $0x0  }
0x19: {  	s7 =	sld [smem:$0x3F93]  }
0x1a: {  	s8 =	sadd.s32 $0xFFFFE003, lr  }
0x1b: {  	s9 =	sadd.s32 $0xFFFFFEF7, lr;
	s5 =	simm.s32 $0xFFFFFFFF;
	p2 =	slt.u32 s8, $0xFFFFF086  }
0x1c: {  	p1 =	slt.u32 s9, $0xF7A;
	s5 =	simm.s32 @!p2 $0x0  }
0x1d: {  	s5 =	simm.s32 @p1 $0x1;
	p0 =	seq.s32 s7, s2  }
0x1e: {  	s7 =	smul.u32 @!p0 $0xF7A, s2;
	p2 =	seq.s32 @!p0 s5, $0x0  }
0x1f: {  	s9 =	smul.u32 $0xF7A, s1;
	s8 =	simm.s32 @!p0 $0x1BF5;
	p2 =	por !p2, p0  }
0x20: {  	[sflag:s8] =	ssyncset.s32 @!p0 $0xFFFFF086;
	s6 =	sadd.s32 @!p0 s3, s7;
	s7 =	simm.s32 @!p0 $0x108  }
0x21: {  	s3 =	sadd.s32 s3, s9;
	s6 =	sadd.s32 @!p0 $0x88, s6;
	s7 =	simm.s32 @p2 $0x1082  }
0x22: {  	[simem:s7], [sflag:s8] =	dma.local @!p0 [hbm:s6], $0xF7A  }
0x23: {  	s9 =	sor.u32 $0xD0000000, s2;
	s6 =	simm.s32 $0x108;
	_ =	swait.ge @!p0 [sflag:s8], $0x0  }
0x24: {  	s3 =	sadd.s32 $0x88, s3;
	s6 =	simm.s32 @!p1 $0x1082;
	[sflag:s4] =	ssyncset.s32 $0xFFFFF086  }
0x25: {  	[simem:s6], [sflag:s4] =	dma.local [hbm:s3], $0xF7A  }
0x26: {  	[smem:$0x3F93] =	sst s1;
	(tag) =	ssettag s2;
	_ =	strace s9  }
0x27: {  	s1 =	sld [smem:$0x3FA3]  }
0x28: {  	s2 =	sld [smem:$0x3FA4]  }
0x29: {  	s4 =	sld [smem:$0x3FA6]  }
0x2a: {  	p0 =	seq.s32 s5, $0x0;
	s5 =	sld [smem:$0x3FA7]  }
0x2b: {  	s6 =	sld [smem:$0x3FA8]  }
0x2c: {  	s7 =	sld [smem:$0x3FA9]  }
0x2d: {  	s3 =	simm.s32 $0x108;
	s8 =	sld [smem:$0x3FAA]  }
0x2e: {  	s3 =	simm.s32 @!p0 $0x1082;
	s9 =	sld [smem:$0x3FAB]  }
0x2f: {  	lr =	sadd.s32 s0, s3;
	s0 =	sld [smem:$0x3FA2]  }
0x30: {  	s3 =	sld [smem:$0x3FA5]  }
0x31: {  	[smem:$0x3FAE] =	sst s10  }
0x32: {  	s10 =	sld [smem:$0x3FAC];
	_ =	sdelay $0x3  }
0x33: {  	p0 =	seq.s32 s10, $0x1;
	s10 =	sld [smem:$0x3FAE];
	_ =	sdelay $0x3  }
0x34: {  	[smem:$0x3FAE] =	sst s10  }
0x35: {  	s10 =	sld [smem:$0x3FAD];
	_ =	sdelay $0x3  }
0x36: {  	p1 =	seq.s32 s10, $0x1;
	s10 =	sld [smem:$0x3FAE];
	_ =	sdelay $0x3  }
0x37: {  	[smem:$0x3FAE] =	sst s10  }
0x38: {  	s10 =	sld [smem:$0x3FAF]  }
0x39: {  	_ = 	snop;
	(pc) =	sbr.ind lr, $3  }
0x3a: {  	_ = 	snop  }
0x3b: {  	_ = 	snop  }
0x3c: {  	p2 =	seq.s32 s10, $0x1;
	s10 =	sld [smem:$0x3FAE]  }
0x3d: {  	_ =	shalt  }
0x3e: {  	_ =	shalt  }
0x3f: {  	_ =	shalt  }
0x40: {  	_ =	shalt  }
0x41: {  	_ =	shalt  }
0x42: {  	_ =	shalt  }
0x43: {  	_ =	shalt  }
0x44: {  	_ =	shalt  }
0x45: {  	_ =	shalt  }
0x46: {  	_ =	shalt  }
0x47: {  	_ =	shalt  }
0x48: {  	_ =	shalt  }
0x49: {  	_ =	shalt  }
0x4a: {  	_ =	shalt  }
0x4b: {  	_ =	shalt  }
0x4c: {  	_ =	shalt  }
0x4d: {  	_ =	shalt  }
0x4e: {  	_ =	shalt  }
0x4f: {  	_ =	shalt  }
0x50: {  	_ =	shalt  }
0x51: {  	_ =	shalt  }
0x52: {  	_ =	shalt  }
0x53: {  	_ =	shalt  }
0x54: {  	_ =	shalt  }
0x55: {  	_ =	shalt  }
0x56: {  	_ =	shalt  }
0x57: {  	_ =	shalt  }
0x58: {  	_ =	shalt  }
0x59: {  	_ =	shalt  }
0x5a: {  	_ =	shalt  }
0x5b: {  	_ =	shalt  }
0x5c: {  	_ =	shalt  }
0x5d: {  	_ =	shalt  }
0x5e: {  	_ =	shalt  }
0x5f: {  	_ =	shalt  }
0x60: {  	_ =	shalt  }
0x61: {  	_ =	shalt  }
0x62: {  	_ =	shalt  }
0x63: {  	_ =	shalt  }
0x64: {  	_ =	shalt  }
0x65: {  	_ =	shalt  }
0x66: {  	_ =	shalt  }
0x67: {  	_ =	shalt  }
0x68: {  	_ =	shalt  }
0x69: {  	_ =	shalt  }
0x6a: {  	_ =	shalt  }
0x6b: {  	_ =	shalt  }
0x6c: {  	_ =	shalt  }
0x6d: {  	_ =	shalt  }
0x6e: {  	_ =	shalt  }
0x6f: {  	_ =	shalt  }
0x70: {  	_ =	shalt  }
0x71: {  	_ =	shalt  }
0x72: {  	_ =	shalt  }
0x73: {  	_ =	shalt  }
0x74: {  	_ =	shalt  }
0x75: {  	_ =	shalt  }
0x76: {  	_ =	shalt  }
0x77: {  	_ =	shalt  }
0x78: {  	_ =	shalt  }
0x79: {  	_ =	shalt  }
0x7a: {  	_ =	shalt  }
0x7b: {  	_ =	shalt  }
0x7c: {  	_ =	shalt  }
0x7d: {  	_ =	shalt  }
0x7e: {  	_ =	shalt  }
0x7f: {  	_ =	shalt  }
0x80: {  	_ =	shalt  }
0x81: {  	_ =	shalt  }
0x82: {  	_ =	shalt  }
0x83: {  	_ =	shalt  }
0x84: {  	_ =	shalt  }
0x85: {  	_ =	shalt  }
0x86: {  	_ =	shalt  }
0x87: {  	_ =	shalt  }
.Lfunc_end0:
.L_simem_size_0:
called_computation_lowered:
.L_overlay_start_0:
0x88: {  	s2 =	sld [smem:$0x3FD9]  }
0x89: {  	s3 =	sld [smem:$0x3FFE];
	_ =	sdelay $0x1  }
0x8a: {  	s1 =	srdreg.scid  }
0x8b: {  	s0 =	sand.u32 $0x1, s1  }
0x8c: {  	s17 =	sshll.u32 s0, $0xA;
	s2 =	sadd.s32 s3, s2  }
0x8d: {  	s2 =	sadd.s32 s2, s17  }
0x8e: {  	[smem:$0x3FBA] =	sst s2  }
0x8f: {  	_ = 	snop  }
0x90: {  	s2 =	sld [smem:$0x3FC5];
	(tm) =	ssettm $0x1  }
0x91: {  	s18 =	sld [smem:$0x3FFB];
	_ =	sdelay $0x3  }
0x92: {  	_ =	strace s18  }
0x93: {  	s3 =	sld [smem:$0x3FFC];
	_ =	sdelay $0x3  }
0x94: {  	_ =	strace s3  }
0x95: {  	s3 =	sld [smem:$0x3FFD];
	_ =	sdelay $0x3  }
0x96: {  	_ =	strace s3  }
0x97: {  	_ =	strace $0x8FFFFFFF  }
0x98: {  	s19 =	sld [smem:$0x3FDB];
	_ =	sdelay $0x1  }
0x99: {  	s4 =	simm.s32 $_scs_section_size  }
0x9a: {  	s5 =	simm.s32 $_size__tile_overlayer_lowered;
	s6 =	simm.s32 $_tile_overlayer_lowered  }
0x9b: {  	s22 =	simm.s32 $0x1BFF;
	s21 =	sshll.u32 s6, $0x1;
	s3 =	sadd.s32 s4, s19  }
0x9c: {  	s7 =	simm.s32 $0x0;
	s20 =	sshll.u32 s5, $0x1;
	s5 =	sadd.s32 s21, s3  }
0x9d: {  	[timem:s7], [sflag:s22] =	dma.local [hbm:s5], s20  }
0x9e: {  	_ =	swait.ge [sflag:s22], s20  }
0x9f: {  	s4 =	ssub.s32 $0x0, s20;
	[sflag:s22] =	ssyncset.done $0x0  }
0xa0: {  	[sflag:s22] =	ssyncadd.s32 s4;
	_ =	sdelay $0x1  }
0xa1: {  	s23 =	simm.s32 $0x1B8B  }
0xa2: {  	_ =	swait.ge [sflag:s23], $0x1  }
0xa3: {  	[sflag:s23] =	ssyncset.done $0x0  }
0xa4: {  	s25 =	simm.s32 $0x1B8E;
	s24 =	sld [smem:$0x3FFE];
	[sflag:s23] =	ssyncadd.s32 $0xFFFFFFFF  }
0xa5: {  	s26 =	simm.s32 $execute0_lowered;
	[smem:$0x3FD2] =	sst s25  }
0xa6: {  	s5 =	sshll.u32 s26, $0x1;
	_ =	strace $0x80000046;
	[dreg:$0x1] =	wrdreg $0xFFFFFFFF  }
0xa7: {  	s28 =	simm.s32 $_size_execute0_lowered;
	s3 =	sadd.s32 s3, s5;
	[dreg:$0x0] =	wrdreg $0x0  }
0xa8: {  	s5 =	sshll.u32 s28, $0x1;
	[dreg:$0x2] =	wrdreg s3  }
0xa9: {  	[dreg:$0x3] =	wrdreg s5  }
0xaa: {  	[dreg:$0x4] =	wrdreg $0xC0  }
0xab: {  	_ =	task [dreg:s7], $0x5FFFF  }
0xac: {  	[dreg:$0x1] =	wrdreg $0xFFFFFFFF  }
0xad: {  	[dreg:$0x0] =	wrdreg $0x60  }
0xae: {  	[dreg:$0x2] =	wrdreg s2  }
0xaf: {  	[dreg:$0x3] =	wrdreg s24  }
0xb0: {  	[dreg:$0x4] =	wrdreg $0x0  }
0xb1: {  	[dreg:$0x5] =	wrdreg $0x9  }
0xb2: {  	_ =	task.clear_ibuf [dreg:s7], $0x6FFFF;
	_ =	strace $0x90000046  }
0xb3: {  	s29 =	simm.s32 $0x9;
	_ =	strace $0x80000048  }
0xb4: {  	_ =	swait.ge [sflag:s29], $0x1  }
0xb5: {  	[sflag:s29] =	ssyncadd.s32 $0xFFFFFFFF  }
0xb6: {  	_ =	strace $0x90000048  }
0xb7: {  	_ =	sfence  }
0xb8: {  	s30 =	sld [smem:$0x0];
	_ =	sdelay $0x2  }
0xb9: {  	s31 =	sshll.u32 s1, $0xD;
	s1 =	sshrl.u32 s1, $0x2  }
0xba: {  	s3 =	sand.u32 $0x4000, s31;
	s1 =	sadd.s32 s1, s30  }
0xbb: {  	s0 =	sor.u32 s3, s0;
	s1 =	sshll.u32 s1, $0x11  }
0xbc: {  	s0 =	sor.u32 s1, s0  }
0xbd: {  	s0 =	sadd.s32 $0x8F2B, s0  }
0xbe: {  	[sflag:s0] =	ssyncadd.remote.s32 $0x1  }
0xbf: {  	_ =	sfence.sel $0xFFFF  }
0xc0: {  	[dreg:$0x0] =	wrdreg $0xFFFFFFFF;
	(pc) =	sbr.abs _section_cstart, $3  }
0xc1: {  	[dreg:$0x1] =	wrdreg $0xFFFFFFFF  }
0xc2: {  	_ =	task.clear_ibuf [dreg:s7], $0x2FFFF;
	_ =	strace $0x9FFFFFFF  }
0xc3: {  	(tm) =	ssettm $0x7FFFFFFF  }
tec
execute0_lowered:
.L_overlay_start_1:
0x0: {  	(tag) =	ssettag $0x1  }
0x1: {  	s0 =	rddreg [dreg:$0x0]  }
0x2: {  	s4 =	rddreg [dreg:$0x1]  }
0x3: {  	s1 =	srdreg.scid;
	s2 =	rddreg [dreg:$0x2]  }
0x4: {  	s5 =	stileid.u32;
	s29 =	rddreg [dreg:$0x3];
	s28 =	simm.s32 $0x5  }
0x5: {  	s8 =	simm.s32 $0x50;
	s15 =	simm.s32 $0x5A0;
	s16 =	simm.s32 $0x2DA0  }
0x6: {  	s17 =	simm.s32 $0x1;
	s22 =	simm.s32 $0x3C0;
	s7 =	simm.s32 $0x55A0  }
0x7: {  	s23 =	simm.s32 $0x410;
	s9 =	simm.s32 $0x7DA0;
	s20 =	simm.s32 $0x460  }
0x8: {  	s21 =	simm.s32 $0x4B0;
	s12 =	simm.s32 $0x2;
	p1 =	por $0x0, $0x0  }
0x9: {  	s19 =	simm.s32 $0x550;
	[dreg:$0x4] =	wrdreg s0;
	s24 =	sand.u32 $0x1, s1  }
0xa: {  	s6 =	smul.u32 $0x280, s5;
	s1 =	simm.s32 $0x0;
	p0 =	sne.s32 s5, $0x0  }
0xb: {  	s5 =	simm.s32 $0x3;
	s3 =	smul.u32 $0x2800, s24;
	s0 =	ssub.s32 $0x2, s24  }
0xc: {  	[smem:$0x7FF] =	sst s1;
	s24 =	simm.s32 $0x320;
	s26 =	sshrl.u32 s0, $0x1  }
0xd: {  	_ =	strace $0x80000047;
	s3 =	sadd.s32 s6, s3;
	s0 =	ssub.s32 s0, s26  }
0xe: {  	s26 =	sshrl.u32 @!p0 s2, $0x3;
	s6 =	sshrl.u32 s3, $0x3;
	s0 =	smax.u32 s0, $0x1  }
0xf: {  	s3 =	sshll.u32 s3, $0x4;
	s6 =	sadd.s32 s6, s4;
	s18 =	sadd.s32 $0xFFFFFFFF, s0  }
0x10: {  	s4 =	sadd.s32 s3, s4;
	s25 =	sadd.s32 $0xB400, s6;
	p2 =	sne.s32 s18, $0x0  }
.Ltmp0:
0x11: {  	s30 =	sadd.s32 $0xBE00, s4;
	s31 =	sadd.s32 $0xC300, s4;
	(pc) =	sbr.rel @!p2 .LBB2_1-.Ltmp0, $4  }
0x12: {  	s13 =	sadd.s32 $0xC800, s4;
	s14 =	sadd.s32 $0xCD00, s4;
	[dreg:$0x5] =	wrdreg s25  }
0x13: {  	s10 =	sadd.s32 $0xD200, s4;
	s11 =	sadd.s32 $0xD700, s4;
	[dreg:$0x6] =	wrdreg s30  }
0x14: {  	s3 =	sadd.s32 $0xDC00, s4;
	s4 =	sadd.s32 $0xE100, s4;
	[dreg:$0x7] =	wrdreg s31  }
0x15: {  	s6 =	simm.s32 $0x4;
	s25 =	simm.s32 $0x370;
	s0 =	rddreg [dreg:$0x5]  }
0x16: {  	[tilespmem:s24], [sflag:$0x5] =	stream.linear.gather [hbm4b:s0+s1], $0x280, $0x38;
	[tilespmem:$0xA5A0] =	vst v63  }
0x17: {  	_ =	swait.ge [sflag:s28], $0x280  }
0x18: {  	s29 =	simm.s32 @!p0 $0x1C05;
	[sflag:s28] =	ssyncset.done $0x0  }
0x19: {  	s30 =	simm.s32 @!p0 $0x5;
	s0 =	rddreg [dreg:$0x4];
	[sflag:s28] =	ssyncadd.s32 $0xFFFFFD80  }
0x1a: {  	[spmem:s26], [sflag:s29] =	dma.local @!p0 [hbm:s0], $0x640  }
0x1b: {  	_ =	swait.ge @!p0 [sflag:s30], $0x640  }
0x1c: {  	[sflag:s30] =	ssyncset.done @!p0 $0x0  }
0x1d: {  	[sflag:s30] =	ssyncadd.s32 @!p0 $0xFFFFF9C0  }
0x1e: {  	[bflag:$0x0] =	sbarrier.arrive $0xFFFF  }
0x1f: {  	[tilespmem:s15], [sflag:$0x1] =	stream.indirect.gather [spmem:s2], $0x80, s24, s8, $0xb8;
	[tilespmem:$0xA5A0] =	vst v63  }
0x20: {  	_ = 	snop  }
0x21: {  	[tilespmem:s16], [sflag:$0x1] =	stream.indirect.gather [spmem:s2], $0x80, s25, s8, $0xb8;
	[tilespmem:$0xA5A0] =	vst v63  }
0x22: {  	_ =	swait.ge [sflag:s17], $0x2800  }
0x23: {  	[sflag:s17] =	ssyncset.done $0x0  }
0x24: {  	[sflag:s17] =	ssyncadd.s32 $0xFFFFD800  }
0x25: {  	_ =	swait.ge [sflag:s17], $0x2800  }
0x26: {  	[sflag:s17] =	ssyncset.done $0x0  }
0x27: {  	s0 =	rddreg [dreg:$0x6];
	[sflag:s17] =	ssyncadd.s32 $0xFFFFD800  }
0x28: {  	[hbm4b:s0+s1] =	stream.linear.scatter [tilespmem:s15], [sflag:$0x3], $0x2800, $0x38;
	[tilespmem:$0xA5A0] =	vst v63  }
0x29: {  	s31 =	rddreg [dreg:$0x7]  }
0x2a: {  	[hbm4b:s31+s1] =	stream.linear.scatter [tilespmem:s16], [sflag:$0x3], $0x2800, $0x38;
	[tilespmem:$0xA5A0] =	vst v63  }
0x2b: {  	_ = 	snop  }
0x2c: {  	[tilespmem:s7], [sflag:$0x2] =	stream.indirect.gather [spmem:s2], $0x80, s22, s8, $0xb8;
	[tilespmem:$0xA5A0] =	vst v63  }
0x2d: {  	_ = 	snop  }
0x2e: {  	[tilespmem:s9], [sflag:$0x2] =	stream.indirect.gather [spmem:s2], $0x80, s23, s8, $0xb8;
	[tilespmem:$0xA5A0] =	vst v63  }
0x2f: {  	_ =	swait.ge [sflag:s5], $0x2800  }
0x30: {  	[sflag:s5] =	ssyncset.done $0x0  }
0x31: {  	[sflag:s5] =	ssyncadd.s32 $0xFFFFD800  }
0x32: {  	_ =	swait.ge [sflag:s5], $0x2800  }
0x33: {  	[sflag:s5] =	ssyncset.done $0x0  }
0x34: {  	[sflag:s5] =	ssyncadd.s32 $0xFFFFD800  }
0x35: {  	[tilespmem:s15], [sflag:$0x1] =	stream.indirect.gather [spmem:s2], $0x80, s20, s8, $0xb8;
	[tilespmem:$0xA5A0] =	vst v63  }
0x36: {  	_ = 	snop  }
0x37: {  	[tilespmem:s16], [sflag:$0x1] =	stream.indirect.gather [spmem:s2], $0x80, s21, s8, $0xb8;
	[tilespmem:$0xA5A0] =	vst v63  }
0x38: {  	_ =	swait.ge [sflag:s12], $0x2800  }
0x39: {  	[sflag:s12] =	ssyncset.done $0x0  }
0x3a: {  	[sflag:s12] =	ssyncadd.s32 $0xFFFFD800  }
0x3b: {  	_ =	swait.ge [sflag:s12], $0x2800  }
0x3c: {  	[sflag:s12] =	ssyncset.done $0x0  }
0x3d: {  	[sflag:s12] =	ssyncadd.s32 $0xFFFFD800  }
0x3e: {  	[hbm4b:s13+s1] =	stream.linear.scatter [tilespmem:s7], [sflag:$0x4], $0x2800, $0x38;
	[tilespmem:$0xA5A0] =	vst v63  }
0x3f: {  	_ = 	snop  }
0x40: {  	[hbm4b:s14+s1] =	stream.linear.scatter [tilespmem:s9], [sflag:$0x4], $0x2800, $0x38;
	[tilespmem:$0xA5A0] =	vst v63  }
0x41: {  	_ =	swait.ge [sflag:s17], $0x2800  }
0x42: {  	[sflag:s17] =	ssyncset.done $0x0  }
0x43: {  	[sflag:s17] =	ssyncadd.s32 $0xFFFFD800  }
0x44: {  	_ =	swait.ge [sflag:s17], $0x2800  }
0x45: {  	[sflag:s17] =	ssyncset.done $0x0  }
0x46: {  	[sflag:s17] =	ssyncadd.s32 $0xFFFFD800  }
0x47: {  	[hbm4b:s10+s1] =	stream.linear.scatter [tilespmem:s15], [sflag:$0x3], $0x2800, $0x38;
	[tilespmem:$0xA5A0] =	vst v63  }
0x48: {  	_ = 	snop  }
0x49: {  	[hbm4b:s11+s1] =	stream.linear.scatter [tilespmem:s16], [sflag:$0x3], $0x2800, $0x38;
	[tilespmem:$0xA5A0] =	vst v63  }
0x4a: {  	_ =	swait.ge [sflag:s6], $0x2800  }
0x4b: {  	[sflag:s6] =	ssyncset.done $0x0  }
0x4c: {  	[sflag:s6] =	ssyncadd.s32 $0xFFFFD800  }
0x4d: {  	_ =	swait.ge [sflag:s6], $0x2800  }
0x4e: {  	[sflag:s6] =	ssyncset.done $0x0  }
0x4f: {  	s0 =	simm.s32 $0x500;
	[sflag:s6] =	ssyncadd.s32 $0xFFFFD800  }
0x50: {  	[tilespmem:s7], [sflag:$0x2] =	stream.indirect.gather [spmem:s2], $0x80, s0, s8, $0xb8;
	[tilespmem:$0xA5A0] =	vst v63  }
0x51: {  	_ = 	snop  }
0x52: {  	[tilespmem:s9], [sflag:$0x2] =	stream.indirect.gather [spmem:s2], $0x80, s19, s8, $0xb8;
	[tilespmem:$0xA5A0] =	vst v63  }
0x53: {  	_ =	swait.ge [sflag:s12], $0x2800  }
0x54: {  	[sflag:s12] =	ssyncset.done $0x0  }
0x55: {  	[sflag:s12] =	ssyncadd.s32 $0xFFFFD800  }
0x56: {  	_ =	swait.ge [sflag:s12], $0x2800  }
0x57: {  	[sflag:s12] =	ssyncset.done $0x0  }
0x58: {  	[sflag:s12] =	ssyncadd.s32 $0xFFFFD800  }
0x59: {  	[hbm4b:s3+s1] =	stream.linear.scatter [tilespmem:s7], [sflag:$0x4], $0x2800, $0x38;
	[tilespmem:$0xA5A0] =	vst v63  }
0x5a: {  	_ = 	snop  }
0x5b: {  	[hbm4b:s4+s1] =	stream.linear.scatter [tilespmem:s9], [sflag:$0x4], $0x2800, $0x38;
	[tilespmem:$0xA5A0] =	vst v63  }
0x5c: {  	_ =	swait.ge [sflag:s5], $0x2800  }
0x5d: {  	[sflag:s5] =	ssyncset.done $0x0  }
0x5e: {  	[sflag:s5] =	ssyncadd.s32 $0xFFFFD800  }
0x5f: {  	_ =	swait.ge [sflag:s5], $0x2800  }
0x60: {  	s31 =	sadd.s32 $0xFFFFFFFF, s18;
	[sflag:s5] =	ssyncset.done $0x0  }
0x61: {  	p2 =	sne.s32 s31, $0x0;
	[sflag:s5] =	ssyncadd.s32 $0xFFFFD800  }
.Ltmp1:
0x62: {  	_ =	swait.ge [sflag:s6], $0x2800;
	(pc) =	sbr.rel @!p2 .LBB2_3-.Ltmp1, $4  }
0x63: {  	[sflag:s6] =	ssyncset.done $0x0  }
0x64: {  	[sflag:s6] =	ssyncadd.s32 $0xFFFFD800  }
0x65: {  	_ =	swait.ge [sflag:s6], $0x2800  }
0x66: {  	p1 =	por $0x1, $0x1;
	s0 =	rddreg [dreg:$0x5];
	[sflag:s6] =	ssyncset.done $0x0  }
.LBB2_4:
0x67: {  	[sflag:s6] =	ssyncadd.s32 $0xFFFFD800  }
0x68: {  	[tilespmem:s24], [sflag:$0x5] =	stream.linear.gather [hbm4b:s0+s1], $0x280, $0x38;
	[tilespmem:$0xA5A0] =	vst v63  }
0x69: {  	_ =	swait.ge [sflag:s28], $0x280  }
0x6a: {  	[sflag:s28] =	ssyncset.done $0x0  }
0x6b: {  	s0 =	rddreg [dreg:$0x4];
	[sflag:s28] =	ssyncadd.s32 $0xFFFFFD80  }
0x6c: {  	[spmem:s26], [sflag:s29] =	dma.local @!p0 [hbm:s0], $0x640  }
0x6d: {  	_ =	swait.ge @!p0 [sflag:s30], $0x640  }
0x6e: {  	[sflag:s30] =	ssyncset.done @!p0 $0x0  }
0x6f: {  	[sflag:s30] =	ssyncadd.s32 @!p0 $0xFFFFF9C0  }
0x70: {  	[bflag:$0x0] =	sbarrier.arrive $0xFFFF  }
0x71: {  	[tilespmem:s15], [sflag:$0x1] =	stream.indirect.gather [spmem:s2], $0x80, s24, s8, $0xb8;
	[tilespmem:$0xA5A0] =	vst v63  }
0x72: {  	_ = 	snop  }
0x73: {  	[tilespmem:s16], [sflag:$0x1] =	stream.indirect.gather [spmem:s2], $0x80, s25, s8, $0xb8;
	[tilespmem:$0xA5A0] =	vst v63  }
0x74: {  	_ =	swait.ge [sflag:s17], $0x2800  }
0x75: {  	[sflag:s17] =	ssyncset.done $0x0  }
0x76: {  	[sflag:s17] =	ssyncadd.s32 $0xFFFFD800  }
0x77: {  	_ =	swait.ge [sflag:s17], $0x2800  }
0x78: {  	[sflag:s17] =	ssyncset.done $0x0  }
0x79: {  	s0 =	rddreg [dreg:$0x6];
	[sflag:s17] =	ssyncadd.s32 $0xFFFFD800  }
0x7a: {  	[hbm4b:s0+s1] =	stream.linear.scatter [tilespmem:s15], [sflag:$0x3], $0x2800, $0x38;
	[tilespmem:$0xA5A0] =	vst v63  }
0x7b: {  	s18 =	rddreg [dreg:$0x7]  }
0x7c: {  	[hbm4b:s18+s1] =	stream.linear.scatter [tilespmem:s16], [sflag:$0x3], $0x2800, $0x38;
	[tilespmem:$0xA5A0] =	vst v63  }
0x7d: {  	_ = 	snop  }
0x7e: {  	[tilespmem:s7], [sflag:$0x2] =	stream.indirect.gather [spmem:s2], $0x80, s22, s8, $0xb8;
	[tilespmem:$0xA5A0] =	vst v63  }
0x7f: {  	_ = 	snop  }
0x80: {  	[tilespmem:s9], [sflag:$0x2] =	stream.indirect.gather [spmem:s2], $0x80, s23, s8, $0xb8;
	[tilespmem:$0xA5A0] =	vst v63  }
0x81: {  	_ =	swait.ge [sflag:s5], $0x2800  }
0x82: {  	[sflag:s5] =	ssyncset.done $0x0  }
0x83: {  	[sflag:s5] =	ssyncadd.s32 $0xFFFFD800  }
0x84: {  	_ =	swait.ge [sflag:s5], $0x2800  }
0x85: {  	[sflag:s5] =	ssyncset.done $0x0  }
0x86: {  	[sflag:s5] =	ssyncadd.s32 $0xFFFFD800  }
0x87: {  	[tilespmem:s15], [sflag:$0x1] =	stream.indirect.gather [spmem:s2], $0x80, s20, s8, $0xb8;
	[tilespmem:$0xA5A0] =	vst v63  }
0x88: {  	_ = 	snop  }
0x89: {  	[tilespmem:s16], [sflag:$0x1] =	stream.indirect.gather [spmem:s2], $0x80, s21, s8, $0xb8;
	[tilespmem:$0xA5A0] =	vst v63  }
0x8a: {  	_ =	swait.ge [sflag:s12], $0x2800  }
0x8b: {  	[sflag:s12] =	ssyncset.done $0x0  }
0x8c: {  	[sflag:s12] =	ssyncadd.s32 $0xFFFFD800  }
0x8d: {  	_ =	swait.ge [sflag:s12], $0x2800  }
0x8e: {  	[sflag:s12] =	ssyncset.done $0x0  }
0x8f: {  	[sflag:s12] =	ssyncadd.s32 $0xFFFFD800  }
0x90: {  	[hbm4b:s13+s1] =	stream.linear.scatter [tilespmem:s7], [sflag:$0x4], $0x2800, $0x38;
	[tilespmem:$0xA5A0] =	vst v63  }
0x91: {  	_ = 	snop  }
0x92: {  	[hbm4b:s14+s1] =	stream.linear.scatter [tilespmem:s9], [sflag:$0x4], $0x2800, $0x38;
	[tilespmem:$0xA5A0] =	vst v63  }
0x93: {  	_ =	swait.ge [sflag:s17], $0x2800  }
0x94: {  	[sflag:s17] =	ssyncset.done $0x0  }
0x95: {  	[sflag:s17] =	ssyncadd.s32 $0xFFFFD800  }
0x96: {  	_ =	swait.ge [sflag:s17], $0x2800  }
0x97: {  	[sflag:s17] =	ssyncset.done $0x0  }
0x98: {  	[sflag:s17] =	ssyncadd.s32 $0xFFFFD800  }
0x99: {  	[hbm4b:s10+s1] =	stream.linear.scatter [tilespmem:s15], [sflag:$0x3], $0x2800, $0x38;
	[tilespmem:$0xA5A0] =	vst v63  }
0x9a: {  	_ = 	snop  }
0x9b: {  	[hbm4b:s11+s1] =	stream.linear.scatter [tilespmem:s16], [sflag:$0x3], $0x2800, $0x38;
	[tilespmem:$0xA5A0] =	vst v63  }
0x9c: {  	_ =	swait.ge [sflag:s6], $0x2800  }
0x9d: {  	[sflag:s6] =	ssyncset.done $0x0  }
0x9e: {  	[sflag:s6] =	ssyncadd.s32 $0xFFFFD800  }
0x9f: {  	_ =	swait.ge [sflag:s6], $0x2800  }
0xa0: {  	[sflag:s6] =	ssyncset.done $0x0  }
0xa1: {  	s18 =	simm.s32 $0x500;
	[sflag:s6] =	ssyncadd.s32 $0xFFFFD800  }
0xa2: {  	[tilespmem:s7], [sflag:$0x2] =	stream.indirect.gather [spmem:s2], $0x80, s18, s8, $0xb8;
	[tilespmem:$0xA5A0] =	vst v63  }
0xa3: {  	_ = 	snop  }
0xa4: {  	[tilespmem:s9], [sflag:$0x2] =	stream.indirect.gather [spmem:s2], $0x80, s19, s8, $0xb8;
	[tilespmem:$0xA5A0] =	vst v63  }
0xa5: {  	_ =	swait.ge [sflag:s12], $0x2800  }
0xa6: {  	[sflag:s12] =	ssyncset.done $0x0  }
0xa7: {  	[sflag:s12] =	ssyncadd.s32 $0xFFFFD800  }
0xa8: {  	_ =	swait.ge [sflag:s12], $0x2800  }
0xa9: {  	[sflag:s12] =	ssyncset.done $0x0  }
0xaa: {  	[sflag:s12] =	ssyncadd.s32 $0xFFFFD800  }
0xab: {  	[hbm4b:s3+s1] =	stream.linear.scatter [tilespmem:s7], [sflag:$0x4], $0x2800, $0x38;
	[tilespmem:$0xA5A0] =	vst v63  }
0xac: {  	_ = 	snop  }
0xad: {  	[hbm4b:s4+s1] =	stream.linear.scatter [tilespmem:s9], [sflag:$0x4], $0x2800, $0x38;
	[tilespmem:$0xA5A0] =	vst v63  }
0xae: {  	_ =	swait.ge [sflag:s5], $0x2800  }
0xaf: {  	[sflag:s5] =	ssyncset.done $0x0  }
0xb0: {  	[sflag:s5] =	ssyncadd.s32 $0xFFFFD800  }
0xb1: {  	_ =	swait.ge [sflag:s5], $0x2800  }
0xb2: {  	s31 =	sadd.s32 $0xFFFFFFFF, s31;
	[sflag:s5] =	ssyncset.done $0x0  }
0xb3: {  	p2 =	sne.s32 s31, $0x0;
	[sflag:s5] =	ssyncadd.s32 $0xFFFFD800  }
.Ltmp2:
0xb4: {  	_ =	swait.ge [sflag:s6], $0x2800;
	(pc) =	sbr.rel @p2 .LBB2_4-.Ltmp2, $4  }
0xb5: {  	[sflag:s6] =	ssyncset.done $0x0  }
0xb6: {  	[sflag:s6] =	ssyncadd.s32 $0xFFFFD800  }
0xb7: {  	_ =	swait.ge [sflag:s6], $0x2800  }
0xb8: {  	s0 =	rddreg [dreg:$0x5];
	[sflag:s6] =	ssyncset.done $0x0  }
0xb9: {  	s30 =	simm.s32 $0x500;
	s29 =	rddreg [dreg:$0x3]  }
.LBB2_6:
0xba: {  	[sflag:s6] =	ssyncadd.s32 @p1 $0xFFFFD800  }
0xbb: {  	[tilespmem:s24], [sflag:$0x5] =	stream.linear.gather [hbm4b:s0+s1], $0x280, $0x38;
	[tilespmem:$0xA5A0] =	vst v63  }
0xbc: {  	_ =	swait.ge [sflag:s28], $0x280  }
0xbd: {  	[sflag:s28] =	ssyncset.done $0x0  }
0xbe: {  	s18 =	simm.s32 @!p0 $0x1C05;
	s0 =	rddreg [dreg:$0x4];
	[sflag:s28] =	ssyncadd.s32 $0xFFFFFD80  }
0xbf: {  	[spmem:s26], [sflag:s18] =	dma.local @!p0 [hbm:s0], $0x640  }
0xc0: {  	s0 =	simm.s32 @!p0 $0x5  }
0xc1: {  	_ =	swait.ge @!p0 [sflag:s0], $0x640  }
0xc2: {  	[sflag:s0] =	ssyncset.done @!p0 $0x0  }
0xc3: {  	[sflag:s0] =	ssyncadd.s32 @!p0 $0xFFFFF9C0  }
0xc4: {  	[bflag:$0x0] =	sbarrier.arrive $0xFFFF  }
0xc5: {  	[tilespmem:s15], [sflag:$0x1] =	stream.indirect.gather [spmem:s2], $0x80, s24, s8, $0xb8;
	[tilespmem:$0xA5A0] =	vst v63  }
0xc6: {  	_ = 	snop  }
0xc7: {  	[tilespmem:s16], [sflag:$0x1] =	stream.indirect.gather [spmem:s2], $0x80, s25, s8, $0xb8;
	[tilespmem:$0xA5A0] =	vst v63  }
0xc8: {  	_ =	swait.ge [sflag:s17], $0x2800  }
0xc9: {  	[sflag:s17] =	ssyncset.done $0x0  }
0xca: {  	[sflag:s17] =	ssyncadd.s32 $0xFFFFD800  }
0xcb: {  	_ =	swait.ge [sflag:s17], $0x2800  }
0xcc: {  	[sflag:s17] =	ssyncset.done $0x0  }
0xcd: {  	s28 =	rddreg [dreg:$0x6];
	[sflag:s17] =	ssyncadd.s32 $0xFFFFD800  }
0xce: {  	[hbm4b:s28+s1] =	stream.linear.scatter [tilespmem:s15], [sflag:$0x3], $0x2800, $0x38;
	[tilespmem:$0xA5A0] =	vst v63  }
0xcf: {  	s31 =	rddreg [dreg:$0x7]  }
0xd0: {  	[hbm4b:s31+s1] =	stream.linear.scatter [tilespmem:s16], [sflag:$0x3], $0x2800, $0x38;
	[tilespmem:$0xA5A0] =	vst v63  }
0xd1: {  	_ = 	snop  }
0xd2: {  	[tilespmem:s7], [sflag:$0x2] =	stream.indirect.gather [spmem:s2], $0x80, s22, s8, $0xb8;
	[tilespmem:$0xA5A0] =	vst v63  }
0xd3: {  	_ = 	snop  }
0xd4: {  	[tilespmem:s9], [sflag:$0x2] =	stream.indirect.gather [spmem:s2], $0x80, s23, s8, $0xb8;
	[tilespmem:$0xA5A0] =	vst v63  }
0xd5: {  	_ =	swait.ge [sflag:s5], $0x2800  }
0xd6: {  	[sflag:s5] =	ssyncset.done $0x0  }
0xd7: {  	[sflag:s5] =	ssyncadd.s32 $0xFFFFD800  }
0xd8: {  	_ =	swait.ge [sflag:s5], $0x2800  }
0xd9: {  	[sflag:s5] =	ssyncset.done $0x0  }
0xda: {  	[sflag:s5] =	ssyncadd.s32 $0xFFFFD800  }
0xdb: {  	[tilespmem:s15], [sflag:$0x1] =	stream.indirect.gather [spmem:s2], $0x80, s20, s8, $0xb8;
	[tilespmem:$0xA5A0] =	vst v63  }
0xdc: {  	_ = 	snop  }
0xdd: {  	[tilespmem:s16], [sflag:$0x1] =	stream.indirect.gather [spmem:s2], $0x80, s21, s8, $0xb8;
	[tilespmem:$0xA5A0] =	vst v63  }
0xde: {  	_ =	swait.ge [sflag:s12], $0x2800  }
0xdf: {  	[sflag:s12] =	ssyncset.done $0x0  }
0xe0: {  	[sflag:s12] =	ssyncadd.s32 $0xFFFFD800  }
0xe1: {  	_ =	swait.ge [sflag:s12], $0x2800  }
0xe2: {  	[sflag:s12] =	ssyncset.done $0x0  }
0xe3: {  	[sflag:s12] =	ssyncadd.s32 $0xFFFFD800  }
0xe4: {  	[hbm4b:s13+s1] =	stream.linear.scatter [tilespmem:s7], [sflag:$0x4], $0x2800, $0x38;
	[tilespmem:$0xA5A0] =	vst v63  }
0xe5: {  	_ = 	snop  }
0xe6: {  	[hbm4b:s14+s1] =	stream.linear.scatter [tilespmem:s9], [sflag:$0x4], $0x2800, $0x38;
	[tilespmem:$0xA5A0] =	vst v63  }
0xe7: {  	_ =	swait.ge [sflag:s17], $0x2800  }
0xe8: {  	[sflag:s17] =	ssyncset.done $0x0  }
0xe9: {  	[sflag:s17] =	ssyncadd.s32 $0xFFFFD800  }
0xea: {  	_ =	swait.ge [sflag:s17], $0x2800  }
0xeb: {  	[sflag:s17] =	ssyncset.done $0x0  }
0xec: {  	[sflag:s17] =	ssyncadd.s32 $0xFFFFD800  }
0xed: {  	[hbm4b:s10+s1] =	stream.linear.scatter [tilespmem:s15], [sflag:$0x3], $0x2800, $0x38;
	[tilespmem:$0xA5A0] =	vst v63  }
0xee: {  	_ = 	snop  }
0xef: {  	[hbm4b:s11+s1] =	stream.linear.scatter [tilespmem:s16], [sflag:$0x3], $0x2800, $0x38;
	[tilespmem:$0xA5A0] =	vst v63  }
0xf0: {  	_ =	swait.ge [sflag:s6], $0x2800  }
0xf1: {  	[sflag:s6] =	ssyncset.done $0x0  }
0xf2: {  	[sflag:s6] =	ssyncadd.s32 $0xFFFFD800  }
0xf3: {  	_ =	swait.ge [sflag:s6], $0x2800  }
0xf4: {  	[sflag:s6] =	ssyncset.done $0x0  }
0xf5: {  	[sflag:s6] =	ssyncadd.s32 $0xFFFFD800  }
0xf6: {  	[tilespmem:s7], [sflag:$0x2] =	stream.indirect.gather [spmem:s2], $0x80, s30, s8, $0xb8;
	[tilespmem:$0xA5A0] =	vst v63  }
0xf7: {  	_ = 	snop  }
0xf8: {  	[tilespmem:s9], [sflag:$0x2] =	stream.indirect.gather [spmem:s2], $0x80, s19, s8, $0xb8;
	[tilespmem:$0xA5A0] =	vst v63  }
0xf9: {  	_ =	swait.ge [sflag:s12], $0x2800  }
0xfa: {  	[sflag:s12] =	ssyncset.done $0x0  }
0xfb: {  	[sflag:s12] =	ssyncadd.s32 $0xFFFFD800  }
0xfc: {  	_ =	swait.ge [sflag:s12], $0x2800  }
0xfd: {  	[sflag:s12] =	ssyncset.done $0x0  }
0xfe: {  	[sflag:s12] =	ssyncadd.s32 $0xFFFFD800  }
0xff: {  	[hbm4b:s3+s1] =	stream.linear.scatter [tilespmem:s7], [sflag:$0x4], $0x2800, $0x38;
	[tilespmem:$0xA5A0] =	vst v63  }
0x100: {  	_ = 	snop  }
0x101: {  	[hbm4b:s4+s1] =	stream.linear.scatter [tilespmem:s9], [sflag:$0x4], $0x2800, $0x38;
	[tilespmem:$0xA5A0] =	vst v63  }
0x102: {  	_ =	swait.ge [sflag:s5], $0x2800  }
0x103: {  	[sflag:s5] =	ssyncset.done $0x0  }
0x104: {  	[sflag:s5] =	ssyncadd.s32 $0xFFFFD800  }
0x105: {  	_ =	swait.ge [sflag:s5], $0x2800  }
0x106: {  	[sflag:s5] =	ssyncset.done $0x0  }
0x107: {  	[sflag:s5] =	ssyncadd.s32 $0xFFFFD800  }
0x108: {  	_ =	swait.ge [sflag:s6], $0x2800  }
0x109: {  	[sflag:s6] =	ssyncset.done $0x0  }
0x10a: {  	[sflag:s6] =	ssyncadd.s32 $0xFFFFD800  }
0x10b: {  	_ =	swait.ge [sflag:s6], $0x2800  }
0x10c: {  	[sflag:s6] =	ssyncset.done $0x0  }
0x10d: {  	[sflag:s6] =	ssyncadd.s32 $0xFFFFD800  }
0x10e: {  	_ =	sfence.sel $0x180000  }
0x10f: {  	[bflag:$0x0] =	sbarrier.arrive $0xFFFF  }
0x110: {  	_ =	strace $0x90000047  }
0x111: {  	s0 =	sadd.s32 @!p0 $0x100000, s29;
	[bflag:$0x2] =	sbarrier.arrive $0xFFFF  }
0x112: {  	[sflag:s0] =	ssyncadd.tile.s32 @!p0 $0x1;
	_ =	shalt  }
.LBB2_1:
.Ltmp3:
0x113: {  	(pc) =	sbr.rel .LBB2_6-.Ltmp3, $2  }
0x114: {  	_ =	sdelay $0x2  }
0x115: {  	s30 =	simm.s32 $0x500  }
.LBB2_3:
.Ltmp4:
0x116: {  	(pc) =	sbr.rel .LBB2_6-.Ltmp4, $2  }
0x117: {  	_ =	sdelay $0x2  }
0x118: {  	s30 =	simm.s32 $0x500;
	s29 =	rddreg [dreg:$0x3]  }
.Lfunc_end2:
_tile_overlayer_lowered:
.L_overlay_start_2:
0x119: {  	(tag) =	ssettag $0x2  }
0x11a: {  	s0 =	rddreg [dreg:$0x0];
	s2 =	stileid.u32  }
0x11b: {  	s1 =	rddreg [dreg:$0x1];
	p0 =	sne.s32 s2, $0x0  }
0x11c: {  	s3 =	rddreg [dreg:$0x2];
	[bflag:$0x3] =	sbarrier.arrive $0xFFFF;
	s2 =	simm.s32 @!p0 $0x1C05  }
0x11d: {  	[timem:s3], [sflag:s2] =	dma.local @!p0 [hbm:s0], s1  }
0x11e: {  	s0 =	simm.s32 @!p0 $0x5  }
0x11f: {  	_ =	swait.ge @!p0 [sflag:s0], s1  }
0x120: {  	s1 =	ssub.s32 @!p0 $0x0, s1;
	[sflag:s0] =	ssyncset.done @!p0 $0x0  }
0x121: {  	[sflag:s0] =	ssyncadd.s32 @!p0 s1  }
0x122: {  	[bflag:$0x3] =	sbarrier.arrive $0xFFFF  }
0x123: {  	_ =	shalt  }

// kernel: kernel.21.cloned.1.call-start
scs
__scs_entry_jumppad:
0x0: {  	(pc) =	sbr.rel $0x88, $3  }
0x1: {  	(tag) =	ssettag $0x0;
	lr =	simm.s32 $0x1  }
0x2: {  	[smem:$0x3F93] =	sst lr;
	_ =	strace $0xD0000000  }
0x3: {  	_ = 	snop  }
0x4: {  	_ = 	snop  }
0x5: {  	_ = 	snop  }
0x6: {  	_ = 	snop  }
0x7: {  	_ = 	snop  }
__scs_overlays_trampoline_lowered:
0x8: {  	[smem:$0x3FA2] =	sst s0  }
0x9: {  	[smem:$0x3FA3] =	sst s1  }
0xa: {  	[smem:$0x3FA4] =	sst s2  }
0xb: {  	[smem:$0x3FA5] =	sst s3  }
0xc: {  	[smem:$0x3FA6] =	sst s4  }
0xd: {  	[smem:$0x3FA7] =	sst s5  }
0xe: {  	[smem:$0x3FA8] =	sst s6  }
0xf: {  	[smem:$0x3FA9] =	sst s7  }
0x10: {  	[smem:$0x3FAA] =	sst s8  }
0x11: {  	[smem:$0x3FAB] =	sst s9;
	s0 =	simm.s32 @!p0 $0x0  }
0x12: {  	s1 =	sld [smem:$0x3F91];
	s0 =	simm.s32 @p0 $0x1  }
0x13: {  	[smem:$0x3FAC] =	sst s0;
	s0 =	simm.s32 @!p1 $0x0  }
0x14: {  	s2 =	sld [smem:$0x3F90];
	s0 =	simm.s32 @p1 $0x1  }
0x15: {  	[smem:$0x3FAD] =	sst s0;
	s0 =	simm.s32 @!p2 $0x0  }
0x16: {  	s3 =	sld [smem:$0x3FDB];
	s0 =	simm.s32 @p2 $0x1  }
0x17: {  	s4 =	simm.s32 $0x1BF5;
	[smem:$0x3FAF] =	sst s0  }
0x18: {  	s0 =	sld [smem:$0x3F92];
	_ =	swait.ge [sflag:s4], $0x0  }
0x19: {  	s7 =	sld [smem:$0x3F93]  }
0x1a: {  	s8 =	sadd.s32 $0xFFFFE003, lr  }
0x1b: {  	s9 =	sadd.s32 $0xFFFFFEF7, lr;
	s5 =	simm.s32 $0xFFFFFFFF;
	p2 =	slt.u32 s8, $0xFFFFF086  }
0x1c: {  	p1 =	slt.u32 s9, $0xF7A;
	s5 =	simm.s32 @!p2 $0x0  }
0x1d: {  	s5 =	simm.s32 @p1 $0x1;
	p0 =	seq.s32 s7, s2  }
0x1e: {  	s7 =	smul.u32 @!p0 $0xF7A, s2;
	p2 =	seq.s32 @!p0 s5, $0x0  }
0x1f: {  	s9 =	smul.u32 $0xF7A, s1;
	s8 =	simm.s32 @!p0 $0x1BF5;
	p2 =	por !p2, p0  }
0x20: {  	[sflag:s8] =	ssyncset.s32 @!p0 $0xFFFFF086;
	s6 =	sadd.s32 @!p0 s3, s7;
	s7 =	simm.s32 @!p0 $0x108  }
0x21: {  	s3 =	sadd.s32 s3, s9;
	s6 =	sadd.s32 @!p0 $0x88, s6;
	s7 =	simm.s32 @p2 $0x1082  }
0x22: {  	[simem:s7], [sflag:s8] =	dma.local @!p0 [hbm:s6], $0xF7A  }
0x23: {  	s9 =	sor.u32 $0xD0000000, s2;
	s6 =	simm.s32 $0x108;
	_ =	swait.ge @!p0 [sflag:s8], $0x0  }
0x24: {  	s3 =	sadd.s32 $0x88, s3;
	s6 =	simm.s32 @!p1 $0x1082;
	[sflag:s4] =	ssyncset.s32 $0xFFFFF086  }
0x25: {  	[simem:s6], [sflag:s4] =	dma.local [hbm:s3], $0xF7A  }
0x26: {  	[smem:$0x3F93] =	sst s1;
	(tag) =	ssettag s2;
	_ =	strace s9  }
0x27: {  	s1 =	sld [smem:$0x3FA3]  }
0x28: {  	s2 =	sld [smem:$0x3FA4]  }
0x29: {  	s4 =	sld [smem:$0x3FA6]  }
0x2a: {  	p0 =	seq.s32 s5, $0x0;
	s5 =	sld [smem:$0x3FA7]  }
0x2b: {  	s6 =	sld [smem:$0x3FA8]  }
0x2c: {  	s7 =	sld [smem:$0x3FA9]  }
0x2d: {  	s3 =	simm.s32 $0x108;
	s8 =	sld [smem:$0x3FAA]  }
0x2e: {  	s3 =	simm.s32 @!p0 $0x1082;
	s9 =	sld [smem:$0x3FAB]  }
0x2f: {  	lr =	sadd.s32 s0, s3;
	s0 =	sld [smem:$0x3FA2]  }
0x30: {  	s3 =	sld [smem:$0x3FA5]  }
0x31: {  	[smem:$0x3FAE] =	sst s10  }
0x32: {  	s10 =	sld [smem:$0x3FAC];
	_ =	sdelay $0x3  }
0x33: {  	p0 =	seq.s32 s10, $0x1;
	s10 =	sld [smem:$0x3FAE];
	_ =	sdelay $0x3  }
0x34: {  	[smem:$0x3FAE] =	sst s10  }
0x35: {  	s10 =	sld [smem:$0x3FAD];
	_ =	sdelay $0x3  }
0x36: {  	p1 =	seq.s32 s10, $0x1;
	s10 =	sld [smem:$0x3FAE];
	_ =	sdelay $0x3  }
0x37: {  	[smem:$0x3FAE] =	sst s10  }
0x38: {  	s10 =	sld [smem:$0x3FAF]  }
0x39: {  	_ = 	snop;
	(pc) =	sbr.ind lr, $3  }
0x3a: {  	_ = 	snop  }
0x3b: {  	_ = 	snop  }
0x3c: {  	p2 =	seq.s32 s10, $0x1;
	s10 =	sld [smem:$0x3FAE]  }
0x3d: {  	_ =	shalt  }
0x3e: {  	_ =	shalt  }
0x3f: {  	_ =	shalt  }
0x40: {  	_ =	shalt  }
0x41: {  	_ =	shalt  }
0x42: {  	_ =	shalt  }
0x43: {  	_ =	shalt  }
0x44: {  	_ =	shalt  }
0x45: {  	_ =	shalt  }
0x46: {  	_ =	shalt  }
0x47: {  	_ =	shalt  }
0x48: {  	_ =	shalt  }
0x49: {  	_ =	shalt  }
0x4a: {  	_ =	shalt  }
0x4b: {  	_ =	shalt  }
0x4c: {  	_ =	shalt  }
0x4d: {  	_ =	shalt  }
0x4e: {  	_ =	shalt  }
0x4f: {  	_ =	shalt  }
0x50: {  	_ =	shalt  }
0x51: {  	_ =	shalt  }
0x52: {  	_ =	shalt  }
0x53: {  	_ =	shalt  }
0x54: {  	_ =	shalt  }
0x55: {  	_ =	shalt  }
0x56: {  	_ =	shalt  }
0x57: {  	_ =	shalt  }
0x58: {  	_ =	shalt  }
0x59: {  	_ =	shalt  }
0x5a: {  	_ =	shalt  }
0x5b: {  	_ =	shalt  }
0x5c: {  	_ =	shalt  }
0x5d: {  	_ =	shalt  }
0x5e: {  	_ =	shalt  }
0x5f: {  	_ =	shalt  }
0x60: {  	_ =	shalt  }
0x61: {  	_ =	shalt  }
0x62: {  	_ =	shalt  }
0x63: {  	_ =	shalt  }
0x64: {  	_ =	shalt  }
0x65: {  	_ =	shalt  }
0x66: {  	_ =	shalt  }
0x67: {  	_ =	shalt  }
0x68: {  	_ =	shalt  }
0x69: {  	_ =	shalt  }
0x6a: {  	_ =	shalt  }
0x6b: {  	_ =	shalt  }
0x6c: {  	_ =	shalt  }
0x6d: {  	_ =	shalt  }
0x6e: {  	_ =	shalt  }
0x6f: {  	_ =	shalt  }
0x70: {  	_ =	shalt  }
0x71: {  	_ =	shalt  }
0x72: {  	_ =	shalt  }
0x73: {  	_ =	shalt  }
0x74: {  	_ =	shalt  }
0x75: {  	_ =	shalt  }
0x76: {  	_ =	shalt  }
0x77: {  	_ =	shalt  }
0x78: {  	_ =	shalt  }
0x79: {  	_ =	shalt  }
0x7a: {  	_ =	shalt  }
0x7b: {  	_ =	shalt  }
0x7c: {  	_ =	shalt  }
0x7d: {  	_ =	shalt  }
0x7e: {  	_ =	shalt  }
0x7f: {  	_ =	shalt  }
0x80: {  	_ =	shalt  }
0x81: {  	_ =	shalt  }
0x82: {  	_ =	shalt  }
0x83: {  	_ =	shalt  }
0x84: {  	_ =	shalt  }
0x85: {  	_ =	shalt  }
0x86: {  	_ =	shalt  }
0x87: {  	_ =	shalt  }
.Lfunc_end0:
.L_simem_size_0:
called_computation.1_lowered:
.L_overlay_start_0:
0x88: {  	s2 =	sld [smem:$0x3FD9]  }
0x89: {  	s3 =	sld [smem:$0x3FFE];
	_ =	sdelay $0x1  }
0x8a: {  	s1 =	srdreg.scid  }
0x8b: {  	s0 =	sand.u32 $0x1, s1  }
0x8c: {  	s17 =	sshll.u32 s0, $0xA;
	s2 =	sadd.s32 s3, s2  }
0x8d: {  	s2 =	sadd.s32 s2, s17  }
0x8e: {  	[smem:$0x3FBA] =	sst s2  }
0x8f: {  	_ = 	snop  }
0x90: {  	(tm) =	ssettm $0x1  }
0x91: {  	s18 =	sld [smem:$0x3FFB];
	_ =	sdelay $0x3  }
0x92: {  	_ =	strace s18  }
0x93: {  	s2 =	sld [smem:$0x3FFC];
	_ =	sdelay $0x3  }
0x94: {  	_ =	strace s2  }
0x95: {  	s2 =	sld [smem:$0x3FFD];
	_ =	sdelay $0x3  }
0x96: {  	_ =	strace s2  }
0x97: {  	_ =	strace $0x8FFFFFFF  }
0x98: {  	s19 =	sld [smem:$0x3FDB];
	_ =	sdelay $0x1  }
0x99: {  	s20 =	simm.s32 $_scs_section_size  }
0x9a: {  	s4 =	simm.s32 $_size__tile_overlayer_lowered;
	s5 =	simm.s32 $_tile_overlayer_lowered  }
0x9b: {  	s6 =	simm.s32 $0x1BFF;
	s21 =	sshll.u32 s5, $0x1;
	s3 =	sadd.s32 s20, s19  }
0x9c: {  	s22 =	simm.s32 $0x0;
	s4 =	sshll.u32 s4, $0x1;
	s5 =	sadd.s32 s21, s3  }
0x9d: {  	[timem:s22], [sflag:s6] =	dma.local [hbm:s5], s4  }
0x9e: {  	_ =	swait.ge [sflag:s6], s4  }
0x9f: {  	s4 =	ssub.s32 $0x0, s4;
	[sflag:s6] =	ssyncset.done $0x0  }
0xa0: {  	[sflag:s6] =	ssyncadd.s32 s4;
	_ =	sdelay $0x1  }
0xa1: {  	s23 =	simm.s32 $0x1B8B  }
0xa2: {  	_ =	swait.ge [sflag:s23], $0x1  }
0xa3: {  	[sflag:s23] =	ssyncset.done $0x0  }
0xa4: {  	[sflag:s23] =	ssyncadd.s32 $0xFFFFFFFF  }
0xa5: {  	s4 =	sld [smem:$0x0]  }
0xa6: {  	s5 =	sand.u32 $0xFFFFFFFE, s1  }
0xa7: {  	p0 =	sne.s32 s1, s5  }
0xa8: {  	s5 =	sshll.u32 @p0 s5, $0xE  }
0xa9: {  	s5 =	sadd.s32 @p0 $0x11B8D, s5;
	s6 =	sshll.u32 @p0 s4, $0x11  }
0xaa: {  	s5 =	sor.u32 @p0 s6, s5  }
0xab: {  	[sflag:s5] =	ssyncadd.remote.s32 @p0 $0x1;
	_ =	sdelay $0x1  }
0xac: {  	s5 =	simm.s32 @p0 $0x1B8D  }
0xad: {  	_ =	swait.eq @p0 [sflag:s5], $0x1  }
0xae: {  	[sflag:s5] =	ssyncadd.s32 @p0 $0xFFFFFFFF  }
0xaf: {  	s6 =	sshll.u32 @!p0 s1, $0xE  }
0xb0: {  	s6 =	sor.u32 @!p0 $0x4000, s6;
	s5 =	simm.s32 @!p0 $0x1B8D  }
0xb1: {  	s4 =	sshll.u32 @!p0 s4, $0x11;
	s6 =	sadd.s32 @!p0 $0x11B8D, s6;
	_ =	swait.eq @!p0 [sflag:s5], $0x1  }
0xb2: {  	s4 =	sor.u32 @!p0 s4, s6;
	[sflag:s5] =	ssyncadd.s32 @!p0 $0xFFFFFFFF  }
0xb3: {  	s25 =	simm.s32 $0x1B8E;
	s24 =	sld [smem:$0x3FFE];
	[sflag:s4] =	ssyncadd.remote.s32 @!p0 $0x1  }
0xb4: {  	s26 =	simm.s32 $execute0_lowered;
	[smem:$0x3FD2] =	sst s25  }
0xb5: {  	s5 =	sshll.u32 s26, $0x1;
	_ =	strace $0x8000004C;
	[dreg:$0x1] =	wrdreg $0xFFFFFFFF  }
0xb6: {  	s28 =	simm.s32 $_size_execute0_lowered;
	s3 =	sadd.s32 s3, s5;
	[dreg:$0x0] =	wrdreg $0x0  }
0xb7: {  	s5 =	sshll.u32 s28, $0x1;
	[dreg:$0x2] =	wrdreg s3  }
0xb8: {  	[dreg:$0x3] =	wrdreg s5  }
0xb9: {  	[dreg:$0x4] =	wrdreg $0xC0  }
0xba: {  	_ =	task [dreg:s22], $0x5FFFF  }
0xbb: {  	[dreg:$0x1] =	wrdreg $0xFFFFFFFF  }
0xbc: {  	[dreg:$0x0] =	wrdreg $0x60  }
0xbd: {  	[dreg:$0x2] =	wrdreg s24  }
0xbe: {  	[dreg:$0x3] =	wrdreg $0x0  }
0xbf: {  	[dreg:$0x4] =	wrdreg $0x9  }
0xc0: {  	_ =	task.clear_ibuf [dreg:s22], $0x5FFFF;
	_ =	strace $0x9000004C  }
0xc1: {  	s29 =	simm.s32 $0x9;
	_ =	strace $0x8000004E  }
0xc2: {  	_ =	swait.ge [sflag:s29], $0x1  }
0xc3: {  	[sflag:s29] =	ssyncadd.s32 $0xFFFFFFFF  }
0xc4: {  	_ =	strace $0x9000004E  }
0xc5: {  	_ =	sfence  }
0xc6: {  	s30 =	sld [smem:$0x0];
	_ =	sdelay $0x2  }
0xc7: {  	s31 =	sshll.u32 s1, $0xD;
	s1 =	sshrl.u32 s1, $0x2  }
0xc8: {  	s4 =	sand.u32 $0x4000, s31;
	s1 =	sadd.s32 s1, s30  }
0xc9: {  	s0 =	sor.u32 s4, s0;
	s1 =	sshll.u32 s1, $0x11  }
0xca: {  	s0 =	sor.u32 s1, s0  }
0xcb: {  	s0 =	sadd.s32 $0x8F2B, s0  }
0xcc: {  	[sflag:s0] =	ssyncadd.remote.s32 $0x1  }
0xcd: {  	_ =	sfence.sel $0xFFFF  }
0xce: {  	[dreg:$0x0] =	wrdreg $0xFFFFFFFF;
	(pc) =	sbr.abs _section_cstart, $3  }
0xcf: {  	[dreg:$0x1] =	wrdreg $0xFFFFFFFF  }
0xd0: {  	_ =	task.clear_ibuf [dreg:s22], $0x2FFFF;
	_ =	strace $0x9FFFFFFF  }
0xd1: {  	(tm) =	ssettm $0x7FFFFFFF  }
tec
execute0_lowered:
.L_overlay_start_1:
0x0: {  	(tag) =	ssettag $0x1  }
0x1: {  	s0 =	srdreg.scid;
	s4 =	rddreg [dreg:$0x0]  }
0x2: {  	s15 =	stileid.u32;
	s1 =	rddreg [dreg:$0x1];
	s2 =	simm.s32 $0x0  }
0x3: {  	s16 =	simm.s32 $0x5;
	s18 =	simm.s32 $0x40;
	s19 =	simm.s32 $0x14C80  }
0x4: {  	s21 =	simm.s32 $0x16C80;
	s22 =	simm.s32 $0x1;
	s24 =	simm.s32 $0x18C80  }
0x5: {  	s26 =	simm.s32 $0x1AC80;
	s28 =	simm.s32 $0x3;
	s31 =	simm.s32 $0x2  }
0x6: {  	s25 =	simm.s32 $0x0;
	s0 =	sand.u32 $0x1, s0;
	s5 =	smul.u32 $0x1400, s15  }
0x7: {  	[smem:$0x7FF] =	sst s2;
	s12 =	sadd.s32 $0x32A200, s4;
	s14 =	smul.u32 $0x14000, s15  }
0x8: {  	p0 =	sne.s32 s15, $0x0;
	s15 =	simm.s32 $0x13880;
	s3 =	smul.u32 $0x14000, s0  }
0x9: {  	_ =	strace $0x8000004D;
	s7 =	ssub.s32 $0x2, s0;
	s0 =	smul.u32 $0x140000, s0  }
0xa: {  	s17 =	sshrl.u32 @!p0 s1, $0x3;
	s30 =	sshrl.u32 s7, $0x1;
	s5 =	sadd.s32 s5, s3  }
0xb: {  	s3 =	sadd.s32 $0x83000, s4;
	s7 =	ssub.s32 s7, s30;
	s0 =	sadd.s32 s0, s12  }
0xc: {  	s6 =	sshrl.u32 s5, $0x3;
	s5 =	sshll.u32 s5, $0x4;
	s14 =	sadd.s32 s14, s0  }
0xd: {  	s0 =	simm.s32 $0x4;
	s6 =	sadd.s32 s6, s4;
	s5 =	sadd.s32 s12, s5  }
0xe: {  	s4 =	sadd.s32 $0xB400, s6;
	s6 =	smax.u32 s7, $0x1;
	s7 =	sadd.s32 $0x400, s5  }
0xf: {  	s8 =	sadd.s32 $0x800, s5;
	s9 =	sadd.s32 $0xC00, s5;
	s10 =	sadd.s32 $0x13000, s5  }
0x10: {  	s11 =	sadd.s32 $0x13400, s5;
	s12 =	sadd.s32 $0x13800, s5;
	s13 =	sadd.s32 $0x13C00, s5  }
.LBB2_1:
0x11: {  	[tilespmem:s15], [sflag:$0x5] =	stream.linear.gather [hbm4b:s4+s2], $0x1400, $0x38;
	[tilespmem:$0x1CC80] =	vst v63  }
0x12: {  	_ =	swait.ge [sflag:s16], $0x1400  }
0x13: {  	[sflag:s16] =	ssyncset.done $0x0  }
0x14: {  	s20 =	simm.s32 @!p0 $0x1C05;
	[sflag:s16] =	ssyncadd.s32 $0xFFFFEC00  }
0x15: {  	[spmem:s17], [sflag:s20] =	dma.local @!p0 [hbm:s3], $0x27100  }
0x16: {  	s20 =	simm.s32 @!p0 $0x5  }
0x17: {  	_ =	swait.ge @!p0 [sflag:s20], $0x27100  }
0x18: {  	[sflag:s20] =	ssyncset.done @!p0 $0x0  }
0x19: {  	[sflag:s20] =	ssyncadd.s32 @!p0 $0xFFFD8F00  }
0x1a: {  	[bflag:$0x0] =	sbarrier.arrive $0xFFFF  }
0x1b: {  	[tilespmem:s19], [sflag:$0x1] =	stream.indirect.gather [spmem:s1], $0x80, s15, s18, $0xb8;
	[tilespmem:$0x1CC80] =	vst v63  }
0x1c: {  	s23 =	simm.s32 $0x138C0  }
0x1d: {  	[tilespmem:s21], [sflag:$0x1] =	stream.indirect.gather [spmem:s1], $0x80, s23, s18, $0xb8;
	[tilespmem:$0x1CC80] =	vst v63  }
0x1e: {  	_ =	swait.ge [sflag:s22], $0x2000  }
0x1f: {  	[sflag:s22] =	ssyncset.done $0x0  }
0x20: {  	[sflag:s22] =	ssyncadd.s32 $0xFFFFE000  }
0x21: {  	_ =	swait.ge [sflag:s22], $0x2000  }
0x22: {  	[sflag:s22] =	ssyncset.done $0x0  }
0x23: {  	[sflag:s22] =	ssyncadd.s32 $0xFFFFE000  }
0x24: {  	[hbm4b:s5+s2] =	stream.linear.scatter [tilespmem:s19], [sflag:$0x3], $0x2000, $0x38;
	[tilespmem:$0x1CC80] =	vst v63  }
0x25: {  	_ = 	snop  }
0x26: {  	[hbm4b:s7+s2] =	stream.linear.scatter [tilespmem:s21], [sflag:$0x3], $0x2000, $0x38;
	[tilespmem:$0x1CC80] =	vst v63  }
0x27: {  	s23 =	simm.s32 $0x13900  }
0x28: {  	[tilespmem:s24], [sflag:$0x2] =	stream.indirect.gather [spmem:s1], $0x80, s23, s18, $0xb8;
	[tilespmem:$0x1CC80] =	vst v63  }
0x29: {  	s23 =	simm.s32 $0x13940  }
0x2a: {  	[tilespmem:s26], [sflag:$0x2] =	stream.indirect.gather [spmem:s1], $0x80, s23, s18, $0xb8;
	[tilespmem:$0x1CC80] =	vst v63  }
0x2b: {  	_ =	swait.ge [sflag:s28], $0x2000  }
0x2c: {  	[sflag:s28] =	ssyncset.done $0x0  }
0x2d: {  	[sflag:s28] =	ssyncadd.s32 $0xFFFFE000  }
0x2e: {  	_ =	swait.ge [sflag:s28], $0x2000  }
0x2f: {  	[sflag:s28] =	ssyncset.done $0x0  }
0x30: {  	s23 =	simm.s32 $0x13980;
	[sflag:s28] =	ssyncadd.s32 $0xFFFFE000  }
0x31: {  	[tilespmem:s19], [sflag:$0x1] =	stream.indirect.gather [spmem:s1], $0x80, s23, s18, $0xb8;
	[tilespmem:$0x1CC80] =	vst v63  }
0x32: {  	s23 =	simm.s32 $0x139C0  }
0x33: {  	[tilespmem:s21], [sflag:$0x1] =	stream.indirect.gather [spmem:s1], $0x80, s23, s18, $0xb8;
	[tilespmem:$0x1CC80] =	vst v63  }
0x34: {  	_ =	swait.ge [sflag:s31], $0x2000  }
0x35: {  	[sflag:s31] =	ssyncset.done $0x0  }
0x36: {  	[sflag:s31] =	ssyncadd.s32 $0xFFFFE000  }
0x37: {  	_ =	swait.ge [sflag:s31], $0x2000  }
0x38: {  	[sflag:s31] =	ssyncset.done $0x0  }
0x39: {  	[sflag:s31] =	ssyncadd.s32 $0xFFFFE000  }
0x3a: {  	[hbm4b:s8+s2] =	stream.linear.scatter [tilespmem:s24], [sflag:$0x4], $0x2000, $0x38;
	[tilespmem:$0x1CC80] =	vst v63  }
0x3b: {  	_ = 	snop  }
0x3c: {  	[hbm4b:s9+s2] =	stream.linear.scatter [tilespmem:s26], [sflag:$0x4], $0x2000, $0x38;
	[tilespmem:$0x1CC80] =	vst v63  }
0x3d: {  	_ =	swait.ge [sflag:s22], $0x2000  }
0x3e: {  	[sflag:s22] =	ssyncset.done $0x0  }
0x3f: {  	[sflag:s22] =	ssyncadd.s32 $0xFFFFE000  }
0x40: {  	_ =	swait.ge [sflag:s22], $0x2000  }
0x41: {  	s23 =	sadd.s32 $0x0, s14;
	[sflag:s22] =	ssyncset.done $0x0  }
0x42: {  	s29 =	sadd.s32 $0x1000, s23;
	[sflag:s22] =	ssyncadd.s32 $0xFFFFE000  }
0x43: {  	[hbm4b:s29+s2] =	stream.linear.scatter [tilespmem:s19], [sflag:$0x3], $0x2000, $0x38;
	[tilespmem:$0x1CC80] =	vst v63  }
0x44: {  	s29 =	sadd.s32 $0x1400, s23  }
0x45: {  	[hbm4b:s29+s2] =	stream.linear.scatter [tilespmem:s21], [sflag:$0x3], $0x2000, $0x38;
	[tilespmem:$0x1CC80] =	vst v63  }
0x46: {  	_ =	swait.ge [sflag:s0], $0x2000  }
0x47: {  	[sflag:s0] =	ssyncset.done $0x0  }
0x48: {  	[sflag:s0] =	ssyncadd.s32 $0xFFFFE000  }
0x49: {  	_ =	swait.ge [sflag:s0], $0x2000  }
0x4a: {  	[sflag:s0] =	ssyncset.done $0x0  }
0x4b: {  	s29 =	simm.s32 $0x13A00;
	[sflag:s0] =	ssyncadd.s32 $0xFFFFE000  }
0x4c: {  	[tilespmem:s24], [sflag:$0x2] =	stream.indirect.gather [spmem:s1], $0x80, s29, s18, $0xb8;
	[tilespmem:$0x1CC80] =	vst v63  }
0x4d: {  	s29 =	simm.s32 $0x13A40  }
0x4e: {  	[tilespmem:s26], [sflag:$0x2] =	stream.indirect.gather [spmem:s1], $0x80, s29, s18, $0xb8;
	[tilespmem:$0x1CC80] =	vst v63  }
0x4f: {  	_ =	swait.ge [sflag:s28], $0x2000  }
0x50: {  	[sflag:s28] =	ssyncset.done $0x0  }
0x51: {  	[sflag:s28] =	ssyncadd.s32 $0xFFFFE000  }
0x52: {  	_ =	swait.ge [sflag:s28], $0x2000  }
0x53: {  	[sflag:s28] =	ssyncset.done $0x0  }
0x54: {  	s29 =	simm.s32 $0x13A80;
	[sflag:s28] =	ssyncadd.s32 $0xFFFFE000  }
0x55: {  	[tilespmem:s19], [sflag:$0x1] =	stream.indirect.gather [spmem:s1], $0x80, s29, s18, $0xb8;
	[tilespmem:$0x1CC80] =	vst v63  }
0x56: {  	s29 =	simm.s32 $0x13AC0  }
0x57: {  	[tilespmem:s21], [sflag:$0x1] =	stream.indirect.gather [spmem:s1], $0x80, s29, s18, $0xb8;
	[tilespmem:$0x1CC80] =	vst v63  }
0x58: {  	_ =	swait.ge [sflag:s31], $0x2000  }
0x59: {  	[sflag:s31] =	ssyncset.done $0x0  }
0x5a: {  	[sflag:s31] =	ssyncadd.s32 $0xFFFFE000  }
0x5b: {  	_ =	swait.ge [sflag:s31], $0x2000  }
0x5c: {  	[sflag:s31] =	ssyncset.done $0x0  }
0x5d: {  	s29 =	sadd.s32 $0x1800, s23;
	[sflag:s31] =	ssyncadd.s32 $0xFFFFE000  }
0x5e: {  	[hbm4b:s29+s2] =	stream.linear.scatter [tilespmem:s24], [sflag:$0x4], $0x2000, $0x38;
	[tilespmem:$0x1CC80] =	vst v63  }
0x5f: {  	s30 =	simm.s32 $0x13BC0;
	s20 =	sadd.s32 $0x1C00, s23;
	s29 =	simm.s32 $0x1000  }
.LBB2_2:
0x60: {  	[hbm4b:s20+s2] =	stream.linear.scatter [tilespmem:s26], [sflag:$0x4], $0x2000, $0x38;
	[tilespmem:$0x1CC80] =	vst v63  }
0x61: {  	s20 =	smov.u32 s29  }
0x62: {  	p1 =	sne.s32 s29, $0x11000;
	s29 =	sadd.s32 $0x1000, s29;
	_ =	swait.ge [sflag:s22], $0x2000  }
0x63: {  	[sflag:s22] =	ssyncset.done $0x0  }
0x64: {  	[sflag:s22] =	ssyncadd.s32 $0xFFFFE000  }
0x65: {  	_ =	swait.ge [sflag:s22], $0x2000  }
0x66: {  	s20 =	sadd.s32 s20, s14;
	[sflag:s22] =	ssyncset.done $0x0  }
0x67: {  	s23 =	sadd.s32 $0x1000, s20;
	[sflag:s22] =	ssyncadd.s32 $0xFFFFE000  }
0x68: {  	[hbm4b:s23+s2] =	stream.linear.scatter [tilespmem:s19], [sflag:$0x3], $0x2000, $0x38;
	[tilespmem:$0x1CC80] =	vst v63  }
0x69: {  	s23 =	sadd.s32 $0x1400, s20  }
0x6a: {  	[hbm4b:s23+s2] =	stream.linear.scatter [tilespmem:s21], [sflag:$0x3], $0x2000, $0x38;
	[tilespmem:$0x1CC80] =	vst v63  }
0x6b: {  	_ =	swait.ge [sflag:s0], $0x2000  }
0x6c: {  	[sflag:s0] =	ssyncset.done $0x0  }
0x6d: {  	[sflag:s0] =	ssyncadd.s32 $0xFFFFE000  }
0x6e: {  	_ =	swait.ge [sflag:s0], $0x2000  }
0x6f: {  	[sflag:s0] =	ssyncset.done $0x0  }
0x70: {  	s23 =	sadd.s32 $0xFFFFFF40, s30;
	[sflag:s0] =	ssyncadd.s32 $0xFFFFE000  }
0x71: {  	[tilespmem:s24], [sflag:$0x2] =	stream.indirect.gather [spmem:s1], $0x80, s23, s18, $0xb8;
	[tilespmem:$0x1CC80] =	vst v63  }
0x72: {  	s23 =	sadd.s32 $0xFFFFFF80, s30  }
0x73: {  	[tilespmem:s26], [sflag:$0x2] =	stream.indirect.gather [spmem:s1], $0x80, s23, s18, $0xb8;
	[tilespmem:$0x1CC80] =	vst v63  }
0x74: {  	_ =	swait.ge [sflag:s28], $0x2000  }
0x75: {  	[sflag:s28] =	ssyncset.done $0x0  }
0x76: {  	[sflag:s28] =	ssyncadd.s32 $0xFFFFE000  }
0x77: {  	_ =	swait.ge [sflag:s28], $0x2000  }
0x78: {  	[sflag:s28] =	ssyncset.done $0x0  }
0x79: {  	s23 =	sadd.s32 $0xFFFFFFC0, s30;
	[sflag:s28] =	ssyncadd.s32 $0xFFFFE000  }
0x7a: {  	[tilespmem:s19], [sflag:$0x1] =	stream.indirect.gather [spmem:s1], $0x80, s23, s18, $0xb8;
	[tilespmem:$0x1CC80] =	vst v63  }
0x7b: {  	_ = 	snop  }
0x7c: {  	[tilespmem:s21], [sflag:$0x1] =	stream.indirect.gather [spmem:s1], $0x80, s30, s18, $0xb8;
	[tilespmem:$0x1CC80] =	vst v63  }
0x7d: {  	_ =	swait.ge [sflag:s31], $0x2000  }
0x7e: {  	[sflag:s31] =	ssyncset.done $0x0  }
0x7f: {  	[sflag:s31] =	ssyncadd.s32 $0xFFFFE000  }
.Ltmp0:
0x80: {  	_ =	swait.ge [sflag:s31], $0x2000;
	(pc) =	sbr.rel @p1 .LBB2_2-.Ltmp0, $4  }
0x81: {  	[sflag:s31] =	ssyncset.done $0x0  }
0x82: {  	s23 =	sadd.s32 $0x1800, s20;
	[sflag:s31] =	ssyncadd.s32 $0xFFFFE000  }
0x83: {  	[hbm4b:s23+s2] =	stream.linear.scatter [tilespmem:s24], [sflag:$0x4], $0x2000, $0x38;
	[tilespmem:$0x1CC80] =	vst v63  }
0x84: {  	s20 =	sadd.s32 $0x1C00, s20;
	s30 =	sadd.s32 $0x100, s30  }
0x85: {  	[hbm4b:s20+s2] =	stream.linear.scatter [tilespmem:s26], [sflag:$0x4], $0x2000, $0x38;
	[tilespmem:$0x1CC80] =	vst v63  }
0x86: {  	_ =	swait.ge [sflag:s22], $0x2000  }
0x87: {  	[sflag:s22] =	ssyncset.done $0x0  }
0x88: {  	[sflag:s22] =	ssyncadd.s32 $0xFFFFE000  }
0x89: {  	_ =	swait.ge [sflag:s22], $0x2000  }
0x8a: {  	[sflag:s22] =	ssyncset.done $0x0  }
0x8b: {  	[sflag:s22] =	ssyncadd.s32 $0xFFFFE000  }
0x8c: {  	[hbm4b:s10+s2] =	stream.linear.scatter [tilespmem:s19], [sflag:$0x3], $0x2000, $0x38;
	[tilespmem:$0x1CC80] =	vst v63  }
0x8d: {  	_ = 	snop  }
0x8e: {  	[hbm4b:s11+s2] =	stream.linear.scatter [tilespmem:s21], [sflag:$0x3], $0x2000, $0x38;
	[tilespmem:$0x1CC80] =	vst v63  }
0x8f: {  	_ =	swait.ge [sflag:s0], $0x2000  }
0x90: {  	[sflag:s0] =	ssyncset.done $0x0  }
0x91: {  	[sflag:s0] =	ssyncadd.s32 $0xFFFFE000  }
0x92: {  	_ =	swait.ge [sflag:s0], $0x2000  }
0x93: {  	[sflag:s0] =	ssyncset.done $0x0  }
0x94: {  	s29 =	simm.s32 $0x14C00;
	[sflag:s0] =	ssyncadd.s32 $0xFFFFE000  }
0x95: {  	[tilespmem:s24], [sflag:$0x2] =	stream.indirect.gather [spmem:s1], $0x80, s29, s18, $0xb8;
	[tilespmem:$0x1CC80] =	vst v63  }
0x96: {  	s30 =	simm.s32 $0x14C40  }
0x97: {  	[tilespmem:s26], [sflag:$0x2] =	stream.indirect.gather [spmem:s1], $0x80, s30, s18, $0xb8;
	[tilespmem:$0x1CC80] =	vst v63  }
0x98: {  	_ =	swait.ge [sflag:s31], $0x2000  }
0x99: {  	[sflag:s31] =	ssyncset.done $0x0  }
0x9a: {  	[sflag:s31] =	ssyncadd.s32 $0xFFFFE000  }
0x9b: {  	_ =	swait.ge [sflag:s31], $0x2000  }
0x9c: {  	[sflag:s31] =	ssyncset.done $0x0  }
0x9d: {  	[sflag:s31] =	ssyncadd.s32 $0xFFFFE000  }
0x9e: {  	[hbm4b:s12+s2] =	stream.linear.scatter [tilespmem:s24], [sflag:$0x4], $0x2000, $0x38;
	[tilespmem:$0x1CC80] =	vst v63  }
0x9f: {  	_ = 	snop  }
0xa0: {  	[hbm4b:s13+s2] =	stream.linear.scatter [tilespmem:s26], [sflag:$0x4], $0x2000, $0x38;
	[tilespmem:$0x1CC80] =	vst v63  }
0xa1: {  	_ =	swait.ge [sflag:s28], $0x2000  }
0xa2: {  	[sflag:s28] =	ssyncset.done $0x0  }
0xa3: {  	[sflag:s28] =	ssyncadd.s32 $0xFFFFE000  }
0xa4: {  	_ =	swait.ge [sflag:s28], $0x2000  }
0xa5: {  	[sflag:s28] =	ssyncset.done $0x0  }
0xa6: {  	s25 =	sadd.s32 $0x1, s25;
	[sflag:s28] =	ssyncadd.s32 $0xFFFFE000  }
0xa7: {  	p1 =	sne.s32 s25, s6;
	_ =	swait.ge [sflag:s0], $0x2000  }
.Ltmp1:
0xa8: {  	[sflag:s0] =	ssyncset.done $0x0;
	(pc) =	sbr.rel @p1 .LBB2_1-.Ltmp1, $4  }
0xa9: {  	[sflag:s0] =	ssyncadd.s32 $0xFFFFE000  }
0xaa: {  	_ =	swait.ge [sflag:s0], $0x2000  }
0xab: {  	[sflag:s0] =	ssyncset.done $0x0  }
0xac: {  	[sflag:s0] =	ssyncadd.s32 $0xFFFFE000  }
0xad: {  	_ =	sfence.sel $0x180000  }
0xae: {  	[bflag:$0x0] =	sbarrier.arrive $0xFFFF  }
0xaf: {  	_ =	strace $0x9000004D  }
0xb0: {  	[bflag:$0x2] =	sbarrier.arrive $0xFFFF  }
0xb1: {  	s0 =	rddreg [dreg:$0x2]  }
0xb2: {  	s0 =	sadd.s32 @!p0 $0x100000, s0  }
0xb3: {  	[sflag:s0] =	ssyncadd.tile.s32 @!p0 $0x1;
	_ =	shalt  }
.Lfunc_end2:
_tile_overlayer_lowered:
.L_overlay_start_2:
0xb4: {  	(tag) =	ssettag $0x2  }
0xb5: {  	s0 =	rddreg [dreg:$0x0];
	s2 =	stileid.u32  }
0xb6: {  	s1 =	rddreg [dreg:$0x1];
	p0 =	sne.s32 s2, $0x0  }
0xb7: {  	s3 =	rddreg [dreg:$0x2];
	[bflag:$0x3] =	sbarrier.arrive $0xFFFF;
	s2 =	simm.s32 @!p0 $0x1C05  }
0xb8: {  	[timem:s3], [sflag:s2] =	dma.local @!p0 [hbm:s0], s1  }
0xb9: {  	s0 =	simm.s32 @!p0 $0x5  }
0xba: {  	_ =	swait.ge @!p0 [sflag:s0], s1  }
0xbb: {  	s1 =	ssub.s32 @!p0 $0x0, s1;
	[sflag:s0] =	ssyncset.done @!p0 $0x0  }
0xbc: {  	[sflag:s0] =	ssyncadd.s32 @!p0 s1  }
0xbd: {  	[bflag:$0x3] =	sbarrier.arrive $0xFFFF  }
0xbe: {  	_ =	shalt  }

// kernel: kernel.24.cloned.1.call-start
scs
__scs_entry_jumppad:
0x0: {  	(pc) =	sbr.rel $0x88, $3  }
0x1: {  	(tag) =	ssettag $0x0;
	lr =	simm.s32 $0x1  }
0x2: {  	[smem:$0x3F93] =	sst lr;
	_ =	strace $0xD0000000  }
0x3: {  	_ = 	snop  }
0x4: {  	_ = 	snop  }
0x5: {  	_ = 	snop  }
0x6: {  	_ = 	snop  }
0x7: {  	_ = 	snop  }
__scs_overlays_trampoline_lowered:
0x8: {  	[smem:$0x3FA2] =	sst s0  }
0x9: {  	[smem:$0x3FA3] =	sst s1  }
0xa: {  	[smem:$0x3FA4] =	sst s2  }
0xb: {  	[smem:$0x3FA5] =	sst s3  }
0xc: {  	[smem:$0x3FA6] =	sst s4  }
0xd: {  	[smem:$0x3FA7] =	sst s5  }
0xe: {  	[smem:$0x3FA8] =	sst s6  }
0xf: {  	[smem:$0x3FA9] =	sst s7  }
0x10: {  	[smem:$0x3FAA] =	sst s8  }
0x11: {  	[smem:$0x3FAB] =	sst s9;
	s0 =	simm.s32 @!p0 $0x0  }
0x12: {  	s1 =	sld [smem:$0x3F91];
	s0 =	simm.s32 @p0 $0x1  }
0x13: {  	[smem:$0x3FAC] =	sst s0;
	s0 =	simm.s32 @!p1 $0x0  }
0x14: {  	s2 =	sld [smem:$0x3F90];
	s0 =	simm.s32 @p1 $0x1  }
0x15: {  	[smem:$0x3FAD] =	sst s0;
	s0 =	simm.s32 @!p2 $0x0  }
0x16: {  	s3 =	sld [smem:$0x3FDB];
	s0 =	simm.s32 @p2 $0x1  }
0x17: {  	s4 =	simm.s32 $0x1BF5;
	[smem:$0x3FAF] =	sst s0  }
0x18: {  	s0 =	sld [smem:$0x3F92];
	_ =	swait.ge [sflag:s4], $0x0  }
0x19: {  	s7 =	sld [smem:$0x3F93]  }
0x1a: {  	s8 =	sadd.s32 $0xFFFFE003, lr  }
0x1b: {  	s9 =	sadd.s32 $0xFFFFFEF7, lr;
	s5 =	simm.s32 $0xFFFFFFFF;
	p2 =	slt.u32 s8, $0xFFFFF086  }
0x1c: {  	p1 =	slt.u32 s9, $0xF7A;
	s5 =	simm.s32 @!p2 $0x0  }
0x1d: {  	s5 =	simm.s32 @p1 $0x1;
	p0 =	seq.s32 s7, s2  }
0x1e: {  	s7 =	smul.u32 @!p0 $0xF7A, s2;
	p2 =	seq.s32 @!p0 s5, $0x0  }
0x1f: {  	s9 =	smul.u32 $0xF7A, s1;
	s8 =	simm.s32 @!p0 $0x1BF5;
	p2 =	por !p2, p0  }
0x20: {  	[sflag:s8] =	ssyncset.s32 @!p0 $0xFFFFF086;
	s6 =	sadd.s32 @!p0 s3, s7;
	s7 =	simm.s32 @!p0 $0x108  }
0x21: {  	s3 =	sadd.s32 s3, s9;
	s6 =	sadd.s32 @!p0 $0x88, s6;
	s7 =	simm.s32 @p2 $0x1082  }
0x22: {  	[simem:s7], [sflag:s8] =	dma.local @!p0 [hbm:s6], $0xF7A  }
0x23: {  	s9 =	sor.u32 $0xD0000000, s2;
	s6 =	simm.s32 $0x108;
	_ =	swait.ge @!p0 [sflag:s8], $0x0  }
0x24: {  	s3 =	sadd.s32 $0x88, s3;
	s6 =	simm.s32 @!p1 $0x1082;
	[sflag:s4] =	ssyncset.s32 $0xFFFFF086  }
0x25: {  	[simem:s6], [sflag:s4] =	dma.local [hbm:s3], $0xF7A  }
0x26: {  	[smem:$0x3F93] =	sst s1;
	(tag) =	ssettag s2;
	_ =	strace s9  }
0x27: {  	s1 =	sld [smem:$0x3FA3]  }
0x28: {  	s2 =	sld [smem:$0x3FA4]  }
0x29: {  	s4 =	sld [smem:$0x3FA6]  }
0x2a: {  	p0 =	seq.s32 s5, $0x0;
	s5 =	sld [smem:$0x3FA7]  }
0x2b: {  	s6 =	sld [smem:$0x3FA8]  }
0x2c: {  	s7 =	sld [smem:$0x3FA9]  }
0x2d: {  	s3 =	simm.s32 $0x108;
	s8 =	sld [smem:$0x3FAA]  }
0x2e: {  	s3 =	simm.s32 @!p0 $0x1082;
	s9 =	sld [smem:$0x3FAB]  }
0x2f: {  	lr =	sadd.s32 s0, s3;
	s0 =	sld [smem:$0x3FA2]  }
0x30: {  	s3 =	sld [smem:$0x3FA5]  }
0x31: {  	[smem:$0x3FAE] =	sst s10  }
0x32: {  	s10 =	sld [smem:$0x3FAC];
	_ =	sdelay $0x3  }
0x33: {  	p0 =	seq.s32 s10, $0x1;
	s10 =	sld [smem:$0x3FAE];
	_ =	sdelay $0x3  }
0x34: {  	[smem:$0x3FAE] =	sst s10  }
0x35: {  	s10 =	sld [smem:$0x3FAD];
	_ =	sdelay $0x3  }
0x36: {  	p1 =	seq.s32 s10, $0x1;
	s10 =	sld [smem:$0x3FAE];
	_ =	sdelay $0x3  }
0x37: {  	[smem:$0x3FAE] =	sst s10  }
0x38: {  	s10 =	sld [smem:$0x3FAF]  }
0x39: {  	_ = 	snop;
	(pc) =	sbr.ind lr, $3  }
0x3a: {  	_ = 	snop  }
0x3b: {  	_ = 	snop  }
0x3c: {  	p2 =	seq.s32 s10, $0x1;
	s10 =	sld [smem:$0x3FAE]  }
0x3d: {  	_ =	shalt  }
0x3e: {  	_ =	shalt  }
0x3f: {  	_ =	shalt  }
0x40: {  	_ =	shalt  }
0x41: {  	_ =	shalt  }
0x42: {  	_ =	shalt  }
0x43: {  	_ =	shalt  }
0x44: {  	_ =	shalt  }
0x45: {  	_ =	shalt  }
0x46: {  	_ =	shalt  }
0x47: {  	_ =	shalt  }
0x48: {  	_ =	shalt  }
0x49: {  	_ =	shalt  }
0x4a: {  	_ =	shalt  }
0x4b: {  	_ =	shalt  }
0x4c: {  	_ =	shalt  }
0x4d: {  	_ =	shalt  }
0x4e: {  	_ =	shalt  }
0x4f: {  	_ =	shalt  }
0x50: {  	_ =	shalt  }
0x51: {  	_ =	shalt  }
0x52: {  	_ =	shalt  }
0x53: {  	_ =	shalt  }
0x54: {  	_ =	shalt  }
0x55: {  	_ =	shalt  }
0x56: {  	_ =	shalt  }
0x57: {  	_ =	shalt  }
0x58: {  	_ =	shalt  }
0x59: {  	_ =	shalt  }
0x5a: {  	_ =	shalt  }
0x5b: {  	_ =	shalt  }
0x5c: {  	_ =	shalt  }
0x5d: {  	_ =	shalt  }
0x5e: {  	_ =	shalt  }
0x5f: {  	_ =	shalt  }
0x60: {  	_ =	shalt  }
0x61: {  	_ =	shalt  }
0x62: {  	_ =	shalt  }
0x63: {  	_ =	shalt  }
0x64: {  	_ =	shalt  }
0x65: {  	_ =	shalt  }
0x66: {  	_ =	shalt  }
0x67: {  	_ =	shalt  }
0x68: {  	_ =	shalt  }
0x69: {  	_ =	shalt  }
0x6a: {  	_ =	shalt  }
0x6b: {  	_ =	shalt  }
0x6c: {  	_ =	shalt  }
0x6d: {  	_ =	shalt  }
0x6e: {  	_ =	shalt  }
0x6f: {  	_ =	shalt  }
0x70: {  	_ =	shalt  }
0x71: {  	_ =	shalt  }
0x72: {  	_ =	shalt  }
0x73: {  	_ =	shalt  }
0x74: {  	_ =	shalt  }
0x75: {  	_ =	shalt  }
0x76: {  	_ =	shalt  }
0x77: {  	_ =	shalt  }
0x78: {  	_ =	shalt  }
0x79: {  	_ =	shalt  }
0x7a: {  	_ =	shalt  }
0x7b: {  	_ =	shalt  }
0x7c: {  	_ =	shalt  }
0x7d: {  	_ =	shalt  }
0x7e: {  	_ =	shalt  }
0x7f: {  	_ =	shalt  }
0x80: {  	_ =	shalt  }
0x81: {  	_ =	shalt  }
0x82: {  	_ =	shalt  }
0x83: {  	_ =	shalt  }
0x84: {  	_ =	shalt  }
0x85: {  	_ =	shalt  }
0x86: {  	_ =	shalt  }
0x87: {  	_ =	shalt  }
.Lfunc_end0:
.L_simem_size_0:
called_computation.2_lowered:
.L_overlay_start_0:
0x88: {  	s2 =	sld [smem:$0x3FD9]  }
0x89: {  	s3 =	sld [smem:$0x3FFE];
	_ =	sdelay $0x1  }
0x8a: {  	s1 =	srdreg.scid  }
0x8b: {  	s0 =	sand.u32 $0x1, s1  }
0x8c: {  	s17 =	sshll.u32 s0, $0xA;
	s2 =	sadd.s32 s3, s2  }
0x8d: {  	s2 =	sadd.s32 s2, s17  }
0x8e: {  	[smem:$0x3FBA] =	sst s2  }
0x8f: {  	_ = 	snop  }
0x90: {  	s2 =	sld [smem:$0x3FD0];
	(tm) =	ssettm $0x1  }
0x91: {  	s18 =	sld [smem:$0x3FFB];
	_ =	sdelay $0x3  }
0x92: {  	_ =	strace s18  }
0x93: {  	s3 =	sld [smem:$0x3FFC];
	_ =	sdelay $0x3  }
0x94: {  	_ =	strace s3  }
0x95: {  	s3 =	sld [smem:$0x3FFD];
	_ =	sdelay $0x3  }
0x96: {  	_ =	strace s3  }
0x97: {  	_ =	strace $0x8FFFFFFF  }
0x98: {  	s19 =	sld [smem:$0x3FDB];
	_ =	sdelay $0x1  }
0x99: {  	s4 =	simm.s32 $_scs_section_size  }
0x9a: {  	s5 =	simm.s32 $_size__tile_overlayer_lowered;
	s6 =	simm.s32 $_tile_overlayer_lowered  }
0x9b: {  	s22 =	simm.s32 $0x1BFF;
	s21 =	sshll.u32 s6, $0x1;
	s3 =	sadd.s32 s4, s19  }
0x9c: {  	s7 =	simm.s32 $0x0;
	s20 =	sshll.u32 s5, $0x1;
	s5 =	sadd.s32 s21, s3  }
0x9d: {  	[timem:s7], [sflag:s22] =	dma.local [hbm:s5], s20  }
0x9e: {  	_ =	swait.ge [sflag:s22], s20  }
0x9f: {  	s4 =	ssub.s32 $0x0, s20;
	[sflag:s22] =	ssyncset.done $0x0  }
0xa0: {  	[sflag:s22] =	ssyncadd.s32 s4;
	_ =	sdelay $0x1  }
0xa1: {  	s23 =	simm.s32 $0x1B8B  }
0xa2: {  	_ =	swait.ge [sflag:s23], $0x1  }
0xa3: {  	[sflag:s23] =	ssyncset.done $0x0  }
0xa4: {  	s25 =	simm.s32 $0x1B8E;
	s24 =	sld [smem:$0x3FFE];
	[sflag:s23] =	ssyncadd.s32 $0xFFFFFFFF  }
0xa5: {  	s26 =	simm.s32 $execute0_lowered;
	[smem:$0x3FD2] =	sst s25  }
0xa6: {  	s5 =	sshll.u32 s26, $0x1;
	_ =	strace $0x80000049;
	[dreg:$0x1] =	wrdreg $0xFFFFFFFF  }
0xa7: {  	s28 =	simm.s32 $_size_execute0_lowered;
	s3 =	sadd.s32 s3, s5;
	[dreg:$0x0] =	wrdreg $0x0  }
0xa8: {  	s5 =	sshll.u32 s28, $0x1;
	[dreg:$0x2] =	wrdreg s3  }
0xa9: {  	[dreg:$0x3] =	wrdreg s5  }
0xaa: {  	[dreg:$0x4] =	wrdreg $0xC0  }
0xab: {  	_ =	task [dreg:s7], $0x5FFFF  }
0xac: {  	[dreg:$0x1] =	wrdreg $0xFFFFFFFF  }
0xad: {  	[dreg:$0x0] =	wrdreg $0x60  }
0xae: {  	[dreg:$0x2] =	wrdreg s24  }
0xaf: {  	[dreg:$0x3] =	wrdreg s2  }
0xb0: {  	[dreg:$0x4] =	wrdreg $0x0  }
0xb1: {  	[dreg:$0x5] =	wrdreg $0xA  }
0xb2: {  	_ =	task.clear_ibuf [dreg:s7], $0x6FFFF;
	_ =	strace $0x90000049  }
0xb3: {  	s29 =	simm.s32 $0xA;
	_ =	strace $0x8000004B  }
0xb4: {  	_ =	swait.ge [sflag:s29], $0x1  }
0xb5: {  	[sflag:s29] =	ssyncadd.s32 $0xFFFFFFFF  }
0xb6: {  	_ =	strace $0x9000004B  }
0xb7: {  	_ =	sfence  }
0xb8: {  	s30 =	sld [smem:$0x0];
	_ =	sdelay $0x2  }
0xb9: {  	s31 =	sshll.u32 s1, $0xD;
	s1 =	sshrl.u32 s1, $0x2  }
0xba: {  	s3 =	sand.u32 $0x4000, s31;
	s1 =	sadd.s32 s1, s30  }
0xbb: {  	s0 =	sor.u32 s3, s0;
	s1 =	sshll.u32 s1, $0x11  }
0xbc: {  	s0 =	sor.u32 s1, s0  }
0xbd: {  	s0 =	sadd.s32 $0x8F2B, s0  }
0xbe: {  	[sflag:s0] =	ssyncadd.remote.s32 $0x1  }
0xbf: {  	_ =	sfence.sel $0xFFFF  }
0xc0: {  	[dreg:$0x0] =	wrdreg $0xFFFFFFFF;
	(pc) =	sbr.abs _section_cstart, $3  }
0xc1: {  	[dreg:$0x1] =	wrdreg $0xFFFFFFFF  }
0xc2: {  	_ =	task.clear_ibuf [dreg:s7], $0x2FFFF;
	_ =	strace $0x9FFFFFFF  }
0xc3: {  	(tm) =	ssettm $0x7FFFFFFF  }
tec
execute0_lowered:
.L_overlay_start_1:
0x0: {  	(tag) =	ssettag $0x1  }
0x1: {  	s0 =	rddreg [dreg:$0x0]  }
0x2: {  	s4 =	rddreg [dreg:$0x1]  }
0x3: {  	s1 =	rddreg [dreg:$0x2]  }
0x4: {  	s2 =	srdreg.scid;
	s15 =	stileid.u32  }
0x5: {  	s16 =	simm.s32 $0x5;
	s18 =	simm.s32 $0x40;
	s19 =	simm.s32 $0x14C80  }
0x6: {  	s21 =	simm.s32 $0x16C80;
	s22 =	simm.s32 $0x1;
	s24 =	simm.s32 $0x18C80  }
0x7: {  	s26 =	simm.s32 $0x1AC80;
	s28 =	simm.s32 $0x3;
	s31 =	simm.s32 $0x2  }
0x8: {  	s25 =	simm.s32 $0x0;
	s8 =	sand.u32 $0x1, s2;
	s2 =	simm.s32 $0x0  }
0x9: {  	s6 =	smul.u32 $0x1400, s15;
	s3 =	sadd.s32 $0x5BE00, s0;
	s0 =	sadd.s32 $0xAA200, s0  }
0xa: {  	s14 =	smul.u32 $0x14000, s15;
	p0 =	sne.s32 s15, $0x0;
	s15 =	simm.s32 $0x13880  }
0xb: {  	s5 =	smul.u32 $0x14000, s8;
	[smem:$0x7FF] =	sst s2;
	s7 =	ssub.s32 $0x2, s8  }
0xc: {  	s12 =	smul.u32 $0x140000, s8;
	s17 =	sshrl.u32 @!p0 s1, $0x3;
	s30 =	sshrl.u32 s7, $0x1  }
0xd: {  	_ =	strace $0x8000004A;
	s5 =	sadd.s32 s6, s5;
	s6 =	ssub.s32 s7, s30  }
0xe: {  	s9 =	sshrl.u32 s5, $0x3;
	s5 =	sshll.u32 s5, $0x4;
	s6 =	smax.u32 s6, $0x1  }
0xf: {  	s4 =	sadd.s32 s4, s9;
	s5 =	sadd.s32 s0, s5;
	s0 =	sadd.s32 s12, s0  }
0x10: {  	s7 =	sadd.s32 $0x400, s5;
	s8 =	sadd.s32 $0x800, s5;
	s9 =	sadd.s32 $0xC00, s5  }
0x11: {  	s10 =	sadd.s32 $0x13000, s5;
	s11 =	sadd.s32 $0x13400, s5;
	s12 =	sadd.s32 $0x13800, s5  }
0x12: {  	s13 =	sadd.s32 $0x13C00, s5;
	s14 =	sadd.s32 s14, s0;
	s0 =	simm.s32 $0x4  }
.LBB2_1:
0x13: {  	[tilespmem:s15], [sflag:$0x5] =	stream.linear.gather [hbm4b:s4+s2], $0x1400, $0x38;
	[tilespmem:$0x1CC80] =	vst v63  }
0x14: {  	_ =	swait.ge [sflag:s16], $0x1400  }
0x15: {  	[sflag:s16] =	ssyncset.done $0x0  }
0x16: {  	s20 =	simm.s32 @!p0 $0x1C05;
	[sflag:s16] =	ssyncadd.s32 $0xFFFFEC00  }
0x17: {  	[spmem:s17], [sflag:s20] =	dma.local @!p0 [hbm:s3], $0x27100  }
0x18: {  	s20 =	simm.s32 @!p0 $0x5  }
0x19: {  	_ =	swait.ge @!p0 [sflag:s20], $0x27100  }
0x1a: {  	[sflag:s20] =	ssyncset.done @!p0 $0x0  }
0x1b: {  	[sflag:s20] =	ssyncadd.s32 @!p0 $0xFFFD8F00  }
0x1c: {  	[bflag:$0x0] =	sbarrier.arrive $0xFFFF  }
0x1d: {  	[tilespmem:s19], [sflag:$0x1] =	stream.indirect.gather [spmem:s1], $0x80, s15, s18, $0xb8;
	[tilespmem:$0x1CC80] =	vst v63  }
0x1e: {  	s23 =	simm.s32 $0x138C0  }
0x1f: {  	[tilespmem:s21], [sflag:$0x1] =	stream.indirect.gather [spmem:s1], $0x80, s23, s18, $0xb8;
	[tilespmem:$0x1CC80] =	vst v63  }
0x20: {  	_ =	swait.ge [sflag:s22], $0x2000  }
0x21: {  	[sflag:s22] =	ssyncset.done $0x0  }
0x22: {  	[sflag:s22] =	ssyncadd.s32 $0xFFFFE000  }
0x23: {  	_ =	swait.ge [sflag:s22], $0x2000  }
0x24: {  	[sflag:s22] =	ssyncset.done $0x0  }
0x25: {  	[sflag:s22] =	ssyncadd.s32 $0xFFFFE000  }
0x26: {  	[hbm4b:s5+s2] =	stream.linear.scatter [tilespmem:s19], [sflag:$0x3], $0x2000, $0x38;
	[tilespmem:$0x1CC80] =	vst v63  }
0x27: {  	_ = 	snop  }
0x28: {  	[hbm4b:s7+s2] =	stream.linear.scatter [tilespmem:s21], [sflag:$0x3], $0x2000, $0x38;
	[tilespmem:$0x1CC80] =	vst v63  }
0x29: {  	s23 =	simm.s32 $0x13900  }
0x2a: {  	[tilespmem:s24], [sflag:$0x2] =	stream.indirect.gather [spmem:s1], $0x80, s23, s18, $0xb8;
	[tilespmem:$0x1CC80] =	vst v63  }
0x2b: {  	s23 =	simm.s32 $0x13940  }
0x2c: {  	[tilespmem:s26], [sflag:$0x2] =	stream.indirect.gather [spmem:s1], $0x80, s23, s18, $0xb8;
	[tilespmem:$0x1CC80] =	vst v63  }
0x2d: {  	_ =	swait.ge [sflag:s28], $0x2000  }
0x2e: {  	[sflag:s28] =	ssyncset.done $0x0  }
0x2f: {  	[sflag:s28] =	ssyncadd.s32 $0xFFFFE000  }
0x30: {  	_ =	swait.ge [sflag:s28], $0x2000  }
0x31: {  	[sflag:s28] =	ssyncset.done $0x0  }
0x32: {  	s23 =	simm.s32 $0x13980;
	[sflag:s28] =	ssyncadd.s32 $0xFFFFE000  }
0x33: {  	[tilespmem:s19], [sflag:$0x1] =	stream.indirect.gather [spmem:s1], $0x80, s23, s18, $0xb8;
	[tilespmem:$0x1CC80] =	vst v63  }
0x34: {  	s23 =	simm.s32 $0x139C0  }
0x35: {  	[tilespmem:s21], [sflag:$0x1] =	stream.indirect.gather [spmem:s1], $0x80, s23, s18, $0xb8;
	[tilespmem:$0x1CC80] =	vst v63  }
0x36: {  	_ =	swait.ge [sflag:s31], $0x2000  }
0x37: {  	[sflag:s31] =	ssyncset.done $0x0  }
0x38: {  	[sflag:s31] =	ssyncadd.s32 $0xFFFFE000  }
0x39: {  	_ =	swait.ge [sflag:s31], $0x2000  }
0x3a: {  	[sflag:s31] =	ssyncset.done $0x0  }
0x3b: {  	[sflag:s31] =	ssyncadd.s32 $0xFFFFE000  }
0x3c: {  	[hbm4b:s8+s2] =	stream.linear.scatter [tilespmem:s24], [sflag:$0x4], $0x2000, $0x38;
	[tilespmem:$0x1CC80] =	vst v63  }
0x3d: {  	_ = 	snop  }
0x3e: {  	[hbm4b:s9+s2] =	stream.linear.scatter [tilespmem:s26], [sflag:$0x4], $0x2000, $0x38;
	[tilespmem:$0x1CC80] =	vst v63  }
0x3f: {  	_ =	swait.ge [sflag:s22], $0x2000  }
0x40: {  	[sflag:s22] =	ssyncset.done $0x0  }
0x41: {  	[sflag:s22] =	ssyncadd.s32 $0xFFFFE000  }
0x42: {  	_ =	swait.ge [sflag:s22], $0x2000  }
0x43: {  	s23 =	sadd.s32 $0x0, s14;
	[sflag:s22] =	ssyncset.done $0x0  }
0x44: {  	s29 =	sadd.s32 $0x1000, s23;
	[sflag:s22] =	ssyncadd.s32 $0xFFFFE000  }
0x45: {  	[hbm4b:s29+s2] =	stream.linear.scatter [tilespmem:s19], [sflag:$0x3], $0x2000, $0x38;
	[tilespmem:$0x1CC80] =	vst v63  }
0x46: {  	s29 =	sadd.s32 $0x1400, s23  }
0x47: {  	[hbm4b:s29+s2] =	stream.linear.scatter [tilespmem:s21], [sflag:$0x3], $0x2000, $0x38;
	[tilespmem:$0x1CC80] =	vst v63  }
0x48: {  	_ =	swait.ge [sflag:s0], $0x2000  }
0x49: {  	[sflag:s0] =	ssyncset.done $0x0  }
0x4a: {  	[sflag:s0] =	ssyncadd.s32 $0xFFFFE000  }
0x4b: {  	_ =	swait.ge [sflag:s0], $0x2000  }
0x4c: {  	[sflag:s0] =	ssyncset.done $0x0  }
0x4d: {  	s29 =	simm.s32 $0x13A00;
	[sflag:s0] =	ssyncadd.s32 $0xFFFFE000  }
0x4e: {  	[tilespmem:s24], [sflag:$0x2] =	stream.indirect.gather [spmem:s1], $0x80, s29, s18, $0xb8;
	[tilespmem:$0x1CC80] =	vst v63  }
0x4f: {  	s29 =	simm.s32 $0x13A40  }
0x50: {  	[tilespmem:s26], [sflag:$0x2] =	stream.indirect.gather [spmem:s1], $0x80, s29, s18, $0xb8;
	[tilespmem:$0x1CC80] =	vst v63  }
0x51: {  	_ =	swait.ge [sflag:s28], $0x2000  }
0x52: {  	[sflag:s28] =	ssyncset.done $0x0  }
0x53: {  	[sflag:s28] =	ssyncadd.s32 $0xFFFFE000  }
0x54: {  	_ =	swait.ge [sflag:s28], $0x2000  }
0x55: {  	[sflag:s28] =	ssyncset.done $0x0  }
0x56: {  	s29 =	simm.s32 $0x13A80;
	[sflag:s28] =	ssyncadd.s32 $0xFFFFE000  }
0x57: {  	[tilespmem:s19], [sflag:$0x1] =	stream.indirect.gather [spmem:s1], $0x80, s29, s18, $0xb8;
	[tilespmem:$0x1CC80] =	vst v63  }
0x58: {  	s29 =	simm.s32 $0x13AC0  }
0x59: {  	[tilespmem:s21], [sflag:$0x1] =	stream.indirect.gather [spmem:s1], $0x80, s29, s18, $0xb8;
	[tilespmem:$0x1CC80] =	vst v63  }
0x5a: {  	_ =	swait.ge [sflag:s31], $0x2000  }
0x5b: {  	[sflag:s31] =	ssyncset.done $0x0  }
0x5c: {  	[sflag:s31] =	ssyncadd.s32 $0xFFFFE000  }
0x5d: {  	_ =	swait.ge [sflag:s31], $0x2000  }
0x5e: {  	[sflag:s31] =	ssyncset.done $0x0  }
0x5f: {  	s29 =	sadd.s32 $0x1800, s23;
	[sflag:s31] =	ssyncadd.s32 $0xFFFFE000  }
0x60: {  	[hbm4b:s29+s2] =	stream.linear.scatter [tilespmem:s24], [sflag:$0x4], $0x2000, $0x38;
	[tilespmem:$0x1CC80] =	vst v63  }
0x61: {  	s30 =	simm.s32 $0x13BC0;
	s20 =	sadd.s32 $0x1C00, s23;
	s29 =	simm.s32 $0x1000  }
.LBB2_2:
0x62: {  	[hbm4b:s20+s2] =	stream.linear.scatter [tilespmem:s26], [sflag:$0x4], $0x2000, $0x38;
	[tilespmem:$0x1CC80] =	vst v63  }
0x63: {  	s20 =	smov.u32 s29  }
0x64: {  	p1 =	sne.s32 s29, $0x11000;
	s29 =	sadd.s32 $0x1000, s29;
	_ =	swait.ge [sflag:s22], $0x2000  }
0x65: {  	[sflag:s22] =	ssyncset.done $0x0  }
0x66: {  	[sflag:s22] =	ssyncadd.s32 $0xFFFFE000  }
0x67: {  	_ =	swait.ge [sflag:s22], $0x2000  }
0x68: {  	s20 =	sadd.s32 s20, s14;
	[sflag:s22] =	ssyncset.done $0x0  }
0x69: {  	s23 =	sadd.s32 $0x1000, s20;
	[sflag:s22] =	ssyncadd.s32 $0xFFFFE000  }
0x6a: {  	[hbm4b:s23+s2] =	stream.linear.scatter [tilespmem:s19], [sflag:$0x3], $0x2000, $0x38;
	[tilespmem:$0x1CC80] =	vst v63  }
0x6b: {  	s23 =	sadd.s32 $0x1400, s20  }
0x6c: {  	[hbm4b:s23+s2] =	stream.linear.scatter [tilespmem:s21], [sflag:$0x3], $0x2000, $0x38;
	[tilespmem:$0x1CC80] =	vst v63  }
0x6d: {  	_ =	swait.ge [sflag:s0], $0x2000  }
0x6e: {  	[sflag:s0] =	ssyncset.done $0x0  }
0x6f: {  	[sflag:s0] =	ssyncadd.s32 $0xFFFFE000  }
0x70: {  	_ =	swait.ge [sflag:s0], $0x2000  }
0x71: {  	[sflag:s0] =	ssyncset.done $0x0  }
0x72: {  	s23 =	sadd.s32 $0xFFFFFF40, s30;
	[sflag:s0] =	ssyncadd.s32 $0xFFFFE000  }
0x73: {  	[tilespmem:s24], [sflag:$0x2] =	stream.indirect.gather [spmem:s1], $0x80, s23, s18, $0xb8;
	[tilespmem:$0x1CC80] =	vst v63  }
0x74: {  	s23 =	sadd.s32 $0xFFFFFF80, s30  }
0x75: {  	[tilespmem:s26], [sflag:$0x2] =	stream.indirect.gather [spmem:s1], $0x80, s23, s18, $0xb8;
	[tilespmem:$0x1CC80] =	vst v63  }
0x76: {  	_ =	swait.ge [sflag:s28], $0x2000  }
0x77: {  	[sflag:s28] =	ssyncset.done $0x0  }
0x78: {  	[sflag:s28] =	ssyncadd.s32 $0xFFFFE000  }
0x79: {  	_ =	swait.ge [sflag:s28], $0x2000  }
0x7a: {  	[sflag:s28] =	ssyncset.done $0x0  }
0x7b: {  	s23 =	sadd.s32 $0xFFFFFFC0, s30;
	[sflag:s28] =	ssyncadd.s32 $0xFFFFE000  }
0x7c: {  	[tilespmem:s19], [sflag:$0x1] =	stream.indirect.gather [spmem:s1], $0x80, s23, s18, $0xb8;
	[tilespmem:$0x1CC80] =	vst v63  }
0x7d: {  	_ = 	snop  }
0x7e: {  	[tilespmem:s21], [sflag:$0x1] =	stream.indirect.gather [spmem:s1], $0x80, s30, s18, $0xb8;
	[tilespmem:$0x1CC80] =	vst v63  }
0x7f: {  	_ =	swait.ge [sflag:s31], $0x2000  }
0x80: {  	[sflag:s31] =	ssyncset.done $0x0  }
0x81: {  	[sflag:s31] =	ssyncadd.s32 $0xFFFFE000  }
.Ltmp0:
0x82: {  	_ =	swait.ge [sflag:s31], $0x2000;
	(pc) =	sbr.rel @p1 .LBB2_2-.Ltmp0, $4  }
0x83: {  	[sflag:s31] =	ssyncset.done $0x0  }
0x84: {  	s23 =	sadd.s32 $0x1800, s20;
	[sflag:s31] =	ssyncadd.s32 $0xFFFFE000  }
0x85: {  	[hbm4b:s23+s2] =	stream.linear.scatter [tilespmem:s24], [sflag:$0x4], $0x2000, $0x38;
	[tilespmem:$0x1CC80] =	vst v63  }
0x86: {  	s20 =	sadd.s32 $0x1C00, s20;
	s30 =	sadd.s32 $0x100, s30  }
0x87: {  	[hbm4b:s20+s2] =	stream.linear.scatter [tilespmem:s26], [sflag:$0x4], $0x2000, $0x38;
	[tilespmem:$0x1CC80] =	vst v63  }
0x88: {  	_ =	swait.ge [sflag:s22], $0x2000  }
0x89: {  	[sflag:s22] =	ssyncset.done $0x0  }
0x8a: {  	[sflag:s22] =	ssyncadd.s32 $0xFFFFE000  }
0x8b: {  	_ =	swait.ge [sflag:s22], $0x2000  }
0x8c: {  	[sflag:s22] =	ssyncset.done $0x0  }
0x8d: {  	[sflag:s22] =	ssyncadd.s32 $0xFFFFE000  }
0x8e: {  	[hbm4b:s10+s2] =	stream.linear.scatter [tilespmem:s19], [sflag:$0x3], $0x2000, $0x38;
	[tilespmem:$0x1CC80] =	vst v63  }
0x8f: {  	_ = 	snop  }
0x90: {  	[hbm4b:s11+s2] =	stream.linear.scatter [tilespmem:s21], [sflag:$0x3], $0x2000, $0x38;
	[tilespmem:$0x1CC80] =	vst v63  }
0x91: {  	_ =	swait.ge [sflag:s0], $0x2000  }
0x92: {  	[sflag:s0] =	ssyncset.done $0x0  }
0x93: {  	[sflag:s0] =	ssyncadd.s32 $0xFFFFE000  }
0x94: {  	_ =	swait.ge [sflag:s0], $0x2000  }
0x95: {  	[sflag:s0] =	ssyncset.done $0x0  }
0x96: {  	s29 =	simm.s32 $0x14C00;
	[sflag:s0] =	ssyncadd.s32 $0xFFFFE000  }
0x97: {  	[tilespmem:s24], [sflag:$0x2] =	stream.indirect.gather [spmem:s1], $0x80, s29, s18, $0xb8;
	[tilespmem:$0x1CC80] =	vst v63  }
0x98: {  	s30 =	simm.s32 $0x14C40  }
0x99: {  	[tilespmem:s26], [sflag:$0x2] =	stream.indirect.gather [spmem:s1], $0x80, s30, s18, $0xb8;
	[tilespmem:$0x1CC80] =	vst v63  }
0x9a: {  	_ =	swait.ge [sflag:s31], $0x2000  }
0x9b: {  	[sflag:s31] =	ssyncset.done $0x0  }
0x9c: {  	[sflag:s31] =	ssyncadd.s32 $0xFFFFE000  }
0x9d: {  	_ =	swait.ge [sflag:s31], $0x2000  }
0x9e: {  	[sflag:s31] =	ssyncset.done $0x0  }
0x9f: {  	[sflag:s31] =	ssyncadd.s32 $0xFFFFE000  }
0xa0: {  	[hbm4b:s12+s2] =	stream.linear.scatter [tilespmem:s24], [sflag:$0x4], $0x2000, $0x38;
	[tilespmem:$0x1CC80] =	vst v63  }
0xa1: {  	_ = 	snop  }
0xa2: {  	[hbm4b:s13+s2] =	stream.linear.scatter [tilespmem:s26], [sflag:$0x4], $0x2000, $0x38;
	[tilespmem:$0x1CC80] =	vst v63  }
0xa3: {  	_ =	swait.ge [sflag:s28], $0x2000  }
0xa4: {  	[sflag:s28] =	ssyncset.done $0x0  }
0xa5: {  	[sflag:s28] =	ssyncadd.s32 $0xFFFFE000  }
0xa6: {  	_ =	swait.ge [sflag:s28], $0x2000  }
0xa7: {  	[sflag:s28] =	ssyncset.done $0x0  }
0xa8: {  	s25 =	sadd.s32 $0x1, s25;
	[sflag:s28] =	ssyncadd.s32 $0xFFFFE000  }
0xa9: {  	p1 =	sne.s32 s25, s6;
	_ =	swait.ge [sflag:s0], $0x2000  }
.Ltmp1:
0xaa: {  	[sflag:s0] =	ssyncset.done $0x0;
	(pc) =	sbr.rel @p1 .LBB2_1-.Ltmp1, $4  }
0xab: {  	[sflag:s0] =	ssyncadd.s32 $0xFFFFE000  }
0xac: {  	_ =	swait.ge [sflag:s0], $0x2000  }
0xad: {  	[sflag:s0] =	ssyncset.done $0x0  }
0xae: {  	[sflag:s0] =	ssyncadd.s32 $0xFFFFE000  }
0xaf: {  	_ =	sfence.sel $0x180000  }
0xb0: {  	[bflag:$0x0] =	sbarrier.arrive $0xFFFF  }
0xb1: {  	_ =	strace $0x9000004A  }
0xb2: {  	[bflag:$0x2] =	sbarrier.arrive $0xFFFF  }
0xb3: {  	s0 =	rddreg [dreg:$0x3]  }
0xb4: {  	s0 =	sadd.s32 @!p0 $0x100000, s0  }
0xb5: {  	[sflag:s0] =	ssyncadd.tile.s32 @!p0 $0x1;
	_ =	shalt  }
.Lfunc_end2:
_tile_overlayer_lowered:
.L_overlay_start_2:
0xb6: {  	(tag) =	ssettag $0x2  }
0xb7: {  	s0 =	rddreg [dreg:$0x0];
	s2 =	stileid.u32  }
0xb8: {  	s1 =	rddreg [dreg:$0x1];
	p0 =	sne.s32 s2, $0x0  }
0xb9: {  	s3 =	rddreg [dreg:$0x2];
	[bflag:$0x3] =	sbarrier.arrive $0xFFFF;
	s2 =	simm.s32 @!p0 $0x1C05  }
0xba: {  	[timem:s3], [sflag:s2] =	dma.local @!p0 [hbm:s0], s1  }
0xbb: {  	s0 =	simm.s32 @!p0 $0x5  }
0xbc: {  	_ =	swait.ge @!p0 [sflag:s0], s1  }
0xbd: {  	s1 =	ssub.s32 @!p0 $0x0, s1;
	[sflag:s0] =	ssyncset.done @!p0 $0x0  }
0xbe: {  	[sflag:s0] =	ssyncadd.s32 @!p0 s1  }
0xbf: {  	[bflag:$0x3] =	sbarrier.arrive $0xFFFF  }
0xc0: {  	_ =	shalt  }

// kernel: kernel.27.cloned.1.call-start
scs
__scs_entry_jumppad:
0x0: {  	(pc) =	sbr.rel $0x88, $3  }
0x1: {  	(tag) =	ssettag $0x0;
	lr =	simm.s32 $0x1  }
0x2: {  	[smem:$0x3F93] =	sst lr;
	_ =	strace $0xD0000000  }
0x3: {  	_ = 	snop  }
0x4: {  	_ = 	snop  }
0x5: {  	_ = 	snop  }
0x6: {  	_ = 	snop  }
0x7: {  	_ = 	snop  }
__scs_overlays_trampoline_lowered:
0x8: {  	[smem:$0x3FA2] =	sst s0  }
0x9: {  	[smem:$0x3FA3] =	sst s1  }
0xa: {  	[smem:$0x3FA4] =	sst s2  }
0xb: {  	[smem:$0x3FA5] =	sst s3  }
0xc: {  	[smem:$0x3FA6] =	sst s4  }
0xd: {  	[smem:$0x3FA7] =	sst s5  }
0xe: {  	[smem:$0x3FA8] =	sst s6  }
0xf: {  	[smem:$0x3FA9] =	sst s7  }
0x10: {  	[smem:$0x3FAA] =	sst s8  }
0x11: {  	[smem:$0x3FAB] =	sst s9;
	s0 =	simm.s32 @!p0 $0x0  }
0x12: {  	s1 =	sld [smem:$0x3F91];
	s0 =	simm.s32 @p0 $0x1  }
0x13: {  	[smem:$0x3FAC] =	sst s0;
	s0 =	simm.s32 @!p1 $0x0  }
0x14: {  	s2 =	sld [smem:$0x3F90];
	s0 =	simm.s32 @p1 $0x1  }
0x15: {  	[smem:$0x3FAD] =	sst s0;
	s0 =	simm.s32 @!p2 $0x0  }
0x16: {  	s3 =	sld [smem:$0x3FDB];
	s0 =	simm.s32 @p2 $0x1  }
0x17: {  	s4 =	simm.s32 $0x1BF5;
	[smem:$0x3FAF] =	sst s0  }
0x18: {  	s0 =	sld [smem:$0x3F92];
	_ =	swait.ge [sflag:s4], $0x0  }
0x19: {  	s7 =	sld [smem:$0x3F93]  }
0x1a: {  	s8 =	sadd.s32 $0xFFFFE003, lr  }
0x1b: {  	s9 =	sadd.s32 $0xFFFFFEF7, lr;
	s5 =	simm.s32 $0xFFFFFFFF;
	p2 =	slt.u32 s8, $0xFFFFF086  }
0x1c: {  	p1 =	slt.u32 s9, $0xF7A;
	s5 =	simm.s32 @!p2 $0x0  }
0x1d: {  	s5 =	simm.s32 @p1 $0x1;
	p0 =	seq.s32 s7, s2  }
0x1e: {  	s7 =	smul.u32 @!p0 $0xF7A, s2;
	p2 =	seq.s32 @!p0 s5, $0x0  }
0x1f: {  	s9 =	smul.u32 $0xF7A, s1;
	s8 =	simm.s32 @!p0 $0x1BF5;
	p2 =	por !p2, p0  }
0x20: {  	[sflag:s8] =	ssyncset.s32 @!p0 $0xFFFFF086;
	s6 =	sadd.s32 @!p0 s3, s7;
	s7 =	simm.s32 @!p0 $0x108  }
0x21: {  	s3 =	sadd.s32 s3, s9;
	s6 =	sadd.s32 @!p0 $0x88, s6;
	s7 =	simm.s32 @p2 $0x1082  }
0x22: {  	[simem:s7], [sflag:s8] =	dma.local @!p0 [hbm:s6], $0xF7A  }
0x23: {  	s9 =	sor.u32 $0xD0000000, s2;
	s6 =	simm.s32 $0x108;
	_ =	swait.ge @!p0 [sflag:s8], $0x0  }
0x24: {  	s3 =	sadd.s32 $0x88, s3;
	s6 =	simm.s32 @!p1 $0x1082;
	[sflag:s4] =	ssyncset.s32 $0xFFFFF086  }
0x25: {  	[simem:s6], [sflag:s4] =	dma.local [hbm:s3], $0xF7A  }
0x26: {  	[smem:$0x3F93] =	sst s1;
	(tag) =	ssettag s2;
	_ =	strace s9  }
0x27: {  	s1 =	sld [smem:$0x3FA3]  }
0x28: {  	s2 =	sld [smem:$0x3FA4]  }
0x29: {  	s4 =	sld [smem:$0x3FA6]  }
0x2a: {  	p0 =	seq.s32 s5, $0x0;
	s5 =	sld [smem:$0x3FA7]  }
0x2b: {  	s6 =	sld [smem:$0x3FA8]  }
0x2c: {  	s7 =	sld [smem:$0x3FA9]  }
0x2d: {  	s3 =	simm.s32 $0x108;
	s8 =	sld [smem:$0x3FAA]  }
0x2e: {  	s3 =	simm.s32 @!p0 $0x1082;
	s9 =	sld [smem:$0x3FAB]  }
0x2f: {  	lr =	sadd.s32 s0, s3;
	s0 =	sld [smem:$0x3FA2]  }
0x30: {  	s3 =	sld [smem:$0x3FA5]  }
0x31: {  	[smem:$0x3FAE] =	sst s10  }
0x32: {  	s10 =	sld [smem:$0x3FAC];
	_ =	sdelay $0x3  }
0x33: {  	p0 =	seq.s32 s10, $0x1;
	s10 =	sld [smem:$0x3FAE];
	_ =	sdelay $0x3  }
0x34: {  	[smem:$0x3FAE] =	sst s10  }
0x35: {  	s10 =	sld [smem:$0x3FAD];
	_ =	sdelay $0x3  }
0x36: {  	p1 =	seq.s32 s10, $0x1;
	s10 =	sld [smem:$0x3FAE];
	_ =	sdelay $0x3  }
0x37: {  	[smem:$0x3FAE] =	sst s10  }
0x38: {  	s10 =	sld [smem:$0x3FAF]  }
0x39: {  	_ = 	snop;
	(pc) =	sbr.ind lr, $3  }
0x3a: {  	_ = 	snop  }
0x3b: {  	_ = 	snop  }
0x3c: {  	p2 =	seq.s32 s10, $0x1;
	s10 =	sld [smem:$0x3FAE]  }
0x3d: {  	_ =	shalt  }
0x3e: {  	_ =	shalt  }
0x3f: {  	_ =	shalt  }
0x40: {  	_ =	shalt  }
0x41: {  	_ =	shalt  }
0x42: {  	_ =	shalt  }
0x43: {  	_ =	shalt  }
0x44: {  	_ =	shalt  }
0x45: {  	_ =	shalt  }
0x46: {  	_ =	shalt  }
0x47: {  	_ =	shalt  }
0x48: {  	_ =	shalt  }
0x49: {  	_ =	shalt  }
0x4a: {  	_ =	shalt  }
0x4b: {  	_ =	shalt  }
0x4c: {  	_ =	shalt  }
0x4d: {  	_ =	shalt  }
0x4e: {  	_ =	shalt  }
0x4f: {  	_ =	shalt  }
0x50: {  	_ =	shalt  }
0x51: {  	_ =	shalt  }
0x52: {  	_ =	shalt  }
0x53: {  	_ =	shalt  }
0x54: {  	_ =	shalt  }
0x55: {  	_ =	shalt  }
0x56: {  	_ =	shalt  }
0x57: {  	_ =	shalt  }
0x58: {  	_ =	shalt  }
0x59: {  	_ =	shalt  }
0x5a: {  	_ =	shalt  }
0x5b: {  	_ =	shalt  }
0x5c: {  	_ =	shalt  }
0x5d: {  	_ =	shalt  }
0x5e: {  	_ =	shalt  }
0x5f: {  	_ =	shalt  }
0x60: {  	_ =	shalt  }
0x61: {  	_ =	shalt  }
0x62: {  	_ =	shalt  }
0x63: {  	_ =	shalt  }
0x64: {  	_ =	shalt  }
0x65: {  	_ =	shalt  }
0x66: {  	_ =	shalt  }
0x67: {  	_ =	shalt  }
0x68: {  	_ =	shalt  }
0x69: {  	_ =	shalt  }
0x6a: {  	_ =	shalt  }
0x6b: {  	_ =	shalt  }
0x6c: {  	_ =	shalt  }
0x6d: {  	_ =	shalt  }
0x6e: {  	_ =	shalt  }
0x6f: {  	_ =	shalt  }
0x70: {  	_ =	shalt  }
0x71: {  	_ =	shalt  }
0x72: {  	_ =	shalt  }
0x73: {  	_ =	shalt  }
0x74: {  	_ =	shalt  }
0x75: {  	_ =	shalt  }
0x76: {  	_ =	shalt  }
0x77: {  	_ =	shalt  }
0x78: {  	_ =	shalt  }
0x79: {  	_ =	shalt  }
0x7a: {  	_ =	shalt  }
0x7b: {  	_ =	shalt  }
0x7c: {  	_ =	shalt  }
0x7d: {  	_ =	shalt  }
0x7e: {  	_ =	shalt  }
0x7f: {  	_ =	shalt  }
0x80: {  	_ =	shalt  }
0x81: {  	_ =	shalt  }
0x82: {  	_ =	shalt  }
0x83: {  	_ =	shalt  }
0x84: {  	_ =	shalt  }
0x85: {  	_ =	shalt  }
0x86: {  	_ =	shalt  }
0x87: {  	_ =	shalt  }
.Lfunc_end0:
.L_simem_size_0:
called_computation.3_lowered:
.L_overlay_start_0:
0x88: {  	s2 =	sld [smem:$0x3FD9]  }
0x89: {  	s3 =	sld [smem:$0x3FFE];
	_ =	sdelay $0x1  }
0x8a: {  	s1 =	srdreg.scid  }
0x8b: {  	s0 =	sand.u32 $0x1, s1  }
0x8c: {  	s17 =	sshll.u32 s0, $0xA;
	s2 =	sadd.s32 s3, s2  }
0x8d: {  	s2 =	sadd.s32 s2, s17  }
0x8e: {  	[smem:$0x3FBA] =	sst s2  }
0x8f: {  	_ = 	snop  }
0x90: {  	(tm) =	ssettm $0x1  }
0x91: {  	s18 =	sld [smem:$0x3FFB];
	_ =	sdelay $0x3  }
0x92: {  	_ =	strace s18  }
0x93: {  	s2 =	sld [smem:$0x3FFC];
	_ =	sdelay $0x3  }
0x94: {  	_ =	strace s2  }
0x95: {  	s2 =	sld [smem:$0x3FFD];
	_ =	sdelay $0x3  }
0x96: {  	_ =	strace s2  }
0x97: {  	_ =	strace $0x8FFFFFFF  }
0x98: {  	s19 =	sld [smem:$0x3FDB];
	_ =	sdelay $0x1  }
0x99: {  	s20 =	simm.s32 $_scs_section_size  }
0x9a: {  	s4 =	simm.s32 $_size__tile_overlayer_lowered;
	s5 =	simm.s32 $_tile_overlayer_lowered  }
0x9b: {  	s6 =	simm.s32 $0x1BFF;
	s21 =	sshll.u32 s5, $0x1;
	s3 =	sadd.s32 s20, s19  }
0x9c: {  	s22 =	simm.s32 $0x0;
	s4 =	sshll.u32 s4, $0x1;
	s5 =	sadd.s32 s21, s3  }
0x9d: {  	[timem:s22], [sflag:s6] =	dma.local [hbm:s5], s4  }
0x9e: {  	_ =	swait.ge [sflag:s6], s4  }
0x9f: {  	s4 =	ssub.s32 $0x0, s4;
	[sflag:s6] =	ssyncset.done $0x0  }
0xa0: {  	[sflag:s6] =	ssyncadd.s32 s4;
	_ =	sdelay $0x1  }
0xa1: {  	s23 =	simm.s32 $0x1B8B  }
0xa2: {  	_ =	swait.ge [sflag:s23], $0x1  }
0xa3: {  	[sflag:s23] =	ssyncset.done $0x0  }
0xa4: {  	[sflag:s23] =	ssyncadd.s32 $0xFFFFFFFF  }
0xa5: {  	s4 =	sld [smem:$0x0]  }
0xa6: {  	s5 =	sand.u32 $0xFFFFFFFE, s1  }
0xa7: {  	p0 =	sne.s32 s1, s5  }
0xa8: {  	s5 =	sshll.u32 @p0 s5, $0xE  }
0xa9: {  	s5 =	sadd.s32 @p0 $0x11B8D, s5;
	s6 =	sshll.u32 @p0 s4, $0x11  }
0xaa: {  	s5 =	sor.u32 @p0 s6, s5  }
0xab: {  	[sflag:s5] =	ssyncadd.remote.s32 @p0 $0x1;
	_ =	sdelay $0x1  }
0xac: {  	s5 =	simm.s32 @p0 $0x1B8D  }
0xad: {  	_ =	swait.eq @p0 [sflag:s5], $0x1  }
0xae: {  	[sflag:s5] =	ssyncadd.s32 @p0 $0xFFFFFFFF  }
0xaf: {  	s6 =	sshll.u32 @!p0 s1, $0xE  }
0xb0: {  	s6 =	sor.u32 @!p0 $0x4000, s6;
	s5 =	simm.s32 @!p0 $0x1B8D  }
0xb1: {  	s4 =	sshll.u32 @!p0 s4, $0x11;
	s6 =	sadd.s32 @!p0 $0x11B8D, s6;
	_ =	swait.eq @!p0 [sflag:s5], $0x1  }
0xb2: {  	s4 =	sor.u32 @!p0 s4, s6;
	[sflag:s5] =	ssyncadd.s32 @!p0 $0xFFFFFFFF  }
0xb3: {  	s25 =	simm.s32 $0x1B8E;
	s24 =	sld [smem:$0x3FFE];
	[sflag:s4] =	ssyncadd.remote.s32 @!p0 $0x1  }
0xb4: {  	s26 =	simm.s32 $execute0_lowered;
	[smem:$0x3FD2] =	sst s25  }
0xb5: {  	s5 =	sshll.u32 s26, $0x1;
	_ =	strace $0x80000052;
	[dreg:$0x1] =	wrdreg $0xFFFFFFFF  }
0xb6: {  	s28 =	simm.s32 $_size_execute0_lowered;
	s3 =	sadd.s32 s3, s5;
	[dreg:$0x0] =	wrdreg $0x0  }
0xb7: {  	s5 =	sshll.u32 s28, $0x1;
	[dreg:$0x2] =	wrdreg s3  }
0xb8: {  	[dreg:$0x3] =	wrdreg s5  }
0xb9: {  	[dreg:$0x4] =	wrdreg $0xC0  }
0xba: {  	_ =	task [dreg:s22], $0x5FFFF  }
0xbb: {  	[dreg:$0x1] =	wrdreg $0xFFFFFFFF  }
0xbc: {  	[dreg:$0x0] =	wrdreg $0x60  }
0xbd: {  	[dreg:$0x2] =	wrdreg s24  }
0xbe: {  	[dreg:$0x3] =	wrdreg $0x0  }
0xbf: {  	[dreg:$0x4] =	wrdreg $0x9  }
0xc0: {  	_ =	task.clear_ibuf [dreg:s22], $0x5FFFF;
	_ =	strace $0x90000052  }
0xc1: {  	s29 =	simm.s32 $0x9;
	_ =	strace $0x80000054  }
0xc2: {  	_ =	swait.ge [sflag:s29], $0x1  }
0xc3: {  	[sflag:s29] =	ssyncadd.s32 $0xFFFFFFFF  }
0xc4: {  	_ =	strace $0x90000054  }
0xc5: {  	_ =	sfence  }
0xc6: {  	s30 =	sld [smem:$0x0];
	_ =	sdelay $0x2  }
0xc7: {  	s31 =	sshll.u32 s1, $0xD;
	s1 =	sshrl.u32 s1, $0x2  }
0xc8: {  	s4 =	sand.u32 $0x4000, s31;
	s1 =	sadd.s32 s1, s30  }
0xc9: {  	s0 =	sor.u32 s4, s0;
	s1 =	sshll.u32 s1, $0x11  }
0xca: {  	s0 =	sor.u32 s1, s0  }
0xcb: {  	s0 =	sadd.s32 $0x8F2B, s0  }
0xcc: {  	[sflag:s0] =	ssyncadd.remote.s32 $0x1  }
0xcd: {  	_ =	sfence.sel $0xFFFF  }
0xce: {  	[dreg:$0x0] =	wrdreg $0xFFFFFFFF;
	(pc) =	sbr.abs _section_cstart, $3  }
0xcf: {  	[dreg:$0x1] =	wrdreg $0xFFFFFFFF  }
0xd0: {  	_ =	task.clear_ibuf [dreg:s22], $0x2FFFF;
	_ =	strace $0x9FFFFFFF  }
0xd1: {  	(tm) =	ssettm $0x7FFFFFFF  }
tec
execute0_lowered:
.L_overlay_start_1:
0x0: {  	(tag) =	ssettag $0x1  }
0x1: {  	s0 =	srdreg.scid;
	s4 =	rddreg [dreg:$0x0]  }
0x2: {  	s15 =	stileid.u32;
	s1 =	rddreg [dreg:$0x1];
	s2 =	simm.s32 $0x0  }
0x3: {  	s16 =	simm.s32 $0x5;
	s18 =	simm.s32 $0x40;
	s19 =	simm.s32 $0x14C80  }
0x4: {  	s21 =	simm.s32 $0x16C80;
	s22 =	simm.s32 $0x1;
	s24 =	simm.s32 $0x18C80  }
0x5: {  	s26 =	simm.s32 $0x1AC80;
	s28 =	simm.s32 $0x3;
	s31 =	simm.s32 $0x2  }
0x6: {  	s25 =	simm.s32 $0x0;
	s0 =	sand.u32 $0x1, s0;
	s5 =	smul.u32 $0x1400, s15  }
0x7: {  	[smem:$0x7FF] =	sst s2;
	s12 =	sadd.s32 $0x32A200, s4;
	s14 =	smul.u32 $0x14000, s15  }
0x8: {  	p0 =	sne.s32 s15, $0x0;
	s15 =	simm.s32 $0x13880;
	s3 =	smul.u32 $0x14000, s0  }
0x9: {  	_ =	strace $0x80000053;
	s7 =	ssub.s32 $0x2, s0;
	s0 =	smul.u32 $0x140000, s0  }
0xa: {  	s17 =	sshrl.u32 @!p0 s1, $0x3;
	s30 =	sshrl.u32 s7, $0x1;
	s5 =	sadd.s32 s5, s3  }
0xb: {  	s3 =	sadd.s32 $0x3A000, s4;
	s7 =	ssub.s32 s7, s30;
	s0 =	sadd.s32 s0, s12  }
0xc: {  	s6 =	sshrl.u32 s5, $0x3;
	s5 =	sshll.u32 s5, $0x4;
	s14 =	sadd.s32 s14, s0  }
0xd: {  	s0 =	simm.s32 $0x4;
	s6 =	sadd.s32 s6, s4;
	s5 =	sadd.s32 s12, s5  }
0xe: {  	s4 =	sadd.s32 $0xB400, s6;
	s6 =	smax.u32 s7, $0x1;
	s7 =	sadd.s32 $0x400, s5  }
0xf: {  	s8 =	sadd.s32 $0x800, s5;
	s9 =	sadd.s32 $0xC00, s5;
	s10 =	sadd.s32 $0x13000, s5  }
0x10: {  	s11 =	sadd.s32 $0x13400, s5;
	s12 =	sadd.s32 $0x13800, s5;
	s13 =	sadd.s32 $0x13C00, s5  }
.LBB2_1:
0x11: {  	[tilespmem:s15], [sflag:$0x5] =	stream.linear.gather [hbm4b:s4+s2], $0x1400, $0x38;
	[tilespmem:$0x1CC80] =	vst v63  }
0x12: {  	_ =	swait.ge [sflag:s16], $0x1400  }
0x13: {  	[sflag:s16] =	ssyncset.done $0x0  }
0x14: {  	s20 =	simm.s32 @!p0 $0x1C05;
	[sflag:s16] =	ssyncadd.s32 $0xFFFFEC00  }
0x15: {  	[spmem:s17], [sflag:s20] =	dma.local @!p0 [hbm:s3], $0x27100  }
0x16: {  	s20 =	simm.s32 @!p0 $0x5  }
0x17: {  	_ =	swait.ge @!p0 [sflag:s20], $0x27100  }
0x18: {  	[sflag:s20] =	ssyncset.done @!p0 $0x0  }
0x19: {  	[sflag:s20] =	ssyncadd.s32 @!p0 $0xFFFD8F00  }
0x1a: {  	[bflag:$0x0] =	sbarrier.arrive $0xFFFF  }
0x1b: {  	[tilespmem:s19], [sflag:$0x1] =	stream.indirect.gather [spmem:s1], $0x80, s15, s18, $0xb8;
	[tilespmem:$0x1CC80] =	vst v63  }
0x1c: {  	s23 =	simm.s32 $0x138C0  }
0x1d: {  	[tilespmem:s21], [sflag:$0x1] =	stream.indirect.gather [spmem:s1], $0x80, s23, s18, $0xb8;
	[tilespmem:$0x1CC80] =	vst v63  }
0x1e: {  	_ =	swait.ge [sflag:s22], $0x2000  }
0x1f: {  	[sflag:s22] =	ssyncset.done $0x0  }
0x20: {  	[sflag:s22] =	ssyncadd.s32 $0xFFFFE000  }
0x21: {  	_ =	swait.ge [sflag:s22], $0x2000  }
0x22: {  	[sflag:s22] =	ssyncset.done $0x0  }
0x23: {  	[sflag:s22] =	ssyncadd.s32 $0xFFFFE000  }
0x24: {  	[hbm4b:s5+s2] =	stream.linear.scatter [tilespmem:s19], [sflag:$0x3], $0x2000, $0x38;
	[tilespmem:$0x1CC80] =	vst v63  }
0x25: {  	_ = 	snop  }
0x26: {  	[hbm4b:s7+s2] =	stream.linear.scatter [tilespmem:s21], [sflag:$0x3], $0x2000, $0x38;
	[tilespmem:$0x1CC80] =	vst v63  }
0x27: {  	s23 =	simm.s32 $0x13900  }
0x28: {  	[tilespmem:s24], [sflag:$0x2] =	stream.indirect.gather [spmem:s1], $0x80, s23, s18, $0xb8;
	[tilespmem:$0x1CC80] =	vst v63  }
0x29: {  	s23 =	simm.s32 $0x13940  }
0x2a: {  	[tilespmem:s26], [sflag:$0x2] =	stream.indirect.gather [spmem:s1], $0x80, s23, s18, $0xb8;
	[tilespmem:$0x1CC80] =	vst v63  }
0x2b: {  	_ =	swait.ge [sflag:s28], $0x2000  }
0x2c: {  	[sflag:s28] =	ssyncset.done $0x0  }
0x2d: {  	[sflag:s28] =	ssyncadd.s32 $0xFFFFE000  }
0x2e: {  	_ =	swait.ge [sflag:s28], $0x2000  }
0x2f: {  	[sflag:s28] =	ssyncset.done $0x0  }
0x30: {  	s23 =	simm.s32 $0x13980;
	[sflag:s28] =	ssyncadd.s32 $0xFFFFE000  }
0x31: {  	[tilespmem:s19], [sflag:$0x1] =	stream.indirect.gather [spmem:s1], $0x80, s23, s18, $0xb8;
	[tilespmem:$0x1CC80] =	vst v63  }
0x32: {  	s23 =	simm.s32 $0x139C0  }
0x33: {  	[tilespmem:s21], [sflag:$0x1] =	stream.indirect.gather [spmem:s1], $0x80, s23, s18, $0xb8;
	[tilespmem:$0x1CC80] =	vst v63  }
0x34: {  	_ =	swait.ge [sflag:s31], $0x2000  }
0x35: {  	[sflag:s31] =	ssyncset.done $0x0  }
0x36: {  	[sflag:s31] =	ssyncadd.s32 $0xFFFFE000  }
0x37: {  	_ =	swait.ge [sflag:s31], $0x2000  }
0x38: {  	[sflag:s31] =	ssyncset.done $0x0  }
0x39: {  	[sflag:s31] =	ssyncadd.s32 $0xFFFFE000  }
0x3a: {  	[hbm4b:s8+s2] =	stream.linear.scatter [tilespmem:s24], [sflag:$0x4], $0x2000, $0x38;
	[tilespmem:$0x1CC80] =	vst v63  }
0x3b: {  	_ = 	snop  }
0x3c: {  	[hbm4b:s9+s2] =	stream.linear.scatter [tilespmem:s26], [sflag:$0x4], $0x2000, $0x38;
	[tilespmem:$0x1CC80] =	vst v63  }
0x3d: {  	_ =	swait.ge [sflag:s22], $0x2000  }
0x3e: {  	[sflag:s22] =	ssyncset.done $0x0  }
0x3f: {  	[sflag:s22] =	ssyncadd.s32 $0xFFFFE000  }
0x40: {  	_ =	swait.ge [sflag:s22], $0x2000  }
0x41: {  	s23 =	sadd.s32 $0x0, s14;
	[sflag:s22] =	ssyncset.done $0x0  }
0x42: {  	s29 =	sadd.s32 $0x1000, s23;
	[sflag:s22] =	ssyncadd.s32 $0xFFFFE000  }
0x43: {  	[hbm4b:s29+s2] =	stream.linear.scatter [tilespmem:s19], [sflag:$0x3], $0x2000, $0x38;
	[tilespmem:$0x1CC80] =	vst v63  }
0x44: {  	s29 =	sadd.s32 $0x1400, s23  }
0x45: {  	[hbm4b:s29+s2] =	stream.linear.scatter [tilespmem:s21], [sflag:$0x3], $0x2000, $0x38;
	[tilespmem:$0x1CC80] =	vst v63  }
0x46: {  	_ =	swait.ge [sflag:s0], $0x2000  }
0x47: {  	[sflag:s0] =	ssyncset.done $0x0  }
0x48: {  	[sflag:s0] =	ssyncadd.s32 $0xFFFFE000  }
0x49: {  	_ =	swait.ge [sflag:s0], $0x2000  }
0x4a: {  	[sflag:s0] =	ssyncset.done $0x0  }
0x4b: {  	s29 =	simm.s32 $0x13A00;
	[sflag:s0] =	ssyncadd.s32 $0xFFFFE000  }
0x4c: {  	[tilespmem:s24], [sflag:$0x2] =	stream.indirect.gather [spmem:s1], $0x80, s29, s18, $0xb8;
	[tilespmem:$0x1CC80] =	vst v63  }
0x4d: {  	s29 =	simm.s32 $0x13A40  }
0x4e: {  	[tilespmem:s26], [sflag:$0x2] =	stream.indirect.gather [spmem:s1], $0x80, s29, s18, $0xb8;
	[tilespmem:$0x1CC80] =	vst v63  }
0x4f: {  	_ =	swait.ge [sflag:s28], $0x2000  }
0x50: {  	[sflag:s28] =	ssyncset.done $0x0  }
0x51: {  	[sflag:s28] =	ssyncadd.s32 $0xFFFFE000  }
0x52: {  	_ =	swait.ge [sflag:s28], $0x2000  }
0x53: {  	[sflag:s28] =	ssyncset.done $0x0  }
0x54: {  	s29 =	simm.s32 $0x13A80;
	[sflag:s28] =	ssyncadd.s32 $0xFFFFE000  }
0x55: {  	[tilespmem:s19], [sflag:$0x1] =	stream.indirect.gather [spmem:s1], $0x80, s29, s18, $0xb8;
	[tilespmem:$0x1CC80] =	vst v63  }
0x56: {  	s29 =	simm.s32 $0x13AC0  }
0x57: {  	[tilespmem:s21], [sflag:$0x1] =	stream.indirect.gather [spmem:s1], $0x80, s29, s18, $0xb8;
	[tilespmem:$0x1CC80] =	vst v63  }
0x58: {  	_ =	swait.ge [sflag:s31], $0x2000  }
0x59: {  	[sflag:s31] =	ssyncset.done $0x0  }
0x5a: {  	[sflag:s31] =	ssyncadd.s32 $0xFFFFE000  }
0x5b: {  	_ =	swait.ge [sflag:s31], $0x2000  }
0x5c: {  	[sflag:s31] =	ssyncset.done $0x0  }
0x5d: {  	s29 =	sadd.s32 $0x1800, s23;
	[sflag:s31] =	ssyncadd.s32 $0xFFFFE000  }
0x5e: {  	[hbm4b:s29+s2] =	stream.linear.scatter [tilespmem:s24], [sflag:$0x4], $0x2000, $0x38;
	[tilespmem:$0x1CC80] =	vst v63  }
0x5f: {  	s30 =	simm.s32 $0x13BC0;
	s20 =	sadd.s32 $0x1C00, s23;
	s29 =	simm.s32 $0x1000  }
.LBB2_2:
0x60: {  	[hbm4b:s20+s2] =	stream.linear.scatter [tilespmem:s26], [sflag:$0x4], $0x2000, $0x38;
	[tilespmem:$0x1CC80] =	vst v63  }
0x61: {  	s20 =	smov.u32 s29  }
0x62: {  	p1 =	sne.s32 s29, $0x11000;
	s29 =	sadd.s32 $0x1000, s29;
	_ =	swait.ge [sflag:s22], $0x2000  }
0x63: {  	[sflag:s22] =	ssyncset.done $0x0  }
0x64: {  	[sflag:s22] =	ssyncadd.s32 $0xFFFFE000  }
0x65: {  	_ =	swait.ge [sflag:s22], $0x2000  }
0x66: {  	s20 =	sadd.s32 s20, s14;
	[sflag:s22] =	ssyncset.done $0x0  }
0x67: {  	s23 =	sadd.s32 $0x1000, s20;
	[sflag:s22] =	ssyncadd.s32 $0xFFFFE000  }
0x68: {  	[hbm4b:s23+s2] =	stream.linear.scatter [tilespmem:s19], [sflag:$0x3], $0x2000, $0x38;
	[tilespmem:$0x1CC80] =	vst v63  }
0x69: {  	s23 =	sadd.s32 $0x1400, s20  }
0x6a: {  	[hbm4b:s23+s2] =	stream.linear.scatter [tilespmem:s21], [sflag:$0x3], $0x2000, $0x38;
	[tilespmem:$0x1CC80] =	vst v63  }
0x6b: {  	_ =	swait.ge [sflag:s0], $0x2000  }
0x6c: {  	[sflag:s0] =	ssyncset.done $0x0  }
0x6d: {  	[sflag:s0] =	ssyncadd.s32 $0xFFFFE000  }
0x6e: {  	_ =	swait.ge [sflag:s0], $0x2000  }
0x6f: {  	[sflag:s0] =	ssyncset.done $0x0  }
0x70: {  	s23 =	sadd.s32 $0xFFFFFF40, s30;
	[sflag:s0] =	ssyncadd.s32 $0xFFFFE000  }
0x71: {  	[tilespmem:s24], [sflag:$0x2] =	stream.indirect.gather [spmem:s1], $0x80, s23, s18, $0xb8;
	[tilespmem:$0x1CC80] =	vst v63  }
0x72: {  	s23 =	sadd.s32 $0xFFFFFF80, s30  }
0x73: {  	[tilespmem:s26], [sflag:$0x2] =	stream.indirect.gather [spmem:s1], $0x80, s23, s18, $0xb8;
	[tilespmem:$0x1CC80] =	vst v63  }
0x74: {  	_ =	swait.ge [sflag:s28], $0x2000  }
0x75: {  	[sflag:s28] =	ssyncset.done $0x0  }
0x76: {  	[sflag:s28] =	ssyncadd.s32 $0xFFFFE000  }
0x77: {  	_ =	swait.ge [sflag:s28], $0x2000  }
0x78: {  	[sflag:s28] =	ssyncset.done $0x0  }
0x79: {  	s23 =	sadd.s32 $0xFFFFFFC0, s30;
	[sflag:s28] =	ssyncadd.s32 $0xFFFFE000  }
0x7a: {  	[tilespmem:s19], [sflag:$0x1] =	stream.indirect.gather [spmem:s1], $0x80, s23, s18, $0xb8;
	[tilespmem:$0x1CC80] =	vst v63  }
0x7b: {  	_ = 	snop  }
0x7c: {  	[tilespmem:s21], [sflag:$0x1] =	stream.indirect.gather [spmem:s1], $0x80, s30, s18, $0xb8;
	[tilespmem:$0x1CC80] =	vst v63  }
0x7d: {  	_ =	swait.ge [sflag:s31], $0x2000  }
0x7e: {  	[sflag:s31] =	ssyncset.done $0x0  }
0x7f: {  	[sflag:s31] =	ssyncadd.s32 $0xFFFFE000  }
.Ltmp0:
0x80: {  	_ =	swait.ge [sflag:s31], $0x2000;
	(pc) =	sbr.rel @p1 .LBB2_2-.Ltmp0, $4  }
0x81: {  	[sflag:s31] =	ssyncset.done $0x0  }
0x82: {  	s23 =	sadd.s32 $0x1800, s20;
	[sflag:s31] =	ssyncadd.s32 $0xFFFFE000  }
0x83: {  	[hbm4b:s23+s2] =	stream.linear.scatter [tilespmem:s24], [sflag:$0x4], $0x2000, $0x38;
	[tilespmem:$0x1CC80] =	vst v63  }
0x84: {  	s20 =	sadd.s32 $0x1C00, s20;
	s30 =	sadd.s32 $0x100, s30  }
0x85: {  	[hbm4b:s20+s2] =	stream.linear.scatter [tilespmem:s26], [sflag:$0x4], $0x2000, $0x38;
	[tilespmem:$0x1CC80] =	vst v63  }
0x86: {  	_ =	swait.ge [sflag:s22], $0x2000  }
0x87: {  	[sflag:s22] =	ssyncset.done $0x0  }
0x88: {  	[sflag:s22] =	ssyncadd.s32 $0xFFFFE000  }
0x89: {  	_ =	swait.ge [sflag:s22], $0x2000  }
0x8a: {  	[sflag:s22] =	ssyncset.done $0x0  }
0x8b: {  	[sflag:s22] =	ssyncadd.s32 $0xFFFFE000  }
0x8c: {  	[hbm4b:s10+s2] =	stream.linear.scatter [tilespmem:s19], [sflag:$0x3], $0x2000, $0x38;
	[tilespmem:$0x1CC80] =	vst v63  }
0x8d: {  	_ = 	snop  }
0x8e: {  	[hbm4b:s11+s2] =	stream.linear.scatter [tilespmem:s21], [sflag:$0x3], $0x2000, $0x38;
	[tilespmem:$0x1CC80] =	vst v63  }
0x8f: {  	_ =	swait.ge [sflag:s0], $0x2000  }
0x90: {  	[sflag:s0] =	ssyncset.done $0x0  }
0x91: {  	[sflag:s0] =	ssyncadd.s32 $0xFFFFE000  }
0x92: {  	_ =	swait.ge [sflag:s0], $0x2000  }
0x93: {  	[sflag:s0] =	ssyncset.done $0x0  }
0x94: {  	s29 =	simm.s32 $0x14C00;
	[sflag:s0] =	ssyncadd.s32 $0xFFFFE000  }
0x95: {  	[tilespmem:s24], [sflag:$0x2] =	stream.indirect.gather [spmem:s1], $0x80, s29, s18, $0xb8;
	[tilespmem:$0x1CC80] =	vst v63  }
0x96: {  	s30 =	simm.s32 $0x14C40  }
0x97: {  	[tilespmem:s26], [sflag:$0x2] =	stream.indirect.gather [spmem:s1], $0x80, s30, s18, $0xb8;
	[tilespmem:$0x1CC80] =	vst v63  }
0x98: {  	_ =	swait.ge [sflag:s31], $0x2000  }
0x99: {  	[sflag:s31] =	ssyncset.done $0x0  }
0x9a: {  	[sflag:s31] =	ssyncadd.s32 $0xFFFFE000  }
0x9b: {  	_ =	swait.ge [sflag:s31], $0x2000  }
0x9c: {  	[sflag:s31] =	ssyncset.done $0x0  }
0x9d: {  	[sflag:s31] =	ssyncadd.s32 $0xFFFFE000  }
0x9e: {  	[hbm4b:s12+s2] =	stream.linear.scatter [tilespmem:s24], [sflag:$0x4], $0x2000, $0x38;
	[tilespmem:$0x1CC80] =	vst v63  }
0x9f: {  	_ = 	snop  }
0xa0: {  	[hbm4b:s13+s2] =	stream.linear.scatter [tilespmem:s26], [sflag:$0x4], $0x2000, $0x38;
	[tilespmem:$0x1CC80] =	vst v63  }
0xa1: {  	_ =	swait.ge [sflag:s28], $0x2000  }
0xa2: {  	[sflag:s28] =	ssyncset.done $0x0  }
0xa3: {  	[sflag:s28] =	ssyncadd.s32 $0xFFFFE000  }
0xa4: {  	_ =	swait.ge [sflag:s28], $0x2000  }
0xa5: {  	[sflag:s28] =	ssyncset.done $0x0  }
0xa6: {  	s25 =	sadd.s32 $0x1, s25;
	[sflag:s28] =	ssyncadd.s32 $0xFFFFE000  }
0xa7: {  	p1 =	sne.s32 s25, s6;
	_ =	swait.ge [sflag:s0], $0x2000  }
.Ltmp1:
0xa8: {  	[sflag:s0] =	ssyncset.done $0x0;
	(pc) =	sbr.rel @p1 .LBB2_1-.Ltmp1, $4  }
0xa9: {  	[sflag:s0] =	ssyncadd.s32 $0xFFFFE000  }
0xaa: {  	_ =	swait.ge [sflag:s0], $0x2000  }
0xab: {  	[sflag:s0] =	ssyncset.done $0x0  }
0xac: {  	[sflag:s0] =	ssyncadd.s32 $0xFFFFE000  }
0xad: {  	_ =	sfence.sel $0x180000  }
0xae: {  	[bflag:$0x0] =	sbarrier.arrive $0xFFFF  }
0xaf: {  	_ =	strace $0x90000053  }
0xb0: {  	[bflag:$0x2] =	sbarrier.arrive $0xFFFF  }
0xb1: {  	s0 =	rddreg [dreg:$0x2]  }
0xb2: {  	s0 =	sadd.s32 @!p0 $0x100000, s0  }
0xb3: {  	[sflag:s0] =	ssyncadd.tile.s32 @!p0 $0x1;
	_ =	shalt  }
.Lfunc_end2:
_tile_overlayer_lowered:
.L_overlay_start_2:
0xb4: {  	(tag) =	ssettag $0x2  }
0xb5: {  	s0 =	rddreg [dreg:$0x0];
	s2 =	stileid.u32  }
0xb6: {  	s1 =	rddreg [dreg:$0x1];
	p0 =	sne.s32 s2, $0x0  }
0xb7: {  	s3 =	rddreg [dreg:$0x2];
	[bflag:$0x3] =	sbarrier.arrive $0xFFFF;
	s2 =	simm.s32 @!p0 $0x1C05  }
0xb8: {  	[timem:s3], [sflag:s2] =	dma.local @!p0 [hbm:s0], s1  }
0xb9: {  	s0 =	simm.s32 @!p0 $0x5  }
0xba: {  	_ =	swait.ge @!p0 [sflag:s0], s1  }
0xbb: {  	s1 =	ssub.s32 @!p0 $0x0, s1;
	[sflag:s0] =	ssyncset.done @!p0 $0x0  }
0xbc: {  	[sflag:s0] =	ssyncadd.s32 @!p0 s1  }
0xbd: {  	[bflag:$0x3] =	sbarrier.arrive $0xFFFF  }
0xbe: {  	_ =	shalt  }

// kernel: kernel.30.cloned.1.call-start
scs
__scs_entry_jumppad:
0x0: {  	(pc) =	sbr.rel $0x88, $3  }
0x1: {  	(tag) =	ssettag $0x0;
	lr =	simm.s32 $0x1  }
0x2: {  	[smem:$0x3F93] =	sst lr;
	_ =	strace $0xD0000000  }
0x3: {  	_ = 	snop  }
0x4: {  	_ = 	snop  }
0x5: {  	_ = 	snop  }
0x6: {  	_ = 	snop  }
0x7: {  	_ = 	snop  }
__scs_overlays_trampoline_lowered:
0x8: {  	[smem:$0x3FA2] =	sst s0  }
0x9: {  	[smem:$0x3FA3] =	sst s1  }
0xa: {  	[smem:$0x3FA4] =	sst s2  }
0xb: {  	[smem:$0x3FA5] =	sst s3  }
0xc: {  	[smem:$0x3FA6] =	sst s4  }
0xd: {  	[smem:$0x3FA7] =	sst s5  }
0xe: {  	[smem:$0x3FA8] =	sst s6  }
0xf: {  	[smem:$0x3FA9] =	sst s7  }
0x10: {  	[smem:$0x3FAA] =	sst s8  }
0x11: {  	[smem:$0x3FAB] =	sst s9;
	s0 =	simm.s32 @!p0 $0x0  }
0x12: {  	s1 =	sld [smem:$0x3F91];
	s0 =	simm.s32 @p0 $0x1  }
0x13: {  	[smem:$0x3FAC] =	sst s0;
	s0 =	simm.s32 @!p1 $0x0  }
0x14: {  	s2 =	sld [smem:$0x3F90];
	s0 =	simm.s32 @p1 $0x1  }
0x15: {  	[smem:$0x3FAD] =	sst s0;
	s0 =	simm.s32 @!p2 $0x0  }
0x16: {  	s3 =	sld [smem:$0x3FDB];
	s0 =	simm.s32 @p2 $0x1  }
0x17: {  	s4 =	simm.s32 $0x1BF5;
	[smem:$0x3FAF] =	sst s0  }
0x18: {  	s0 =	sld [smem:$0x3F92];
	_ =	swait.ge [sflag:s4], $0x0  }
0x19: {  	s7 =	sld [smem:$0x3F93]  }
0x1a: {  	s8 =	sadd.s32 $0xFFFFE003, lr  }
0x1b: {  	s9 =	sadd.s32 $0xFFFFFEF7, lr;
	s5 =	simm.s32 $0xFFFFFFFF;
	p2 =	slt.u32 s8, $0xFFFFF086  }
0x1c: {  	p1 =	slt.u32 s9, $0xF7A;
	s5 =	simm.s32 @!p2 $0x0  }
0x1d: {  	s5 =	simm.s32 @p1 $0x1;
	p0 =	seq.s32 s7, s2  }
0x1e: {  	s7 =	smul.u32 @!p0 $0xF7A, s2;
	p2 =	seq.s32 @!p0 s5, $0x0  }
0x1f: {  	s9 =	smul.u32 $0xF7A, s1;
	s8 =	simm.s32 @!p0 $0x1BF5;
	p2 =	por !p2, p0  }
0x20: {  	[sflag:s8] =	ssyncset.s32 @!p0 $0xFFFFF086;
	s6 =	sadd.s32 @!p0 s3, s7;
	s7 =	simm.s32 @!p0 $0x108  }
0x21: {  	s3 =	sadd.s32 s3, s9;
	s6 =	sadd.s32 @!p0 $0x88, s6;
	s7 =	simm.s32 @p2 $0x1082  }
0x22: {  	[simem:s7], [sflag:s8] =	dma.local @!p0 [hbm:s6], $0xF7A  }
0x23: {  	s9 =	sor.u32 $0xD0000000, s2;
	s6 =	simm.s32 $0x108;
	_ =	swait.ge @!p0 [sflag:s8], $0x0  }
0x24: {  	s3 =	sadd.s32 $0x88, s3;
	s6 =	simm.s32 @!p1 $0x1082;
	[sflag:s4] =	ssyncset.s32 $0xFFFFF086  }
0x25: {  	[simem:s6], [sflag:s4] =	dma.local [hbm:s3], $0xF7A  }
0x26: {  	[smem:$0x3F93] =	sst s1;
	(tag) =	ssettag s2;
	_ =	strace s9  }
0x27: {  	s1 =	sld [smem:$0x3FA3]  }
0x28: {  	s2 =	sld [smem:$0x3FA4]  }
0x29: {  	s4 =	sld [smem:$0x3FA6]  }
0x2a: {  	p0 =	seq.s32 s5, $0x0;
	s5 =	sld [smem:$0x3FA7]  }
0x2b: {  	s6 =	sld [smem:$0x3FA8]  }
0x2c: {  	s7 =	sld [smem:$0x3FA9]  }
0x2d: {  	s3 =	simm.s32 $0x108;
	s8 =	sld [smem:$0x3FAA]  }
0x2e: {  	s3 =	simm.s32 @!p0 $0x1082;
	s9 =	sld [smem:$0x3FAB]  }
0x2f: {  	lr =	sadd.s32 s0, s3;
	s0 =	sld [smem:$0x3FA2]  }
0x30: {  	s3 =	sld [smem:$0x3FA5]  }
0x31: {  	[smem:$0x3FAE] =	sst s10  }
0x32: {  	s10 =	sld [smem:$0x3FAC];
	_ =	sdelay $0x3  }
0x33: {  	p0 =	seq.s32 s10, $0x1;
	s10 =	sld [smem:$0x3FAE];
	_ =	sdelay $0x3  }
0x34: {  	[smem:$0x3FAE] =	sst s10  }
0x35: {  	s10 =	sld [smem:$0x3FAD];
	_ =	sdelay $0x3  }
0x36: {  	p1 =	seq.s32 s10, $0x1;
	s10 =	sld [smem:$0x3FAE];
	_ =	sdelay $0x3  }
0x37: {  	[smem:$0x3FAE] =	sst s10  }
0x38: {  	s10 =	sld [smem:$0x3FAF]  }
0x39: {  	_ = 	snop;
	(pc) =	sbr.ind lr, $3  }
0x3a: {  	_ = 	snop  }
0x3b: {  	_ = 	snop  }
0x3c: {  	p2 =	seq.s32 s10, $0x1;
	s10 =	sld [smem:$0x3FAE]  }
0x3d: {  	_ =	shalt  }
0x3e: {  	_ =	shalt  }
0x3f: {  	_ =	shalt  }
0x40: {  	_ =	shalt  }
0x41: {  	_ =	shalt  }
0x42: {  	_ =	shalt  }
0x43: {  	_ =	shalt  }
0x44: {  	_ =	shalt  }
0x45: {  	_ =	shalt  }
0x46: {  	_ =	shalt  }
0x47: {  	_ =	shalt  }
0x48: {  	_ =	shalt  }
0x49: {  	_ =	shalt  }
0x4a: {  	_ =	shalt  }
0x4b: {  	_ =	shalt  }
0x4c: {  	_ =	shalt  }
0x4d: {  	_ =	shalt  }
0x4e: {  	_ =	shalt  }
0x4f: {  	_ =	shalt  }
0x50: {  	_ =	shalt  }
0x51: {  	_ =	shalt  }
0x52: {  	_ =	shalt  }
0x53: {  	_ =	shalt  }
0x54: {  	_ =	shalt  }
0x55: {  	_ =	shalt  }
0x56: {  	_ =	shalt  }
0x57: {  	_ =	shalt  }
0x58: {  	_ =	shalt  }
0x59: {  	_ =	shalt  }
0x5a: {  	_ =	shalt  }
0x5b: {  	_ =	shalt  }
0x5c: {  	_ =	shalt  }
0x5d: {  	_ =	shalt  }
0x5e: {  	_ =	shalt  }
0x5f: {  	_ =	shalt  }
0x60: {  	_ =	shalt  }
0x61: {  	_ =	shalt  }
0x62: {  	_ =	shalt  }
0x63: {  	_ =	shalt  }
0x64: {  	_ =	shalt  }
0x65: {  	_ =	shalt  }
0x66: {  	_ =	shalt  }
0x67: {  	_ =	shalt  }
0x68: {  	_ =	shalt  }
0x69: {  	_ =	shalt  }
0x6a: {  	_ =	shalt  }
0x6b: {  	_ =	shalt  }
0x6c: {  	_ =	shalt  }
0x6d: {  	_ =	shalt  }
0x6e: {  	_ =	shalt  }
0x6f: {  	_ =	shalt  }
0x70: {  	_ =	shalt  }
0x71: {  	_ =	shalt  }
0x72: {  	_ =	shalt  }
0x73: {  	_ =	shalt  }
0x74: {  	_ =	shalt  }
0x75: {  	_ =	shalt  }
0x76: {  	_ =	shalt  }
0x77: {  	_ =	shalt  }
0x78: {  	_ =	shalt  }
0x79: {  	_ =	shalt  }
0x7a: {  	_ =	shalt  }
0x7b: {  	_ =	shalt  }
0x7c: {  	_ =	shalt  }
0x7d: {  	_ =	shalt  }
0x7e: {  	_ =	shalt  }
0x7f: {  	_ =	shalt  }
0x80: {  	_ =	shalt  }
0x81: {  	_ =	shalt  }
0x82: {  	_ =	shalt  }
0x83: {  	_ =	shalt  }
0x84: {  	_ =	shalt  }
0x85: {  	_ =	shalt  }
0x86: {  	_ =	shalt  }
0x87: {  	_ =	shalt  }
.Lfunc_end0:
.L_simem_size_0:
called_computation.4_lowered:
.L_overlay_start_0:
0x88: {  	s2 =	sld [smem:$0x3FD9]  }
0x89: {  	s3 =	sld [smem:$0x3FFE];
	_ =	sdelay $0x1  }
0x8a: {  	s1 =	srdreg.scid  }
0x8b: {  	s0 =	sand.u32 $0x1, s1  }
0x8c: {  	s17 =	sshll.u32 s0, $0xA;
	s2 =	sadd.s32 s3, s2  }
0x8d: {  	s2 =	sadd.s32 s2, s17  }
0x8e: {  	[smem:$0x3FBA] =	sst s2  }
0x8f: {  	_ = 	snop  }
0x90: {  	s18 =	sld [smem:$0x3FD0];
	(tm) =	ssettm $0x1  }
0x91: {  	s19 =	sld [smem:$0x3FFB];
	_ =	sdelay $0x3  }
0x92: {  	_ =	strace s19  }
0x93: {  	s2 =	sld [smem:$0x3FFC];
	_ =	sdelay $0x3  }
0x94: {  	_ =	strace s2  }
0x95: {  	s2 =	sld [smem:$0x3FFD];
	_ =	sdelay $0x3  }
0x96: {  	_ =	strace s2  }
0x97: {  	_ =	strace $0x8FFFFFFF  }
0x98: {  	s20 =	sld [smem:$0x3FDB];
	_ =	sdelay $0x1  }
0x99: {  	s4 =	simm.s32 $_scs_section_size  }
0x9a: {  	s5 =	simm.s32 $_size__tile_overlayer_lowered;
	s6 =	simm.s32 $_tile_overlayer_lowered  }
0x9b: {  	s7 =	simm.s32 $0x1BFF;
	s21 =	sshll.u32 s6, $0x1;
	s4 =	sadd.s32 s4, s20  }
0x9c: {  	s22 =	simm.s32 $0x0;
	s5 =	sshll.u32 s5, $0x1;
	s6 =	sadd.s32 s21, s4  }
0x9d: {  	[timem:s22], [sflag:s7] =	dma.local [hbm:s6], s5  }
0x9e: {  	_ =	swait.ge [sflag:s7], s5  }
0x9f: {  	s5 =	ssub.s32 $0x0, s5;
	[sflag:s7] =	ssyncset.done $0x0  }
0xa0: {  	[sflag:s7] =	ssyncadd.s32 s5;
	_ =	sdelay $0x1  }
0xa1: {  	s23 =	simm.s32 $0x1B8B  }
0xa2: {  	_ =	swait.ge [sflag:s23], $0x1  }
0xa3: {  	[sflag:s23] =	ssyncset.done $0x0  }
0xa4: {  	[sflag:s23] =	ssyncadd.s32 $0xFFFFFFFF  }
0xa5: {  	s5 =	sld [smem:$0x0]  }
0xa6: {  	s6 =	sand.u32 $0xFFFFFFFE, s1  }
0xa7: {  	p0 =	sne.s32 s1, s6  }
0xa8: {  	s6 =	sshll.u32 @p0 s6, $0xE  }
0xa9: {  	s6 =	sadd.s32 @p0 $0x11B8D, s6;
	s7 =	sshll.u32 @p0 s5, $0x11  }
0xaa: {  	s6 =	sor.u32 @p0 s7, s6  }
0xab: {  	[sflag:s6] =	ssyncadd.remote.s32 @p0 $0x1;
	_ =	sdelay $0x1  }
0xac: {  	s6 =	simm.s32 @p0 $0x1B8D  }
0xad: {  	_ =	swait.eq @p0 [sflag:s6], $0x1  }
0xae: {  	[sflag:s6] =	ssyncadd.s32 @p0 $0xFFFFFFFF  }
0xaf: {  	s7 =	sshll.u32 @!p0 s1, $0xE  }
0xb0: {  	s7 =	sor.u32 @!p0 $0x4000, s7;
	s6 =	simm.s32 @!p0 $0x1B8D  }
0xb1: {  	s5 =	sshll.u32 @!p0 s5, $0x11;
	s7 =	sadd.s32 @!p0 $0x11B8D, s7;
	_ =	swait.eq @!p0 [sflag:s6], $0x1  }
0xb2: {  	s5 =	sor.u32 @!p0 s5, s7;
	[sflag:s6] =	ssyncadd.s32 @!p0 $0xFFFFFFFF  }
0xb3: {  	s25 =	simm.s32 $0x1B8E;
	s24 =	sld [smem:$0x3FFE];
	[sflag:s5] =	ssyncadd.remote.s32 @!p0 $0x1  }
0xb4: {  	s26 =	simm.s32 $execute0_lowered;
	[smem:$0x3FD2] =	sst s25  }
0xb5: {  	s6 =	sshll.u32 s26, $0x1;
	_ =	strace $0x8000004F;
	[dreg:$0x1] =	wrdreg $0xFFFFFFFF  }
0xb6: {  	s28 =	simm.s32 $_size_execute0_lowered;
	s4 =	sadd.s32 s4, s6;
	[dreg:$0x0] =	wrdreg $0x0  }
0xb7: {  	s6 =	sshll.u32 s28, $0x1;
	[dreg:$0x2] =	wrdreg s4  }
0xb8: {  	[dreg:$0x3] =	wrdreg s6  }
0xb9: {  	[dreg:$0x4] =	wrdreg $0xC0  }
0xba: {  	_ =	task [dreg:s22], $0x5FFFF  }
0xbb: {  	[dreg:$0x1] =	wrdreg $0xFFFFFFFF  }
0xbc: {  	[dreg:$0x0] =	wrdreg $0x60  }
0xbd: {  	[dreg:$0x2] =	wrdreg s24  }
0xbe: {  	[dreg:$0x3] =	wrdreg s18  }
0xbf: {  	[dreg:$0x4] =	wrdreg $0x0  }
0xc0: {  	[dreg:$0x5] =	wrdreg $0xA  }
0xc1: {  	_ =	task.clear_ibuf [dreg:s22], $0x6FFFF;
	_ =	strace $0x9000004F  }
0xc2: {  	s29 =	simm.s32 $0xA;
	_ =	strace $0x80000051  }
0xc3: {  	_ =	swait.ge [sflag:s29], $0x1  }
0xc4: {  	[sflag:s29] =	ssyncadd.s32 $0xFFFFFFFF  }
0xc5: {  	_ =	strace $0x90000051  }
0xc6: {  	_ =	sfence  }
0xc7: {  	s30 =	sld [smem:$0x0];
	_ =	sdelay $0x2  }
0xc8: {  	s31 =	sshll.u32 s1, $0xD;
	s1 =	sshrl.u32 s1, $0x2  }
0xc9: {  	s4 =	sand.u32 $0x4000, s31;
	s1 =	sadd.s32 s1, s30  }
0xca: {  	s0 =	sor.u32 s4, s0;
	s1 =	sshll.u32 s1, $0x11  }
0xcb: {  	s0 =	sor.u32 s1, s0  }
0xcc: {  	s0 =	sadd.s32 $0x8F2B, s0  }
0xcd: {  	[sflag:s0] =	ssyncadd.remote.s32 $0x1  }
0xce: {  	_ =	sfence.sel $0xFFFF  }
0xcf: {  	[dreg:$0x0] =	wrdreg $0xFFFFFFFF;
	(pc) =	sbr.abs _section_cstart, $3  }
0xd0: {  	[dreg:$0x1] =	wrdreg $0xFFFFFFFF  }
0xd1: {  	_ =	task.clear_ibuf [dreg:s22], $0x2FFFF;
	_ =	strace $0x9FFFFFFF  }
0xd2: {  	(tm) =	ssettm $0x7FFFFFFF  }
0xd3: {  	_ =	shalt  }
tec
execute0_lowered:
.L_overlay_start_1:
0x0: {  	(tag) =	ssettag $0x1  }
0x1: {  	s0 =	rddreg [dreg:$0x0]  }
0x2: {  	s4 =	rddreg [dreg:$0x1]  }
0x3: {  	s1 =	rddreg [dreg:$0x2]  }
0x4: {  	s2 =	srdreg.scid;
	s15 =	stileid.u32  }
0x5: {  	s16 =	simm.s32 $0x5;
	s18 =	simm.s32 $0x40;
	s19 =	simm.s32 $0x14C80  }
0x6: {  	s21 =	simm.s32 $0x16C80;
	s22 =	simm.s32 $0x1;
	s24 =	simm.s32 $0x18C80  }
0x7: {  	s26 =	simm.s32 $0x1AC80;
	s28 =	simm.s32 $0x3;
	s31 =	simm.s32 $0x2  }
0x8: {  	s25 =	simm.s32 $0x0;
	s8 =	sand.u32 $0x1, s2;
	s2 =	simm.s32 $0x0  }
0x9: {  	s6 =	smul.u32 $0x1400, s15;
	s3 =	sadd.s32 $0x12E00, s0;
	s0 =	sadd.s32 $0xAA200, s0  }
0xa: {  	s14 =	smul.u32 $0x14000, s15;
	p0 =	sne.s32 s15, $0x0;
	s15 =	simm.s32 $0x13880  }
0xb: {  	s5 =	smul.u32 $0x14000, s8;
	[smem:$0x7FF] =	sst s2;
	s7 =	ssub.s32 $0x2, s8  }
0xc: {  	s12 =	smul.u32 $0x140000, s8;
	s17 =	sshrl.u32 @!p0 s1, $0x3;
	s30 =	sshrl.u32 s7, $0x1  }
0xd: {  	_ =	strace $0x80000050;
	s5 =	sadd.s32 s6, s5;
	s6 =	ssub.s32 s7, s30  }
0xe: {  	s9 =	sshrl.u32 s5, $0x3;
	s5 =	sshll.u32 s5, $0x4;
	s6 =	smax.u32 s6, $0x1  }
0xf: {  	s4 =	sadd.s32 s4, s9;
	s5 =	sadd.s32 s0, s5;
	s0 =	sadd.s32 s12, s0  }
0x10: {  	s7 =	sadd.s32 $0x400, s5;
	s8 =	sadd.s32 $0x800, s5;
	s9 =	sadd.s32 $0xC00, s5  }
0x11: {  	s10 =	sadd.s32 $0x13000, s5;
	s11 =	sadd.s32 $0x13400, s5;
	s12 =	sadd.s32 $0x13800, s5  }
0x12: {  	s13 =	sadd.s32 $0x13C00, s5;
	s14 =	sadd.s32 s14, s0;
	s0 =	simm.s32 $0x4  }
.LBB2_1:
0x13: {  	[tilespmem:s15], [sflag:$0x5] =	stream.linear.gather [hbm4b:s4+s2], $0x1400, $0x38;
	[tilespmem:$0x1CC80] =	vst v63  }
0x14: {  	_ =	swait.ge [sflag:s16], $0x1400  }
0x15: {  	[sflag:s16] =	ssyncset.done $0x0  }
0x16: {  	s20 =	simm.s32 @!p0 $0x1C05;
	[sflag:s16] =	ssyncadd.s32 $0xFFFFEC00  }
0x17: {  	[spmem:s17], [sflag:s20] =	dma.local @!p0 [hbm:s3], $0x27100  }
0x18: {  	s20 =	simm.s32 @!p0 $0x5  }
0x19: {  	_ =	swait.ge @!p0 [sflag:s20], $0x27100  }
0x1a: {  	[sflag:s20] =	ssyncset.done @!p0 $0x0  }
0x1b: {  	[sflag:s20] =	ssyncadd.s32 @!p0 $0xFFFD8F00  }
0x1c: {  	[bflag:$0x0] =	sbarrier.arrive $0xFFFF  }
0x1d: {  	[tilespmem:s19], [sflag:$0x1] =	stream.indirect.gather [spmem:s1], $0x80, s15, s18, $0xb8;
	[tilespmem:$0x1CC80] =	vst v63  }
0x1e: {  	s23 =	simm.s32 $0x138C0  }
0x1f: {  	[tilespmem:s21], [sflag:$0x1] =	stream.indirect.gather [spmem:s1], $0x80, s23, s18, $0xb8;
	[tilespmem:$0x1CC80] =	vst v63  }
0x20: {  	_ =	swait.ge [sflag:s22], $0x2000  }
0x21: {  	[sflag:s22] =	ssyncset.done $0x0  }
0x22: {  	[sflag:s22] =	ssyncadd.s32 $0xFFFFE000  }
0x23: {  	_ =	swait.ge [sflag:s22], $0x2000  }
0x24: {  	[sflag:s22] =	ssyncset.done $0x0  }
0x25: {  	[sflag:s22] =	ssyncadd.s32 $0xFFFFE000  }
0x26: {  	[hbm4b:s5+s2] =	stream.linear.scatter [tilespmem:s19], [sflag:$0x3], $0x2000, $0x38;
	[tilespmem:$0x1CC80] =	vst v63  }
0x27: {  	_ = 	snop  }
0x28: {  	[hbm4b:s7+s2] =	stream.linear.scatter [tilespmem:s21], [sflag:$0x3], $0x2000, $0x38;
	[tilespmem:$0x1CC80] =	vst v63  }
0x29: {  	s23 =	simm.s32 $0x13900  }
0x2a: {  	[tilespmem:s24], [sflag:$0x2] =	stream.indirect.gather [spmem:s1], $0x80, s23, s18, $0xb8;
	[tilespmem:$0x1CC80] =	vst v63  }
0x2b: {  	s23 =	simm.s32 $0x13940  }
0x2c: {  	[tilespmem:s26], [sflag:$0x2] =	stream.indirect.gather [spmem:s1], $0x80, s23, s18, $0xb8;
	[tilespmem:$0x1CC80] =	vst v63  }
0x2d: {  	_ =	swait.ge [sflag:s28], $0x2000  }
0x2e: {  	[sflag:s28] =	ssyncset.done $0x0  }
0x2f: {  	[sflag:s28] =	ssyncadd.s32 $0xFFFFE000  }
0x30: {  	_ =	swait.ge [sflag:s28], $0x2000  }
0x31: {  	[sflag:s28] =	ssyncset.done $0x0  }
0x32: {  	s23 =	simm.s32 $0x13980;
	[sflag:s28] =	ssyncadd.s32 $0xFFFFE000  }
0x33: {  	[tilespmem:s19], [sflag:$0x1] =	stream.indirect.gather [spmem:s1], $0x80, s23, s18, $0xb8;
	[tilespmem:$0x1CC80] =	vst v63  }
0x34: {  	s23 =	simm.s32 $0x139C0  }
0x35: {  	[tilespmem:s21], [sflag:$0x1] =	stream.indirect.gather [spmem:s1], $0x80, s23, s18, $0xb8;
	[tilespmem:$0x1CC80] =	vst v63  }
0x36: {  	_ =	swait.ge [sflag:s31], $0x2000  }
0x37: {  	[sflag:s31] =	ssyncset.done $0x0  }
0x38: {  	[sflag:s31] =	ssyncadd.s32 $0xFFFFE000  }
0x39: {  	_ =	swait.ge [sflag:s31], $0x2000  }
0x3a: {  	[sflag:s31] =	ssyncset.done $0x0  }
0x3b: {  	[sflag:s31] =	ssyncadd.s32 $0xFFFFE000  }
0x3c: {  	[hbm4b:s8+s2] =	stream.linear.scatter [tilespmem:s24], [sflag:$0x4], $0x2000, $0x38;
	[tilespmem:$0x1CC80] =	vst v63  }
0x3d: {  	_ = 	snop  }
0x3e: {  	[hbm4b:s9+s2] =	stream.linear.scatter [tilespmem:s26], [sflag:$0x4], $0x2000, $0x38;
	[tilespmem:$0x1CC80] =	vst v63  }
0x3f: {  	_ =	swait.ge [sflag:s22], $0x2000  }
0x40: {  	[sflag:s22] =	ssyncset.done $0x0  }
0x41: {  	[sflag:s22] =	ssyncadd.s32 $0xFFFFE000  }
0x42: {  	_ =	swait.ge [sflag:s22], $0x2000  }
0x43: {  	s23 =	sadd.s32 $0x0, s14;
	[sflag:s22] =	ssyncset.done $0x0  }
0x44: {  	s29 =	sadd.s32 $0x1000, s23;
	[sflag:s22] =	ssyncadd.s32 $0xFFFFE000  }
0x45: {  	[hbm4b:s29+s2] =	stream.linear.scatter [tilespmem:s19], [sflag:$0x3], $0x2000, $0x38;
	[tilespmem:$0x1CC80] =	vst v63  }
0x46: {  	s29 =	sadd.s32 $0x1400, s23  }
0x47: {  	[hbm4b:s29+s2] =	stream.linear.scatter [tilespmem:s21], [sflag:$0x3], $0x2000, $0x38;
	[tilespmem:$0x1CC80] =	vst v63  }
0x48: {  	_ =	swait.ge [sflag:s0], $0x2000  }
0x49: {  	[sflag:s0] =	ssyncset.done $0x0  }
0x4a: {  	[sflag:s0] =	ssyncadd.s32 $0xFFFFE000  }
0x4b: {  	_ =	swait.ge [sflag:s0], $0x2000  }
0x4c: {  	[sflag:s0] =	ssyncset.done $0x0  }
0x4d: {  	s29 =	simm.s32 $0x13A00;
	[sflag:s0] =	ssyncadd.s32 $0xFFFFE000  }
0x4e: {  	[tilespmem:s24], [sflag:$0x2] =	stream.indirect.gather [spmem:s1], $0x80, s29, s18, $0xb8;
	[tilespmem:$0x1CC80] =	vst v63  }
0x4f: {  	s29 =	simm.s32 $0x13A40  }
0x50: {  	[tilespmem:s26], [sflag:$0x2] =	stream.indirect.gather [spmem:s1], $0x80, s29, s18, $0xb8;
	[tilespmem:$0x1CC80] =	vst v63  }
0x51: {  	_ =	swait.ge [sflag:s28], $0x2000  }
0x52: {  	[sflag:s28] =	ssyncset.done $0x0  }
0x53: {  	[sflag:s28] =	ssyncadd.s32 $0xFFFFE000  }
0x54: {  	_ =	swait.ge [sflag:s28], $0x2000  }
0x55: {  	[sflag:s28] =	ssyncset.done $0x0  }
0x56: {  	s29 =	simm.s32 $0x13A80;
	[sflag:s28] =	ssyncadd.s32 $0xFFFFE000  }
0x57: {  	[tilespmem:s19], [sflag:$0x1] =	stream.indirect.gather [spmem:s1], $0x80, s29, s18, $0xb8;
	[tilespmem:$0x1CC80] =	vst v63  }
0x58: {  	s29 =	simm.s32 $0x13AC0  }
0x59: {  	[tilespmem:s21], [sflag:$0x1] =	stream.indirect.gather [spmem:s1], $0x80, s29, s18, $0xb8;
	[tilespmem:$0x1CC80] =	vst v63  }
0x5a: {  	_ =	swait.ge [sflag:s31], $0x2000  }
0x5b: {  	[sflag:s31] =	ssyncset.done $0x0  }
0x5c: {  	[sflag:s31] =	ssyncadd.s32 $0xFFFFE000  }
0x5d: {  	_ =	swait.ge [sflag:s31], $0x2000  }
0x5e: {  	[sflag:s31] =	ssyncset.done $0x0  }
0x5f: {  	s29 =	sadd.s32 $0x1800, s23;
	[sflag:s31] =	ssyncadd.s32 $0xFFFFE000  }
0x60: {  	[hbm4b:s29+s2] =	stream.linear.scatter [tilespmem:s24], [sflag:$0x4], $0x2000, $0x38;
	[tilespmem:$0x1CC80] =	vst v63  }
0x61: {  	s30 =	simm.s32 $0x13BC0;
	s20 =	sadd.s32 $0x1C00, s23;
	s29 =	simm.s32 $0x1000  }
.LBB2_2:
0x62: {  	[hbm4b:s20+s2] =	stream.linear.scatter [tilespmem:s26], [sflag:$0x4], $0x2000, $0x38;
	[tilespmem:$0x1CC80] =	vst v63  }
0x63: {  	s20 =	smov.u32 s29  }
0x64: {  	p1 =	sne.s32 s29, $0x11000;
	s29 =	sadd.s32 $0x1000, s29;
	_ =	swait.ge [sflag:s22], $0x2000  }
0x65: {  	[sflag:s22] =	ssyncset.done $0x0  }
0x66: {  	[sflag:s22] =	ssyncadd.s32 $0xFFFFE000  }
0x67: {  	_ =	swait.ge [sflag:s22], $0x2000  }
0x68: {  	s20 =	sadd.s32 s20, s14;
	[sflag:s22] =	ssyncset.done $0x0  }
0x69: {  	s23 =	sadd.s32 $0x1000, s20;
	[sflag:s22] =	ssyncadd.s32 $0xFFFFE000  }
0x6a: {  	[hbm4b:s23+s2] =	stream.linear.scatter [tilespmem:s19], [sflag:$0x3], $0x2000, $0x38;
	[tilespmem:$0x1CC80] =	vst v63  }
0x6b: {  	s23 =	sadd.s32 $0x1400, s20  }
0x6c: {  	[hbm4b:s23+s2] =	stream.linear.scatter [tilespmem:s21], [sflag:$0x3], $0x2000, $0x38;
	[tilespmem:$0x1CC80] =	vst v63  }
0x6d: {  	_ =	swait.ge [sflag:s0], $0x2000  }
0x6e: {  	[sflag:s0] =	ssyncset.done $0x0  }
0x6f: {  	[sflag:s0] =	ssyncadd.s32 $0xFFFFE000  }
0x70: {  	_ =	swait.ge [sflag:s0], $0x2000  }
0x71: {  	[sflag:s0] =	ssyncset.done $0x0  }
0x72: {  	s23 =	sadd.s32 $0xFFFFFF40, s30;
	[sflag:s0] =	ssyncadd.s32 $0xFFFFE000  }
0x73: {  	[tilespmem:s24], [sflag:$0x2] =	stream.indirect.gather [spmem:s1], $0x80, s23, s18, $0xb8;
	[tilespmem:$0x1CC80] =	vst v63  }
0x74: {  	s23 =	sadd.s32 $0xFFFFFF80, s30  }
0x75: {  	[tilespmem:s26], [sflag:$0x2] =	stream.indirect.gather [spmem:s1], $0x80, s23, s18, $0xb8;
	[tilespmem:$0x1CC80] =	vst v63  }
0x76: {  	_ =	swait.ge [sflag:s28], $0x2000  }
0x77: {  	[sflag:s28] =	ssyncset.done $0x0  }
0x78: {  	[sflag:s28] =	ssyncadd.s32 $0xFFFFE000  }
0x79: {  	_ =	swait.ge [sflag:s28], $0x2000  }
0x7a: {  	[sflag:s28] =	ssyncset.done $0x0  }
0x7b: {  	s23 =	sadd.s32 $0xFFFFFFC0, s30;
	[sflag:s28] =	ssyncadd.s32 $0xFFFFE000  }
0x7c: {  	[tilespmem:s19], [sflag:$0x1] =	stream.indirect.gather [spmem:s1], $0x80, s23, s18, $0xb8;
	[tilespmem:$0x1CC80] =	vst v63  }
0x7d: {  	_ = 	snop  }
0x7e: {  	[tilespmem:s21], [sflag:$0x1] =	stream.indirect.gather [spmem:s1], $0x80, s30, s18, $0xb8;
	[tilespmem:$0x1CC80] =	vst v63  }
0x7f: {  	_ =	swait.ge [sflag:s31], $0x2000  }
0x80: {  	[sflag:s31] =	ssyncset.done $0x0  }
0x81: {  	[sflag:s31] =	ssyncadd.s32 $0xFFFFE000  }
.Ltmp0:
0x82: {  	_ =	swait.ge [sflag:s31], $0x2000;
	(pc) =	sbr.rel @p1 .LBB2_2-.Ltmp0, $4  }
0x83: {  	[sflag:s31] =	ssyncset.done $0x0  }
0x84: {  	s23 =	sadd.s32 $0x1800, s20;
	[sflag:s31] =	ssyncadd.s32 $0xFFFFE000  }
0x85: {  	[hbm4b:s23+s2] =	stream.linear.scatter [tilespmem:s24], [sflag:$0x4], $0x2000, $0x38;
	[tilespmem:$0x1CC80] =	vst v63  }
0x86: {  	s20 =	sadd.s32 $0x1C00, s20;
	s30 =	sadd.s32 $0x100, s30  }
0x87: {  	[hbm4b:s20+s2] =	stream.linear.scatter [tilespmem:s26], [sflag:$0x4], $0x2000, $0x38;
	[tilespmem:$0x1CC80] =	vst v63  }
0x88: {  	_ =	swait.ge [sflag:s22], $0x2000  }
0x89: {  	[sflag:s22] =	ssyncset.done $0x0  }
0x8a: {  	[sflag:s22] =	ssyncadd.s32 $0xFFFFE000  }
0x8b: {  	_ =	swait.ge [sflag:s22], $0x2000  }
0x8c: {  	[sflag:s22] =	ssyncset.done $0x0  }
0x8d: {  	[sflag:s22] =	ssyncadd.s32 $0xFFFFE000  }
0x8e: {  	[hbm4b:s10+s2] =	stream.linear.scatter [tilespmem:s19], [sflag:$0x3], $0x2000, $0x38;
	[tilespmem:$0x1CC80] =	vst v63  }
0x8f: {  	_ = 	snop  }
0x90: {  	[hbm4b:s11+s2] =	stream.linear.scatter [tilespmem:s21], [sflag:$0x3], $0x2000, $0x38;
	[tilespmem:$0x1CC80] =	vst v63  }
0x91: {  	_ =	swait.ge [sflag:s0], $0x2000  }
0x92: {  	[sflag:s0] =	ssyncset.done $0x0  }
0x93: {  	[sflag:s0] =	ssyncadd.s32 $0xFFFFE000  }
0x94: {  	_ =	swait.ge [sflag:s0], $0x2000  }
0x95: {  	[sflag:s0] =	ssyncset.done $0x0  }
0x96: {  	s29 =	simm.s32 $0x14C00;
	[sflag:s0] =	ssyncadd.s32 $0xFFFFE000  }
0x97: {  	[tilespmem:s24], [sflag:$0x2] =	stream.indirect.gather [spmem:s1], $0x80, s29, s18, $0xb8;
	[tilespmem:$0x1CC80] =	vst v63  }
0x98: {  	s30 =	simm.s32 $0x14C40  }
0x99: {  	[tilespmem:s26], [sflag:$0x2] =	stream.indirect.gather [spmem:s1], $0x80, s30, s18, $0xb8;
	[tilespmem:$0x1CC80] =	vst v63  }
0x9a: {  	_ =	swait.ge [sflag:s31], $0x2000  }
0x9b: {  	[sflag:s31] =	ssyncset.done $0x0  }
0x9c: {  	[sflag:s31] =	ssyncadd.s32 $0xFFFFE000  }
0x9d: {  	_ =	swait.ge [sflag:s31], $0x2000  }
0x9e: {  	[sflag:s31] =	ssyncset.done $0x0  }
0x9f: {  	[sflag:s31] =	ssyncadd.s32 $0xFFFFE000  }
0xa0: {  	[hbm4b:s12+s2] =	stream.linear.scatter [tilespmem:s24], [sflag:$0x4], $0x2000, $0x38;
	[tilespmem:$0x1CC80] =	vst v63  }
0xa1: {  	_ = 	snop  }
0xa2: {  	[hbm4b:s13+s2] =	stream.linear.scatter [tilespmem:s26], [sflag:$0x4], $0x2000, $0x38;
	[tilespmem:$0x1CC80] =	vst v63  }
0xa3: {  	_ =	swait.ge [sflag:s28], $0x2000  }
0xa4: {  	[sflag:s28] =	ssyncset.done $0x0  }
0xa5: {  	[sflag:s28] =	ssyncadd.s32 $0xFFFFE000  }
0xa6: {  	_ =	swait.ge [sflag:s28], $0x2000  }
0xa7: {  	[sflag:s28] =	ssyncset.done $0x0  }
0xa8: {  	s25 =	sadd.s32 $0x1, s25;
	[sflag:s28] =	ssyncadd.s32 $0xFFFFE000  }
0xa9: {  	p1 =	sne.s32 s25, s6;
	_ =	swait.ge [sflag:s0], $0x2000  }
.Ltmp1:
0xaa: {  	[sflag:s0] =	ssyncset.done $0x0;
	(pc) =	sbr.rel @p1 .LBB2_1-.Ltmp1, $4  }
0xab: {  	[sflag:s0] =	ssyncadd.s32 $0xFFFFE000  }
0xac: {  	_ =	swait.ge [sflag:s0], $0x2000  }
0xad: {  	[sflag:s0] =	ssyncset.done $0x0  }
0xae: {  	[sflag:s0] =	ssyncadd.s32 $0xFFFFE000  }
0xaf: {  	_ =	sfence.sel $0x180000  }
0xb0: {  	[bflag:$0x0] =	sbarrier.arrive $0xFFFF  }
0xb1: {  	_ =	strace $0x90000050  }
0xb2: {  	[bflag:$0x2] =	sbarrier.arrive $0xFFFF  }
0xb3: {  	s0 =	rddreg [dreg:$0x3]  }
0xb4: {  	s0 =	sadd.s32 @!p0 $0x100000, s0  }
0xb5: {  	[sflag:s0] =	ssyncadd.tile.s32 @!p0 $0x1;
	_ =	shalt  }
.Lfunc_end2:
_tile_overlayer_lowered:
.L_overlay_start_2:
0xb6: {  	(tag) =	ssettag $0x2  }
0xb7: {  	s0 =	rddreg [dreg:$0x0];
	s2 =	stileid.u32  }
0xb8: {  	s1 =	rddreg [dreg:$0x1];
	p0 =	sne.s32 s2, $0x0  }
0xb9: {  	s3 =	rddreg [dreg:$0x2];
	[bflag:$0x3] =	sbarrier.arrive $0xFFFF;
	s2 =	simm.s32 @!p0 $0x1C05  }
0xba: {  	[timem:s3], [sflag:s2] =	dma.local @!p0 [hbm:s0], s1  }
0xbb: {  	s0 =	simm.s32 @!p0 $0x5  }
0xbc: {  	_ =	swait.ge @!p0 [sflag:s0], s1  }
0xbd: {  	s1 =	ssub.s32 @!p0 $0x0, s1;
	[sflag:s0] =	ssyncset.done @!p0 $0x0  }
0xbe: {  	[sflag:s0] =	ssyncadd.s32 @!p0 s1  }
0xbf: {  	[bflag:$0x3] =	sbarrier.arrive $0xFFFF  }
0xc0: {  	_ =	shalt  }

// kernel: kernel.33.cloned.1.call-start
scs
__scs_entry_jumppad:
0x0: {  	(pc) =	sbr.rel $0x88, $3  }
0x1: {  	(tag) =	ssettag $0x0;
	lr =	simm.s32 $0x1  }
0x2: {  	[smem:$0x3F93] =	sst lr;
	_ =	strace $0xD0000000  }
0x3: {  	_ = 	snop  }
0x4: {  	_ = 	snop  }
0x5: {  	_ = 	snop  }
0x6: {  	_ = 	snop  }
0x7: {  	_ = 	snop  }
__scs_overlays_trampoline_lowered:
0x8: {  	[smem:$0x3FA2] =	sst s0  }
0x9: {  	[smem:$0x3FA3] =	sst s1  }
0xa: {  	[smem:$0x3FA4] =	sst s2  }
0xb: {  	[smem:$0x3FA5] =	sst s3  }
0xc: {  	[smem:$0x3FA6] =	sst s4  }
0xd: {  	[smem:$0x3FA7] =	sst s5  }
0xe: {  	[smem:$0x3FA8] =	sst s6  }
0xf: {  	[smem:$0x3FA9] =	sst s7  }
0x10: {  	[smem:$0x3FAA] =	sst s8  }
0x11: {  	[smem:$0x3FAB] =	sst s9;
	s0 =	simm.s32 @!p0 $0x0  }
0x12: {  	s1 =	sld [smem:$0x3F91];
	s0 =	simm.s32 @p0 $0x1  }
0x13: {  	[smem:$0x3FAC] =	sst s0;
	s0 =	simm.s32 @!p1 $0x0  }
0x14: {  	s2 =	sld [smem:$0x3F90];
	s0 =	simm.s32 @p1 $0x1  }
0x15: {  	[smem:$0x3FAD] =	sst s0;
	s0 =	simm.s32 @!p2 $0x0  }
0x16: {  	s3 =	sld [smem:$0x3FDB];
	s0 =	simm.s32 @p2 $0x1  }
0x17: {  	s4 =	simm.s32 $0x1BF5;
	[smem:$0x3FAF] =	sst s0  }
0x18: {  	s0 =	sld [smem:$0x3F92];
	_ =	swait.ge [sflag:s4], $0x0  }
0x19: {  	s7 =	sld [smem:$0x3F93]  }
0x1a: {  	s8 =	sadd.s32 $0xFFFFE003, lr  }
0x1b: {  	s9 =	sadd.s32 $0xFFFFFEF7, lr;
	s5 =	simm.s32 $0xFFFFFFFF;
	p2 =	slt.u32 s8, $0xFFFFF086  }
0x1c: {  	p1 =	slt.u32 s9, $0xF7A;
	s5 =	simm.s32 @!p2 $0x0  }
0x1d: {  	s5 =	simm.s32 @p1 $0x1;
	p0 =	seq.s32 s7, s2  }
0x1e: {  	s7 =	smul.u32 @!p0 $0xF7A, s2;
	p2 =	seq.s32 @!p0 s5, $0x0  }
0x1f: {  	s9 =	smul.u32 $0xF7A, s1;
	s8 =	simm.s32 @!p0 $0x1BF5;
	p2 =	por !p2, p0  }
0x20: {  	[sflag:s8] =	ssyncset.s32 @!p0 $0xFFFFF086;
	s6 =	sadd.s32 @!p0 s3, s7;
	s7 =	simm.s32 @!p0 $0x108  }
0x21: {  	s3 =	sadd.s32 s3, s9;
	s6 =	sadd.s32 @!p0 $0x88, s6;
	s7 =	simm.s32 @p2 $0x1082  }
0x22: {  	[simem:s7], [sflag:s8] =	dma.local @!p0 [hbm:s6], $0xF7A  }
0x23: {  	s9 =	sor.u32 $0xD0000000, s2;
	s6 =	simm.s32 $0x108;
	_ =	swait.ge @!p0 [sflag:s8], $0x0  }
0x24: {  	s3 =	sadd.s32 $0x88, s3;
	s6 =	simm.s32 @!p1 $0x1082;
	[sflag:s4] =	ssyncset.s32 $0xFFFFF086  }
0x25: {  	[simem:s6], [sflag:s4] =	dma.local [hbm:s3], $0xF7A  }
0x26: {  	[smem:$0x3F93] =	sst s1;
	(tag) =	ssettag s2;
	_ =	strace s9  }
0x27: {  	s1 =	sld [smem:$0x3FA3]  }
0x28: {  	s2 =	sld [smem:$0x3FA4]  }
0x29: {  	s4 =	sld [smem:$0x3FA6]  }
0x2a: {  	p0 =	seq.s32 s5, $0x0;
	s5 =	sld [smem:$0x3FA7]  }
0x2b: {  	s6 =	sld [smem:$0x3FA8]  }
0x2c: {  	s7 =	sld [smem:$0x3FA9]  }
0x2d: {  	s3 =	simm.s32 $0x108;
	s8 =	sld [smem:$0x3FAA]  }
0x2e: {  	s3 =	simm.s32 @!p0 $0x1082;
	s9 =	sld [smem:$0x3FAB]  }
0x2f: {  	lr =	sadd.s32 s0, s3;
	s0 =	sld [smem:$0x3FA2]  }
0x30: {  	s3 =	sld [smem:$0x3FA5]  }
0x31: {  	[smem:$0x3FAE] =	sst s10  }
0x32: {  	s10 =	sld [smem:$0x3FAC];
	_ =	sdelay $0x3  }
0x33: {  	p0 =	seq.s32 s10, $0x1;
	s10 =	sld [smem:$0x3FAE];
	_ =	sdelay $0x3  }
0x34: {  	[smem:$0x3FAE] =	sst s10  }
0x35: {  	s10 =	sld [smem:$0x3FAD];
	_ =	sdelay $0x3  }
0x36: {  	p1 =	seq.s32 s10, $0x1;
	s10 =	sld [smem:$0x3FAE];
	_ =	sdelay $0x3  }
0x37: {  	[smem:$0x3FAE] =	sst s10  }
0x38: {  	s10 =	sld [smem:$0x3FAF]  }
0x39: {  	_ = 	snop;
	(pc) =	sbr.ind lr, $3  }
0x3a: {  	_ = 	snop  }
0x3b: {  	_ = 	snop  }
0x3c: {  	p2 =	seq.s32 s10, $0x1;
	s10 =	sld [smem:$0x3FAE]  }
0x3d: {  	_ =	shalt  }
0x3e: {  	_ =	shalt  }
0x3f: {  	_ =	shalt  }
0x40: {  	_ =	shalt  }
0x41: {  	_ =	shalt  }
0x42: {  	_ =	shalt  }
0x43: {  	_ =	shalt  }
0x44: {  	_ =	shalt  }
0x45: {  	_ =	shalt  }
0x46: {  	_ =	shalt  }
0x47: {  	_ =	shalt  }
0x48: {  	_ =	shalt  }
0x49: {  	_ =	shalt  }
0x4a: {  	_ =	shalt  }
0x4b: {  	_ =	shalt  }
0x4c: {  	_ =	shalt  }
0x4d: {  	_ =	shalt  }
0x4e: {  	_ =	shalt  }
0x4f: {  	_ =	shalt  }
0x50: {  	_ =	shalt  }
0x51: {  	_ =	shalt  }
0x52: {  	_ =	shalt  }
0x53: {  	_ =	shalt  }
0x54: {  	_ =	shalt  }
0x55: {  	_ =	shalt  }
0x56: {  	_ =	shalt  }
0x57: {  	_ =	shalt  }
0x58: {  	_ =	shalt  }
0x59: {  	_ =	shalt  }
0x5a: {  	_ =	shalt  }
0x5b: {  	_ =	shalt  }
0x5c: {  	_ =	shalt  }
0x5d: {  	_ =	shalt  }
0x5e: {  	_ =	shalt  }
0x5f: {  	_ =	shalt  }
0x60: {  	_ =	shalt  }
0x61: {  	_ =	shalt  }
0x62: {  	_ =	shalt  }
0x63: {  	_ =	shalt  }
0x64: {  	_ =	shalt  }
0x65: {  	_ =	shalt  }
0x66: {  	_ =	shalt  }
0x67: {  	_ =	shalt  }
0x68: {  	_ =	shalt  }
0x69: {  	_ =	shalt  }
0x6a: {  	_ =	shalt  }
0x6b: {  	_ =	shalt  }
0x6c: {  	_ =	shalt  }
0x6d: {  	_ =	shalt  }
0x6e: {  	_ =	shalt  }
0x6f: {  	_ =	shalt  }
0x70: {  	_ =	shalt  }
0x71: {  	_ =	shalt  }
0x72: {  	_ =	shalt  }
0x73: {  	_ =	shalt  }
0x74: {  	_ =	shalt  }
0x75: {  	_ =	shalt  }
0x76: {  	_ =	shalt  }
0x77: {  	_ =	shalt  }
0x78: {  	_ =	shalt  }
0x79: {  	_ =	shalt  }
0x7a: {  	_ =	shalt  }
0x7b: {  	_ =	shalt  }
0x7c: {  	_ =	shalt  }
0x7d: {  	_ =	shalt  }
0x7e: {  	_ =	shalt  }
0x7f: {  	_ =	shalt  }
0x80: {  	_ =	shalt  }
0x81: {  	_ =	shalt  }
0x82: {  	_ =	shalt  }
0x83: {  	_ =	shalt  }
0x84: {  	_ =	shalt  }
0x85: {  	_ =	shalt  }
0x86: {  	_ =	shalt  }
0x87: {  	_ =	shalt  }
.Lfunc_end0:
.L_simem_size_0:
called_computation.5_lowered:
.L_overlay_start_0:
0x88: {  	s2 =	sld [smem:$0x3FD9]  }
0x89: {  	s3 =	sld [smem:$0x3FFE];
	_ =	sdelay $0x1  }
0x8a: {  	s1 =	srdreg.scid  }
0x8b: {  	s0 =	sand.u32 $0x1, s1  }
0x8c: {  	s17 =	sshll.u32 s0, $0xA;
	s2 =	sadd.s32 s3, s2  }
0x8d: {  	s2 =	sadd.s32 s2, s17  }
0x8e: {  	[smem:$0x3FBA] =	sst s2  }
0x8f: {  	_ = 	snop  }
0x90: {  	(tm) =	ssettm $0x1  }
0x91: {  	s18 =	sld [smem:$0x3FFB];
	_ =	sdelay $0x3  }
0x92: {  	_ =	strace s18  }
0x93: {  	s2 =	sld [smem:$0x3FFC];
	_ =	sdelay $0x3  }
0x94: {  	_ =	strace s2  }
0x95: {  	s2 =	sld [smem:$0x3FFD];
	_ =	sdelay $0x3  }
0x96: {  	_ =	strace s2  }
0x97: {  	_ =	strace $0x8FFFFFFF  }
0x98: {  	s19 =	sld [smem:$0x3FDB];
	_ =	sdelay $0x1  }
0x99: {  	s20 =	simm.s32 $_scs_section_size  }
0x9a: {  	s4 =	simm.s32 $_size__tile_overlayer_lowered;
	s5 =	simm.s32 $_tile_overlayer_lowered  }
0x9b: {  	s6 =	simm.s32 $0x1BFF;
	s21 =	sshll.u32 s5, $0x1;
	s3 =	sadd.s32 s20, s19  }
0x9c: {  	s22 =	simm.s32 $0x0;
	s4 =	sshll.u32 s4, $0x1;
	s5 =	sadd.s32 s21, s3  }
0x9d: {  	[timem:s22], [sflag:s6] =	dma.local [hbm:s5], s4  }
0x9e: {  	_ =	swait.ge [sflag:s6], s4  }
0x9f: {  	s4 =	ssub.s32 $0x0, s4;
	[sflag:s6] =	ssyncset.done $0x0  }
0xa0: {  	[sflag:s6] =	ssyncadd.s32 s4;
	_ =	sdelay $0x1  }
0xa1: {  	s23 =	simm.s32 $0x1B8B  }
0xa2: {  	_ =	swait.ge [sflag:s23], $0x1  }
0xa3: {  	[sflag:s23] =	ssyncset.done $0x0  }
0xa4: {  	[sflag:s23] =	ssyncadd.s32 $0xFFFFFFFF  }
0xa5: {  	s4 =	sld [smem:$0x0]  }
0xa6: {  	s5 =	sand.u32 $0xFFFFFFFE, s1  }
0xa7: {  	p0 =	sne.s32 s1, s5  }
0xa8: {  	s5 =	sshll.u32 @p0 s5, $0xE  }
0xa9: {  	s5 =	sadd.s32 @p0 $0x11B8D, s5;
	s6 =	sshll.u32 @p0 s4, $0x11  }
0xaa: {  	s5 =	sor.u32 @p0 s6, s5  }
0xab: {  	[sflag:s5] =	ssyncadd.remote.s32 @p0 $0x1;
	_ =	sdelay $0x1  }
0xac: {  	s5 =	simm.s32 @p0 $0x1B8D  }
0xad: {  	_ =	swait.eq @p0 [sflag:s5], $0x1  }
0xae: {  	[sflag:s5] =	ssyncadd.s32 @p0 $0xFFFFFFFF  }
0xaf: {  	s6 =	sshll.u32 @!p0 s1, $0xE  }
0xb0: {  	s6 =	sor.u32 @!p0 $0x4000, s6;
	s5 =	simm.s32 @!p0 $0x1B8D  }
0xb1: {  	s4 =	sshll.u32 @!p0 s4, $0x11;
	s6 =	sadd.s32 @!p0 $0x11B8D, s6;
	_ =	swait.eq @!p0 [sflag:s5], $0x1  }
0xb2: {  	s4 =	sor.u32 @!p0 s4, s6;
	[sflag:s5] =	ssyncadd.s32 @!p0 $0xFFFFFFFF  }
0xb3: {  	s25 =	simm.s32 $0x1B8E;
	s24 =	sld [smem:$0x3FFE];
	[sflag:s4] =	ssyncadd.remote.s32 @!p0 $0x1  }
0xb4: {  	s26 =	simm.s32 $execute0_lowered;
	[smem:$0x3FD2] =	sst s25  }
0xb5: {  	s5 =	sshll.u32 s26, $0x1;
	_ =	strace $0x80000058;
	[dreg:$0x1] =	wrdreg $0xFFFFFFFF  }
0xb6: {  	s28 =	simm.s32 $_size_execute0_lowered;
	s3 =	sadd.s32 s3, s5;
	[dreg:$0x0] =	wrdreg $0x0  }
0xb7: {  	s5 =	sshll.u32 s28, $0x1;
	[dreg:$0x2] =	wrdreg s3  }
0xb8: {  	[dreg:$0x3] =	wrdreg s5  }
0xb9: {  	[dreg:$0x4] =	wrdreg $0xC0  }
0xba: {  	_ =	task [dreg:s22], $0x5FFFF  }
0xbb: {  	[dreg:$0x1] =	wrdreg $0xFFFFFFFF  }
0xbc: {  	[dreg:$0x0] =	wrdreg $0x60  }
0xbd: {  	[dreg:$0x2] =	wrdreg s24  }
0xbe: {  	[dreg:$0x3] =	wrdreg $0x0  }
0xbf: {  	[dreg:$0x4] =	wrdreg $0x9  }
0xc0: {  	_ =	task.clear_ibuf [dreg:s22], $0x5FFFF;
	_ =	strace $0x90000058  }
0xc1: {  	s29 =	simm.s32 $0x9;
	_ =	strace $0x8000005A  }
0xc2: {  	_ =	swait.ge [sflag:s29], $0x1  }
0xc3: {  	[sflag:s29] =	ssyncadd.s32 $0xFFFFFFFF  }
0xc4: {  	_ =	strace $0x9000005A  }
0xc5: {  	_ =	sfence  }
0xc6: {  	s30 =	sld [smem:$0x0];
	_ =	sdelay $0x2  }
0xc7: {  	s31 =	sshll.u32 s1, $0xD;
	s1 =	sshrl.u32 s1, $0x2  }
0xc8: {  	s4 =	sand.u32 $0x4000, s31;
	s1 =	sadd.s32 s1, s30  }
0xc9: {  	s0 =	sor.u32 s4, s0;
	s1 =	sshll.u32 s1, $0x11  }
0xca: {  	s0 =	sor.u32 s1, s0  }
0xcb: {  	s0 =	sadd.s32 $0x8F2B, s0  }
0xcc: {  	[sflag:s0] =	ssyncadd.remote.s32 $0x1  }
0xcd: {  	_ =	sfence.sel $0xFFFF  }
0xce: {  	[dreg:$0x0] =	wrdreg $0xFFFFFFFF;
	(pc) =	sbr.abs _section_cstart, $3  }
0xcf: {  	[dreg:$0x1] =	wrdreg $0xFFFFFFFF  }
0xd0: {  	_ =	task.clear_ibuf [dreg:s22], $0x2FFFF;
	_ =	strace $0x9FFFFFFF  }
0xd1: {  	(tm) =	ssettm $0x7FFFFFFF  }
tec
execute0_lowered:
.L_overlay_start_1:
0x0: {  	(tag) =	ssettag $0x1  }
0x1: {  	s0 =	srdreg.scid;
	s4 =	rddreg [dreg:$0x0]  }
0x2: {  	s15 =	stileid.u32;
	s1 =	rddreg [dreg:$0x1];
	s2 =	simm.s32 $0x0  }
0x3: {  	s16 =	simm.s32 $0x5;
	s18 =	simm.s32 $0x40;
	s19 =	simm.s32 $0x14C80  }
0x4: {  	s21 =	simm.s32 $0x16C80;
	s22 =	simm.s32 $0x1;
	s24 =	simm.s32 $0x18C80  }
0x5: {  	s26 =	simm.s32 $0x1AC80;
	s28 =	simm.s32 $0x3;
	s31 =	simm.s32 $0x2  }
0x6: {  	s25 =	simm.s32 $0x0;
	s0 =	sand.u32 $0x1, s0;
	s5 =	smul.u32 $0x1400, s15  }
0x7: {  	[smem:$0x7FF] =	sst s2;
	s12 =	sadd.s32 $0x2E1400, s4;
	s14 =	smul.u32 $0x14000, s15  }
0x8: {  	p0 =	sne.s32 s15, $0x0;
	s15 =	simm.s32 $0x13880;
	s3 =	smul.u32 $0x14000, s0  }
0x9: {  	_ =	strace $0x80000059;
	s7 =	ssub.s32 $0x2, s0;
	s0 =	smul.u32 $0x140000, s0  }
0xa: {  	s17 =	sshrl.u32 @!p0 s1, $0x3;
	s30 =	sshrl.u32 s7, $0x1;
	s5 =	sadd.s32 s5, s3  }
0xb: {  	s3 =	sadd.s32 $0x3A000, s4;
	s7 =	ssub.s32 s7, s30;
	s0 =	sadd.s32 s0, s12  }
0xc: {  	s6 =	sshrl.u32 s5, $0x3;
	s5 =	sshll.u32 s5, $0x4;
	s14 =	sadd.s32 s14, s0  }
0xd: {  	s0 =	simm.s32 $0x4;
	s6 =	sadd.s32 s6, s4;
	s5 =	sadd.s32 s12, s5  }
0xe: {  	s4 =	sadd.s32 $0xB400, s6;
	s6 =	smax.u32 s7, $0x1;
	s7 =	sadd.s32 $0x400, s5  }
0xf: {  	s8 =	sadd.s32 $0x800, s5;
	s9 =	sadd.s32 $0xC00, s5;
	s10 =	sadd.s32 $0x13000, s5  }
0x10: {  	s11 =	sadd.s32 $0x13400, s5;
	s12 =	sadd.s32 $0x13800, s5;
	s13 =	sadd.s32 $0x13C00, s5  }
.LBB2_1:
0x11: {  	[tilespmem:s15], [sflag:$0x5] =	stream.linear.gather [hbm4b:s4+s2], $0x1400, $0x38;
	[tilespmem:$0x1CC80] =	vst v63  }
0x12: {  	_ =	swait.ge [sflag:s16], $0x1400  }
0x13: {  	[sflag:s16] =	ssyncset.done $0x0  }
0x14: {  	s20 =	simm.s32 @!p0 $0x1C05;
	[sflag:s16] =	ssyncadd.s32 $0xFFFFEC00  }
0x15: {  	[spmem:s17], [sflag:s20] =	dma.local @!p0 [hbm:s3], $0x27100  }
0x16: {  	s20 =	simm.s32 @!p0 $0x5  }
0x17: {  	_ =	swait.ge @!p0 [sflag:s20], $0x27100  }
0x18: {  	[sflag:s20] =	ssyncset.done @!p0 $0x0  }
0x19: {  	[sflag:s20] =	ssyncadd.s32 @!p0 $0xFFFD8F00  }
0x1a: {  	[bflag:$0x0] =	sbarrier.arrive $0xFFFF  }
0x1b: {  	[tilespmem:s19], [sflag:$0x1] =	stream.indirect.gather [spmem:s1], $0x80, s15, s18, $0xb8;
	[tilespmem:$0x1CC80] =	vst v63  }
0x1c: {  	s23 =	simm.s32 $0x138C0  }
0x1d: {  	[tilespmem:s21], [sflag:$0x1] =	stream.indirect.gather [spmem:s1], $0x80, s23, s18, $0xb8;
	[tilespmem:$0x1CC80] =	vst v63  }
0x1e: {  	_ =	swait.ge [sflag:s22], $0x2000  }
0x1f: {  	[sflag:s22] =	ssyncset.done $0x0  }
0x20: {  	[sflag:s22] =	ssyncadd.s32 $0xFFFFE000  }
0x21: {  	_ =	swait.ge [sflag:s22], $0x2000  }
0x22: {  	[sflag:s22] =	ssyncset.done $0x0  }
0x23: {  	[sflag:s22] =	ssyncadd.s32 $0xFFFFE000  }
0x24: {  	[hbm4b:s5+s2] =	stream.linear.scatter [tilespmem:s19], [sflag:$0x3], $0x2000, $0x38;
	[tilespmem:$0x1CC80] =	vst v63  }
0x25: {  	_ = 	snop  }
0x26: {  	[hbm4b:s7+s2] =	stream.linear.scatter [tilespmem:s21], [sflag:$0x3], $0x2000, $0x38;
	[tilespmem:$0x1CC80] =	vst v63  }
0x27: {  	s23 =	simm.s32 $0x13900  }
0x28: {  	[tilespmem:s24], [sflag:$0x2] =	stream.indirect.gather [spmem:s1], $0x80, s23, s18, $0xb8;
	[tilespmem:$0x1CC80] =	vst v63  }
0x29: {  	s23 =	simm.s32 $0x13940  }
0x2a: {  	[tilespmem:s26], [sflag:$0x2] =	stream.indirect.gather [spmem:s1], $0x80, s23, s18, $0xb8;
	[tilespmem:$0x1CC80] =	vst v63  }
0x2b: {  	_ =	swait.ge [sflag:s28], $0x2000  }
0x2c: {  	[sflag:s28] =	ssyncset.done $0x0  }
0x2d: {  	[sflag:s28] =	ssyncadd.s32 $0xFFFFE000  }
0x2e: {  	_ =	swait.ge [sflag:s28], $0x2000  }
0x2f: {  	[sflag:s28] =	ssyncset.done $0x0  }
0x30: {  	s23 =	simm.s32 $0x13980;
	[sflag:s28] =	ssyncadd.s32 $0xFFFFE000  }
0x31: {  	[tilespmem:s19], [sflag:$0x1] =	stream.indirect.gather [spmem:s1], $0x80, s23, s18, $0xb8;
	[tilespmem:$0x1CC80] =	vst v63  }
0x32: {  	s23 =	simm.s32 $0x139C0  }
0x33: {  	[tilespmem:s21], [sflag:$0x1] =	stream.indirect.gather [spmem:s1], $0x80, s23, s18, $0xb8;
	[tilespmem:$0x1CC80] =	vst v63  }
0x34: {  	_ =	swait.ge [sflag:s31], $0x2000  }
0x35: {  	[sflag:s31] =	ssyncset.done $0x0  }
0x36: {  	[sflag:s31] =	ssyncadd.s32 $0xFFFFE000  }
0x37: {  	_ =	swait.ge [sflag:s31], $0x2000  }
0x38: {  	[sflag:s31] =	ssyncset.done $0x0  }
0x39: {  	[sflag:s31] =	ssyncadd.s32 $0xFFFFE000  }
0x3a: {  	[hbm4b:s8+s2] =	stream.linear.scatter [tilespmem:s24], [sflag:$0x4], $0x2000, $0x38;
	[tilespmem:$0x1CC80] =	vst v63  }
0x3b: {  	_ = 	snop  }
0x3c: {  	[hbm4b:s9+s2] =	stream.linear.scatter [tilespmem:s26], [sflag:$0x4], $0x2000, $0x38;
	[tilespmem:$0x1CC80] =	vst v63  }
0x3d: {  	_ =	swait.ge [sflag:s22], $0x2000  }
0x3e: {  	[sflag:s22] =	ssyncset.done $0x0  }
0x3f: {  	[sflag:s22] =	ssyncadd.s32 $0xFFFFE000  }
0x40: {  	_ =	swait.ge [sflag:s22], $0x2000  }
0x41: {  	s23 =	sadd.s32 $0x0, s14;
	[sflag:s22] =	ssyncset.done $0x0  }
0x42: {  	s29 =	sadd.s32 $0x1000, s23;
	[sflag:s22] =	ssyncadd.s32 $0xFFFFE000  }
0x43: {  	[hbm4b:s29+s2] =	stream.linear.scatter [tilespmem:s19], [sflag:$0x3], $0x2000, $0x38;
	[tilespmem:$0x1CC80] =	vst v63  }
0x44: {  	s29 =	sadd.s32 $0x1400, s23  }
0x45: {  	[hbm4b:s29+s2] =	stream.linear.scatter [tilespmem:s21], [sflag:$0x3], $0x2000, $0x38;
	[tilespmem:$0x1CC80] =	vst v63  }
0x46: {  	_ =	swait.ge [sflag:s0], $0x2000  }
0x47: {  	[sflag:s0] =	ssyncset.done $0x0  }
0x48: {  	[sflag:s0] =	ssyncadd.s32 $0xFFFFE000  }
0x49: {  	_ =	swait.ge [sflag:s0], $0x2000  }
0x4a: {  	[sflag:s0] =	ssyncset.done $0x0  }
0x4b: {  	s29 =	simm.s32 $0x13A00;
	[sflag:s0] =	ssyncadd.s32 $0xFFFFE000  }
0x4c: {  	[tilespmem:s24], [sflag:$0x2] =	stream.indirect.gather [spmem:s1], $0x80, s29, s18, $0xb8;
	[tilespmem:$0x1CC80] =	vst v63  }
0x4d: {  	s29 =	simm.s32 $0x13A40  }
0x4e: {  	[tilespmem:s26], [sflag:$0x2] =	stream.indirect.gather [spmem:s1], $0x80, s29, s18, $0xb8;
	[tilespmem:$0x1CC80] =	vst v63  }
0x4f: {  	_ =	swait.ge [sflag:s28], $0x2000  }
0x50: {  	[sflag:s28] =	ssyncset.done $0x0  }
0x51: {  	[sflag:s28] =	ssyncadd.s32 $0xFFFFE000  }
0x52: {  	_ =	swait.ge [sflag:s28], $0x2000  }
0x53: {  	[sflag:s28] =	ssyncset.done $0x0  }
0x54: {  	s29 =	simm.s32 $0x13A80;
	[sflag:s28] =	ssyncadd.s32 $0xFFFFE000  }
0x55: {  	[tilespmem:s19], [sflag:$0x1] =	stream.indirect.gather [spmem:s1], $0x80, s29, s18, $0xb8;
	[tilespmem:$0x1CC80] =	vst v63  }
0x56: {  	s29 =	simm.s32 $0x13AC0  }
0x57: {  	[tilespmem:s21], [sflag:$0x1] =	stream.indirect.gather [spmem:s1], $0x80, s29, s18, $0xb8;
	[tilespmem:$0x1CC80] =	vst v63  }
0x58: {  	_ =	swait.ge [sflag:s31], $0x2000  }
0x59: {  	[sflag:s31] =	ssyncset.done $0x0  }
0x5a: {  	[sflag:s31] =	ssyncadd.s32 $0xFFFFE000  }
0x5b: {  	_ =	swait.ge [sflag:s31], $0x2000  }
0x5c: {  	[sflag:s31] =	ssyncset.done $0x0  }
0x5d: {  	s29 =	sadd.s32 $0x1800, s23;
	[sflag:s31] =	ssyncadd.s32 $0xFFFFE000  }
0x5e: {  	[hbm4b:s29+s2] =	stream.linear.scatter [tilespmem:s24], [sflag:$0x4], $0x2000, $0x38;
	[tilespmem:$0x1CC80] =	vst v63  }
0x5f: {  	s30 =	simm.s32 $0x13BC0;
	s20 =	sadd.s32 $0x1C00, s23;
	s29 =	simm.s32 $0x1000  }
.LBB2_2:
0x60: {  	[hbm4b:s20+s2] =	stream.linear.scatter [tilespmem:s26], [sflag:$0x4], $0x2000, $0x38;
	[tilespmem:$0x1CC80] =	vst v63  }
0x61: {  	s20 =	smov.u32 s29  }
0x62: {  	p1 =	sne.s32 s29, $0x11000;
	s29 =	sadd.s32 $0x1000, s29;
	_ =	swait.ge [sflag:s22], $0x2000  }
0x63: {  	[sflag:s22] =	ssyncset.done $0x0  }
0x64: {  	[sflag:s22] =	ssyncadd.s32 $0xFFFFE000  }
0x65: {  	_ =	swait.ge [sflag:s22], $0x2000  }
0x66: {  	s20 =	sadd.s32 s20, s14;
	[sflag:s22] =	ssyncset.done $0x0  }
0x67: {  	s23 =	sadd.s32 $0x1000, s20;
	[sflag:s22] =	ssyncadd.s32 $0xFFFFE000  }
0x68: {  	[hbm4b:s23+s2] =	stream.linear.scatter [tilespmem:s19], [sflag:$0x3], $0x2000, $0x38;
	[tilespmem:$0x1CC80] =	vst v63  }
0x69: {  	s23 =	sadd.s32 $0x1400, s20  }
0x6a: {  	[hbm4b:s23+s2] =	stream.linear.scatter [tilespmem:s21], [sflag:$0x3], $0x2000, $0x38;
	[tilespmem:$0x1CC80] =	vst v63  }
0x6b: {  	_ =	swait.ge [sflag:s0], $0x2000  }
0x6c: {  	[sflag:s0] =	ssyncset.done $0x0  }
0x6d: {  	[sflag:s0] =	ssyncadd.s32 $0xFFFFE000  }
0x6e: {  	_ =	swait.ge [sflag:s0], $0x2000  }
0x6f: {  	[sflag:s0] =	ssyncset.done $0x0  }
0x70: {  	s23 =	sadd.s32 $0xFFFFFF40, s30;
	[sflag:s0] =	ssyncadd.s32 $0xFFFFE000  }
0x71: {  	[tilespmem:s24], [sflag:$0x2] =	stream.indirect.gather [spmem:s1], $0x80, s23, s18, $0xb8;
	[tilespmem:$0x1CC80] =	vst v63  }
0x72: {  	s23 =	sadd.s32 $0xFFFFFF80, s30  }
0x73: {  	[tilespmem:s26], [sflag:$0x2] =	stream.indirect.gather [spmem:s1], $0x80, s23, s18, $0xb8;
	[tilespmem:$0x1CC80] =	vst v63  }
0x74: {  	_ =	swait.ge [sflag:s28], $0x2000  }
0x75: {  	[sflag:s28] =	ssyncset.done $0x0  }
0x76: {  	[sflag:s28] =	ssyncadd.s32 $0xFFFFE000  }
0x77: {  	_ =	swait.ge [sflag:s28], $0x2000  }
0x78: {  	[sflag:s28] =	ssyncset.done $0x0  }
0x79: {  	s23 =	sadd.s32 $0xFFFFFFC0, s30;
	[sflag:s28] =	ssyncadd.s32 $0xFFFFE000  }
0x7a: {  	[tilespmem:s19], [sflag:$0x1] =	stream.indirect.gather [spmem:s1], $0x80, s23, s18, $0xb8;
	[tilespmem:$0x1CC80] =	vst v63  }
0x7b: {  	_ = 	snop  }
0x7c: {  	[tilespmem:s21], [sflag:$0x1] =	stream.indirect.gather [spmem:s1], $0x80, s30, s18, $0xb8;
	[tilespmem:$0x1CC80] =	vst v63  }
0x7d: {  	_ =	swait.ge [sflag:s31], $0x2000  }
0x7e: {  	[sflag:s31] =	ssyncset.done $0x0  }
0x7f: {  	[sflag:s31] =	ssyncadd.s32 $0xFFFFE000  }
.Ltmp0:
0x80: {  	_ =	swait.ge [sflag:s31], $0x2000;
	(pc) =	sbr.rel @p1 .LBB2_2-.Ltmp0, $4  }
0x81: {  	[sflag:s31] =	ssyncset.done $0x0  }
0x82: {  	s23 =	sadd.s32 $0x1800, s20;
	[sflag:s31] =	ssyncadd.s32 $0xFFFFE000  }
0x83: {  	[hbm4b:s23+s2] =	stream.linear.scatter [tilespmem:s24], [sflag:$0x4], $0x2000, $0x38;
	[tilespmem:$0x1CC80] =	vst v63  }
0x84: {  	s20 =	sadd.s32 $0x1C00, s20;
	s30 =	sadd.s32 $0x100, s30  }
0x85: {  	[hbm4b:s20+s2] =	stream.linear.scatter [tilespmem:s26], [sflag:$0x4], $0x2000, $0x38;
	[tilespmem:$0x1CC80] =	vst v63  }
0x86: {  	_ =	swait.ge [sflag:s22], $0x2000  }
0x87: {  	[sflag:s22] =	ssyncset.done $0x0  }
0x88: {  	[sflag:s22] =	ssyncadd.s32 $0xFFFFE000  }
0x89: {  	_ =	swait.ge [sflag:s22], $0x2000  }
0x8a: {  	[sflag:s22] =	ssyncset.done $0x0  }
0x8b: {  	[sflag:s22] =	ssyncadd.s32 $0xFFFFE000  }
0x8c: {  	[hbm4b:s10+s2] =	stream.linear.scatter [tilespmem:s19], [sflag:$0x3], $0x2000, $0x38;
	[tilespmem:$0x1CC80] =	vst v63  }
0x8d: {  	_ = 	snop  }
0x8e: {  	[hbm4b:s11+s2] =	stream.linear.scatter [tilespmem:s21], [sflag:$0x3], $0x2000, $0x38;
	[tilespmem:$0x1CC80] =	vst v63  }
0x8f: {  	_ =	swait.ge [sflag:s0], $0x2000  }
0x90: {  	[sflag:s0] =	ssyncset.done $0x0  }
0x91: {  	[sflag:s0] =	ssyncadd.s32 $0xFFFFE000  }
0x92: {  	_ =	swait.ge [sflag:s0], $0x2000  }
0x93: {  	[sflag:s0] =	ssyncset.done $0x0  }
0x94: {  	s29 =	simm.s32 $0x14C00;
	[sflag:s0] =	ssyncadd.s32 $0xFFFFE000  }
0x95: {  	[tilespmem:s24], [sflag:$0x2] =	stream.indirect.gather [spmem:s1], $0x80, s29, s18, $0xb8;
	[tilespmem:$0x1CC80] =	vst v63  }
0x96: {  	s30 =	simm.s32 $0x14C40  }
0x97: {  	[tilespmem:s26], [sflag:$0x2] =	stream.indirect.gather [spmem:s1], $0x80, s30, s18, $0xb8;
	[tilespmem:$0x1CC80] =	vst v63  }
0x98: {  	_ =	swait.ge [sflag:s31], $0x2000  }
0x99: {  	[sflag:s31] =	ssyncset.done $0x0  }
0x9a: {  	[sflag:s31] =	ssyncadd.s32 $0xFFFFE000  }
0x9b: {  	_ =	swait.ge [sflag:s31], $0x2000  }
0x9c: {  	[sflag:s31] =	ssyncset.done $0x0  }
0x9d: {  	[sflag:s31] =	ssyncadd.s32 $0xFFFFE000  }
0x9e: {  	[hbm4b:s12+s2] =	stream.linear.scatter [tilespmem:s24], [sflag:$0x4], $0x2000, $0x38;
	[tilespmem:$0x1CC80] =	vst v63  }
0x9f: {  	_ = 	snop  }
0xa0: {  	[hbm4b:s13+s2] =	stream.linear.scatter [tilespmem:s26], [sflag:$0x4], $0x2000, $0x38;
	[tilespmem:$0x1CC80] =	vst v63  }
0xa1: {  	_ =	swait.ge [sflag:s28], $0x2000  }
0xa2: {  	[sflag:s28] =	ssyncset.done $0x0  }
0xa3: {  	[sflag:s28] =	ssyncadd.s32 $0xFFFFE000  }
0xa4: {  	_ =	swait.ge [sflag:s28], $0x2000  }
0xa5: {  	[sflag:s28] =	ssyncset.done $0x0  }
0xa6: {  	s25 =	sadd.s32 $0x1, s25;
	[sflag:s28] =	ssyncadd.s32 $0xFFFFE000  }
0xa7: {  	p1 =	sne.s32 s25, s6;
	_ =	swait.ge [sflag:s0], $0x2000  }
.Ltmp1:
0xa8: {  	[sflag:s0] =	ssyncset.done $0x0;
	(pc) =	sbr.rel @p1 .LBB2_1-.Ltmp1, $4  }
0xa9: {  	[sflag:s0] =	ssyncadd.s32 $0xFFFFE000  }
0xaa: {  	_ =	swait.ge [sflag:s0], $0x2000  }
0xab: {  	[sflag:s0] =	ssyncset.done $0x0  }
0xac: {  	[sflag:s0] =	ssyncadd.s32 $0xFFFFE000  }
0xad: {  	_ =	sfence.sel $0x180000  }
0xae: {  	[bflag:$0x0] =	sbarrier.arrive $0xFFFF  }
0xaf: {  	_ =	strace $0x90000059  }
0xb0: {  	[bflag:$0x2] =	sbarrier.arrive $0xFFFF  }
0xb1: {  	s0 =	rddreg [dreg:$0x2]  }
0xb2: {  	s0 =	sadd.s32 @!p0 $0x100000, s0  }
0xb3: {  	[sflag:s0] =	ssyncadd.tile.s32 @!p0 $0x1;
	_ =	shalt  }
.Lfunc_end2:
_tile_overlayer_lowered:
.L_overlay_start_2:
0xb4: {  	(tag) =	ssettag $0x2  }
0xb5: {  	s0 =	rddreg [dreg:$0x0];
	s2 =	stileid.u32  }
0xb6: {  	s1 =	rddreg [dreg:$0x1];
	p0 =	sne.s32 s2, $0x0  }
0xb7: {  	s3 =	rddreg [dreg:$0x2];
	[bflag:$0x3] =	sbarrier.arrive $0xFFFF;
	s2 =	simm.s32 @!p0 $0x1C05  }
0xb8: {  	[timem:s3], [sflag:s2] =	dma.local @!p0 [hbm:s0], s1  }
0xb9: {  	s0 =	simm.s32 @!p0 $0x5  }
0xba: {  	_ =	swait.ge @!p0 [sflag:s0], s1  }
0xbb: {  	s1 =	ssub.s32 @!p0 $0x0, s1;
	[sflag:s0] =	ssyncset.done @!p0 $0x0  }
0xbc: {  	[sflag:s0] =	ssyncadd.s32 @!p0 s1  }
0xbd: {  	[bflag:$0x3] =	sbarrier.arrive $0xFFFF  }
0xbe: {  	_ =	shalt  }

// kernel: kernel.36.cloned.1.call-start
scs
__scs_entry_jumppad:
0x0: {  	(pc) =	sbr.rel $0x88, $3  }
0x1: {  	(tag) =	ssettag $0x0;
	lr =	simm.s32 $0x1  }
0x2: {  	[smem:$0x3F93] =	sst lr;
	_ =	strace $0xD0000000  }
0x3: {  	_ = 	snop  }
0x4: {  	_ = 	snop  }
0x5: {  	_ = 	snop  }
0x6: {  	_ = 	snop  }
0x7: {  	_ = 	snop  }
__scs_overlays_trampoline_lowered:
0x8: {  	[smem:$0x3FA2] =	sst s0  }
0x9: {  	[smem:$0x3FA3] =	sst s1  }
0xa: {  	[smem:$0x3FA4] =	sst s2  }
0xb: {  	[smem:$0x3FA5] =	sst s3  }
0xc: {  	[smem:$0x3FA6] =	sst s4  }
0xd: {  	[smem:$0x3FA7] =	sst s5  }
0xe: {  	[smem:$0x3FA8] =	sst s6  }
0xf: {  	[smem:$0x3FA9] =	sst s7  }
0x10: {  	[smem:$0x3FAA] =	sst s8  }
0x11: {  	[smem:$0x3FAB] =	sst s9;
	s0 =	simm.s32 @!p0 $0x0  }
0x12: {  	s1 =	sld [smem:$0x3F91];
	s0 =	simm.s32 @p0 $0x1  }
0x13: {  	[smem:$0x3FAC] =	sst s0;
	s0 =	simm.s32 @!p1 $0x0  }
0x14: {  	s2 =	sld [smem:$0x3F90];
	s0 =	simm.s32 @p1 $0x1  }
0x15: {  	[smem:$0x3FAD] =	sst s0;
	s0 =	simm.s32 @!p2 $0x0  }
0x16: {  	s3 =	sld [smem:$0x3FDB];
	s0 =	simm.s32 @p2 $0x1  }
0x17: {  	s4 =	simm.s32 $0x1BF5;
	[smem:$0x3FAF] =	sst s0  }
0x18: {  	s0 =	sld [smem:$0x3F92];
	_ =	swait.ge [sflag:s4], $0x0  }
0x19: {  	s7 =	sld [smem:$0x3F93]  }
0x1a: {  	s8 =	sadd.s32 $0xFFFFE003, lr  }
0x1b: {  	s9 =	sadd.s32 $0xFFFFFEF7, lr;
	s5 =	simm.s32 $0xFFFFFFFF;
	p2 =	slt.u32 s8, $0xFFFFF086  }
0x1c: {  	p1 =	slt.u32 s9, $0xF7A;
	s5 =	simm.s32 @!p2 $0x0  }
0x1d: {  	s5 =	simm.s32 @p1 $0x1;
	p0 =	seq.s32 s7, s2  }
0x1e: {  	s7 =	smul.u32 @!p0 $0xF7A, s2;
	p2 =	seq.s32 @!p0 s5, $0x0  }
0x1f: {  	s9 =	smul.u32 $0xF7A, s1;
	s8 =	simm.s32 @!p0 $0x1BF5;
	p2 =	por !p2, p0  }
0x20: {  	[sflag:s8] =	ssyncset.s32 @!p0 $0xFFFFF086;
	s6 =	sadd.s32 @!p0 s3, s7;
	s7 =	simm.s32 @!p0 $0x108  }
0x21: {  	s3 =	sadd.s32 s3, s9;
	s6 =	sadd.s32 @!p0 $0x88, s6;
	s7 =	simm.s32 @p2 $0x1082  }
0x22: {  	[simem:s7], [sflag:s8] =	dma.local @!p0 [hbm:s6], $0xF7A  }
0x23: {  	s9 =	sor.u32 $0xD0000000, s2;
	s6 =	simm.s32 $0x108;
	_ =	swait.ge @!p0 [sflag:s8], $0x0  }
0x24: {  	s3 =	sadd.s32 $0x88, s3;
	s6 =	simm.s32 @!p1 $0x1082;
	[sflag:s4] =	ssyncset.s32 $0xFFFFF086  }
0x25: {  	[simem:s6], [sflag:s4] =	dma.local [hbm:s3], $0xF7A  }
0x26: {  	[smem:$0x3F93] =	sst s1;
	(tag) =	ssettag s2;
	_ =	strace s9  }
0x27: {  	s1 =	sld [smem:$0x3FA3]  }
0x28: {  	s2 =	sld [smem:$0x3FA4]  }
0x29: {  	s4 =	sld [smem:$0x3FA6]  }
0x2a: {  	p0 =	seq.s32 s5, $0x0;
	s5 =	sld [smem:$0x3FA7]  }
0x2b: {  	s6 =	sld [smem:$0x3FA8]  }
0x2c: {  	s7 =	sld [smem:$0x3FA9]  }
0x2d: {  	s3 =	simm.s32 $0x108;
	s8 =	sld [smem:$0x3FAA]  }
0x2e: {  	s3 =	simm.s32 @!p0 $0x1082;
	s9 =	sld [smem:$0x3FAB]  }
0x2f: {  	lr =	sadd.s32 s0, s3;
	s0 =	sld [smem:$0x3FA2]  }
0x30: {  	s3 =	sld [smem:$0x3FA5]  }
0x31: {  	[smem:$0x3FAE] =	sst s10  }
0x32: {  	s10 =	sld [smem:$0x3FAC];
	_ =	sdelay $0x3  }
0x33: {  	p0 =	seq.s32 s10, $0x1;
	s10 =	sld [smem:$0x3FAE];
	_ =	sdelay $0x3  }
0x34: {  	[smem:$0x3FAE] =	sst s10  }
0x35: {  	s10 =	sld [smem:$0x3FAD];
	_ =	sdelay $0x3  }
0x36: {  	p1 =	seq.s32 s10, $0x1;
	s10 =	sld [smem:$0x3FAE];
	_ =	sdelay $0x3  }
0x37: {  	[smem:$0x3FAE] =	sst s10  }
0x38: {  	s10 =	sld [smem:$0x3FAF]  }
0x39: {  	_ = 	snop;
	(pc) =	sbr.ind lr, $3  }
0x3a: {  	_ = 	snop  }
0x3b: {  	_ = 	snop  }
0x3c: {  	p2 =	seq.s32 s10, $0x1;
	s10 =	sld [smem:$0x3FAE]  }
0x3d: {  	_ =	shalt  }
0x3e: {  	_ =	shalt  }
0x3f: {  	_ =	shalt  }
0x40: {  	_ =	shalt  }
0x41: {  	_ =	shalt  }
0x42: {  	_ =	shalt  }
0x43: {  	_ =	shalt  }
0x44: {  	_ =	shalt  }
0x45: {  	_ =	shalt  }
0x46: {  	_ =	shalt  }
0x47: {  	_ =	shalt  }
0x48: {  	_ =	shalt  }
0x49: {  	_ =	shalt  }
0x4a: {  	_ =	shalt  }
0x4b: {  	_ =	shalt  }
0x4c: {  	_ =	shalt  }
0x4d: {  	_ =	shalt  }
0x4e: {  	_ =	shalt  }
0x4f: {  	_ =	shalt  }
0x50: {  	_ =	shalt  }
0x51: {  	_ =	shalt  }
0x52: {  	_ =	shalt  }
0x53: {  	_ =	shalt  }
0x54: {  	_ =	shalt  }
0x55: {  	_ =	shalt  }
0x56: {  	_ =	shalt  }
0x57: {  	_ =	shalt  }
0x58: {  	_ =	shalt  }
0x59: {  	_ =	shalt  }
0x5a: {  	_ =	shalt  }
0x5b: {  	_ =	shalt  }
0x5c: {  	_ =	shalt  }
0x5d: {  	_ =	shalt  }
0x5e: {  	_ =	shalt  }
0x5f: {  	_ =	shalt  }
0x60: {  	_ =	shalt  }
0x61: {  	_ =	shalt  }
0x62: {  	_ =	shalt  }
0x63: {  	_ =	shalt  }
0x64: {  	_ =	shalt  }
0x65: {  	_ =	shalt  }
0x66: {  	_ =	shalt  }
0x67: {  	_ =	shalt  }
0x68: {  	_ =	shalt  }
0x69: {  	_ =	shalt  }
0x6a: {  	_ =	shalt  }
0x6b: {  	_ =	shalt  }
0x6c: {  	_ =	shalt  }
0x6d: {  	_ =	shalt  }
0x6e: {  	_ =	shalt  }
0x6f: {  	_ =	shalt  }
0x70: {  	_ =	shalt  }
0x71: {  	_ =	shalt  }
0x72: {  	_ =	shalt  }
0x73: {  	_ =	shalt  }
0x74: {  	_ =	shalt  }
0x75: {  	_ =	shalt  }
0x76: {  	_ =	shalt  }
0x77: {  	_ =	shalt  }
0x78: {  	_ =	shalt  }
0x79: {  	_ =	shalt  }
0x7a: {  	_ =	shalt  }
0x7b: {  	_ =	shalt  }
0x7c: {  	_ =	shalt  }
0x7d: {  	_ =	shalt  }
0x7e: {  	_ =	shalt  }
0x7f: {  	_ =	shalt  }
0x80: {  	_ =	shalt  }
0x81: {  	_ =	shalt  }
0x82: {  	_ =	shalt  }
0x83: {  	_ =	shalt  }
0x84: {  	_ =	shalt  }
0x85: {  	_ =	shalt  }
0x86: {  	_ =	shalt  }
0x87: {  	_ =	shalt  }
.Lfunc_end0:
.L_simem_size_0:
called_computation.6_lowered:
.L_overlay_start_0:
0x88: {  	s2 =	sld [smem:$0x3FD9]  }
0x89: {  	s3 =	sld [smem:$0x3FFE];
	_ =	sdelay $0x1  }
0x8a: {  	s1 =	srdreg.scid  }
0x8b: {  	s0 =	sand.u32 $0x1, s1  }
0x8c: {  	s17 =	sshll.u32 s0, $0xA;
	s2 =	sadd.s32 s3, s2  }
0x8d: {  	s2 =	sadd.s32 s2, s17  }
0x8e: {  	[smem:$0x3FBA] =	sst s2  }
0x8f: {  	_ = 	snop  }
0x90: {  	s18 =	sld [smem:$0x3FD0];
	(tm) =	ssettm $0x1  }
0x91: {  	s19 =	sld [smem:$0x3FFB];
	_ =	sdelay $0x3  }
0x92: {  	_ =	strace s19  }
0x93: {  	s2 =	sld [smem:$0x3FFC];
	_ =	sdelay $0x3  }
0x94: {  	_ =	strace s2  }
0x95: {  	s2 =	sld [smem:$0x3FFD];
	_ =	sdelay $0x3  }
0x96: {  	_ =	strace s2  }
0x97: {  	_ =	strace $0x8FFFFFFF  }
0x98: {  	s20 =	sld [smem:$0x3FDB];
	_ =	sdelay $0x1  }
0x99: {  	s4 =	simm.s32 $_scs_section_size  }
0x9a: {  	s5 =	simm.s32 $_size__tile_overlayer_lowered;
	s6 =	simm.s32 $_tile_overlayer_lowered  }
0x9b: {  	s7 =	simm.s32 $0x1BFF;
	s21 =	sshll.u32 s6, $0x1;
	s4 =	sadd.s32 s4, s20  }
0x9c: {  	s22 =	simm.s32 $0x0;
	s5 =	sshll.u32 s5, $0x1;
	s6 =	sadd.s32 s21, s4  }
0x9d: {  	[timem:s22], [sflag:s7] =	dma.local [hbm:s6], s5  }
0x9e: {  	_ =	swait.ge [sflag:s7], s5  }
0x9f: {  	s5 =	ssub.s32 $0x0, s5;
	[sflag:s7] =	ssyncset.done $0x0  }
0xa0: {  	[sflag:s7] =	ssyncadd.s32 s5;
	_ =	sdelay $0x1  }
0xa1: {  	s23 =	simm.s32 $0x1B8B  }
0xa2: {  	_ =	swait.ge [sflag:s23], $0x1  }
0xa3: {  	[sflag:s23] =	ssyncset.done $0x0  }
0xa4: {  	[sflag:s23] =	ssyncadd.s32 $0xFFFFFFFF  }
0xa5: {  	s5 =	sld [smem:$0x0]  }
0xa6: {  	s6 =	sand.u32 $0xFFFFFFFE, s1  }
0xa7: {  	p0 =	sne.s32 s1, s6  }
0xa8: {  	s6 =	sshll.u32 @p0 s6, $0xE  }
0xa9: {  	s6 =	sadd.s32 @p0 $0x11B8D, s6;
	s7 =	sshll.u32 @p0 s5, $0x11  }
0xaa: {  	s6 =	sor.u32 @p0 s7, s6  }
0xab: {  	[sflag:s6] =	ssyncadd.remote.s32 @p0 $0x1;
	_ =	sdelay $0x1  }
0xac: {  	s6 =	simm.s32 @p0 $0x1B8D  }
0xad: {  	_ =	swait.eq @p0 [sflag:s6], $0x1  }
0xae: {  	[sflag:s6] =	ssyncadd.s32 @p0 $0xFFFFFFFF  }
0xaf: {  	s7 =	sshll.u32 @!p0 s1, $0xE  }
0xb0: {  	s7 =	sor.u32 @!p0 $0x4000, s7;
	s6 =	simm.s32 @!p0 $0x1B8D  }
0xb1: {  	s5 =	sshll.u32 @!p0 s5, $0x11;
	s7 =	sadd.s32 @!p0 $0x11B8D, s7;
	_ =	swait.eq @!p0 [sflag:s6], $0x1  }
0xb2: {  	s5 =	sor.u32 @!p0 s5, s7;
	[sflag:s6] =	ssyncadd.s32 @!p0 $0xFFFFFFFF  }
0xb3: {  	s25 =	simm.s32 $0x1B8E;
	s24 =	sld [smem:$0x3FFE];
	[sflag:s5] =	ssyncadd.remote.s32 @!p0 $0x1  }
0xb4: {  	s26 =	simm.s32 $execute0_lowered;
	[smem:$0x3FD2] =	sst s25  }
0xb5: {  	s6 =	sshll.u32 s26, $0x1;
	_ =	strace $0x80000055;
	[dreg:$0x1] =	wrdreg $0xFFFFFFFF  }
0xb6: {  	s28 =	simm.s32 $_size_execute0_lowered;
	s4 =	sadd.s32 s4, s6;
	[dreg:$0x0] =	wrdreg $0x0  }
0xb7: {  	s6 =	sshll.u32 s28, $0x1;
	[dreg:$0x2] =	wrdreg s4  }
0xb8: {  	[dreg:$0x3] =	wrdreg s6  }
0xb9: {  	[dreg:$0x4] =	wrdreg $0xC0  }
0xba: {  	_ =	task [dreg:s22], $0x5FFFF  }
0xbb: {  	[dreg:$0x1] =	wrdreg $0xFFFFFFFF  }
0xbc: {  	[dreg:$0x0] =	wrdreg $0x60  }
0xbd: {  	[dreg:$0x2] =	wrdreg s24  }
0xbe: {  	[dreg:$0x3] =	wrdreg s18  }
0xbf: {  	[dreg:$0x4] =	wrdreg $0x0  }
0xc0: {  	[dreg:$0x5] =	wrdreg $0xA  }
0xc1: {  	_ =	task.clear_ibuf [dreg:s22], $0x6FFFF;
	_ =	strace $0x90000055  }
0xc2: {  	s29 =	simm.s32 $0xA;
	_ =	strace $0x80000057  }
0xc3: {  	_ =	swait.ge [sflag:s29], $0x1  }
0xc4: {  	[sflag:s29] =	ssyncadd.s32 $0xFFFFFFFF  }
0xc5: {  	_ =	strace $0x90000057  }
0xc6: {  	_ =	sfence  }
0xc7: {  	s30 =	sld [smem:$0x0];
	_ =	sdelay $0x2  }
0xc8: {  	s31 =	sshll.u32 s1, $0xD;
	s1 =	sshrl.u32 s1, $0x2  }
0xc9: {  	s4 =	sand.u32 $0x4000, s31;
	s1 =	sadd.s32 s1, s30  }
0xca: {  	s0 =	sor.u32 s4, s0;
	s1 =	sshll.u32 s1, $0x11  }
0xcb: {  	s0 =	sor.u32 s1, s0  }
0xcc: {  	s0 =	sadd.s32 $0x8F2B, s0  }
0xcd: {  	[sflag:s0] =	ssyncadd.remote.s32 $0x1  }
0xce: {  	_ =	sfence.sel $0xFFFF  }
0xcf: {  	[dreg:$0x0] =	wrdreg $0xFFFFFFFF;
	(pc) =	sbr.abs _section_cstart, $3  }
0xd0: {  	[dreg:$0x1] =	wrdreg $0xFFFFFFFF  }
0xd1: {  	_ =	task.clear_ibuf [dreg:s22], $0x2FFFF;
	_ =	strace $0x9FFFFFFF  }
0xd2: {  	(tm) =	ssettm $0x7FFFFFFF  }
0xd3: {  	_ =	shalt  }
tec
execute0_lowered:
.L_overlay_start_1:
0x0: {  	(tag) =	ssettag $0x1  }
0x1: {  	s0 =	rddreg [dreg:$0x0]  }
0x2: {  	s4 =	rddreg [dreg:$0x1]  }
0x3: {  	s1 =	rddreg [dreg:$0x2]  }
0x4: {  	s2 =	srdreg.scid;
	s15 =	stileid.u32  }
0x5: {  	s16 =	simm.s32 $0x5;
	s18 =	simm.s32 $0x40;
	s19 =	simm.s32 $0x14C80  }
0x6: {  	s21 =	simm.s32 $0x16C80;
	s22 =	simm.s32 $0x1;
	s24 =	simm.s32 $0x18C80  }
0x7: {  	s26 =	simm.s32 $0x1AC80;
	s28 =	simm.s32 $0x3;
	s31 =	simm.s32 $0x2  }
0x8: {  	s25 =	simm.s32 $0x0;
	s8 =	sand.u32 $0x1, s2;
	s2 =	simm.s32 $0x0  }
0x9: {  	s6 =	smul.u32 $0x1400, s15;
	s3 =	sadd.s32 $0x12E00, s0;
	s0 =	sadd.s32 $0x61400, s0  }
0xa: {  	s14 =	smul.u32 $0x14000, s15;
	p0 =	sne.s32 s15, $0x0;
	s15 =	simm.s32 $0x13880  }
0xb: {  	s5 =	smul.u32 $0x14000, s8;
	[smem:$0x7FF] =	sst s2;
	s7 =	ssub.s32 $0x2, s8  }
0xc: {  	s12 =	smul.u32 $0x140000, s8;
	s17 =	sshrl.u32 @!p0 s1, $0x3;
	s30 =	sshrl.u32 s7, $0x1  }
0xd: {  	_ =	strace $0x80000056;
	s5 =	sadd.s32 s6, s5;
	s6 =	ssub.s32 s7, s30  }
0xe: {  	s9 =	sshrl.u32 s5, $0x3;
	s5 =	sshll.u32 s5, $0x4;
	s6 =	smax.u32 s6, $0x1  }
0xf: {  	s4 =	sadd.s32 s4, s9;
	s5 =	sadd.s32 s0, s5;
	s0 =	sadd.s32 s12, s0  }
0x10: {  	s7 =	sadd.s32 $0x400, s5;
	s8 =	sadd.s32 $0x800, s5;
	s9 =	sadd.s32 $0xC00, s5  }
0x11: {  	s10 =	sadd.s32 $0x13000, s5;
	s11 =	sadd.s32 $0x13400, s5;
	s12 =	sadd.s32 $0x13800, s5  }
0x12: {  	s13 =	sadd.s32 $0x13C00, s5;
	s14 =	sadd.s32 s14, s0;
	s0 =	simm.s32 $0x4  }
.LBB2_1:
0x13: {  	[tilespmem:s15], [sflag:$0x5] =	stream.linear.gather [hbm4b:s4+s2], $0x1400, $0x38;
	[tilespmem:$0x1CC80] =	vst v63  }
0x14: {  	_ =	swait.ge [sflag:s16], $0x1400  }
0x15: {  	[sflag:s16] =	ssyncset.done $0x0  }
0x16: {  	s20 =	simm.s32 @!p0 $0x1C05;
	[sflag:s16] =	ssyncadd.s32 $0xFFFFEC00  }
0x17: {  	[spmem:s17], [sflag:s20] =	dma.local @!p0 [hbm:s3], $0x27100  }
0x18: {  	s20 =	simm.s32 @!p0 $0x5  }
0x19: {  	_ =	swait.ge @!p0 [sflag:s20], $0x27100  }
0x1a: {  	[sflag:s20] =	ssyncset.done @!p0 $0x0  }
0x1b: {  	[sflag:s20] =	ssyncadd.s32 @!p0 $0xFFFD8F00  }
0x1c: {  	[bflag:$0x0] =	sbarrier.arrive $0xFFFF  }
0x1d: {  	[tilespmem:s19], [sflag:$0x1] =	stream.indirect.gather [spmem:s1], $0x80, s15, s18, $0xb8;
	[tilespmem:$0x1CC80] =	vst v63  }
0x1e: {  	s23 =	simm.s32 $0x138C0  }
0x1f: {  	[tilespmem:s21], [sflag:$0x1] =	stream.indirect.gather [spmem:s1], $0x80, s23, s18, $0xb8;
	[tilespmem:$0x1CC80] =	vst v63  }
0x20: {  	_ =	swait.ge [sflag:s22], $0x2000  }
0x21: {  	[sflag:s22] =	ssyncset.done $0x0  }
0x22: {  	[sflag:s22] =	ssyncadd.s32 $0xFFFFE000  }
0x23: {  	_ =	swait.ge [sflag:s22], $0x2000  }
0x24: {  	[sflag:s22] =	ssyncset.done $0x0  }
0x25: {  	[sflag:s22] =	ssyncadd.s32 $0xFFFFE000  }
0x26: {  	[hbm4b:s5+s2] =	stream.linear.scatter [tilespmem:s19], [sflag:$0x3], $0x2000, $0x38;
	[tilespmem:$0x1CC80] =	vst v63  }
0x27: {  	_ = 	snop  }
0x28: {  	[hbm4b:s7+s2] =	stream.linear.scatter [tilespmem:s21], [sflag:$0x3], $0x2000, $0x38;
	[tilespmem:$0x1CC80] =	vst v63  }
0x29: {  	s23 =	simm.s32 $0x13900  }
0x2a: {  	[tilespmem:s24], [sflag:$0x2] =	stream.indirect.gather [spmem:s1], $0x80, s23, s18, $0xb8;
	[tilespmem:$0x1CC80] =	vst v63  }
0x2b: {  	s23 =	simm.s32 $0x13940  }
0x2c: {  	[tilespmem:s26], [sflag:$0x2] =	stream.indirect.gather [spmem:s1], $0x80, s23, s18, $0xb8;
	[tilespmem:$0x1CC80] =	vst v63  }
0x2d: {  	_ =	swait.ge [sflag:s28], $0x2000  }
0x2e: {  	[sflag:s28] =	ssyncset.done $0x0  }
0x2f: {  	[sflag:s28] =	ssyncadd.s32 $0xFFFFE000  }
0x30: {  	_ =	swait.ge [sflag:s28], $0x2000  }
0x31: {  	[sflag:s28] =	ssyncset.done $0x0  }
0x32: {  	s23 =	simm.s32 $0x13980;
	[sflag:s28] =	ssyncadd.s32 $0xFFFFE000  }
0x33: {  	[tilespmem:s19], [sflag:$0x1] =	stream.indirect.gather [spmem:s1], $0x80, s23, s18, $0xb8;
	[tilespmem:$0x1CC80] =	vst v63  }
0x34: {  	s23 =	simm.s32 $0x139C0  }
0x35: {  	[tilespmem:s21], [sflag:$0x1] =	stream.indirect.gather [spmem:s1], $0x80, s23, s18, $0xb8;
	[tilespmem:$0x1CC80] =	vst v63  }
0x36: {  	_ =	swait.ge [sflag:s31], $0x2000  }
0x37: {  	[sflag:s31] =	ssyncset.done $0x0  }
0x38: {  	[sflag:s31] =	ssyncadd.s32 $0xFFFFE000  }
0x39: {  	_ =	swait.ge [sflag:s31], $0x2000  }
0x3a: {  	[sflag:s31] =	ssyncset.done $0x0  }
0x3b: {  	[sflag:s31] =	ssyncadd.s32 $0xFFFFE000  }
0x3c: {  	[hbm4b:s8+s2] =	stream.linear.scatter [tilespmem:s24], [sflag:$0x4], $0x2000, $0x38;
	[tilespmem:$0x1CC80] =	vst v63  }
0x3d: {  	_ = 	snop  }
0x3e: {  	[hbm4b:s9+s2] =	stream.linear.scatter [tilespmem:s26], [sflag:$0x4], $0x2000, $0x38;
	[tilespmem:$0x1CC80] =	vst v63  }
0x3f: {  	_ =	swait.ge [sflag:s22], $0x2000  }
0x40: {  	[sflag:s22] =	ssyncset.done $0x0  }
0x41: {  	[sflag:s22] =	ssyncadd.s32 $0xFFFFE000  }
0x42: {  	_ =	swait.ge [sflag:s22], $0x2000  }
0x43: {  	s23 =	sadd.s32 $0x0, s14;
	[sflag:s22] =	ssyncset.done $0x0  }
0x44: {  	s29 =	sadd.s32 $0x1000, s23;
	[sflag:s22] =	ssyncadd.s32 $0xFFFFE000  }
0x45: {  	[hbm4b:s29+s2] =	stream.linear.scatter [tilespmem:s19], [sflag:$0x3], $0x2000, $0x38;
	[tilespmem:$0x1CC80] =	vst v63  }
0x46: {  	s29 =	sadd.s32 $0x1400, s23  }
0x47: {  	[hbm4b:s29+s2] =	stream.linear.scatter [tilespmem:s21], [sflag:$0x3], $0x2000, $0x38;
	[tilespmem:$0x1CC80] =	vst v63  }
0x48: {  	_ =	swait.ge [sflag:s0], $0x2000  }
0x49: {  	[sflag:s0] =	ssyncset.done $0x0  }
0x4a: {  	[sflag:s0] =	ssyncadd.s32 $0xFFFFE000  }
0x4b: {  	_ =	swait.ge [sflag:s0], $0x2000  }
0x4c: {  	[sflag:s0] =	ssyncset.done $0x0  }
0x4d: {  	s29 =	simm.s32 $0x13A00;
	[sflag:s0] =	ssyncadd.s32 $0xFFFFE000  }
0x4e: {  	[tilespmem:s24], [sflag:$0x2] =	stream.indirect.gather [spmem:s1], $0x80, s29, s18, $0xb8;
	[tilespmem:$0x1CC80] =	vst v63  }
0x4f: {  	s29 =	simm.s32 $0x13A40  }
0x50: {  	[tilespmem:s26], [sflag:$0x2] =	stream.indirect.gather [spmem:s1], $0x80, s29, s18, $0xb8;
	[tilespmem:$0x1CC80] =	vst v63  }
0x51: {  	_ =	swait.ge [sflag:s28], $0x2000  }
0x52: {  	[sflag:s28] =	ssyncset.done $0x0  }
0x53: {  	[sflag:s28] =	ssyncadd.s32 $0xFFFFE000  }
0x54: {  	_ =	swait.ge [sflag:s28], $0x2000  }
0x55: {  	[sflag:s28] =	ssyncset.done $0x0  }
0x56: {  	s29 =	simm.s32 $0x13A80;
	[sflag:s28] =	ssyncadd.s32 $0xFFFFE000  }
0x57: {  	[tilespmem:s19], [sflag:$0x1] =	stream.indirect.gather [spmem:s1], $0x80, s29, s18, $0xb8;
	[tilespmem:$0x1CC80] =	vst v63  }
0x58: {  	s29 =	simm.s32 $0x13AC0  }
0x59: {  	[tilespmem:s21], [sflag:$0x1] =	stream.indirect.gather [spmem:s1], $0x80, s29, s18, $0xb8;
	[tilespmem:$0x1CC80] =	vst v63  }
0x5a: {  	_ =	swait.ge [sflag:s31], $0x2000  }
0x5b: {  	[sflag:s31] =	ssyncset.done $0x0  }
0x5c: {  	[sflag:s31] =	ssyncadd.s32 $0xFFFFE000  }
0x5d: {  	_ =	swait.ge [sflag:s31], $0x2000  }
0x5e: {  	[sflag:s31] =	ssyncset.done $0x0  }
0x5f: {  	s29 =	sadd.s32 $0x1800, s23;
	[sflag:s31] =	ssyncadd.s32 $0xFFFFE000  }
0x60: {  	[hbm4b:s29+s2] =	stream.linear.scatter [tilespmem:s24], [sflag:$0x4], $0x2000, $0x38;
	[tilespmem:$0x1CC80] =	vst v63  }
0x61: {  	s30 =	simm.s32 $0x13BC0;
	s20 =	sadd.s32 $0x1C00, s23;
	s29 =	simm.s32 $0x1000  }
.LBB2_2:
0x62: {  	[hbm4b:s20+s2] =	stream.linear.scatter [tilespmem:s26], [sflag:$0x4], $0x2000, $0x38;
	[tilespmem:$0x1CC80] =	vst v63  }
0x63: {  	s20 =	smov.u32 s29  }
0x64: {  	p1 =	sne.s32 s29, $0x11000;
	s29 =	sadd.s32 $0x1000, s29;
	_ =	swait.ge [sflag:s22], $0x2000  }
0x65: {  	[sflag:s22] =	ssyncset.done $0x0  }
0x66: {  	[sflag:s22] =	ssyncadd.s32 $0xFFFFE000  }
0x67: {  	_ =	swait.ge [sflag:s22], $0x2000  }
0x68: {  	s20 =	sadd.s32 s20, s14;
	[sflag:s22] =	ssyncset.done $0x0  }
0x69: {  	s23 =	sadd.s32 $0x1000, s20;
	[sflag:s22] =	ssyncadd.s32 $0xFFFFE000  }
0x6a: {  	[hbm4b:s23+s2] =	stream.linear.scatter [tilespmem:s19], [sflag:$0x3], $0x2000, $0x38;
	[tilespmem:$0x1CC80] =	vst v63  }
0x6b: {  	s23 =	sadd.s32 $0x1400, s20  }
0x6c: {  	[hbm4b:s23+s2] =	stream.linear.scatter [tilespmem:s21], [sflag:$0x3], $0x2000, $0x38;
	[tilespmem:$0x1CC80] =	vst v63  }
0x6d: {  	_ =	swait.ge [sflag:s0], $0x2000  }
0x6e: {  	[sflag:s0] =	ssyncset.done $0x0  }
0x6f: {  	[sflag:s0] =	ssyncadd.s32 $0xFFFFE000  }
0x70: {  	_ =	swait.ge [sflag:s0], $0x2000  }
0x71: {  	[sflag:s0] =	ssyncset.done $0x0  }
0x72: {  	s23 =	sadd.s32 $0xFFFFFF40, s30;
	[sflag:s0] =	ssyncadd.s32 $0xFFFFE000  }
0x73: {  	[tilespmem:s24], [sflag:$0x2] =	stream.indirect.gather [spmem:s1], $0x80, s23, s18, $0xb8;
	[tilespmem:$0x1CC80] =	vst v63  }
0x74: {  	s23 =	sadd.s32 $0xFFFFFF80, s30  }
0x75: {  	[tilespmem:s26], [sflag:$0x2] =	stream.indirect.gather [spmem:s1], $0x80, s23, s18, $0xb8;
	[tilespmem:$0x1CC80] =	vst v63  }
0x76: {  	_ =	swait.ge [sflag:s28], $0x2000  }
0x77: {  	[sflag:s28] =	ssyncset.done $0x0  }
0x78: {  	[sflag:s28] =	ssyncadd.s32 $0xFFFFE000  }
0x79: {  	_ =	swait.ge [sflag:s28], $0x2000  }
0x7a: {  	[sflag:s28] =	ssyncset.done $0x0  }
0x7b: {  	s23 =	sadd.s32 $0xFFFFFFC0, s30;
	[sflag:s28] =	ssyncadd.s32 $0xFFFFE000  }
0x7c: {  	[tilespmem:s19], [sflag:$0x1] =	stream.indirect.gather [spmem:s1], $0x80, s23, s18, $0xb8;
	[tilespmem:$0x1CC80] =	vst v63  }
0x7d: {  	_ = 	snop  }
0x7e: {  	[tilespmem:s21], [sflag:$0x1] =	stream.indirect.gather [spmem:s1], $0x80, s30, s18, $0xb8;
	[tilespmem:$0x1CC80] =	vst v63  }
0x7f: {  	_ =	swait.ge [sflag:s31], $0x2000  }
0x80: {  	[sflag:s31] =	ssyncset.done $0x0  }
0x81: {  	[sflag:s31] =	ssyncadd.s32 $0xFFFFE000  }
.Ltmp0:
0x82: {  	_ =	swait.ge [sflag:s31], $0x2000;
	(pc) =	sbr.rel @p1 .LBB2_2-.Ltmp0, $4  }
0x83: {  	[sflag:s31] =	ssyncset.done $0x0  }
0x84: {  	s23 =	sadd.s32 $0x1800, s20;
	[sflag:s31] =	ssyncadd.s32 $0xFFFFE000  }
0x85: {  	[hbm4b:s23+s2] =	stream.linear.scatter [tilespmem:s24], [sflag:$0x4], $0x2000, $0x38;
	[tilespmem:$0x1CC80] =	vst v63  }
0x86: {  	s20 =	sadd.s32 $0x1C00, s20;
	s30 =	sadd.s32 $0x100, s30  }
0x87: {  	[hbm4b:s20+s2] =	stream.linear.scatter [tilespmem:s26], [sflag:$0x4], $0x2000, $0x38;
	[tilespmem:$0x1CC80] =	vst v63  }
0x88: {  	_ =	swait.ge [sflag:s22], $0x2000  }
0x89: {  	[sflag:s22] =	ssyncset.done $0x0  }
0x8a: {  	[sflag:s22] =	ssyncadd.s32 $0xFFFFE000  }
0x8b: {  	_ =	swait.ge [sflag:s22], $0x2000  }
0x8c: {  	[sflag:s22] =	ssyncset.done $0x0  }
0x8d: {  	[sflag:s22] =	ssyncadd.s32 $0xFFFFE000  }
0x8e: {  	[hbm4b:s10+s2] =	stream.linear.scatter [tilespmem:s19], [sflag:$0x3], $0x2000, $0x38;
	[tilespmem:$0x1CC80] =	vst v63  }
0x8f: {  	_ = 	snop  }
0x90: {  	[hbm4b:s11+s2] =	stream.linear.scatter [tilespmem:s21], [sflag:$0x3], $0x2000, $0x38;
	[tilespmem:$0x1CC80] =	vst v63  }
0x91: {  	_ =	swait.ge [sflag:s0], $0x2000  }
0x92: {  	[sflag:s0] =	ssyncset.done $0x0  }
0x93: {  	[sflag:s0] =	ssyncadd.s32 $0xFFFFE000  }
0x94: {  	_ =	swait.ge [sflag:s0], $0x2000  }
0x95: {  	[sflag:s0] =	ssyncset.done $0x0  }
0x96: {  	s29 =	simm.s32 $0x14C00;
	[sflag:s0] =	ssyncadd.s32 $0xFFFFE000  }
0x97: {  	[tilespmem:s24], [sflag:$0x2] =	stream.indirect.gather [spmem:s1], $0x80, s29, s18, $0xb8;
	[tilespmem:$0x1CC80] =	vst v63  }
0x98: {  	s30 =	simm.s32 $0x14C40  }
0x99: {  	[tilespmem:s26], [sflag:$0x2] =	stream.indirect.gather [spmem:s1], $0x80, s30, s18, $0xb8;
	[tilespmem:$0x1CC80] =	vst v63  }
0x9a: {  	_ =	swait.ge [sflag:s31], $0x2000  }
0x9b: {  	[sflag:s31] =	ssyncset.done $0x0  }
0x9c: {  	[sflag:s31] =	ssyncadd.s32 $0xFFFFE000  }
0x9d: {  	_ =	swait.ge [sflag:s31], $0x2000  }
0x9e: {  	[sflag:s31] =	ssyncset.done $0x0  }
0x9f: {  	[sflag:s31] =	ssyncadd.s32 $0xFFFFE000  }
0xa0: {  	[hbm4b:s12+s2] =	stream.linear.scatter [tilespmem:s24], [sflag:$0x4], $0x2000, $0x38;
	[tilespmem:$0x1CC80] =	vst v63  }
0xa1: {  	_ = 	snop  }
0xa2: {  	[hbm4b:s13+s2] =	stream.linear.scatter [tilespmem:s26], [sflag:$0x4], $0x2000, $0x38;
	[tilespmem:$0x1CC80] =	vst v63  }
0xa3: {  	_ =	swait.ge [sflag:s28], $0x2000  }
0xa4: {  	[sflag:s28] =	ssyncset.done $0x0  }
0xa5: {  	[sflag:s28] =	ssyncadd.s32 $0xFFFFE000  }
0xa6: {  	_ =	swait.ge [sflag:s28], $0x2000  }
0xa7: {  	[sflag:s28] =	ssyncset.done $0x0  }
0xa8: {  	s25 =	sadd.s32 $0x1, s25;
	[sflag:s28] =	ssyncadd.s32 $0xFFFFE000  }
0xa9: {  	p1 =	sne.s32 s25, s6;
	_ =	swait.ge [sflag:s0], $0x2000  }
.Ltmp1:
0xaa: {  	[sflag:s0] =	ssyncset.done $0x0;
	(pc) =	sbr.rel @p1 .LBB2_1-.Ltmp1, $4  }
0xab: {  	[sflag:s0] =	ssyncadd.s32 $0xFFFFE000  }
0xac: {  	_ =	swait.ge [sflag:s0], $0x2000  }
0xad: {  	[sflag:s0] =	ssyncset.done $0x0  }
0xae: {  	[sflag:s0] =	ssyncadd.s32 $0xFFFFE000  }
0xaf: {  	_ =	sfence.sel $0x180000  }
0xb0: {  	[bflag:$0x0] =	sbarrier.arrive $0xFFFF  }
0xb1: {  	_ =	strace $0x90000056  }
0xb2: {  	[bflag:$0x2] =	sbarrier.arrive $0xFFFF  }
0xb3: {  	s0 =	rddreg [dreg:$0x3]  }
0xb4: {  	s0 =	sadd.s32 @!p0 $0x100000, s0  }
0xb5: {  	[sflag:s0] =	ssyncadd.tile.s32 @!p0 $0x1;
	_ =	shalt  }
.Lfunc_end2:
_tile_overlayer_lowered:
.L_overlay_start_2:
0xb6: {  	(tag) =	ssettag $0x2  }
0xb7: {  	s0 =	rddreg [dreg:$0x0];
	s2 =	stileid.u32  }
0xb8: {  	s1 =	rddreg [dreg:$0x1];
	p0 =	sne.s32 s2, $0x0  }
0xb9: {  	s3 =	rddreg [dreg:$0x2];
	[bflag:$0x3] =	sbarrier.arrive $0xFFFF;
	s2 =	simm.s32 @!p0 $0x1C05  }
0xba: {  	[timem:s3], [sflag:s2] =	dma.local @!p0 [hbm:s0], s1  }
0xbb: {  	s0 =	simm.s32 @!p0 $0x5  }
0xbc: {  	_ =	swait.ge @!p0 [sflag:s0], s1  }
0xbd: {  	s1 =	ssub.s32 @!p0 $0x0, s1;
	[sflag:s0] =	ssyncset.done @!p0 $0x0  }
0xbe: {  	[sflag:s0] =	ssyncadd.s32 @!p0 s1  }
0xbf: {  	[bflag:$0x3] =	sbarrier.arrive $0xFFFF  }
0xc0: {  	_ =	shalt  }

// kernel: kernel.39.cloned.1.call-start
scs
__scs_entry_jumppad:
0x0: {  	(pc) =	sbr.rel $0x88, $3  }
0x1: {  	(tag) =	ssettag $0x0;
	lr =	simm.s32 $0x1  }
0x2: {  	[smem:$0x3F93] =	sst lr;
	_ =	strace $0xD0000000  }
0x3: {  	_ = 	snop  }
0x4: {  	_ = 	snop  }
0x5: {  	_ = 	snop  }
0x6: {  	_ = 	snop  }
0x7: {  	_ = 	snop  }
__scs_overlays_trampoline_lowered:
0x8: {  	[smem:$0x3FA2] =	sst s0  }
0x9: {  	[smem:$0x3FA3] =	sst s1  }
0xa: {  	[smem:$0x3FA4] =	sst s2  }
0xb: {  	[smem:$0x3FA5] =	sst s3  }
0xc: {  	[smem:$0x3FA6] =	sst s4  }
0xd: {  	[smem:$0x3FA7] =	sst s5  }
0xe: {  	[smem:$0x3FA8] =	sst s6  }
0xf: {  	[smem:$0x3FA9] =	sst s7  }
0x10: {  	[smem:$0x3FAA] =	sst s8  }
0x11: {  	[smem:$0x3FAB] =	sst s9;
	s0 =	simm.s32 @!p0 $0x0  }
0x12: {  	s1 =	sld [smem:$0x3F91];
	s0 =	simm.s32 @p0 $0x1  }
0x13: {  	[smem:$0x3FAC] =	sst s0;
	s0 =	simm.s32 @!p1 $0x0  }
0x14: {  	s2 =	sld [smem:$0x3F90];
	s0 =	simm.s32 @p1 $0x1  }
0x15: {  	[smem:$0x3FAD] =	sst s0;
	s0 =	simm.s32 @!p2 $0x0  }
0x16: {  	s3 =	sld [smem:$0x3FDB];
	s0 =	simm.s32 @p2 $0x1  }
0x17: {  	s4 =	simm.s32 $0x1BF5;
	[smem:$0x3FAF] =	sst s0  }
0x18: {  	s0 =	sld [smem:$0x3F92];
	_ =	swait.ge [sflag:s4], $0x0  }
0x19: {  	s7 =	sld [smem:$0x3F93]  }
0x1a: {  	s8 =	sadd.s32 $0xFFFFE003, lr  }
0x1b: {  	s9 =	sadd.s32 $0xFFFFFEF7, lr;
	s5 =	simm.s32 $0xFFFFFFFF;
	p2 =	slt.u32 s8, $0xFFFFF086  }
0x1c: {  	p1 =	slt.u32 s9, $0xF7A;
	s5 =	simm.s32 @!p2 $0x0  }
0x1d: {  	s5 =	simm.s32 @p1 $0x1;
	p0 =	seq.s32 s7, s2  }
0x1e: {  	s7 =	smul.u32 @!p0 $0xF7A, s2;
	p2 =	seq.s32 @!p0 s5, $0x0  }
0x1f: {  	s9 =	smul.u32 $0xF7A, s1;
	s8 =	simm.s32 @!p0 $0x1BF5;
	p2 =	por !p2, p0  }
0x20: {  	[sflag:s8] =	ssyncset.s32 @!p0 $0xFFFFF086;
	s6 =	sadd.s32 @!p0 s3, s7;
	s7 =	simm.s32 @!p0 $0x108  }
0x21: {  	s3 =	sadd.s32 s3, s9;
	s6 =	sadd.s32 @!p0 $0x88, s6;
	s7 =	simm.s32 @p2 $0x1082  }
0x22: {  	[simem:s7], [sflag:s8] =	dma.local @!p0 [hbm:s6], $0xF7A  }
0x23: {  	s9 =	sor.u32 $0xD0000000, s2;
	s6 =	simm.s32 $0x108;
	_ =	swait.ge @!p0 [sflag:s8], $0x0  }
0x24: {  	s3 =	sadd.s32 $0x88, s3;
	s6 =	simm.s32 @!p1 $0x1082;
	[sflag:s4] =	ssyncset.s32 $0xFFFFF086  }
0x25: {  	[simem:s6], [sflag:s4] =	dma.local [hbm:s3], $0xF7A  }
0x26: {  	[smem:$0x3F93] =	sst s1;
	(tag) =	ssettag s2;
	_ =	strace s9  }
0x27: {  	s1 =	sld [smem:$0x3FA3]  }
0x28: {  	s2 =	sld [smem:$0x3FA4]  }
0x29: {  	s4 =	sld [smem:$0x3FA6]  }
0x2a: {  	p0 =	seq.s32 s5, $0x0;
	s5 =	sld [smem:$0x3FA7]  }
0x2b: {  	s6 =	sld [smem:$0x3FA8]  }
0x2c: {  	s7 =	sld [smem:$0x3FA9]  }
0x2d: {  	s3 =	simm.s32 $0x108;
	s8 =	sld [smem:$0x3FAA]  }
0x2e: {  	s3 =	simm.s32 @!p0 $0x1082;
	s9 =	sld [smem:$0x3FAB]  }
0x2f: {  	lr =	sadd.s32 s0, s3;
	s0 =	sld [smem:$0x3FA2]  }
0x30: {  	s3 =	sld [smem:$0x3FA5]  }
0x31: {  	[smem:$0x3FAE] =	sst s10  }
0x32: {  	s10 =	sld [smem:$0x3FAC];
	_ =	sdelay $0x3  }
0x33: {  	p0 =	seq.s32 s10, $0x1;
	s10 =	sld [smem:$0x3FAE];
	_ =	sdelay $0x3  }
0x34: {  	[smem:$0x3FAE] =	sst s10  }
0x35: {  	s10 =	sld [smem:$0x3FAD];
	_ =	sdelay $0x3  }
0x36: {  	p1 =	seq.s32 s10, $0x1;
	s10 =	sld [smem:$0x3FAE];
	_ =	sdelay $0x3  }
0x37: {  	[smem:$0x3FAE] =	sst s10  }
0x38: {  	s10 =	sld [smem:$0x3FAF]  }
0x39: {  	_ = 	snop;
	(pc) =	sbr.ind lr, $3  }
0x3a: {  	_ = 	snop  }
0x3b: {  	_ = 	snop  }
0x3c: {  	p2 =	seq.s32 s10, $0x1;
	s10 =	sld [smem:$0x3FAE]  }
0x3d: {  	_ =	shalt  }
0x3e: {  	_ =	shalt  }
0x3f: {  	_ =	shalt  }
0x40: {  	_ =	shalt  }
0x41: {  	_ =	shalt  }
0x42: {  	_ =	shalt  }
0x43: {  	_ =	shalt  }
0x44: {  	_ =	shalt  }
0x45: {  	_ =	shalt  }
0x46: {  	_ =	shalt  }
0x47: {  	_ =	shalt  }
0x48: {  	_ =	shalt  }
0x49: {  	_ =	shalt  }
0x4a: {  	_ =	shalt  }
0x4b: {  	_ =	shalt  }
0x4c: {  	_ =	shalt  }
0x4d: {  	_ =	shalt  }
0x4e: {  	_ =	shalt  }
0x4f: {  	_ =	shalt  }
0x50: {  	_ =	shalt  }
0x51: {  	_ =	shalt  }
0x52: {  	_ =	shalt  }
0x53: {  	_ =	shalt  }
0x54: {  	_ =	shalt  }
0x55: {  	_ =	shalt  }
0x56: {  	_ =	shalt  }
0x57: {  	_ =	shalt  }
0x58: {  	_ =	shalt  }
0x59: {  	_ =	shalt  }
0x5a: {  	_ =	shalt  }
0x5b: {  	_ =	shalt  }
0x5c: {  	_ =	shalt  }
0x5d: {  	_ =	shalt  }
0x5e: {  	_ =	shalt  }
0x5f: {  	_ =	shalt  }
0x60: {  	_ =	shalt  }
0x61: {  	_ =	shalt  }
0x62: {  	_ =	shalt  }
0x63: {  	_ =	shalt  }
0x64: {  	_ =	shalt  }
0x65: {  	_ =	shalt  }
0x66: {  	_ =	shalt  }
0x67: {  	_ =	shalt  }
0x68: {  	_ =	shalt  }
0x69: {  	_ =	shalt  }
0x6a: {  	_ =	shalt  }
0x6b: {  	_ =	shalt  }
0x6c: {  	_ =	shalt  }
0x6d: {  	_ =	shalt  }
0x6e: {  	_ =	shalt  }
0x6f: {  	_ =	shalt  }
0x70: {  	_ =	shalt  }
0x71: {  	_ =	shalt  }
0x72: {  	_ =	shalt  }
0x73: {  	_ =	shalt  }
0x74: {  	_ =	shalt  }
0x75: {  	_ =	shalt  }
0x76: {  	_ =	shalt  }
0x77: {  	_ =	shalt  }
0x78: {  	_ =	shalt  }
0x79: {  	_ =	shalt  }
0x7a: {  	_ =	shalt  }
0x7b: {  	_ =	shalt  }
0x7c: {  	_ =	shalt  }
0x7d: {  	_ =	shalt  }
0x7e: {  	_ =	shalt  }
0x7f: {  	_ =	shalt  }
0x80: {  	_ =	shalt  }
0x81: {  	_ =	shalt  }
0x82: {  	_ =	shalt  }
0x83: {  	_ =	shalt  }
0x84: {  	_ =	shalt  }
0x85: {  	_ =	shalt  }
0x86: {  	_ =	shalt  }
0x87: {  	_ =	shalt  }
.Lfunc_end0:
.L_simem_size_0:
called_computation.7_lowered:
.L_overlay_start_0:
0x88: {  	s2 =	sld [smem:$0x3FD9]  }
0x89: {  	s3 =	sld [smem:$0x3FFE];
	_ =	sdelay $0x1  }
0x8a: {  	s1 =	srdreg.scid  }
0x8b: {  	s0 =	sand.u32 $0x1, s1  }
0x8c: {  	s17 =	sshll.u32 s0, $0xA;
	s2 =	sadd.s32 s3, s2  }
0x8d: {  	s2 =	sadd.s32 s2, s17  }
0x8e: {  	[smem:$0x3FBA] =	sst s2  }
0x8f: {  	_ = 	snop  }
0x90: {  	s18 =	sld [smem:$0x3FD0];
	(tm) =	ssettm $0x1  }
0x91: {  	s19 =	sld [smem:$0x3FFB];
	_ =	sdelay $0x3  }
0x92: {  	_ =	strace s19  }
0x93: {  	s2 =	sld [smem:$0x3FFC];
	_ =	sdelay $0x3  }
0x94: {  	_ =	strace s2  }
0x95: {  	s2 =	sld [smem:$0x3FFD];
	_ =	sdelay $0x3  }
0x96: {  	_ =	strace s2  }
0x97: {  	_ =	strace $0x8FFFFFFF  }
0x98: {  	s20 =	sld [smem:$0x3FDB];
	_ =	sdelay $0x1  }
0x99: {  	s4 =	simm.s32 $_scs_section_size  }
0x9a: {  	s5 =	simm.s32 $_size__tile_overlayer_lowered;
	s6 =	simm.s32 $_tile_overlayer_lowered  }
0x9b: {  	s7 =	simm.s32 $0x1BFF;
	s21 =	sshll.u32 s6, $0x1;
	s4 =	sadd.s32 s4, s20  }
0x9c: {  	s22 =	simm.s32 $0x0;
	s5 =	sshll.u32 s5, $0x1;
	s6 =	sadd.s32 s21, s4  }
0x9d: {  	[timem:s22], [sflag:s7] =	dma.local [hbm:s6], s5  }
0x9e: {  	_ =	swait.ge [sflag:s7], s5  }
0x9f: {  	s5 =	ssub.s32 $0x0, s5;
	[sflag:s7] =	ssyncset.done $0x0  }
0xa0: {  	[sflag:s7] =	ssyncadd.s32 s5;
	_ =	sdelay $0x1  }
0xa1: {  	s23 =	simm.s32 $0x1B8B  }
0xa2: {  	_ =	swait.ge [sflag:s23], $0x1  }
0xa3: {  	[sflag:s23] =	ssyncset.done $0x0  }
0xa4: {  	[sflag:s23] =	ssyncadd.s32 $0xFFFFFFFF  }
0xa5: {  	s5 =	sld [smem:$0x0]  }
0xa6: {  	s6 =	sand.u32 $0xFFFFFFFE, s1  }
0xa7: {  	p0 =	sne.s32 s1, s6  }
0xa8: {  	s6 =	sshll.u32 @p0 s6, $0xE  }
0xa9: {  	s6 =	sadd.s32 @p0 $0x11B8D, s6;
	s7 =	sshll.u32 @p0 s5, $0x11  }
0xaa: {  	s6 =	sor.u32 @p0 s7, s6  }
0xab: {  	[sflag:s6] =	ssyncadd.remote.s32 @p0 $0x1;
	_ =	sdelay $0x1  }
0xac: {  	s6 =	simm.s32 @p0 $0x1B8D  }
0xad: {  	_ =	swait.eq @p0 [sflag:s6], $0x1  }
0xae: {  	[sflag:s6] =	ssyncadd.s32 @p0 $0xFFFFFFFF  }
0xaf: {  	s7 =	sshll.u32 @!p0 s1, $0xE  }
0xb0: {  	s7 =	sor.u32 @!p0 $0x4000, s7;
	s6 =	simm.s32 @!p0 $0x1B8D  }
0xb1: {  	s5 =	sshll.u32 @!p0 s5, $0x11;
	s7 =	sadd.s32 @!p0 $0x11B8D, s7;
	_ =	swait.eq @!p0 [sflag:s6], $0x1  }
0xb2: {  	s5 =	sor.u32 @!p0 s5, s7;
	[sflag:s6] =	ssyncadd.s32 @!p0 $0xFFFFFFFF  }
0xb3: {  	s25 =	simm.s32 $0x1B8E;
	s24 =	sld [smem:$0x3FFE];
	[sflag:s5] =	ssyncadd.remote.s32 @!p0 $0x1  }
0xb4: {  	s26 =	simm.s32 $execute0_lowered;
	[smem:$0x3FD2] =	sst s25  }
0xb5: {  	s6 =	sshll.u32 s26, $0x1;
	_ =	strace $0x8000005E;
	[dreg:$0x1] =	wrdreg $0xFFFFFFFF  }
0xb6: {  	s28 =	simm.s32 $_size_execute0_lowered;
	s4 =	sadd.s32 s4, s6;
	[dreg:$0x0] =	wrdreg $0x0  }
0xb7: {  	s6 =	sshll.u32 s28, $0x1;
	[dreg:$0x2] =	wrdreg s4  }
0xb8: {  	[dreg:$0x3] =	wrdreg s6  }
0xb9: {  	[dreg:$0x4] =	wrdreg $0xC0  }
0xba: {  	_ =	task [dreg:s22], $0x5FFFF  }
0xbb: {  	[dreg:$0x1] =	wrdreg $0xFFFFFFFF  }
0xbc: {  	[dreg:$0x0] =	wrdreg $0x60  }
0xbd: {  	[dreg:$0x2] =	wrdreg s24  }
0xbe: {  	[dreg:$0x3] =	wrdreg s18  }
0xbf: {  	[dreg:$0x4] =	wrdreg $0x9  }
0xc0: {  	_ =	task.clear_ibuf [dreg:s22], $0x5FFFF;
	_ =	strace $0x9000005E  }
0xc1: {  	s29 =	simm.s32 $0x9;
	_ =	strace $0x80000060  }
0xc2: {  	_ =	swait.ge [sflag:s29], $0x1  }
0xc3: {  	[sflag:s29] =	ssyncadd.s32 $0xFFFFFFFF  }
0xc4: {  	_ =	strace $0x90000060  }
0xc5: {  	_ =	sfence  }
0xc6: {  	s30 =	sld [smem:$0x0];
	_ =	sdelay $0x2  }
0xc7: {  	s31 =	sshll.u32 s1, $0xD;
	s1 =	sshrl.u32 s1, $0x2  }
0xc8: {  	s4 =	sand.u32 $0x4000, s31;
	s1 =	sadd.s32 s1, s30  }
0xc9: {  	s0 =	sor.u32 s4, s0;
	s1 =	sshll.u32 s1, $0x11  }
0xca: {  	s0 =	sor.u32 s1, s0  }
0xcb: {  	s0 =	sadd.s32 $0x8F2B, s0  }
0xcc: {  	[sflag:s0] =	ssyncadd.remote.s32 $0x1  }
0xcd: {  	_ =	sfence.sel $0xFFFF  }
0xce: {  	[dreg:$0x0] =	wrdreg $0xFFFFFFFF;
	(pc) =	sbr.abs _section_cstart, $3  }
0xcf: {  	[dreg:$0x1] =	wrdreg $0xFFFFFFFF  }
0xd0: {  	_ =	task.clear_ibuf [dreg:s22], $0x2FFFF;
	_ =	strace $0x9FFFFFFF  }
0xd1: {  	(tm) =	ssettm $0x7FFFFFFF  }
tec
execute0_lowered:
.L_overlay_start_1:
0x0: {  	(tag) =	ssettag $0x1  }
0x1: {  	s1 =	srdreg.scid  }
0x2: {  	s0 =	stileid.u32;
	s6 =	sand.u32 $0x1, s1  }
0x3: {  	s5 =	rddreg [dreg:$0x0];
	s30 =	sshll.u32 s0, $0x6;
	s2 =	sshll.u32 s6, $0x5  }
0x4: {  	s9 =	rddreg [dreg:$0x1];
	s7 =	simm.s32 $0x80;
	s10 =	sor.u32 s2, s30  }
0x5: {  	s1 =	rddreg [dreg:$0x2];
	s2 =	simm.s32 $0x0;
	s3 =	sshrl.u32 s10, $0x3  }
0x6: {  	s11 =	ssub.s32 $0x2, s6;
	[smem:$0x7FF] =	sst s2;
	s3 =	sadd.s32 s3, s5  }
0x7: {  	_ =	strace $0x8000005F;
	s4 =	sadd.s32 $0x10400, s3;
	s3 =	simm.s32 $0x2  }
0x8: {  	[tilespmem:s2], [sflag:$0x2] =	stream.linear.gather [hbm4b:s4+s2], $0x20, $0x38;
	[tilespmem:$0x1080] =	vst v63  }
0x9: {  	s8 =	simm.s32 $0x1;
	s12 =	sshrl.u32 s11, $0x1;
	_ =	swait.ge [sflag:s3], $0x20  }
0xa: {  	s6 =	simm.s32 $0x20;
	s11 =	ssub.s32 s11, s12;
	[sflag:s3] =	ssyncset.done $0x0  }
0xb: {  	s5 =	sadd.s32 $0x38600, s5;
	s31 =	smax.u32 s11, $0x1;
	[sflag:s3] =	ssyncadd.s32 $0xFFFFFFE0  }
0xc: {  	[tilespmem:s7], [sflag:$0x1] =	stream.indirect.gather [hbm4b:s5+s6], $0x80, s2, s6, $0xb8;
	[tilespmem:$0x1080] =	vst v63  }
0xd: {  	p0 =	sne.s32 s31, $0x1;
	_ =	swait.ge [sflag:s8], $0x1000  }
.Ltmp0:
0xe: {  	s10 =	sshll.u32 s10, $0x4;
	[sflag:s8] =	ssyncset.done $0x0;
	(pc) =	sbr.rel @!p0 .LBB2_2-.Ltmp0, $4  }
0xf: {  	s9 =	sadd.s32 s9, s10;
	[sflag:s8] =	ssyncadd.s32 $0xFFFFF000  }
0x10: {  	[hbm4b:s9+s2] =	stream.linear.scatter [tilespmem:s7], [sflag:$0x2], $0x1000, $0x38;
	[tilespmem:$0x1080] =	vst v63  }
0x11: {  	_ =	swait.ge [sflag:s3], $0x1000  }
0x12: {  	s10 =	sadd.s32 $0xFFFFFFFF, s31;
	[sflag:s3] =	ssyncset.done $0x0  }
.LBB2_1:
0x13: {  	p0 =	sne.s32 s10, $0x1;
	s10 =	sadd.s32 $0xFFFFFFFF, s10;
	[sflag:s3] =	ssyncadd.s32 $0xFFFFF000  }
0x14: {  	[tilespmem:s2], [sflag:$0x2] =	stream.linear.gather [hbm4b:s4+s2], $0x20, $0x38;
	[tilespmem:$0x1080] =	vst v63  }
0x15: {  	_ =	swait.ge [sflag:s3], $0x20  }
0x16: {  	[sflag:s3] =	ssyncset.done $0x0  }
0x17: {  	[sflag:s3] =	ssyncadd.s32 $0xFFFFFFE0  }
0x18: {  	[tilespmem:s7], [sflag:$0x1] =	stream.indirect.gather [hbm4b:s5+s6], $0x80, s2, s6, $0xb8;
	[tilespmem:$0x1080] =	vst v63  }
0x19: {  	_ =	swait.ge [sflag:s8], $0x1000  }
.Ltmp1:
0x1a: {  	[sflag:s8] =	ssyncset.done $0x0;
	(pc) =	sbr.rel @p0 .LBB2_1-.Ltmp1, $4  }
0x1b: {  	[sflag:s8] =	ssyncadd.s32 $0xFFFFF000  }
0x1c: {  	[hbm4b:s9+s2] =	stream.linear.scatter [tilespmem:s7], [sflag:$0x2], $0x1000, $0x38;
	[tilespmem:$0x1080] =	vst v63  }
0x1d: {  	_ =	swait.ge [sflag:s3], $0x1000  }
0x1e: {  	[sflag:s3] =	ssyncset.done $0x0  }
.LBB2_2:
0x1f: {  	[sflag:s3] =	ssyncadd.s32 $0xFFFFF000  }
0x20: {  	_ =	sfence.sel $0x180000  }
0x21: {  	[bflag:$0x0] =	sbarrier.arrive $0xFFFF  }
0x22: {  	p0 =	sne.s32 s0, $0x0;
	_ =	strace $0x9000005F  }
0x23: {  	s0 =	sadd.s32 @!p0 $0x100000, s1;
	[bflag:$0x2] =	sbarrier.arrive $0xFFFF  }
0x24: {  	[sflag:s0] =	ssyncadd.tile.s32 @!p0 $0x1;
	_ =	shalt  }
.Lfunc_end2:
_tile_overlayer_lowered:
.L_overlay_start_2:
0x25: {  	(tag) =	ssettag $0x2  }
0x26: {  	s0 =	rddreg [dreg:$0x0];
	s2 =	stileid.u32  }
0x27: {  	s1 =	rddreg [dreg:$0x1];
	p0 =	sne.s32 s2, $0x0  }
0x28: {  	s3 =	rddreg [dreg:$0x2];
	[bflag:$0x3] =	sbarrier.arrive $0xFFFF;
	s2 =	simm.s32 @!p0 $0x1C02  }
0x29: {  	[timem:s3], [sflag:s2] =	dma.local @!p0 [hbm:s0], s1  }
0x2a: {  	s0 =	simm.s32 @!p0 $0x2  }
0x2b: {  	_ =	swait.ge @!p0 [sflag:s0], s1  }
0x2c: {  	s1 =	ssub.s32 @!p0 $0x0, s1;
	[sflag:s0] =	ssyncset.done @!p0 $0x0  }
0x2d: {  	[sflag:s0] =	ssyncadd.s32 @!p0 s1  }
0x2e: {  	[bflag:$0x3] =	sbarrier.arrive $0xFFFF  }
0x2f: {  	_ =	shalt  }

// kernel: kernel.42.cloned.1.call-start
scs
__scs_entry_jumppad:
0x0: {  	(pc) =	sbr.rel $0x88, $3  }
0x1: {  	(tag) =	ssettag $0x0;
	lr =	simm.s32 $0x1  }
0x2: {  	[smem:$0x3F93] =	sst lr;
	_ =	strace $0xD0000000  }
0x3: {  	_ = 	snop  }
0x4: {  	_ = 	snop  }
0x5: {  	_ = 	snop  }
0x6: {  	_ = 	snop  }
0x7: {  	_ = 	snop  }
__scs_overlays_trampoline_lowered:
0x8: {  	[smem:$0x3FA2] =	sst s0  }
0x9: {  	[smem:$0x3FA3] =	sst s1  }
0xa: {  	[smem:$0x3FA4] =	sst s2  }
0xb: {  	[smem:$0x3FA5] =	sst s3  }
0xc: {  	[smem:$0x3FA6] =	sst s4  }
0xd: {  	[smem:$0x3FA7] =	sst s5  }
0xe: {  	[smem:$0x3FA8] =	sst s6  }
0xf: {  	[smem:$0x3FA9] =	sst s7  }
0x10: {  	[smem:$0x3FAA] =	sst s8  }
0x11: {  	[smem:$0x3FAB] =	sst s9;
	s0 =	simm.s32 @!p0 $0x0  }
0x12: {  	s1 =	sld [smem:$0x3F91];
	s0 =	simm.s32 @p0 $0x1  }
0x13: {  	[smem:$0x3FAC] =	sst s0;
	s0 =	simm.s32 @!p1 $0x0  }
0x14: {  	s2 =	sld [smem:$0x3F90];
	s0 =	simm.s32 @p1 $0x1  }
0x15: {  	[smem:$0x3FAD] =	sst s0;
	s0 =	simm.s32 @!p2 $0x0  }
0x16: {  	s3 =	sld [smem:$0x3FDB];
	s0 =	simm.s32 @p2 $0x1  }
0x17: {  	s4 =	simm.s32 $0x1BF5;
	[smem:$0x3FAF] =	sst s0  }
0x18: {  	s0 =	sld [smem:$0x3F92];
	_ =	swait.ge [sflag:s4], $0x0  }
0x19: {  	s7 =	sld [smem:$0x3F93]  }
0x1a: {  	s8 =	sadd.s32 $0xFFFFE003, lr  }
0x1b: {  	s9 =	sadd.s32 $0xFFFFFEF7, lr;
	s5 =	simm.s32 $0xFFFFFFFF;
	p2 =	slt.u32 s8, $0xFFFFF086  }
0x1c: {  	p1 =	slt.u32 s9, $0xF7A;
	s5 =	simm.s32 @!p2 $0x0  }
0x1d: {  	s5 =	simm.s32 @p1 $0x1;
	p0 =	seq.s32 s7, s2  }
0x1e: {  	s7 =	smul.u32 @!p0 $0xF7A, s2;
	p2 =	seq.s32 @!p0 s5, $0x0  }
0x1f: {  	s9 =	smul.u32 $0xF7A, s1;
	s8 =	simm.s32 @!p0 $0x1BF5;
	p2 =	por !p2, p0  }
0x20: {  	[sflag:s8] =	ssyncset.s32 @!p0 $0xFFFFF086;
	s6 =	sadd.s32 @!p0 s3, s7;
	s7 =	simm.s32 @!p0 $0x108  }
0x21: {  	s3 =	sadd.s32 s3, s9;
	s6 =	sadd.s32 @!p0 $0x88, s6;
	s7 =	simm.s32 @p2 $0x1082  }
0x22: {  	[simem:s7], [sflag:s8] =	dma.local @!p0 [hbm:s6], $0xF7A  }
0x23: {  	s9 =	sor.u32 $0xD0000000, s2;
	s6 =	simm.s32 $0x108;
	_ =	swait.ge @!p0 [sflag:s8], $0x0  }
0x24: {  	s3 =	sadd.s32 $0x88, s3;
	s6 =	simm.s32 @!p1 $0x1082;
	[sflag:s4] =	ssyncset.s32 $0xFFFFF086  }
0x25: {  	[simem:s6], [sflag:s4] =	dma.local [hbm:s3], $0xF7A  }
0x26: {  	[smem:$0x3F93] =	sst s1;
	(tag) =	ssettag s2;
	_ =	strace s9  }
0x27: {  	s1 =	sld [smem:$0x3FA3]  }
0x28: {  	s2 =	sld [smem:$0x3FA4]  }
0x29: {  	s4 =	sld [smem:$0x3FA6]  }
0x2a: {  	p0 =	seq.s32 s5, $0x0;
	s5 =	sld [smem:$0x3FA7]  }
0x2b: {  	s6 =	sld [smem:$0x3FA8]  }
0x2c: {  	s7 =	sld [smem:$0x3FA9]  }
0x2d: {  	s3 =	simm.s32 $0x108;
	s8 =	sld [smem:$0x3FAA]  }
0x2e: {  	s3 =	simm.s32 @!p0 $0x1082;
	s9 =	sld [smem:$0x3FAB]  }
0x2f: {  	lr =	sadd.s32 s0, s3;
	s0 =	sld [smem:$0x3FA2]  }
0x30: {  	s3 =	sld [smem:$0x3FA5]  }
0x31: {  	[smem:$0x3FAE] =	sst s10  }
0x32: {  	s10 =	sld [smem:$0x3FAC];
	_ =	sdelay $0x3  }
0x33: {  	p0 =	seq.s32 s10, $0x1;
	s10 =	sld [smem:$0x3FAE];
	_ =	sdelay $0x3  }
0x34: {  	[smem:$0x3FAE] =	sst s10  }
0x35: {  	s10 =	sld [smem:$0x3FAD];
	_ =	sdelay $0x3  }
0x36: {  	p1 =	seq.s32 s10, $0x1;
	s10 =	sld [smem:$0x3FAE];
	_ =	sdelay $0x3  }
0x37: {  	[smem:$0x3FAE] =	sst s10  }
0x38: {  	s10 =	sld [smem:$0x3FAF]  }
0x39: {  	_ = 	snop;
	(pc) =	sbr.ind lr, $3  }
0x3a: {  	_ = 	snop  }
0x3b: {  	_ = 	snop  }
0x3c: {  	p2 =	seq.s32 s10, $0x1;
	s10 =	sld [smem:$0x3FAE]  }
0x3d: {  	_ =	shalt  }
0x3e: {  	_ =	shalt  }
0x3f: {  	_ =	shalt  }
0x40: {  	_ =	shalt  }
0x41: {  	_ =	shalt  }
0x42: {  	_ =	shalt  }
0x43: {  	_ =	shalt  }
0x44: {  	_ =	shalt  }
0x45: {  	_ =	shalt  }
0x46: {  	_ =	shalt  }
0x47: {  	_ =	shalt  }
0x48: {  	_ =	shalt  }
0x49: {  	_ =	shalt  }
0x4a: {  	_ =	shalt  }
0x4b: {  	_ =	shalt  }
0x4c: {  	_ =	shalt  }
0x4d: {  	_ =	shalt  }
0x4e: {  	_ =	shalt  }
0x4f: {  	_ =	shalt  }
0x50: {  	_ =	shalt  }
0x51: {  	_ =	shalt  }
0x52: {  	_ =	shalt  }
0x53: {  	_ =	shalt  }
0x54: {  	_ =	shalt  }
0x55: {  	_ =	shalt  }
0x56: {  	_ =	shalt  }
0x57: {  	_ =	shalt  }
0x58: {  	_ =	shalt  }
0x59: {  	_ =	shalt  }
0x5a: {  	_ =	shalt  }
0x5b: {  	_ =	shalt  }
0x5c: {  	_ =	shalt  }
0x5d: {  	_ =	shalt  }
0x5e: {  	_ =	shalt  }
0x5f: {  	_ =	shalt  }
0x60: {  	_ =	shalt  }
0x61: {  	_ =	shalt  }
0x62: {  	_ =	shalt  }
0x63: {  	_ =	shalt  }
0x64: {  	_ =	shalt  }
0x65: {  	_ =	shalt  }
0x66: {  	_ =	shalt  }
0x67: {  	_ =	shalt  }
0x68: {  	_ =	shalt  }
0x69: {  	_ =	shalt  }
0x6a: {  	_ =	shalt  }
0x6b: {  	_ =	shalt  }
0x6c: {  	_ =	shalt  }
0x6d: {  	_ =	shalt  }
0x6e: {  	_ =	shalt  }
0x6f: {  	_ =	shalt  }
0x70: {  	_ =	shalt  }
0x71: {  	_ =	shalt  }
0x72: {  	_ =	shalt  }
0x73: {  	_ =	shalt  }
0x74: {  	_ =	shalt  }
0x75: {  	_ =	shalt  }
0x76: {  	_ =	shalt  }
0x77: {  	_ =	shalt  }
0x78: {  	_ =	shalt  }
0x79: {  	_ =	shalt  }
0x7a: {  	_ =	shalt  }
0x7b: {  	_ =	shalt  }
0x7c: {  	_ =	shalt  }
0x7d: {  	_ =	shalt  }
0x7e: {  	_ =	shalt  }
0x7f: {  	_ =	shalt  }
0x80: {  	_ =	shalt  }
0x81: {  	_ =	shalt  }
0x82: {  	_ =	shalt  }
0x83: {  	_ =	shalt  }
0x84: {  	_ =	shalt  }
0x85: {  	_ =	shalt  }
0x86: {  	_ =	shalt  }
0x87: {  	_ =	shalt  }
.Lfunc_end0:
.L_simem_size_0:
called_computation.8_lowered:
.L_overlay_start_0:
0x88: {  	s2 =	sld [smem:$0x3FD9]  }
0x89: {  	s3 =	sld [smem:$0x3FFE];
	_ =	sdelay $0x1  }
0x8a: {  	s1 =	srdreg.scid  }
0x8b: {  	s0 =	sand.u32 $0x1, s1  }
0x8c: {  	s17 =	sshll.u32 s0, $0xA;
	s2 =	sadd.s32 s3, s2  }
0x8d: {  	s2 =	sadd.s32 s2, s17  }
0x8e: {  	[smem:$0x3FBA] =	sst s2  }
0x8f: {  	_ = 	snop  }
0x90: {  	(tm) =	ssettm $0x1  }
0x91: {  	s18 =	sld [smem:$0x3FFB];
	_ =	sdelay $0x3  }
0x92: {  	_ =	strace s18  }
0x93: {  	s2 =	sld [smem:$0x3FFC];
	_ =	sdelay $0x3  }
0x94: {  	_ =	strace s2  }
0x95: {  	s2 =	sld [smem:$0x3FFD];
	_ =	sdelay $0x3  }
0x96: {  	_ =	strace s2  }
0x97: {  	_ =	strace $0x8FFFFFFF  }
0x98: {  	s19 =	sld [smem:$0x3FDB];
	_ =	sdelay $0x1  }
0x99: {  	s20 =	simm.s32 $_scs_section_size  }
0x9a: {  	s4 =	simm.s32 $_size__tile_overlayer_lowered;
	s5 =	simm.s32 $_tile_overlayer_lowered  }
0x9b: {  	s6 =	simm.s32 $0x1BFF;
	s21 =	sshll.u32 s5, $0x1;
	s3 =	sadd.s32 s20, s19  }
0x9c: {  	s22 =	simm.s32 $0x0;
	s4 =	sshll.u32 s4, $0x1;
	s5 =	sadd.s32 s21, s3  }
0x9d: {  	[timem:s22], [sflag:s6] =	dma.local [hbm:s5], s4  }
0x9e: {  	_ =	swait.ge [sflag:s6], s4  }
0x9f: {  	s4 =	ssub.s32 $0x0, s4;
	[sflag:s6] =	ssyncset.done $0x0  }
0xa0: {  	[sflag:s6] =	ssyncadd.s32 s4;
	_ =	sdelay $0x1  }
0xa1: {  	s23 =	simm.s32 $0x1B8B  }
0xa2: {  	_ =	swait.ge [sflag:s23], $0x1  }
0xa3: {  	[sflag:s23] =	ssyncset.done $0x0  }
0xa4: {  	[sflag:s23] =	ssyncadd.s32 $0xFFFFFFFF  }
0xa5: {  	s4 =	sld [smem:$0x0]  }
0xa6: {  	s5 =	sand.u32 $0xFFFFFFFE, s1  }
0xa7: {  	p0 =	sne.s32 s1, s5  }
0xa8: {  	s5 =	sshll.u32 @p0 s5, $0xE  }
0xa9: {  	s5 =	sadd.s32 @p0 $0x11B8D, s5;
	s6 =	sshll.u32 @p0 s4, $0x11  }
0xaa: {  	s5 =	sor.u32 @p0 s6, s5  }
0xab: {  	[sflag:s5] =	ssyncadd.remote.s32 @p0 $0x1;
	_ =	sdelay $0x1  }
0xac: {  	s5 =	simm.s32 @p0 $0x1B8D  }
0xad: {  	_ =	swait.eq @p0 [sflag:s5], $0x1  }
0xae: {  	[sflag:s5] =	ssyncadd.s32 @p0 $0xFFFFFFFF  }
0xaf: {  	s6 =	sshll.u32 @!p0 s1, $0xE  }
0xb0: {  	s6 =	sor.u32 @!p0 $0x4000, s6;
	s5 =	simm.s32 @!p0 $0x1B8D  }
0xb1: {  	s4 =	sshll.u32 @!p0 s4, $0x11;
	s6 =	sadd.s32 @!p0 $0x11B8D, s6;
	_ =	swait.eq @!p0 [sflag:s5], $0x1  }
0xb2: {  	s4 =	sor.u32 @!p0 s4, s6;
	[sflag:s5] =	ssyncadd.s32 @!p0 $0xFFFFFFFF  }
0xb3: {  	s25 =	simm.s32 $0x1B8E;
	s24 =	sld [smem:$0x3FFE];
	[sflag:s4] =	ssyncadd.remote.s32 @!p0 $0x1  }
0xb4: {  	s26 =	simm.s32 $execute0_lowered;
	[smem:$0x3FD2] =	sst s25  }
0xb5: {  	s5 =	sshll.u32 s26, $0x1;
	_ =	strace $0x8000005B;
	[dreg:$0x1] =	wrdreg $0xFFFFFFFF  }
0xb6: {  	s28 =	simm.s32 $_size_execute0_lowered;
	s3 =	sadd.s32 s3, s5;
	[dreg:$0x0] =	wrdreg $0x0  }
0xb7: {  	s5 =	sshll.u32 s28, $0x1;
	[dreg:$0x2] =	wrdreg s3  }
0xb8: {  	[dreg:$0x3] =	wrdreg s5  }
0xb9: {  	[dreg:$0x4] =	wrdreg $0xC0  }
0xba: {  	_ =	task [dreg:s22], $0x5FFFF  }
0xbb: {  	[dreg:$0x1] =	wrdreg $0xFFFFFFFF  }
0xbc: {  	[dreg:$0x0] =	wrdreg $0x60  }
0xbd: {  	[dreg:$0x2] =	wrdreg s24  }
0xbe: {  	[dreg:$0x3] =	wrdreg $0xA  }
0xbf: {  	_ =	task.clear_ibuf [dreg:s22], $0x4FFFF;
	_ =	strace $0x9000005B  }
0xc0: {  	s29 =	simm.s32 $0xA;
	_ =	strace $0x8000005D  }
0xc1: {  	_ =	swait.ge [sflag:s29], $0x1  }
0xc2: {  	[sflag:s29] =	ssyncadd.s32 $0xFFFFFFFF  }
0xc3: {  	_ =	strace $0x9000005D  }
0xc4: {  	_ =	sfence  }
0xc5: {  	s30 =	sld [smem:$0x0];
	_ =	sdelay $0x2  }
0xc6: {  	s31 =	sshll.u32 s1, $0xD;
	s1 =	sshrl.u32 s1, $0x2  }
0xc7: {  	s4 =	sand.u32 $0x4000, s31;
	s1 =	sadd.s32 s1, s30  }
0xc8: {  	s0 =	sor.u32 s4, s0;
	s1 =	sshll.u32 s1, $0x11  }
0xc9: {  	s0 =	sor.u32 s1, s0  }
0xca: {  	s0 =	sadd.s32 $0x8F2B, s0  }
0xcb: {  	[sflag:s0] =	ssyncadd.remote.s32 $0x1  }
0xcc: {  	_ =	sfence.sel $0xFFFF  }
0xcd: {  	[dreg:$0x0] =	wrdreg $0xFFFFFFFF;
	(pc) =	sbr.abs _section_cstart, $3  }
0xce: {  	[dreg:$0x1] =	wrdreg $0xFFFFFFFF  }
0xcf: {  	_ =	task.clear_ibuf [dreg:s22], $0x2FFFF;
	_ =	strace $0x9FFFFFFF  }
0xd0: {  	(tm) =	ssettm $0x7FFFFFFF  }
0xd1: {  	_ =	shalt  }
tec
execute0_lowered:
.L_overlay_start_1:
0x0: {  	(tag) =	ssettag $0x1  }
0x1: {  	s1 =	srdreg.scid  }
0x2: {  	s0 =	stileid.u32;
	s9 =	rddreg [dreg:$0x0];
	s6 =	sand.u32 $0x1, s1  }
0x3: {  	s7 =	simm.s32 $0x80;
	s30 =	sshll.u32 s0, $0x6;
	s2 =	sshll.u32 s6, $0x5  }
0x4: {  	s8 =	simm.s32 $0x1;
	s1 =	rddreg [dreg:$0x1];
	s10 =	sor.u32 s2, s30  }
0x5: {  	s5 =	sadd.s32 $0x11400, s9;
	s2 =	simm.s32 $0x0;
	s3 =	sshrl.u32 s10, $0x3  }
0x6: {  	s11 =	ssub.s32 $0x2, s6;
	[smem:$0x7FF] =	sst s2;
	s3 =	sadd.s32 s3, s9  }
0x7: {  	_ =	strace $0x8000005C;
	s4 =	sadd.s32 $0x11200, s3;
	s3 =	simm.s32 $0x2  }
0x8: {  	[tilespmem:s2], [sflag:$0x2] =	stream.linear.gather [hbm4b:s4+s2], $0x20, $0x38;
	[tilespmem:$0x1080] =	vst v63  }
0x9: {  	s6 =	simm.s32 $0x20;
	s12 =	sshrl.u32 s11, $0x1;
	_ =	swait.ge [sflag:s3], $0x20  }
0xa: {  	s10 =	sshll.u32 s10, $0x4;
	s31 =	ssub.s32 s11, s12;
	[sflag:s3] =	ssyncset.done $0x0  }
0xb: {  	s9 =	sadd.s32 s10, s9;
	s10 =	smax.u32 s31, $0x1;
	[sflag:s3] =	ssyncadd.s32 $0xFFFFFFE0  }
0xc: {  	[tilespmem:s7], [sflag:$0x1] =	stream.indirect.gather [hbm4b:s5+s6], $0x80, s2, s6, $0xb8;
	[tilespmem:$0x1080] =	vst v63  }
0xd: {  	p0 =	sne.s32 s10, $0x1;
	_ =	swait.ge [sflag:s8], $0x1000  }
.Ltmp0:
0xe: {  	[sflag:s8] =	ssyncset.done $0x0;
	(pc) =	sbr.rel @!p0 .LBB2_2-.Ltmp0, $4  }
0xf: {  	s9 =	sadd.s32 $0x61200, s9;
	[sflag:s8] =	ssyncadd.s32 $0xFFFFF000  }
0x10: {  	[hbm4b:s9+s2] =	stream.linear.scatter [tilespmem:s7], [sflag:$0x2], $0x1000, $0x38;
	[tilespmem:$0x1080] =	vst v63  }
0x11: {  	_ =	swait.ge [sflag:s3], $0x1000  }
0x12: {  	s10 =	sadd.s32 $0xFFFFFFFF, s10;
	[sflag:s3] =	ssyncset.done $0x0  }
.LBB2_1:
0x13: {  	p0 =	sne.s32 s10, $0x1;
	s10 =	sadd.s32 $0xFFFFFFFF, s10;
	[sflag:s3] =	ssyncadd.s32 $0xFFFFF000  }
0x14: {  	[tilespmem:s2], [sflag:$0x2] =	stream.linear.gather [hbm4b:s4+s2], $0x20, $0x38;
	[tilespmem:$0x1080] =	vst v63  }
0x15: {  	_ =	swait.ge [sflag:s3], $0x20  }
0x16: {  	[sflag:s3] =	ssyncset.done $0x0  }
0x17: {  	[sflag:s3] =	ssyncadd.s32 $0xFFFFFFE0  }
0x18: {  	[tilespmem:s7], [sflag:$0x1] =	stream.indirect.gather [hbm4b:s5+s6], $0x80, s2, s6, $0xb8;
	[tilespmem:$0x1080] =	vst v63  }
0x19: {  	_ =	swait.ge [sflag:s8], $0x1000  }
.Ltmp1:
0x1a: {  	[sflag:s8] =	ssyncset.done $0x0;
	(pc) =	sbr.rel @p0 .LBB2_1-.Ltmp1, $4  }
0x1b: {  	[sflag:s8] =	ssyncadd.s32 $0xFFFFF000  }
0x1c: {  	[hbm4b:s9+s2] =	stream.linear.scatter [tilespmem:s7], [sflag:$0x2], $0x1000, $0x38;
	[tilespmem:$0x1080] =	vst v63  }
0x1d: {  	_ =	swait.ge [sflag:s3], $0x1000  }
0x1e: {  	[sflag:s3] =	ssyncset.done $0x0  }
.LBB2_2:
0x1f: {  	[sflag:s3] =	ssyncadd.s32 $0xFFFFF000  }
0x20: {  	_ =	sfence.sel $0x180000  }
0x21: {  	[bflag:$0x0] =	sbarrier.arrive $0xFFFF  }
0x22: {  	p0 =	sne.s32 s0, $0x0;
	_ =	strace $0x9000005C  }
0x23: {  	s0 =	sadd.s32 @!p0 $0x100000, s1;
	[bflag:$0x2] =	sbarrier.arrive $0xFFFF  }
0x24: {  	[sflag:s0] =	ssyncadd.tile.s32 @!p0 $0x1;
	_ =	shalt  }
.Lfunc_end2:
_tile_overlayer_lowered:
.L_overlay_start_2:
0x25: {  	(tag) =	ssettag $0x2  }
0x26: {  	s0 =	rddreg [dreg:$0x0];
	s2 =	stileid.u32  }
0x27: {  	s1 =	rddreg [dreg:$0x1];
	p0 =	sne.s32 s2, $0x0  }
0x28: {  	s3 =	rddreg [dreg:$0x2];
	[bflag:$0x3] =	sbarrier.arrive $0xFFFF;
	s2 =	simm.s32 @!p0 $0x1C02  }
0x29: {  	[timem:s3], [sflag:s2] =	dma.local @!p0 [hbm:s0], s1  }
0x2a: {  	s0 =	simm.s32 @!p0 $0x2  }
0x2b: {  	_ =	swait.ge @!p0 [sflag:s0], s1  }
0x2c: {  	s1 =	ssub.s32 @!p0 $0x0, s1;
	[sflag:s0] =	ssyncset.done @!p0 $0x0  }
0x2d: {  	[sflag:s0] =	ssyncadd.s32 @!p0 s1  }
0x2e: {  	[bflag:$0x3] =	sbarrier.arrive $0xFFFF  }
0x2f: {  	_ =	shalt  }

</sc_bundles>
